<compile_context>
chip_gen: v7x
topology: tpu7x:2x2x1
jax: 0.10.2.dev20260603
libtpu: 0.0.44.dev20260713+nightly
codegen_flags: <defaults>
</compile_context>

<pallas_src>
import jax
import jax.numpy as jnp
from jax import lax
from jax.experimental import pallas as pl
from jax.experimental.pallas import tpu as pltpu
from jax.experimental.pallas import tpu_sc as plsc

N_USERS = 10000
NP = 10240
D = 128
E = 320000
NC = 2
NS = 16
NW = NC * NS
C = 64
NB = 4
IR = 8
N0CH = 240
N1CH = 76
TCH = NS * (N0CH + N1CH)
EPAD = TCH * C
EPW1 = EPAD // NW
RPS = NP // NS
LANES = 16

_SC_PARAMS = pltpu.CompilerParams(needs_layout_passes=False)


def _deg_body(dst_hbm, w_hbm, deg_out):
    cid = lax.axis_index("c")
    sid = lax.axis_index("s")
    wid = sid * NC + cid
    zero16 = jnp.zeros((LANES,), jnp.float32)

    def inner(dst_all, w_all, deg_l):
        def zb(i, _):
            deg_l[pl.ds(i * LANES, LANES)] = zero16
            return 0

        lax.fori_loop(0, NP // LANES, zb, 0)

        pltpu.sync_copy(dst_hbm.at[wid], dst_all)
        pltpu.sync_copy(w_hbm.at[wid], w_all)

        def grp(i, _):
            dv = dst_all[pl.ds(i * LANES, LANES)]
            wv = w_all[pl.ds(i * LANES, LANES)]
            plsc.addupdate_scatter(deg_l, [dv], wv)
            return 0

        lax.fori_loop(0, EPW1 // LANES, grp, 0)
        pltpu.sync_copy(deg_l, deg_out.at[wid])

    pl.run_scoped(
        inner,
        pltpu.VMEM((EPW1,), jnp.int32),
        pltpu.VMEM((EPW1,), jnp.float32),
        pltpu.VMEM((NP,), jnp.float32),
    )

_deg_kernel = pl.kernel(
    _deg_body,
    out_type=jax.ShapeDtypeStruct((NW, NP), jnp.float32),
    mesh=plsc.VectorSubcoreMesh(core_axis_name="c", subcore_axis_name="s"),
    compiler_params=_SC_PARAMS,
)


def _agg_body(h2_hbm, src_hbm, dst_hbm, w_hbm, out_hbm, acc,
              gs0, gs1, gs2, gs3, ss0, ss1, ss2, ss3, isem):
    cid = lax.axis_index("c")
    sid = lax.axis_index("s")
    gsems = (gs0, gs1, gs2, gs3)
    ssems = (ss0, ss1, ss2, ss3)
    zero16 = jnp.zeros((LANES,), jnp.float32)
    zidx = jnp.zeros((LANES,), jnp.int32)
    rbase = sid * RPS
    nch = jnp.where(cid == 0, N0CH, N1CH)
    cbase = jnp.where(cid == 0, sid * N0CH, NS * N0CH + sid * N1CH)

    def inner(rows, srcr, dstr, wr):
        def idx_prefetch(j):
            s = lax.rem(j, IR)
            pltpu.async_copy(src_hbm.at[cbase + j], srcr.at[s], isem)
            pltpu.async_copy(dst_hbm.at[cbase + j], dstr.at[s], isem)
            pltpu.async_copy(w_hbm.at[cbase + j], wr.at[s], isem)

        def idx_drain(j):
            s = lax.rem(j, IR)
            pltpu.make_async_copy(src_hbm.at[cbase + j], srcr.at[s], isem).wait()
            pltpu.make_async_copy(dst_hbm.at[cbase + j], dstr.at[s], isem).wait()
            pltpu.make_async_copy(w_hbm.at[cbase + j], wr.at[s], isem).wait()

        def start_gather(j, b):
            s = lax.rem(j, IR)
            pltpu.async_copy(h2_hbm.at[srcr.at[s]], rows.at[b], gsems[b])

        def wait_gather(j, b):
            s = lax.rem(j, IR)
            pltpu.make_async_copy(h2_hbm.at[srcr.at[s]], rows.at[b], gsems[b]).wait()

        def start_scatter(j, b):
            s = lax.rem(j, IR)
            pltpu.async_copy(rows.at[b], acc.at[dstr.at[s]], ssems[b], add=True)

        def wait_scatter(j, b):
            s = lax.rem(j, IR)
            pltpu.make_async_copy(rows.at[b], acc.at[dstr.at[s]], ssems[b]).wait()

        def scale(j, b):
            s = lax.rem(j, IR)

            def row(r, _):
                wspl = plsc.load_gather(wr, [zidx + s, zidx + r])
                for cc in range(D // LANES):
                    sl = pl.ds(cc * LANES, LANES)
                    rows[b, r, sl] = rows[b, r, sl] * wspl
                return 0

            lax.fori_loop(0, C, row, 0)

        def zr(r, _):
            for cc in range(D // LANES):
                rows[0, r, pl.ds(cc * LANES, LANES)] = zero16
            return 0

        lax.fori_loop(0, C, zr, 0)
        for k in range(RPS // C):
            pltpu.sync_copy(rows.at[0], acc.at[pl.ds(rbase + k * C, C)])
        plsc.subcore_barrier()

        for j in range(6):
            idx_prefetch(j)
        idx_drain(0)
        start_gather(0, 0)
        idx_drain(1)
        start_gather(1, 1)

        def outer(jj, _):
            j0 = jj * NB
            for u in range(NB):
                j = j0 + u
                b = u
                wait_gather(j, b)
                scale(j, b)
                start_scatter(j, b)
                jg = j + 2
                bg = (u + 2) % NB

                @pl.when(jg < nch)
                def _():
                    @pl.when(jg >= NB)
                    def _():
                        wait_scatter(jg - NB, bg)

                    idx_drain(jg)
                    start_gather(jg, bg)

                jp = j + 6

                @pl.when(jp < nch)
                def _():
                    idx_prefetch(jp)
            return 0

        lax.fori_loop(0, nch // NB, outer, 0)
        for u in range(NB):
            wait_scatter(nch - NB + u, u)
        plsc.subcore_barrier()

        def cp(k, _):
            pltpu.sync_copy(acc.at[pl.ds(rbase + k * C, C)], rows.at[0])
            pltpu.sync_copy(rows.at[0], out_hbm.at[cid, pl.ds(rbase + k * C, C)])
            return 0

        lax.fori_loop(0, RPS // C, cp, 0)

    pl.run_scoped(
        inner,
        pltpu.VMEM((NB, C, D), jnp.float32),
        pltpu.VMEM((IR, C), jnp.int32),
        pltpu.VMEM((IR, C), jnp.int32),
        pltpu.VMEM((IR, C), jnp.float32),
    )


_agg_kernel = pl.kernel(
    _agg_body,
    out_type=jax.ShapeDtypeStruct((NC, NP, D), jnp.float32),
    mesh=plsc.VectorSubcoreMesh(core_axis_name="c", subcore_axis_name="s"),
    scratch_types=[
        pltpu.VMEM_SHARED((NP, D), jnp.float32),
        pltpu.SemaphoreType.DMA,
        pltpu.SemaphoreType.DMA,
        pltpu.SemaphoreType.DMA,
        pltpu.SemaphoreType.DMA,
        pltpu.SemaphoreType.DMA,
        pltpu.SemaphoreType.DMA,
        pltpu.SemaphoreType.DMA,
        pltpu.SemaphoreType.DMA,
        pltpu.SemaphoreType.DMA,
    ],
    compiler_params=_SC_PARAMS,
)

BR = 2048
_GRID = NP // BR


def _h2_body(deg32_ref, x_ref, w_ref, h2_ref):
    deg = jnp.sum(deg32_ref[...], axis=0) + 1.0
    dis = lax.rsqrt(deg)
    h = jnp.dot(x_ref[...], w_ref[...], preferred_element_type=jnp.float32)
    h2_ref[...] = h * dis[:, None]


_h2_call = pl.pallas_call(
    _h2_body,
    grid=(_GRID,),
    in_specs=[
        pl.BlockSpec((NW, BR), lambda i: (0, i)),
        pl.BlockSpec((BR, D), lambda i: (i, 0)),
        pl.BlockSpec((D, D), lambda i: (0, 0)),
    ],
    out_specs=pl.BlockSpec((BR, D), lambda i: (i, 0)),
    out_shape=jax.ShapeDtypeStruct((NP, D), jnp.float32),
)


def _out_body(p_ref, h2_ref, deg32_ref, b_ref, o_ref):
    deg = jnp.sum(deg32_ref[...], axis=0) + 1.0
    dis = lax.rsqrt(deg)
    agg = p_ref[0] + p_ref[1] + h2_ref[...]
    o_ref[...] = jnp.maximum(agg * dis[:, None] + b_ref[...], 0.0)


_out_call = pl.pallas_call(
    _out_body,
    grid=(_GRID,),
    in_specs=[
        pl.BlockSpec((NC, BR, D), lambda i: (0, i, 0)),
        pl.BlockSpec((BR, D), lambda i: (i, 0)),
        pl.BlockSpec((NW, BR), lambda i: (0, i)),
        pl.BlockSpec((1, D), lambda i: (0, 0)),
    ],
    out_specs=pl.BlockSpec((BR, D), lambda i: (i, 0)),
    out_shape=jax.ShapeDtypeStruct((NP, D), jnp.float32),
)


def kernel(x, edge_index, edge_weight, W, b, item_embeddings):
    pad = EPAD - E
    src_p = jnp.pad(edge_index[0], (0, pad)).reshape(TCH, C)
    dst_p = jnp.pad(edge_index[1], (0, pad)).reshape(TCH, C)
    w_p = jnp.pad(edge_weight, (0, pad)).reshape(TCH, C)
    x_p = jnp.pad(x, ((0, NP - N_USERS), (0, 0)))
    dst_flat = dst_p.reshape(NW, EPW1)
    w_flat = w_p.reshape(NW, EPW1)
    deg32 = _deg_kernel(dst_flat, w_flat)
    h2 = _h2_call(deg32, x_p, W)
    p = _agg_kernel(h2, src_p, dst_p, w_p)
    user_h = _out_call(p, h2, deg32, b.reshape(1, D))
    return user_h[:N_USERS], item_embeddings

# --- scband reference (transcript-rebuilt; emitter-appended) ---
"""Pipeline reference for scband-ugcn-83202106458213 (READ-ONLY COPY).

The authoritative reference and input builder live on the scoring server;
editing this copy changes nothing except your own understanding.
"""

import jax, jax.numpy as jnp
import numpy as np

NUM_USERS = 10000
NUM_ITEMS = 50000
EMB_DIM = 128
NUM_EDGES = 320000


def setup_inputs(seed: int = 0) -> dict:
    key = jax.random.key(seed)
    ks = jax.random.split(key, 6)
    x = jax.random.normal(ks[0], (NUM_USERS, EMB_DIM), dtype=jnp.float32)
    edge_index = jax.random.randint(ks[1], (2, NUM_EDGES), 0, NUM_USERS, dtype=jnp.int32)
    edge_weight = jax.random.uniform(ks[2], (NUM_EDGES,), dtype=jnp.float32)
    # GCN kernel (glorot-like) and bias, per tfg.layers.GCN(emb_dim)
    W = jax.random.normal(ks[3], (EMB_DIM, EMB_DIM), dtype=jnp.float32) * np.sqrt(1.0 / EMB_DIM)
    b = jnp.zeros((EMB_DIM,), dtype=jnp.float32)
    # item embedding table: truncated normal, stddev sqrt(1/emb_dim)
    item_embeddings = jax.random.truncated_normal(ks[4], -2.0, 2.0, (NUM_ITEMS, EMB_DIM), dtype=jnp.float32) * np.sqrt(1.0 / EMB_DIM)
    return {"x": x, "edge_index": edge_index, "edge_weight": edge_weight, "W": W, "b": b, "item_embeddings": item_embeddings}


def _gcn_forward(x, edge_index, edge_weight, W, b):
    src = edge_index[0]
    dst = edge_index[1]
    # renormalization trick: add self loops with weight 1.0
    loop = jnp.arange(NUM_USERS, dtype=src.dtype)
    src2 = jnp.concatenate([src, loop], axis=0)
    dst2 = jnp.concatenate([dst, loop], axis=0)
    w2 = jnp.concatenate([edge_weight, jnp.ones((NUM_USERS,), dtype=edge_weight.dtype)], axis=0)
    # symmetric normalization D^{-1/2} (A+I) D^{-1/2}
    deg = jax.ops.segment_sum(w2, dst2, num_segments=NUM_USERS)
    deg_inv_sqrt = jnp.where(deg > 0, jax.lax.rsqrt(deg), 0.0)
    norm = deg_inv_sqrt[src2] * w2 * deg_inv_sqrt[dst2]
    # H = relu(A_hat @ X @ W + b)
    h = x @ W
    msg = jnp.take(h, src2, axis=0) * norm[:, None]
    agg = jax.ops.segment_sum(msg, dst2, num_segments=NUM_USERS)
    return jax.nn.relu(agg + b)


def reference(x, edge_index, edge_weight, W, b, item_embeddings):
    # UGCN.call with training=False: dropout layers are identity
    user_h = _gcn_forward(x, edge_index, edge_weight, W, b)
    item_h = item_embeddings
    return (user_h, item_h)

if __name__ == "__main__":
    import jax
    _d = setup_inputs()
    print(jax.jit(kernel)(*tuple(_d.values())))

</pallas_src>

<mosaic_0001>
#map = affine_map<(d0, d1) -> (0, 0)>
#map1 = affine_map<(d0, d1) -> (0, 0, 0)>
module attributes {stable_mosaic.version = 14 : i64} {
  func.func @_agg_body(%arg0: i32, %arg1: i32, %arg2: memref<10240x128xf32, #tpu.memory_space<hbm>>, %arg3: memref<5056x64xi32, #tpu.memory_space<hbm>>, %arg4: memref<5056x64xi32, #tpu.memory_space<hbm>>, %arg5: memref<5056x64xf32, #tpu.memory_space<hbm>>, %arg6: memref<2x10240x128xf32, #tpu.memory_space<hbm>>, %arg7: memref<10240x128xf32, #tpu.memory_space<vmem_shared>>, %arg8: memref<!tpu.dma_semaphore, #tpu.memory_space<semaphore_mem>>, %arg9: memref<!tpu.dma_semaphore, #tpu.memory_space<semaphore_mem>>, %arg10: memref<!tpu.dma_semaphore, #tpu.memory_space<semaphore_mem>>, %arg11: memref<!tpu.dma_semaphore, #tpu.memory_space<semaphore_mem>>, %arg12: memref<!tpu.dma_semaphore, #tpu.memory_space<semaphore_mem>>, %arg13: memref<!tpu.dma_semaphore, #tpu.memory_space<semaphore_mem>>, %arg14: memref<!tpu.dma_semaphore, #tpu.memory_space<semaphore_mem>>, %arg15: memref<!tpu.dma_semaphore, #tpu.memory_space<semaphore_mem>>, %arg16: memref<!tpu.dma_semaphore, #tpu.memory_space<semaphore_mem>>) attributes {dimension_semantics = [#tpu.dimension_semantics<core_parallel>, #tpu.dimension_semantics<subcore_parallel>], iteration_bounds = array<i64: 2, 16>, scalar_prefetch = 0 : i64, scratch_operands = 10 : i64, tpu.core_type = #tpu.core_type<sc_vector_subcore>, window_params = [{transform_indices = #map}, {transform_indices = #map}, {transform_indices = #map}, {transform_indices = #map}, {transform_indices = #map1}]} {
    %broadcast_in_dim3A = arith.constant 0.000000e+00 : f32
    %broadcast_in_dim3A_0 = vector.broadcast %broadcast_in_dim3A : f32 to vector<16xf32>
    %broadcast_in_dim3A_1 = arith.constant 0 : i32
    %broadcast_in_dim3A_2 = vector.broadcast %broadcast_in_dim3A_1 : i32 to vector<16xi32>
    %mul3A = arith.constant 640 : i32
    %mul3A_3 = arith.muli %arg1, %mul3A : i32
    %eq3A = arith.constant 0 : i32
    %eq3A_4 = arith.cmpi eq, %arg0, %eq3A : i32
    %jit3A = arith.constant 240 : i32
    %jit3A_5 = arith.constant 76 : i32
    %select_n3A = arith.select %eq3A_4, %jit3A, %jit3A_5 : i32
    %eq3A_6 = arith.constant 0 : i32
    %eq3A_7 = arith.cmpi eq, %arg0, %eq3A_6 : i32
    %mul3A_8 = arith.constant 240 : i32
    %mul3A_9 = arith.muli %arg1, %mul3A_8 : i32
    %mul3A_10 = arith.constant 76 : i32
    %mul3A_11 = arith.muli %arg1, %mul3A_10 : i32
    %add3A = arith.constant 3840 : i32
    %add3A_12 = arith.addi %add3A, %mul3A_11 : i32
    %select_n3A_13 = arith.select %eq3A_7, %mul3A_9, %add3A_12 : i32
    "tpu.region"() ({
      %run_scoped3A = memref.alloca() : memref<4x64x128xf32, #tpu.memory_space<vmem>>
      %run_scoped3A_14 = memref.alloca() : memref<8x64xi32, #tpu.memory_space<vmem>>
      %run_scoped3A_15 = memref.alloca() : memref<8x64xi32, #tpu.memory_space<vmem>>
      %run_scoped3A_16 = memref.alloca() : memref<8x64xf32, #tpu.memory_space<vmem>>
      %scan3A = arith.constant 0 : i32
      %scan3A_17 = arith.constant 0 : i32
      %scan3A_18 = arith.constant 64 : i32
      %scan3A_19 = arith.addi %scan3A_17, %scan3A_18 : i32
      %scan3A_20 = arith.constant 1 : i32
      %scan3A_21 = scf.for %scan3A_544 = %scan3A_17 to %scan3A_19 step %scan3A_20 iter_args(%scan3A_545 = %scan3A) -> (i32)  : i32 {
        %swap3A = arith.constant 0 : i32
        %swap3A_546 = arith.index_cast %swap3A : i32 to index
        %swap3A_547 = arith.index_cast %scan3A_544 : i32 to index
        %swap3A_548 = arith.constant 0 : index
        %swap3A_549 = tpu.vector_load %run_scoped3A[%swap3A_546, %swap3A_547, %swap3A_548] {strides = array<i32>} : memref<4x64x128xf32, #tpu.memory_space<vmem>>, vector<16xf32>,
        tpu.vector_store %run_scoped3A[%swap3A_546, %swap3A_547, %swap3A_548], %broadcast_in_dim3A_0 {strides = array<i32>} : memref<4x64x128xf32, #tpu.memory_space<vmem>>, vector<16xf32>,
        %swap3A_550 = arith.constant 0 : i32
        %swap3A_551 = arith.index_cast %swap3A_550 : i32 to index
        %swap3A_552 = arith.index_cast %scan3A_544 : i32 to index
        %swap3A_553 = arith.constant 16 : index
        %swap3A_554 = tpu.vector_load %run_scoped3A[%swap3A_551, %swap3A_552, %swap3A_553] {strides = array<i32>} : memref<4x64x128xf32, #tpu.memory_space<vmem>>, vector<16xf32>,
        tpu.vector_store %run_scoped3A[%swap3A_551, %swap3A_552, %swap3A_553], %broadcast_in_dim3A_0 {strides = array<i32>} : memref<4x64x128xf32, #tpu.memory_space<vmem>>, vector<16xf32>,
        %swap3A_555 = arith.constant 0 : i32
        %swap3A_556 = arith.index_cast %swap3A_555 : i32 to index
        %swap3A_557 = arith.index_cast %scan3A_544 : i32 to index
        %swap3A_558 = arith.constant 32 : index
        %swap3A_559 = tpu.vector_load %run_scoped3A[%swap3A_556, %swap3A_557, %swap3A_558] {strides = array<i32>} : memref<4x64x128xf32, #tpu.memory_space<vmem>>, vector<16xf32>,
        tpu.vector_store %run_scoped3A[%swap3A_556, %swap3A_557, %swap3A_558], %broadcast_in_dim3A_0 {strides = array<i32>} : memref<4x64x128xf32, #tpu.memory_space<vmem>>, vector<16xf32>,
        %swap3A_560 = arith.constant 0 : i32
        %swap3A_561 = arith.index_cast %swap3A_560 : i32 to index
        %swap3A_562 = arith.index_cast %scan3A_544 : i32 to index
        %swap3A_563 = arith.constant 48 : index
        %swap3A_564 = tpu.vector_load %run_scoped3A[%swap3A_561, %swap3A_562, %swap3A_563] {strides = array<i32>} : memref<4x64x128xf32, #tpu.memory_space<vmem>>, vector<16xf32>,
        tpu.vector_store %run_scoped3A[%swap3A_561, %swap3A_562, %swap3A_563], %broadcast_in_dim3A_0 {strides = array<i32>} : memref<4x64x128xf32, #tpu.memory_space<vmem>>, vector<16xf32>,
        %swap3A_565 = arith.constant 0 : i32
        %swap3A_566 = arith.index_cast %swap3A_565 : i32 to index
        %swap3A_567 = arith.index_cast %scan3A_544 : i32 to index
        %swap3A_568 = arith.constant 64 : index
        %swap3A_569 = tpu.vector_load %run_scoped3A[%swap3A_566, %swap3A_567, %swap3A_568] {strides = array<i32>} : memref<4x64x128xf32, #tpu.memory_space<vmem>>, vector<16xf32>,
        tpu.vector_store %run_scoped3A[%swap3A_566, %swap3A_567, %swap3A_568], %broadcast_in_dim3A_0 {strides = array<i32>} : memref<4x64x128xf32, #tpu.memory_space<vmem>>, vector<16xf32>,
        %swap3A_570 = arith.constant 0 : i32
        %swap3A_571 = arith.index_cast %swap3A_570 : i32 to index
        %swap3A_572 = arith.index_cast %scan3A_544 : i32 to index
        %swap3A_573 = arith.constant 80 : index
        %swap3A_574 = tpu.vector_load %run_scoped3A[%swap3A_571, %swap3A_572, %swap3A_573] {strides = array<i32>} : memref<4x64x128xf32, #tpu.memory_space<vmem>>, vector<16xf32>,
        tpu.vector_store %run_scoped3A[%swap3A_571, %swap3A_572, %swap3A_573], %broadcast_in_dim3A_0 {strides = array<i32>} : memref<4x64x128xf32, #tpu.memory_space<vmem>>, vector<16xf32>,
        %swap3A_575 = arith.constant 0 : i32
        %swap3A_576 = arith.index_cast %swap3A_575 : i32 to index
        %swap3A_577 = arith.index_cast %scan3A_544 : i32 to index
        %swap3A_578 = arith.constant 96 : index
        %swap3A_579 = tpu.vector_load %run_scoped3A[%swap3A_576, %swap3A_577, %swap3A_578] {strides = array<i32>} : memref<4x64x128xf32, #tpu.memory_space<vmem>>, vector<16xf32>,
        tpu.vector_store %run_scoped3A[%swap3A_576, %swap3A_577, %swap3A_578], %broadcast_in_dim3A_0 {strides = array<i32>} : memref<4x64x128xf32, #tpu.memory_space<vmem>>, vector<16xf32>,
        %swap3A_580 = arith.constant 0 : i32
        %swap3A_581 = arith.index_cast %swap3A_580 : i32 to index
        %swap3A_582 = arith.index_cast %scan3A_544 : i32 to index
        %swap3A_583 = arith.constant 112 : index
        %swap3A_584 = tpu.vector_load %run_scoped3A[%swap3A_581, %swap3A_582, %swap3A_583] {strides = array<i32>} : memref<4x64x128xf32, #tpu.memory_space<vmem>>, vector<16xf32>,
        tpu.vector_store %run_scoped3A[%swap3A_581, %swap3A_582, %swap3A_583], %broadcast_in_dim3A_0 {strides = array<i32>} : memref<4x64x128xf32, #tpu.memory_space<vmem>>, vector<16xf32>,
        %scan3A_585 = arith.constant 0 : i32
        scf.yield %scan3A_585 : i32
      }
      %scan3A_22 = arith.constant 64 : i32
      %add3A_23 = arith.constant 0 : i32
      %add3A_24 = arith.addi %mul3A_3, %add3A_23 : i32
      %run_scoped3A_25 = arith.constant 0 : i32
      "tpu.region"() ({
        %run_scoped3A_544 = tpu.sem_alloc : memref<!tpu.dma_semaphore, #tpu.memory_space<semaphore_mem>>
        %dma_start3A_545 = arith.constant 0 : i32
        %dma_start3A_546 = arith.constant 0 : i32
        %dma_start3A_547 = tpu.memref_slice %run_scoped3A[%run_scoped3A_25, %dma_start3A_545, %dma_start3A_546] : memref<4x64x128xf32, #tpu.memory_space<vmem>> -> memref<1x64x128xf32, #tpu.memory_space<vmem>>
        %dma_start3A_548 = tpu.memref_squeeze %dma_start3A_547 : memref<1x64x128xf32, #tpu.memory_space<vmem>> -> memref<64x128xf32, #tpu.memory_space<vmem>>
        %dma_start3A_549 = arith.constant 0 : i32
        %dma_start3A_550 = tpu.memref_slice %arg7[%add3A_24, %dma_start3A_549] : memref<10240x128xf32, #tpu.memory_space<vmem_shared>> -> memref<64x128xf32, #tpu.memory_space<vmem_shared>>
        %dma_start3A_551 = arith.constant 0 : i32
        %dma_start3A_552 = tpu.memref_slice %arg7[%add3A_24, %dma_start3A_551] : memref<10240x128xf32, #tpu.memory_space<vmem_shared>> -> memref<64x128xf32, #tpu.memory_space<vmem_shared>>
        %dma_start3A_553 = arith.constant 0 : i32
        %dma_start3A_554 = arith.constant 0 : i32
        %dma_start3A_555 = tpu.memref_slice %run_scoped3A[%run_scoped3A_25, %dma_start3A_553, %dma_start3A_554] : memref<4x64x128xf32, #tpu.memory_space<vmem>> -> memref<1x64x128xf32, #tpu.memory_space<vmem>>
        %dma_start3A_556 = tpu.memref_squeeze %dma_start3A_555 : memref<1x64x128xf32, #tpu.memory_space<vmem>> -> memref<64x128xf32, #tpu.memory_space<vmem>>
        tpu.enqueue_dma source(%dma_start3A_556 : memref<64x128xf32, #tpu.memory_space<vmem>>) target(%dma_start3A_552 : memref<64x128xf32, #tpu.memory_space<vmem_shared>>) target_semaphore(%run_scoped3A_544 : memref<!tpu.dma_semaphore, #tpu.memory_space<semaphore_mem>>)
        %dma_wait3A_557 = arith.constant 0 : i32
        %dma_wait3A_558 = arith.constant 0 : i32
        %dma_wait3A_559 = tpu.memref_slice %run_scoped3A[%run_scoped3A_25, %dma_wait3A_557, %dma_wait3A_558] : memref<4x64x128xf32, #tpu.memory_space<vmem>> -> memref<1x64x128xf32, #tpu.memory_space<vmem>>
        %dma_wait3A_560 = tpu.memref_squeeze %dma_wait3A_559 : memref<1x64x128xf32, #tpu.memory_space<vmem>> -> memref<64x128xf32, #tpu.memory_space<vmem>>
        %dma_wait3A_561 = arith.constant 0 : i32
        %dma_wait3A_562 = tpu.memref_slice %arg7[%add3A_24, %dma_wait3A_561] : memref<10240x128xf32, #tpu.memory_space<vmem_shared>> -> memref<64x128xf32, #tpu.memory_space<vmem_shared>>
        %dma_wait3A_563 = arith.constant 0 : i32
        %dma_wait3A_564 = tpu.memref_slice %arg7[%add3A_24, %dma_wait3A_563] : memref<10240x128xf32, #tpu.memory_space<vmem_shared>> -> memref<64x128xf32, #tpu.memory_space<vmem_shared>>
        %dma_wait3A_565 = arith.constant 0 : i32
        %dma_wait3A_566 = arith.constant 0 : i32
        %dma_wait3A_567 = tpu.memref_slice %run_scoped3A[%run_scoped3A_25, %dma_wait3A_565, %dma_wait3A_566] : memref<4x64x128xf32, #tpu.memory_space<vmem>> -> memref<1x64x128xf32, #tpu.memory_space<vmem>>
        %dma_wait3A_568 = tpu.memref_squeeze %dma_wait3A_567 : memref<1x64x128xf32, #tpu.memory_space<vmem>> -> memref<64x128xf32, #tpu.memory_space<vmem>>
        tpu.wait_dma2 semaphore(%run_scoped3A_544 : memref<!tpu.dma_semaphore, #tpu.memory_space<semaphore_mem>>) src(%dma_wait3A_568 : memref<64x128xf32, #tpu.memory_space<vmem>>) dst(%dma_wait3A_564 : memref<64x128xf32, #tpu.memory_space<vmem_shared>>)
        tpu.yield
      }) : () -> ()
      %add3A_26 = arith.constant 64 : i32
      %add3A_27 = arith.addi %mul3A_3, %add3A_26 : i32
      %run_scoped3A_28 = arith.constant 0 : i32
      "tpu.region"() ({
        %run_scoped3A_544 = tpu.sem_alloc : memref<!tpu.dma_semaphore, #tpu.memory_space<semaphore_mem>>
        %dma_start3A_545 = arith.constant 0 : i32
        %dma_start3A_546 = arith.constant 0 : i32
        %dma_start3A_547 = tpu.memref_slice %run_scoped3A[%run_scoped3A_28, %dma_start3A_545, %dma_start3A_546] : memref<4x64x128xf32, #tpu.memory_space<vmem>> -> memref<1x64x128xf32, #tpu.memory_space<vmem>>
        %dma_start3A_548 = tpu.memref_squeeze %dma_start3A_547 : memref<1x64x128xf32, #tpu.memory_space<vmem>> -> memref<64x128xf32, #tpu.memory_space<vmem>>
        %dma_start3A_549 = arith.constant 0 : i32
        %dma_start3A_550 = tpu.memref_slice %arg7[%add3A_27, %dma_start3A_549] : memref<10240x128xf32, #tpu.memory_space<vmem_shared>> -> memref<64x128xf32, #tpu.memory_space<vmem_shared>>
        %dma_start3A_551 = arith.constant 0 : i32
        %dma_start3A_552 = tpu.memref_slice %arg7[%add3A_27, %dma_start3A_551] : memref<10240x128xf32, #tpu.memory_space<vmem_shared>> -> memref<64x128xf32, #tpu.memory_space<vmem_shared>>
        %dma_start3A_553 = arith.constant 0 : i32
        %dma_start3A_554 = arith.constant 0 : i32
        %dma_start3A_555 = tpu.memref_slice %run_scoped3A[%run_scoped3A_28, %dma_start3A_553, %dma_start3A_554] : memref<4x64x128xf32, #tpu.memory_space<vmem>> -> memref<1x64x128xf32, #tpu.memory_space<vmem>>
        %dma_start3A_556 = tpu.memref_squeeze %dma_start3A_555 : memref<1x64x128xf32, #tpu.memory_space<vmem>> -> memref<64x128xf32, #tpu.memory_space<vmem>>
        tpu.enqueue_dma source(%dma_start3A_556 : memref<64x128xf32, #tpu.memory_space<vmem>>) target(%dma_start3A_552 : memref<64x128xf32, #tpu.memory_space<vmem_shared>>) target_semaphore(%run_scoped3A_544 : memref<!tpu.dma_semaphore, #tpu.memory_space<semaphore_mem>>)
        %dma_wait3A_557 = arith.constant 0 : i32
        %dma_wait3A_558 = arith.constant 0 : i32
        %dma_wait3A_559 = tpu.memref_slice %run_scoped3A[%run_scoped3A_28, %dma_wait3A_557, %dma_wait3A_558] : memref<4x64x128xf32, #tpu.memory_space<vmem>> -> memref<1x64x128xf32, #tpu.memory_space<vmem>>
        %dma_wait3A_560 = tpu.memref_squeeze %dma_wait3A_559 : memref<1x64x128xf32, #tpu.memory_space<vmem>> -> memref<64x128xf32, #tpu.memory_space<vmem>>
        %dma_wait3A_561 = arith.constant 0 : i32
        %dma_wait3A_562 = tpu.memref_slice %arg7[%add3A_27, %dma_wait3A_561] : memref<10240x128xf32, #tpu.memory_space<vmem_shared>> -> memref<64x128xf32, #tpu.memory_space<vmem_shared>>
        %dma_wait3A_563 = arith.constant 0 : i32
        %dma_wait3A_564 = tpu.memref_slice %arg7[%add3A_27, %dma_wait3A_563] : memref<10240x128xf32, #tpu.memory_space<vmem_shared>> -> memref<64x128xf32, #tpu.memory_space<vmem_shared>>
        %dma_wait3A_565 = arith.constant 0 : i32
        %dma_wait3A_566 = arith.constant 0 : i32
        %dma_wait3A_567 = tpu.memref_slice %run_scoped3A[%run_scoped3A_28, %dma_wait3A_565, %dma_wait3A_566] : memref<4x64x128xf32, #tpu.memory_space<vmem>> -> memref<1x64x128xf32, #tpu.memory_space<vmem>>
        %dma_wait3A_568 = tpu.memref_squeeze %dma_wait3A_567 : memref<1x64x128xf32, #tpu.memory_space<vmem>> -> memref<64x128xf32, #tpu.memory_space<vmem>>
        tpu.wait_dma2 semaphore(%run_scoped3A_544 : memref<!tpu.dma_semaphore, #tpu.memory_space<semaphore_mem>>) src(%dma_wait3A_568 : memref<64x128xf32, #tpu.memory_space<vmem>>) dst(%dma_wait3A_564 : memref<64x128xf32, #tpu.memory_space<vmem_shared>>)
        tpu.yield
      }) : () -> ()
      %add3A_29 = arith.constant 128 : i32
      %add3A_30 = arith.addi %mul3A_3, %add3A_29 : i32
      %run_scoped3A_31 = arith.constant 0 : i32
      "tpu.region"() ({
        %run_scoped3A_544 = tpu.sem_alloc : memref<!tpu.dma_semaphore, #tpu.memory_space<semaphore_mem>>
        %dma_start3A_545 = arith.constant 0 : i32
        %dma_start3A_546 = arith.constant 0 : i32
        %dma_start3A_547 = tpu.memref_slice %run_scoped3A[%run_scoped3A_31, %dma_start3A_545, %dma_start3A_546] : memref<4x64x128xf32, #tpu.memory_space<vmem>> -> memref<1x64x128xf32, #tpu.memory_space<vmem>>
        %dma_start3A_548 = tpu.memref_squeeze %dma_start3A_547 : memref<1x64x128xf32, #tpu.memory_space<vmem>> -> memref<64x128xf32, #tpu.memory_space<vmem>>
        %dma_start3A_549 = arith.constant 0 : i32
        %dma_start3A_550 = tpu.memref_slice %arg7[%add3A_30, %dma_start3A_549] : memref<10240x128xf32, #tpu.memory_space<vmem_shared>> -> memref<64x128xf32, #tpu.memory_space<vmem_shared>>
        %dma_start3A_551 = arith.constant 0 : i32
        %dma_start3A_552 = tpu.memref_slice %arg7[%add3A_30, %dma_start3A_551] : memref<10240x128xf32, #tpu.memory_space<vmem_shared>> -> memref<64x128xf32, #tpu.memory_space<vmem_shared>>
        %dma_start3A_553 = arith.constant 0 : i32
        %dma_start3A_554 = arith.constant 0 : i32
        %dma_start3A_555 = tpu.memref_slice %run_scoped3A[%run_scoped3A_31, %dma_start3A_553, %dma_start3A_554] : memref<4x64x128xf32, #tpu.memory_space<vmem>> -> memref<1x64x128xf32, #tpu.memory_space<vmem>>
        %dma_start3A_556 = tpu.memref_squeeze %dma_start3A_555 : memref<1x64x128xf32, #tpu.memory_space<vmem>> -> memref<64x128xf32, #tpu.memory_space<vmem>>
        tpu.enqueue_dma source(%dma_start3A_556 : memref<64x128xf32, #tpu.memory_space<vmem>>) target(%dma_start3A_552 : memref<64x128xf32, #tpu.memory_space<vmem_shared>>) target_semaphore(%run_scoped3A_544 : memref<!tpu.dma_semaphore, #tpu.memory_space<semaphore_mem>>)
        %dma_wait3A_557 = arith.constant 0 : i32
        %dma_wait3A_558 = arith.constant 0 : i32
        %dma_wait3A_559 = tpu.memref_slice %run_scoped3A[%run_scoped3A_31, %dma_wait3A_557, %dma_wait3A_558] : memref<4x64x128xf32, #tpu.memory_space<vmem>> -> memref<1x64x128xf32, #tpu.memory_space<vmem>>
        %dma_wait3A_560 = tpu.memref_squeeze %dma_wait3A_559 : memref<1x64x128xf32, #tpu.memory_space<vmem>> -> memref<64x128xf32, #tpu.memory_space<vmem>>
        %dma_wait3A_561 = arith.constant 0 : i32
        %dma_wait3A_562 = tpu.memref_slice %arg7[%add3A_30, %dma_wait3A_561] : memref<10240x128xf32, #tpu.memory_space<vmem_shared>> -> memref<64x128xf32, #tpu.memory_space<vmem_shared>>
        %dma_wait3A_563 = arith.constant 0 : i32
        %dma_wait3A_564 = tpu.memref_slice %arg7[%add3A_30, %dma_wait3A_563] : memref<10240x128xf32, #tpu.memory_space<vmem_shared>> -> memref<64x128xf32, #tpu.memory_space<vmem_shared>>
        %dma_wait3A_565 = arith.constant 0 : i32
        %dma_wait3A_566 = arith.constant 0 : i32
        %dma_wait3A_567 = tpu.memref_slice %run_scoped3A[%run_scoped3A_31, %dma_wait3A_565, %dma_wait3A_566] : memref<4x64x128xf32, #tpu.memory_space<vmem>> -> memref<1x64x128xf32, #tpu.memory_space<vmem>>
        %dma_wait3A_568 = tpu.memref_squeeze %dma_wait3A_567 : memref<1x64x128xf32, #tpu.memory_space<vmem>> -> memref<64x128xf32, #tpu.memory_space<vmem>>
        tpu.wait_dma2 semaphore(%run_scoped3A_544 : memref<!tpu.dma_semaphore, #tpu.memory_space<semaphore_mem>>) src(%dma_wait3A_568 : memref<64x128xf32, #tpu.memory_space<vmem>>) dst(%dma_wait3A_564 : memref<64x128xf32, #tpu.memory_space<vmem_shared>>)
        tpu.yield
      }) : () -> ()
      %add3A_32 = arith.constant 192 : i32
      %add3A_33 = arith.addi %mul3A_3, %add3A_32 : i32
      %run_scoped3A_34 = arith.constant 0 : i32
      "tpu.region"() ({
        %run_scoped3A_544 = tpu.sem_alloc : memref<!tpu.dma_semaphore, #tpu.memory_space<semaphore_mem>>
        %dma_start3A_545 = arith.constant 0 : i32
        %dma_start3A_546 = arith.constant 0 : i32
        %dma_start3A_547 = tpu.memref_slice %run_scoped3A[%run_scoped3A_34, %dma_start3A_545, %dma_start3A_546] : memref<4x64x128xf32, #tpu.memory_space<vmem>> -> memref<1x64x128xf32, #tpu.memory_space<vmem>>
        %dma_start3A_548 = tpu.memref_squeeze %dma_start3A_547 : memref<1x64x128xf32, #tpu.memory_space<vmem>> -> memref<64x128xf32, #tpu.memory_space<vmem>>
        %dma_start3A_549 = arith.constant 0 : i32
        %dma_start3A_550 = tpu.memref_slice %arg7[%add3A_33, %dma_start3A_549] : memref<10240x128xf32, #tpu.memory_space<vmem_shared>> -> memref<64x128xf32, #tpu.memory_space<vmem_shared>>
        %dma_start3A_551 = arith.constant 0 : i32
        %dma_start3A_552 = tpu.memref_slice %arg7[%add3A_33, %dma_start3A_551] : memref<10240x128xf32, #tpu.memory_space<vmem_shared>> -> memref<64x128xf32, #tpu.memory_space<vmem_shared>>
        %dma_start3A_553 = arith.constant 0 : i32
        %dma_start3A_554 = arith.constant 0 : i32
        %dma_start3A_555 = tpu.memref_slice %run_scoped3A[%run_scoped3A_34, %dma_start3A_553, %dma_start3A_554] : memref<4x64x128xf32, #tpu.memory_space<vmem>> -> memref<1x64x128xf32, #tpu.memory_space<vmem>>
        %dma_start3A_556 = tpu.memref_squeeze %dma_start3A_555 : memref<1x64x128xf32, #tpu.memory_space<vmem>> -> memref<64x128xf32, #tpu.memory_space<vmem>>
        tpu.enqueue_dma source(%dma_start3A_556 : memref<64x128xf32, #tpu.memory_space<vmem>>) target(%dma_start3A_552 : memref<64x128xf32, #tpu.memory_space<vmem_shared>>) target_semaphore(%run_scoped3A_544 : memref<!tpu.dma_semaphore, #tpu.memory_space<semaphore_mem>>)
        %dma_wait3A_557 = arith.constant 0 : i32
        %dma_wait3A_558 = arith.constant 0 : i32
        %dma_wait3A_559 = tpu.memref_slice %run_scoped3A[%run_scoped3A_34, %dma_wait3A_557, %dma_wait3A_558] : memref<4x64x128xf32, #tpu.memory_space<vmem>> -> memref<1x64x128xf32, #tpu.memory_space<vmem>>
        %dma_wait3A_560 = tpu.memref_squeeze %dma_wait3A_559 : memref<1x64x128xf32, #tpu.memory_space<vmem>> -> memref<64x128xf32, #tpu.memory_space<vmem>>
        %dma_wait3A_561 = arith.constant 0 : i32
        %dma_wait3A_562 = tpu.memref_slice %arg7[%add3A_33, %dma_wait3A_561] : memref<10240x128xf32, #tpu.memory_space<vmem_shared>> -> memref<64x128xf32, #tpu.memory_space<vmem_shared>>
        %dma_wait3A_563 = arith.constant 0 : i32
        %dma_wait3A_564 = tpu.memref_slice %arg7[%add3A_33, %dma_wait3A_563] : memref<10240x128xf32, #tpu.memory_space<vmem_shared>> -> memref<64x128xf32, #tpu.memory_space<vmem_shared>>
        %dma_wait3A_565 = arith.constant 0 : i32
        %dma_wait3A_566 = arith.constant 0 : i32
        %dma_wait3A_567 = tpu.memref_slice %run_scoped3A[%run_scoped3A_34, %dma_wait3A_565, %dma_wait3A_566] : memref<4x64x128xf32, #tpu.memory_space<vmem>> -> memref<1x64x128xf32, #tpu.memory_space<vmem>>
        %dma_wait3A_568 = tpu.memref_squeeze %dma_wait3A_567 : memref<1x64x128xf32, #tpu.memory_space<vmem>> -> memref<64x128xf32, #tpu.memory_space<vmem>>
        tpu.wait_dma2 semaphore(%run_scoped3A_544 : memref<!tpu.dma_semaphore, #tpu.memory_space<semaphore_mem>>) src(%dma_wait3A_568 : memref<64x128xf32, #tpu.memory_space<vmem>>) dst(%dma_wait3A_564 : memref<64x128xf32, #tpu.memory_space<vmem_shared>>)
        tpu.yield
      }) : () -> ()
      %add3A_35 = arith.constant 256 : i32
      %add3A_36 = arith.addi %mul3A_3, %add3A_35 : i32
      %run_scoped3A_37 = arith.constant 0 : i32
      "tpu.region"() ({
        %run_scoped3A_544 = tpu.sem_alloc : memref<!tpu.dma_semaphore, #tpu.memory_space<semaphore_mem>>
        %dma_start3A_545 = arith.constant 0 : i32
        %dma_start3A_546 = arith.constant 0 : i32
        %dma_start3A_547 = tpu.memref_slice %run_scoped3A[%run_scoped3A_37, %dma_start3A_545, %dma_start3A_546] : memref<4x64x128xf32, #tpu.memory_space<vmem>> -> memref<1x64x128xf32, #tpu.memory_space<vmem>>
        %dma_start3A_548 = tpu.memref_squeeze %dma_start3A_547 : memref<1x64x128xf32, #tpu.memory_space<vmem>> -> memref<64x128xf32, #tpu.memory_space<vmem>>
        %dma_start3A_549 = arith.constant 0 : i32
        %dma_start3A_550 = tpu.memref_slice %arg7[%add3A_36, %dma_start3A_549] : memref<10240x128xf32, #tpu.memory_space<vmem_shared>> -> memref<64x128xf32, #tpu.memory_space<vmem_shared>>
        %dma_start3A_551 = arith.constant 0 : i32
        %dma_start3A_552 = tpu.memref_slice %arg7[%add3A_36, %dma_start3A_551] : memref<10240x128xf32, #tpu.memory_space<vmem_shared>> -> memref<64x128xf32, #tpu.memory_space<vmem_shared>>
        %dma_start3A_553 = arith.constant 0 : i32
        %dma_start3A_554 = arith.constant 0 : i32
        %dma_start3A_555 = tpu.memref_slice %run_scoped3A[%run_scoped3A_37, %dma_start3A_553, %dma_start3A_554] : memref<4x64x128xf32, #tpu.memory_space<vmem>> -> memref<1x64x128xf32, #tpu.memory_space<vmem>>
        %dma_start3A_556 = tpu.memref_squeeze %dma_start3A_555 : memref<1x64x128xf32, #tpu.memory_space<vmem>> -> memref<64x128xf32, #tpu.memory_space<vmem>>
        tpu.enqueue_dma source(%dma_start3A_556 : memref<64x128xf32, #tpu.memory_space<vmem>>) target(%dma_start3A_552 : memref<64x128xf32, #tpu.memory_space<vmem_shared>>) target_semaphore(%run_scoped3A_544 : memref<!tpu.dma_semaphore, #tpu.memory_space<semaphore_mem>>)
        %dma_wait3A_557 = arith.constant 0 : i32
        %dma_wait3A_558 = arith.constant 0 : i32
        %dma_wait3A_559 = tpu.memref_slice %run_scoped3A[%run_scoped3A_37, %dma_wait3A_557, %dma_wait3A_558] : memref<4x64x128xf32, #tpu.memory_space<vmem>> -> memref<1x64x128xf32, #tpu.memory_space<vmem>>
        %dma_wait3A_560 = tpu.memref_squeeze %dma_wait3A_559 : memref<1x64x128xf32, #tpu.memory_space<vmem>> -> memref<64x128xf32, #tpu.memory_space<vmem>>
        %dma_wait3A_561 = arith.constant 0 : i32
        %dma_wait3A_562 = tpu.memref_slice %arg7[%add3A_36, %dma_wait3A_561] : memref<10240x128xf32, #tpu.memory_space<vmem_shared>> -> memref<64x128xf32, #tpu.memory_space<vmem_shared>>
        %dma_wait3A_563 = arith.constant 0 : i32
        %dma_wait3A_564 = tpu.memref_slice %arg7[%add3A_36, %dma_wait3A_563] : memref<10240x128xf32, #tpu.memory_space<vmem_shared>> -> memref<64x128xf32, #tpu.memory_space<vmem_shared>>
        %dma_wait3A_565 = arith.constant 0 : i32
        %dma_wait3A_566 = arith.constant 0 : i32
        %dma_wait3A_567 = tpu.memref_slice %run_scoped3A[%run_scoped3A_37, %dma_wait3A_565, %dma_wait3A_566] : memref<4x64x128xf32, #tpu.memory_space<vmem>> -> memref<1x64x128xf32, #tpu.memory_space<vmem>>
        %dma_wait3A_568 = tpu.memref_squeeze %dma_wait3A_567 : memref<1x64x128xf32, #tpu.memory_space<vmem>> -> memref<64x128xf32, #tpu.memory_space<vmem>>
        tpu.wait_dma2 semaphore(%run_scoped3A_544 : memref<!tpu.dma_semaphore, #tpu.memory_space<semaphore_mem>>) src(%dma_wait3A_568 : memref<64x128xf32, #tpu.memory_space<vmem>>) dst(%dma_wait3A_564 : memref<64x128xf32, #tpu.memory_space<vmem_shared>>)
        tpu.yield
      }) : () -> ()
      %add3A_38 = arith.constant 320 : i32
      %add3A_39 = arith.addi %mul3A_3, %add3A_38 : i32
      %run_scoped3A_40 = arith.constant 0 : i32
      "tpu.region"() ({
        %run_scoped3A_544 = tpu.sem_alloc : memref<!tpu.dma_semaphore, #tpu.memory_space<semaphore_mem>>
        %dma_start3A_545 = arith.constant 0 : i32
        %dma_start3A_546 = arith.constant 0 : i32
        %dma_start3A_547 = tpu.memref_slice %run_scoped3A[%run_scoped3A_40, %dma_start3A_545, %dma_start3A_546] : memref<4x64x128xf32, #tpu.memory_space<vmem>> -> memref<1x64x128xf32, #tpu.memory_space<vmem>>
        %dma_start3A_548 = tpu.memref_squeeze %dma_start3A_547 : memref<1x64x128xf32, #tpu.memory_space<vmem>> -> memref<64x128xf32, #tpu.memory_space<vmem>>
        %dma_start3A_549 = arith.constant 0 : i32
        %dma_start3A_550 = tpu.memref_slice %arg7[%add3A_39, %dma_start3A_549] : memref<10240x128xf32, #tpu.memory_space<vmem_shared>> -> memref<64x128xf32, #tpu.memory_space<vmem_shared>>
        %dma_start3A_551 = arith.constant 0 : i32
        %dma_start3A_552 = tpu.memref_slice %arg7[%add3A_39, %dma_start3A_551] : memref<10240x128xf32, #tpu.memory_space<vmem_shared>> -> memref<64x128xf32, #tpu.memory_space<vmem_shared>>
        %dma_start3A_553 = arith.constant 0 : i32
        %dma_start3A_554 = arith.constant 0 : i32
        %dma_start3A_555 = tpu.memref_slice %run_scoped3A[%run_scoped3A_40, %dma_start3A_553, %dma_start3A_554] : memref<4x64x128xf32, #tpu.memory_space<vmem>> -> memref<1x64x128xf32, #tpu.memory_space<vmem>>
        %dma_start3A_556 = tpu.memref_squeeze %dma_start3A_555 : memref<1x64x128xf32, #tpu.memory_space<vmem>> -> memref<64x128xf32, #tpu.memory_space<vmem>>
        tpu.enqueue_dma source(%dma_start3A_556 : memref<64x128xf32, #tpu.memory_space<vmem>>) target(%dma_start3A_552 : memref<64x128xf32, #tpu.memory_space<vmem_shared>>) target_semaphore(%run_scoped3A_544 : memref<!tpu.dma_semaphore, #tpu.memory_space<semaphore_mem>>)
        %dma_wait3A_557 = arith.constant 0 : i32
        %dma_wait3A_558 = arith.constant 0 : i32
        %dma_wait3A_559 = tpu.memref_slice %run_scoped3A[%run_scoped3A_40, %dma_wait3A_557, %dma_wait3A_558] : memref<4x64x128xf32, #tpu.memory_space<vmem>> -> memref<1x64x128xf32, #tpu.memory_space<vmem>>
        %dma_wait3A_560 = tpu.memref_squeeze %dma_wait3A_559 : memref<1x64x128xf32, #tpu.memory_space<vmem>> -> memref<64x128xf32, #tpu.memory_space<vmem>>
        %dma_wait3A_561 = arith.constant 0 : i32
        %dma_wait3A_562 = tpu.memref_slice %arg7[%add3A_39, %dma_wait3A_561] : memref<10240x128xf32, #tpu.memory_space<vmem_shared>> -> memref<64x128xf32, #tpu.memory_space<vmem_shared>>
        %dma_wait3A_563 = arith.constant 0 : i32
        %dma_wait3A_564 = tpu.memref_slice %arg7[%add3A_39, %dma_wait3A_563] : memref<10240x128xf32, #tpu.memory_space<vmem_shared>> -> memref<64x128xf32, #tpu.memory_space<vmem_shared>>
        %dma_wait3A_565 = arith.constant 0 : i32
        %dma_wait3A_566 = arith.constant 0 : i32
        %dma_wait3A_567 = tpu.memref_slice %run_scoped3A[%run_scoped3A_40, %dma_wait3A_565, %dma_wait3A_566] : memref<4x64x128xf32, #tpu.memory_space<vmem>> -> memref<1x64x128xf32, #tpu.memory_space<vmem>>
        %dma_wait3A_568 = tpu.memref_squeeze %dma_wait3A_567 : memref<1x64x128xf32, #tpu.memory_space<vmem>> -> memref<64x128xf32, #tpu.memory_space<vmem>>
        tpu.wait_dma2 semaphore(%run_scoped3A_544 : memref<!tpu.dma_semaphore, #tpu.memory_space<semaphore_mem>>) src(%dma_wait3A_568 : memref<64x128xf32, #tpu.memory_space<vmem>>) dst(%dma_wait3A_564 : memref<64x128xf32, #tpu.memory_space<vmem_shared>>)
        tpu.yield
      }) : () -> ()
      %add3A_41 = arith.constant 384 : i32
      %add3A_42 = arith.addi %mul3A_3, %add3A_41 : i32
      %run_scoped3A_43 = arith.constant 0 : i32
      "tpu.region"() ({
        %run_scoped3A_544 = tpu.sem_alloc : memref<!tpu.dma_semaphore, #tpu.memory_space<semaphore_mem>>
        %dma_start3A_545 = arith.constant 0 : i32
        %dma_start3A_546 = arith.constant 0 : i32
        %dma_start3A_547 = tpu.memref_slice %run_scoped3A[%run_scoped3A_43, %dma_start3A_545, %dma_start3A_546] : memref<4x64x128xf32, #tpu.memory_space<vmem>> -> memref<1x64x128xf32, #tpu.memory_space<vmem>>
        %dma_start3A_548 = tpu.memref_squeeze %dma_start3A_547 : memref<1x64x128xf32, #tpu.memory_space<vmem>> -> memref<64x128xf32, #tpu.memory_space<vmem>>
        %dma_start3A_549 = arith.constant 0 : i32
        %dma_start3A_550 = tpu.memref_slice %arg7[%add3A_42, %dma_start3A_549] : memref<10240x128xf32, #tpu.memory_space<vmem_shared>> -> memref<64x128xf32, #tpu.memory_space<vmem_shared>>
        %dma_start3A_551 = arith.constant 0 : i32
        %dma_start3A_552 = tpu.memref_slice %arg7[%add3A_42, %dma_start3A_551] : memref<10240x128xf32, #tpu.memory_space<vmem_shared>> -> memref<64x128xf32, #tpu.memory_space<vmem_shared>>
        %dma_start3A_553 = arith.constant 0 : i32
        %dma_start3A_554 = arith.constant 0 : i32
        %dma_start3A_555 = tpu.memref_slice %run_scoped3A[%run_scoped3A_43, %dma_start3A_553, %dma_start3A_554] : memref<4x64x128xf32, #tpu.memory_space<vmem>> -> memref<1x64x128xf32, #tpu.memory_space<vmem>>
        %dma_start3A_556 = tpu.memref_squeeze %dma_start3A_555 : memref<1x64x128xf32, #tpu.memory_space<vmem>> -> memref<64x128xf32, #tpu.memory_space<vmem>>
        tpu.enqueue_dma source(%dma_start3A_556 : memref<64x128xf32, #tpu.memory_space<vmem>>) target(%dma_start3A_552 : memref<64x128xf32, #tpu.memory_space<vmem_shared>>) target_semaphore(%run_scoped3A_544 : memref<!tpu.dma_semaphore, #tpu.memory_space<semaphore_mem>>)
        %dma_wait3A_557 = arith.constant 0 : i32
        %dma_wait3A_558 = arith.constant 0 : i32
        %dma_wait3A_559 = tpu.memref_slice %run_scoped3A[%run_scoped3A_43, %dma_wait3A_557, %dma_wait3A_558] : memref<4x64x128xf32, #tpu.memory_space<vmem>> -> memref<1x64x128xf32, #tpu.memory_space<vmem>>
        %dma_wait3A_560 = tpu.memref_squeeze %dma_wait3A_559 : memref<1x64x128xf32, #tpu.memory_space<vmem>> -> memref<64x128xf32, #tpu.memory_space<vmem>>
        %dma_wait3A_561 = arith.constant 0 : i32
        %dma_wait3A_562 = tpu.memref_slice %arg7[%add3A_42, %dma_wait3A_561] : memref<10240x128xf32, #tpu.memory_space<vmem_shared>> -> memref<64x128xf32, #tpu.memory_space<vmem_shared>>
        %dma_wait3A_563 = arith.constant 0 : i32
        %dma_wait3A_564 = tpu.memref_slice %arg7[%add3A_42, %dma_wait3A_563] : memref<10240x128xf32, #tpu.memory_space<vmem_shared>> -> memref<64x128xf32, #tpu.memory_space<vmem_shared>>
        %dma_wait3A_565 = arith.constant 0 : i32
        %dma_wait3A_566 = arith.constant 0 : i32
        %dma_wait3A_567 = tpu.memref_slice %run_scoped3A[%run_scoped3A_43, %dma_wait3A_565, %dma_wait3A_566] : memref<4x64x128xf32, #tpu.memory_space<vmem>> -> memref<1x64x128xf32, #tpu.memory_space<vmem>>
        %dma_wait3A_568 = tpu.memref_squeeze %dma_wait3A_567 : memref<1x64x128xf32, #tpu.memory_space<vmem>> -> memref<64x128xf32, #tpu.memory_space<vmem>>
        tpu.wait_dma2 semaphore(%run_scoped3A_544 : memref<!tpu.dma_semaphore, #tpu.memory_space<semaphore_mem>>) src(%dma_wait3A_568 : memref<64x128xf32, #tpu.memory_space<vmem>>) dst(%dma_wait3A_564 : memref<64x128xf32, #tpu.memory_space<vmem_shared>>)
        tpu.yield
      }) : () -> ()
      %add3A_44 = arith.constant 448 : i32
      %add3A_45 = arith.addi %mul3A_3, %add3A_44 : i32
      %run_scoped3A_46 = arith.constant 0 : i32
      "tpu.region"() ({
        %run_scoped3A_544 = tpu.sem_alloc : memref<!tpu.dma_semaphore, #tpu.memory_space<semaphore_mem>>
        %dma_start3A_545 = arith.constant 0 : i32
        %dma_start3A_546 = arith.constant 0 : i32
        %dma_start3A_547 = tpu.memref_slice %run_scoped3A[%run_scoped3A_46, %dma_start3A_545, %dma_start3A_546] : memref<4x64x128xf32, #tpu.memory_space<vmem>> -> memref<1x64x128xf32, #tpu.memory_space<vmem>>
        %dma_start3A_548 = tpu.memref_squeeze %dma_start3A_547 : memref<1x64x128xf32, #tpu.memory_space<vmem>> -> memref<64x128xf32, #tpu.memory_space<vmem>>
        %dma_start3A_549 = arith.constant 0 : i32
        %dma_start3A_550 = tpu.memref_slice %arg7[%add3A_45, %dma_start3A_549] : memref<10240x128xf32, #tpu.memory_space<vmem_shared>> -> memref<64x128xf32, #tpu.memory_space<vmem_shared>>
        %dma_start3A_551 = arith.constant 0 : i32
        %dma_start3A_552 = tpu.memref_slice %arg7[%add3A_45, %dma_start3A_551] : memref<10240x128xf32, #tpu.memory_space<vmem_shared>> -> memref<64x128xf32, #tpu.memory_space<vmem_shared>>
        %dma_start3A_553 = arith.constant 0 : i32
        %dma_start3A_554 = arith.constant 0 : i32
        %dma_start3A_555 = tpu.memref_slice %run_scoped3A[%run_scoped3A_46, %dma_start3A_553, %dma_start3A_554] : memref<4x64x128xf32, #tpu.memory_space<vmem>> -> memref<1x64x128xf32, #tpu.memory_space<vmem>>
        %dma_start3A_556 = tpu.memref_squeeze %dma_start3A_555 : memref<1x64x128xf32, #tpu.memory_space<vmem>> -> memref<64x128xf32, #tpu.memory_space<vmem>>
        tpu.enqueue_dma source(%dma_start3A_556 : memref<64x128xf32, #tpu.memory_space<vmem>>) target(%dma_start3A_552 : memref<64x128xf32, #tpu.memory_space<vmem_shared>>) target_semaphore(%run_scoped3A_544 : memref<!tpu.dma_semaphore, #tpu.memory_space<semaphore_mem>>)
        %dma_wait3A_557 = arith.constant 0 : i32
        %dma_wait3A_558 = arith.constant 0 : i32
        %dma_wait3A_559 = tpu.memref_slice %run_scoped3A[%run_scoped3A_46, %dma_wait3A_557, %dma_wait3A_558] : memref<4x64x128xf32, #tpu.memory_space<vmem>> -> memref<1x64x128xf32, #tpu.memory_space<vmem>>
        %dma_wait3A_560 = tpu.memref_squeeze %dma_wait3A_559 : memref<1x64x128xf32, #tpu.memory_space<vmem>> -> memref<64x128xf32, #tpu.memory_space<vmem>>
        %dma_wait3A_561 = arith.constant 0 : i32
        %dma_wait3A_562 = tpu.memref_slice %arg7[%add3A_45, %dma_wait3A_561] : memref<10240x128xf32, #tpu.memory_space<vmem_shared>> -> memref<64x128xf32, #tpu.memory_space<vmem_shared>>
        %dma_wait3A_563 = arith.constant 0 : i32
        %dma_wait3A_564 = tpu.memref_slice %arg7[%add3A_45, %dma_wait3A_563] : memref<10240x128xf32, #tpu.memory_space<vmem_shared>> -> memref<64x128xf32, #tpu.memory_space<vmem_shared>>
        %dma_wait3A_565 = arith.constant 0 : i32
        %dma_wait3A_566 = arith.constant 0 : i32
        %dma_wait3A_567 = tpu.memref_slice %run_scoped3A[%run_scoped3A_46, %dma_wait3A_565, %dma_wait3A_566] : memref<4x64x128xf32, #tpu.memory_space<vmem>> -> memref<1x64x128xf32, #tpu.memory_space<vmem>>
        %dma_wait3A_568 = tpu.memref_squeeze %dma_wait3A_567 : memref<1x64x128xf32, #tpu.memory_space<vmem>> -> memref<64x128xf32, #tpu.memory_space<vmem>>
        tpu.wait_dma2 semaphore(%run_scoped3A_544 : memref<!tpu.dma_semaphore, #tpu.memory_space<semaphore_mem>>) src(%dma_wait3A_568 : memref<64x128xf32, #tpu.memory_space<vmem>>) dst(%dma_wait3A_564 : memref<64x128xf32, #tpu.memory_space<vmem_shared>>)
        tpu.yield
      }) : () -> ()
      %add3A_47 = arith.constant 512 : i32
      %add3A_48 = arith.addi %mul3A_3, %add3A_47 : i32
      %run_scoped3A_49 = arith.constant 0 : i32
      "tpu.region"() ({
        %run_scoped3A_544 = tpu.sem_alloc : memref<!tpu.dma_semaphore, #tpu.memory_space<semaphore_mem>>
        %dma_start3A_545 = arith.constant 0 : i32
        %dma_start3A_546 = arith.constant 0 : i32
        %dma_start3A_547 = tpu.memref_slice %run_scoped3A[%run_scoped3A_49, %dma_start3A_545, %dma_start3A_546] : memref<4x64x128xf32, #tpu.memory_space<vmem>> -> memref<1x64x128xf32, #tpu.memory_space<vmem>>
        %dma_start3A_548 = tpu.memref_squeeze %dma_start3A_547 : memref<1x64x128xf32, #tpu.memory_space<vmem>> -> memref<64x128xf32, #tpu.memory_space<vmem>>
        %dma_start3A_549 = arith.constant 0 : i32
        %dma_start3A_550 = tpu.memref_slice %arg7[%add3A_48, %dma_start3A_549] : memref<10240x128xf32, #tpu.memory_space<vmem_shared>> -> memref<64x128xf32, #tpu.memory_space<vmem_shared>>
        %dma_start3A_551 = arith.constant 0 : i32
        %dma_start3A_552 = tpu.memref_slice %arg7[%add3A_48, %dma_start3A_551] : memref<10240x128xf32, #tpu.memory_space<vmem_shared>> -> memref<64x128xf32, #tpu.memory_space<vmem_shared>>
        %dma_start3A_553 = arith.constant 0 : i32
        %dma_start3A_554 = arith.constant 0 : i32
        %dma_start3A_555 = tpu.memref_slice %run_scoped3A[%run_scoped3A_49, %dma_start3A_553, %dma_start3A_554] : memref<4x64x128xf32, #tpu.memory_space<vmem>> -> memref<1x64x128xf32, #tpu.memory_space<vmem>>
        %dma_start3A_556 = tpu.memref_squeeze %dma_start3A_555 : memref<1x64x128xf32, #tpu.memory_space<vmem>> -> memref<64x128xf32, #tpu.memory_space<vmem>>
        tpu.enqueue_dma source(%dma_start3A_556 : memref<64x128xf32, #tpu.memory_space<vmem>>) target(%dma_start3A_552 : memref<64x128xf32, #tpu.memory_space<vmem_shared>>) target_semaphore(%run_scoped3A_544 : memref<!tpu.dma_semaphore, #tpu.memory_space<semaphore_mem>>)
        %dma_wait3A_557 = arith.constant 0 : i32
        %dma_wait3A_558 = arith.constant 0 : i32
        %dma_wait3A_559 = tpu.memref_slice %run_scoped3A[%run_scoped3A_49, %dma_wait3A_557, %dma_wait3A_558] : memref<4x64x128xf32, #tpu.memory_space<vmem>> -> memref<1x64x128xf32, #tpu.memory_space<vmem>>
        %dma_wait3A_560 = tpu.memref_squeeze %dma_wait3A_559 : memref<1x64x128xf32, #tpu.memory_space<vmem>> -> memref<64x128xf32, #tpu.memory_space<vmem>>
        %dma_wait3A_561 = arith.constant 0 : i32
        %dma_wait3A_562 = tpu.memref_slice %arg7[%add3A_48, %dma_wait3A_561] : memref<10240x128xf32, #tpu.memory_space<vmem_shared>> -> memref<64x128xf32, #tpu.memory_space<vmem_shared>>
        %dma_wait3A_563 = arith.constant 0 : i32
        %dma_wait3A_564 = tpu.memref_slice %arg7[%add3A_48, %dma_wait3A_563] : memref<10240x128xf32, #tpu.memory_space<vmem_shared>> -> memref<64x128xf32, #tpu.memory_space<vmem_shared>>
        %dma_wait3A_565 = arith.constant 0 : i32
        %dma_wait3A_566 = arith.constant 0 : i32
        %dma_wait3A_567 = tpu.memref_slice %run_scoped3A[%run_scoped3A_49, %dma_wait3A_565, %dma_wait3A_566] : memref<4x64x128xf32, #tpu.memory_space<vmem>> -> memref<1x64x128xf32, #tpu.memory_space<vmem>>
        %dma_wait3A_568 = tpu.memref_squeeze %dma_wait3A_567 : memref<1x64x128xf32, #tpu.memory_space<vmem>> -> memref<64x128xf32, #tpu.memory_space<vmem>>
        tpu.wait_dma2 semaphore(%run_scoped3A_544 : memref<!tpu.dma_semaphore, #tpu.memory_space<semaphore_mem>>) src(%dma_wait3A_568 : memref<64x128xf32, #tpu.memory_space<vmem>>) dst(%dma_wait3A_564 : memref<64x128xf32, #tpu.memory_space<vmem_shared>>)
        tpu.yield
      }) : () -> ()
      %add3A_50 = arith.constant 576 : i32
      %add3A_51 = arith.addi %mul3A_3, %add3A_50 : i32
      %run_scoped3A_52 = arith.constant 0 : i32
      "tpu.region"() ({
        %run_scoped3A_544 = tpu.sem_alloc : memref<!tpu.dma_semaphore, #tpu.memory_space<semaphore_mem>>
        %dma_start3A_545 = arith.constant 0 : i32
        %dma_start3A_546 = arith.constant 0 : i32
        %dma_start3A_547 = tpu.memref_slice %run_scoped3A[%run_scoped3A_52, %dma_start3A_545, %dma_start3A_546] : memref<4x64x128xf32, #tpu.memory_space<vmem>> -> memref<1x64x128xf32, #tpu.memory_space<vmem>>
        %dma_start3A_548 = tpu.memref_squeeze %dma_start3A_547 : memref<1x64x128xf32, #tpu.memory_space<vmem>> -> memref<64x128xf32, #tpu.memory_space<vmem>>
        %dma_start3A_549 = arith.constant 0 : i32
        %dma_start3A_550 = tpu.memref_slice %arg7[%add3A_51, %dma_start3A_549] : memref<10240x128xf32, #tpu.memory_space<vmem_shared>> -> memref<64x128xf32, #tpu.memory_space<vmem_shared>>
        %dma_start3A_551 = arith.constant 0 : i32
        %dma_start3A_552 = tpu.memref_slice %arg7[%add3A_51, %dma_start3A_551] : memref<10240x128xf32, #tpu.memory_space<vmem_shared>> -> memref<64x128xf32, #tpu.memory_space<vmem_shared>>
        %dma_start3A_553 = arith.constant 0 : i32
        %dma_start3A_554 = arith.constant 0 : i32
        %dma_start3A_555 = tpu.memref_slice %run_scoped3A[%run_scoped3A_52, %dma_start3A_553, %dma_start3A_554] : memref<4x64x128xf32, #tpu.memory_space<vmem>> -> memref<1x64x128xf32, #tpu.memory_space<vmem>>
        %dma_start3A_556 = tpu.memref_squeeze %dma_start3A_555 : memref<1x64x128xf32, #tpu.memory_space<vmem>> -> memref<64x128xf32, #tpu.memory_space<vmem>>
        tpu.enqueue_dma source(%dma_start3A_556 : memref<64x128xf32, #tpu.memory_space<vmem>>) target(%dma_start3A_552 : memref<64x128xf32, #tpu.memory_space<vmem_shared>>) target_semaphore(%run_scoped3A_544 : memref<!tpu.dma_semaphore, #tpu.memory_space<semaphore_mem>>)
        %dma_wait3A_557 = arith.constant 0 : i32
        %dma_wait3A_558 = arith.constant 0 : i32
        %dma_wait3A_559 = tpu.memref_slice %run_scoped3A[%run_scoped3A_52, %dma_wait3A_557, %dma_wait3A_558] : memref<4x64x128xf32, #tpu.memory_space<vmem>> -> memref<1x64x128xf32, #tpu.memory_space<vmem>>
        %dma_wait3A_560 = tpu.memref_squeeze %dma_wait3A_559 : memref<1x64x128xf32, #tpu.memory_space<vmem>> -> memref<64x128xf32, #tpu.memory_space<vmem>>
        %dma_wait3A_561 = arith.constant 0 : i32
        %dma_wait3A_562 = tpu.memref_slice %arg7[%add3A_51, %dma_wait3A_561] : memref<10240x128xf32, #tpu.memory_space<vmem_shared>> -> memref<64x128xf32, #tpu.memory_space<vmem_shared>>
        %dma_wait3A_563 = arith.constant 0 : i32
        %dma_wait3A_564 = tpu.memref_slice %arg7[%add3A_51, %dma_wait3A_563] : memref<10240x128xf32, #tpu.memory_space<vmem_shared>> -> memref<64x128xf32, #tpu.memory_space<vmem_shared>>
        %dma_wait3A_565 = arith.constant 0 : i32
        %dma_wait3A_566 = arith.constant 0 : i32
        %dma_wait3A_567 = tpu.memref_slice %run_scoped3A[%run_scoped3A_52, %dma_wait3A_565, %dma_wait3A_566] : memref<4x64x128xf32, #tpu.memory_space<vmem>> -> memref<1x64x128xf32, #tpu.memory_space<vmem>>
        %dma_wait3A_568 = tpu.memref_squeeze %dma_wait3A_567 : memref<1x64x128xf32, #tpu.memory_space<vmem>> -> memref<64x128xf32, #tpu.memory_space<vmem>>
        tpu.wait_dma2 semaphore(%run_scoped3A_544 : memref<!tpu.dma_semaphore, #tpu.memory_space<semaphore_mem>>) src(%dma_wait3A_568 : memref<64x128xf32, #tpu.memory_space<vmem>>) dst(%dma_wait3A_564 : memref<64x128xf32, #tpu.memory_space<vmem_shared>>)
        tpu.yield
      }) : () -> ()
      %barrier3A = arith.constant 0 : index
      tpu.barrier barrier_id(%barrier3A)
      %rem3A = arith.constant 0 : i32
      %rem3A_53 = arith.constant 8 : i32
      %rem3A_54 = arith.remsi %rem3A, %rem3A_53 : i32
      %add3A_55 = arith.constant 0 : i32
      %add3A_56 = arith.addi %select_n3A_13, %add3A_55 : i32
      %dma_start3A = arith.constant 0 : i32
      %dma_start3A_57 = tpu.memref_slice %run_scoped3A_14[%rem3A_54, %dma_start3A] : memref<8x64xi32, #tpu.memory_space<vmem>> -> memref<1x64xi32, #tpu.memory_space<vmem>>
      %dma_start3A_58 = tpu.memref_squeeze %dma_start3A_57 : memref<1x64xi32, #tpu.memory_space<vmem>> -> memref<64xi32, #tpu.memory_space<vmem>>
      %dma_start3A_59 = arith.constant 0 : i32
      %dma_start3A_60 = tpu.memref_slice %arg3[%add3A_56, %dma_start3A_59] : memref<5056x64xi32, #tpu.memory_space<hbm>> -> memref<1x64xi32, #tpu.memory_space<hbm>>
      %dma_start3A_61 = tpu.memref_squeeze %dma_start3A_60 : memref<1x64xi32, #tpu.memory_space<hbm>> -> memref<64xi32, #tpu.memory_space<hbm>>
      %dma_start3A_62 = arith.constant 0 : i32
      %dma_start3A_63 = tpu.memref_slice %run_scoped3A_14[%rem3A_54, %dma_start3A_62] : memref<8x64xi32, #tpu.memory_space<vmem>> -> memref<1x64xi32, #tpu.memory_space<vmem>>
      %dma_start3A_64 = tpu.memref_squeeze %dma_start3A_63 : memref<1x64xi32, #tpu.memory_space<vmem>> -> memref<64xi32, #tpu.memory_space<vmem>>
      %dma_start3A_65 = arith.constant 0 : i32
      %dma_start3A_66 = tpu.memref_slice %arg3[%add3A_56, %dma_start3A_65] : memref<5056x64xi32, #tpu.memory_space<hbm>> -> memref<1x64xi32, #tpu.memory_space<hbm>>
      %dma_start3A_67 = tpu.memref_squeeze %dma_start3A_66 : memref<1x64xi32, #tpu.memory_space<hbm>> -> memref<64xi32, #tpu.memory_space<hbm>>
      tpu.enqueue_dma source(%dma_start3A_67 : memref<64xi32, #tpu.memory_space<hbm>>) target(%dma_start3A_64 : memref<64xi32, #tpu.memory_space<vmem>>) target_semaphore(%arg16 : memref<!tpu.dma_semaphore, #tpu.memory_space<semaphore_mem>>)
      %add3A_68 = arith.constant 0 : i32
      %add3A_69 = arith.addi %select_n3A_13, %add3A_68 : i32
      %dma_start3A_70 = arith.constant 0 : i32
      %dma_start3A_71 = tpu.memref_slice %run_scoped3A_15[%rem3A_54, %dma_start3A_70] : memref<8x64xi32, #tpu.memory_space<vmem>> -> memref<1x64xi32, #tpu.memory_space<vmem>>
      %dma_start3A_72 = tpu.memref_squeeze %dma_start3A_71 : memref<1x64xi32, #tpu.memory_space<vmem>> -> memref<64xi32, #tpu.memory_space<vmem>>
      %dma_start3A_73 = arith.constant 0 : i32
      %dma_start3A_74 = tpu.memref_slice %arg4[%add3A_69, %dma_start3A_73] : memref<5056x64xi32, #tpu.memory_space<hbm>> -> memref<1x64xi32, #tpu.memory_space<hbm>>
      %dma_start3A_75 = tpu.memref_squeeze %dma_start3A_74 : memref<1x64xi32, #tpu.memory_space<hbm>> -> memref<64xi32, #tpu.memory_space<hbm>>
      %dma_start3A_76 = arith.constant 0 : i32
      %dma_start3A_77 = tpu.memref_slice %run_scoped3A_15[%rem3A_54, %dma_start3A_76] : memref<8x64xi32, #tpu.memory_space<vmem>> -> memref<1x64xi32, #tpu.memory_space<vmem>>
      %dma_start3A_78 = tpu.memref_squeeze %dma_start3A_77 : memref<1x64xi32, #tpu.memory_space<vmem>> -> memref<64xi32, #tpu.memory_space<vmem>>
      %dma_start3A_79 = arith.constant 0 : i32
      %dma_start3A_80 = tpu.memref_slice %arg4[%add3A_69, %dma_start3A_79] : memref<5056x64xi32, #tpu.memory_space<hbm>> -> memref<1x64xi32, #tpu.memory_space<hbm>>
      %dma_start3A_81 = tpu.memref_squeeze %dma_start3A_80 : memref<1x64xi32, #tpu.memory_space<hbm>> -> memref<64xi32, #tpu.memory_space<hbm>>
      tpu.enqueue_dma source(%dma_start3A_81 : memref<64xi32, #tpu.memory_space<hbm>>) target(%dma_start3A_78 : memref<64xi32, #tpu.memory_space<vmem>>) target_semaphore(%arg16 : memref<!tpu.dma_semaphore, #tpu.memory_space<semaphore_mem>>)
      %add3A_82 = arith.constant 0 : i32
      %add3A_83 = arith.addi %select_n3A_13, %add3A_82 : i32
      %dma_start3A_84 = arith.constant 0 : i32
      %dma_start3A_85 = tpu.memref_slice %run_scoped3A_16[%rem3A_54, %dma_start3A_84] : memref<8x64xf32, #tpu.memory_space<vmem>> -> memref<1x64xf32, #tpu.memory_space<vmem>>
      %dma_start3A_86 = tpu.memref_squeeze %dma_start3A_85 : memref<1x64xf32, #tpu.memory_space<vmem>> -> memref<64xf32, #tpu.memory_space<vmem>>
      %dma_start3A_87 = arith.constant 0 : i32
      %dma_start3A_88 = tpu.memref_slice %arg5[%add3A_83, %dma_start3A_87] : memref<5056x64xf32, #tpu.memory_space<hbm>> -> memref<1x64xf32, #tpu.memory_space<hbm>>
      %dma_start3A_89 = tpu.memref_squeeze %dma_start3A_88 : memref<1x64xf32, #tpu.memory_space<hbm>> -> memref<64xf32, #tpu.memory_space<hbm>>
      %dma_start3A_90 = arith.constant 0 : i32
      %dma_start3A_91 = tpu.memref_slice %run_scoped3A_16[%rem3A_54, %dma_start3A_90] : memref<8x64xf32, #tpu.memory_space<vmem>> -> memref<1x64xf32, #tpu.memory_space<vmem>>
      %dma_start3A_92 = tpu.memref_squeeze %dma_start3A_91 : memref<1x64xf32, #tpu.memory_space<vmem>> -> memref<64xf32, #tpu.memory_space<vmem>>
      %dma_start3A_93 = arith.constant 0 : i32
      %dma_start3A_94 = tpu.memref_slice %arg5[%add3A_83, %dma_start3A_93] : memref<5056x64xf32, #tpu.memory_space<hbm>> -> memref<1x64xf32, #tpu.memory_space<hbm>>
      %dma_start3A_95 = tpu.memref_squeeze %dma_start3A_94 : memref<1x64xf32, #tpu.memory_space<hbm>> -> memref<64xf32, #tpu.memory_space<hbm>>
      tpu.enqueue_dma source(%dma_start3A_95 : memref<64xf32, #tpu.memory_space<hbm>>) target(%dma_start3A_92 : memref<64xf32, #tpu.memory_space<vmem>>) target_semaphore(%arg16 : memref<!tpu.dma_semaphore, #tpu.memory_space<semaphore_mem>>)
      %rem3A_96 = arith.constant 1 : i32
      %rem3A_97 = arith.constant 8 : i32
      %rem3A_98 = arith.remsi %rem3A_96, %rem3A_97 : i32
      %add3A_99 = arith.constant 1 : i32
      %add3A_100 = arith.addi %select_n3A_13, %add3A_99 : i32
      %dma_start3A_101 = arith.constant 0 : i32
      %dma_start3A_102 = tpu.memref_slice %run_scoped3A_14[%rem3A_98, %dma_start3A_101] : memref<8x64xi32, #tpu.memory_space<vmem>> -> memref<1x64xi32, #tpu.memory_space<vmem>>
      %dma_start3A_103 = tpu.memref_squeeze %dma_start3A_102 : memref<1x64xi32, #tpu.memory_space<vmem>> -> memref<64xi32, #tpu.memory_space<vmem>>
      %dma_start3A_104 = arith.constant 0 : i32
      %dma_start3A_105 = tpu.memref_slice %arg3[%add3A_100, %dma_start3A_104] : memref<5056x64xi32, #tpu.memory_space<hbm>> -> memref<1x64xi32, #tpu.memory_space<hbm>>
      %dma_start3A_106 = tpu.memref_squeeze %dma_start3A_105 : memref<1x64xi32, #tpu.memory_space<hbm>> -> memref<64xi32, #tpu.memory_space<hbm>>
      %dma_start3A_107 = arith.constant 0 : i32
      %dma_start3A_108 = tpu.memref_slice %run_scoped3A_14[%rem3A_98, %dma_start3A_107] : memref<8x64xi32, #tpu.memory_space<vmem>> -> memref<1x64xi32, #tpu.memory_space<vmem>>
      %dma_start3A_109 = tpu.memref_squeeze %dma_start3A_108 : memref<1x64xi32, #tpu.memory_space<vmem>> -> memref<64xi32, #tpu.memory_space<vmem>>
      %dma_start3A_110 = arith.constant 0 : i32
      %dma_start3A_111 = tpu.memref_slice %arg3[%add3A_100, %dma_start3A_110] : memref<5056x64xi32, #tpu.memory_space<hbm>> -> memref<1x64xi32, #tpu.memory_space<hbm>>
      %dma_start3A_112 = tpu.memref_squeeze %dma_start3A_111 : memref<1x64xi32, #tpu.memory_space<hbm>> -> memref<64xi32, #tpu.memory_space<hbm>>
      tpu.enqueue_dma source(%dma_start3A_112 : memref<64xi32, #tpu.memory_space<hbm>>) target(%dma_start3A_109 : memref<64xi32, #tpu.memory_space<vmem>>) target_semaphore(%arg16 : memref<!tpu.dma_semaphore, #tpu.memory_space<semaphore_mem>>)
      %add3A_113 = arith.constant 1 : i32
      %add3A_114 = arith.addi %select_n3A_13, %add3A_113 : i32
      %dma_start3A_115 = arith.constant 0 : i32
      %dma_start3A_116 = tpu.memref_slice %run_scoped3A_15[%rem3A_98, %dma_start3A_115] : memref<8x64xi32, #tpu.memory_space<vmem>> -> memref<1x64xi32, #tpu.memory_space<vmem>>
      %dma_start3A_117 = tpu.memref_squeeze %dma_start3A_116 : memref<1x64xi32, #tpu.memory_space<vmem>> -> memref<64xi32, #tpu.memory_space<vmem>>
      %dma_start3A_118 = arith.constant 0 : i32
      %dma_start3A_119 = tpu.memref_slice %arg4[%add3A_114, %dma_start3A_118] : memref<5056x64xi32, #tpu.memory_space<hbm>> -> memref<1x64xi32, #tpu.memory_space<hbm>>
      %dma_start3A_120 = tpu.memref_squeeze %dma_start3A_119 : memref<1x64xi32, #tpu.memory_space<hbm>> -> memref<64xi32, #tpu.memory_space<hbm>>
      %dma_start3A_121 = arith.constant 0 : i32
      %dma_start3A_122 = tpu.memref_slice %run_scoped3A_15[%rem3A_98, %dma_start3A_121] : memref<8x64xi32, #tpu.memory_space<vmem>> -> memref<1x64xi32, #tpu.memory_space<vmem>>
      %dma_start3A_123 = tpu.memref_squeeze %dma_start3A_122 : memref<1x64xi32, #tpu.memory_space<vmem>> -> memref<64xi32, #tpu.memory_space<vmem>>
      %dma_start3A_124 = arith.constant 0 : i32
      %dma_start3A_125 = tpu.memref_slice %arg4[%add3A_114, %dma_start3A_124] : memref<5056x64xi32, #tpu.memory_space<hbm>> -> memref<1x64xi32, #tpu.memory_space<hbm>>
      %dma_start3A_126 = tpu.memref_squeeze %dma_start3A_125 : memref<1x64xi32, #tpu.memory_space<hbm>> -> memref<64xi32, #tpu.memory_space<hbm>>
      tpu.enqueue_dma source(%dma_start3A_126 : memref<64xi32, #tpu.memory_space<hbm>>) target(%dma_start3A_123 : memref<64xi32, #tpu.memory_space<vmem>>) target_semaphore(%arg16 : memref<!tpu.dma_semaphore, #tpu.memory_space<semaphore_mem>>)
      %add3A_127 = arith.constant 1 : i32
      %add3A_128 = arith.addi %select_n3A_13, %add3A_127 : i32
      %dma_start3A_129 = arith.constant 0 : i32
      %dma_start3A_130 = tpu.memref_slice %run_scoped3A_16[%rem3A_98, %dma_start3A_129] : memref<8x64xf32, #tpu.memory_space<vmem>> -> memref<1x64xf32, #tpu.memory_space<vmem>>
      %dma_start3A_131 = tpu.memref_squeeze %dma_start3A_130 : memref<1x64xf32, #tpu.memory_space<vmem>> -> memref<64xf32, #tpu.memory_space<vmem>>
      %dma_start3A_132 = arith.constant 0 : i32
      %dma_start3A_133 = tpu.memref_slice %arg5[%add3A_128, %dma_start3A_132] : memref<5056x64xf32, #tpu.memory_space<hbm>> -> memref<1x64xf32, #tpu.memory_space<hbm>>
      %dma_start3A_134 = tpu.memref_squeeze %dma_start3A_133 : memref<1x64xf32, #tpu.memory_space<hbm>> -> memref<64xf32, #tpu.memory_space<hbm>>
      %dma_start3A_135 = arith.constant 0 : i32
      %dma_start3A_136 = tpu.memref_slice %run_scoped3A_16[%rem3A_98, %dma_start3A_135] : memref<8x64xf32, #tpu.memory_space<vmem>> -> memref<1x64xf32, #tpu.memory_space<vmem>>
      %dma_start3A_137 = tpu.memref_squeeze %dma_start3A_136 : memref<1x64xf32, #tpu.memory_space<vmem>> -> memref<64xf32, #tpu.memory_space<vmem>>
      %dma_start3A_138 = arith.constant 0 : i32
      %dma_start3A_139 = tpu.memref_slice %arg5[%add3A_128, %dma_start3A_138] : memref<5056x64xf32, #tpu.memory_space<hbm>> -> memref<1x64xf32, #tpu.memory_space<hbm>>
      %dma_start3A_140 = tpu.memref_squeeze %dma_start3A_139 : memref<1x64xf32, #tpu.memory_space<hbm>> -> memref<64xf32, #tpu.memory_space<hbm>>
      tpu.enqueue_dma source(%dma_start3A_140 : memref<64xf32, #tpu.memory_space<hbm>>) target(%dma_start3A_137 : memref<64xf32, #tpu.memory_space<vmem>>) target_semaphore(%arg16 : memref<!tpu.dma_semaphore, #tpu.memory_space<semaphore_mem>>)
      %rem3A_141 = arith.constant 2 : i32
      %rem3A_142 = arith.constant 8 : i32
      %rem3A_143 = arith.remsi %rem3A_141, %rem3A_142 : i32
      %add3A_144 = arith.constant 2 : i32
      %add3A_145 = arith.addi %select_n3A_13, %add3A_144 : i32
      %dma_start3A_146 = arith.constant 0 : i32
      %dma_start3A_147 = tpu.memref_slice %run_scoped3A_14[%rem3A_143, %dma_start3A_146] : memref<8x64xi32, #tpu.memory_space<vmem>> -> memref<1x64xi32, #tpu.memory_space<vmem>>
      %dma_start3A_148 = tpu.memref_squeeze %dma_start3A_147 : memref<1x64xi32, #tpu.memory_space<vmem>> -> memref<64xi32, #tpu.memory_space<vmem>>
      %dma_start3A_149 = arith.constant 0 : i32
      %dma_start3A_150 = tpu.memref_slice %arg3[%add3A_145, %dma_start3A_149] : memref<5056x64xi32, #tpu.memory_space<hbm>> -> memref<1x64xi32, #tpu.memory_space<hbm>>
      %dma_start3A_151 = tpu.memref_squeeze %dma_start3A_150 : memref<1x64xi32, #tpu.memory_space<hbm>> -> memref<64xi32, #tpu.memory_space<hbm>>
      %dma_start3A_152 = arith.constant 0 : i32
      %dma_start3A_153 = tpu.memref_slice %run_scoped3A_14[%rem3A_143, %dma_start3A_152] : memref<8x64xi32, #tpu.memory_space<vmem>> -> memref<1x64xi32, #tpu.memory_space<vmem>>
      %dma_start3A_154 = tpu.memref_squeeze %dma_start3A_153 : memref<1x64xi32, #tpu.memory_space<vmem>> -> memref<64xi32, #tpu.memory_space<vmem>>
      %dma_start3A_155 = arith.constant 0 : i32
      %dma_start3A_156 = tpu.memref_slice %arg3[%add3A_145, %dma_start3A_155] : memref<5056x64xi32, #tpu.memory_space<hbm>> -> memref<1x64xi32, #tpu.memory_space<hbm>>
      %dma_start3A_157 = tpu.memref_squeeze %dma_start3A_156 : memref<1x64xi32, #tpu.memory_space<hbm>> -> memref<64xi32, #tpu.memory_space<hbm>>
      tpu.enqueue_dma source(%dma_start3A_157 : memref<64xi32, #tpu.memory_space<hbm>>) target(%dma_start3A_154 : memref<64xi32, #tpu.memory_space<vmem>>) target_semaphore(%arg16 : memref<!tpu.dma_semaphore, #tpu.memory_space<semaphore_mem>>)
      %add3A_158 = arith.constant 2 : i32
      %add3A_159 = arith.addi %select_n3A_13, %add3A_158 : i32
      %dma_start3A_160 = arith.constant 0 : i32
      %dma_start3A_161 = tpu.memref_slice %run_scoped3A_15[%rem3A_143, %dma_start3A_160] : memref<8x64xi32, #tpu.memory_space<vmem>> -> memref<1x64xi32, #tpu.memory_space<vmem>>
      %dma_start3A_162 = tpu.memref_squeeze %dma_start3A_161 : memref<1x64xi32, #tpu.memory_space<vmem>> -> memref<64xi32, #tpu.memory_space<vmem>>
      %dma_start3A_163 = arith.constant 0 : i32
      %dma_start3A_164 = tpu.memref_slice %arg4[%add3A_159, %dma_start3A_163] : memref<5056x64xi32, #tpu.memory_space<hbm>> -> memref<1x64xi32, #tpu.memory_space<hbm>>
      %dma_start3A_165 = tpu.memref_squeeze %dma_start3A_164 : memref<1x64xi32, #tpu.memory_space<hbm>> -> memref<64xi32, #tpu.memory_space<hbm>>
      %dma_start3A_166 = arith.constant 0 : i32
      %dma_start3A_167 = tpu.memref_slice %run_scoped3A_15[%rem3A_143, %dma_start3A_166] : memref<8x64xi32, #tpu.memory_space<vmem>> -> memref<1x64xi32, #tpu.memory_space<vmem>>
      %dma_start3A_168 = tpu.memref_squeeze %dma_start3A_167 : memref<1x64xi32, #tpu.memory_space<vmem>> -> memref<64xi32, #tpu.memory_space<vmem>>
      %dma_start3A_169 = arith.constant 0 : i32
      %dma_start3A_170 = tpu.memref_slice %arg4[%add3A_159, %dma_start3A_169] : memref<5056x64xi32, #tpu.memory_space<hbm>> -> memref<1x64xi32, #tpu.memory_space<hbm>>
      %dma_start3A_171 = tpu.memref_squeeze %dma_start3A_170 : memref<1x64xi32, #tpu.memory_space<hbm>> -> memref<64xi32, #tpu.memory_space<hbm>>
      tpu.enqueue_dma source(%dma_start3A_171 : memref<64xi32, #tpu.memory_space<hbm>>) target(%dma_start3A_168 : memref<64xi32, #tpu.memory_space<vmem>>) target_semaphore(%arg16 : memref<!tpu.dma_semaphore, #tpu.memory_space<semaphore_mem>>)
      %add3A_172 = arith.constant 2 : i32
      %add3A_173 = arith.addi %select_n3A_13, %add3A_172 : i32
      %dma_start3A_174 = arith.constant 0 : i32
      %dma_start3A_175 = tpu.memref_slice %run_scoped3A_16[%rem3A_143, %dma_start3A_174] : memref<8x64xf32, #tpu.memory_space<vmem>> -> memref<1x64xf32, #tpu.memory_space<vmem>>
      %dma_start3A_176 = tpu.memref_squeeze %dma_start3A_175 : memref<1x64xf32, #tpu.memory_space<vmem>> -> memref<64xf32, #tpu.memory_space<vmem>>
      %dma_start3A_177 = arith.constant 0 : i32
      %dma_start3A_178 = tpu.memref_slice %arg5[%add3A_173, %dma_start3A_177] : memref<5056x64xf32, #tpu.memory_space<hbm>> -> memref<1x64xf32, #tpu.memory_space<hbm>>
      %dma_start3A_179 = tpu.memref_squeeze %dma_start3A_178 : memref<1x64xf32, #tpu.memory_space<hbm>> -> memref<64xf32, #tpu.memory_space<hbm>>
      %dma_start3A_180 = arith.constant 0 : i32
      %dma_start3A_181 = tpu.memref_slice %run_scoped3A_16[%rem3A_143, %dma_start3A_180] : memref<8x64xf32, #tpu.memory_space<vmem>> -> memref<1x64xf32, #tpu.memory_space<vmem>>
      %dma_start3A_182 = tpu.memref_squeeze %dma_start3A_181 : memref<1x64xf32, #tpu.memory_space<vmem>> -> memref<64xf32, #tpu.memory_space<vmem>>
      %dma_start3A_183 = arith.constant 0 : i32
      %dma_start3A_184 = tpu.memref_slice %arg5[%add3A_173, %dma_start3A_183] : memref<5056x64xf32, #tpu.memory_space<hbm>> -> memref<1x64xf32, #tpu.memory_space<hbm>>
      %dma_start3A_185 = tpu.memref_squeeze %dma_start3A_184 : memref<1x64xf32, #tpu.memory_space<hbm>> -> memref<64xf32, #tpu.memory_space<hbm>>
      tpu.enqueue_dma source(%dma_start3A_185 : memref<64xf32, #tpu.memory_space<hbm>>) target(%dma_start3A_182 : memref<64xf32, #tpu.memory_space<vmem>>) target_semaphore(%arg16 : memref<!tpu.dma_semaphore, #tpu.memory_space<semaphore_mem>>)
      %rem3A_186 = arith.constant 3 : i32
      %rem3A_187 = arith.constant 8 : i32
      %rem3A_188 = arith.remsi %rem3A_186, %rem3A_187 : i32
      %add3A_189 = arith.constant 3 : i32
      %add3A_190 = arith.addi %select_n3A_13, %add3A_189 : i32
      %dma_start3A_191 = arith.constant 0 : i32
      %dma_start3A_192 = tpu.memref_slice %run_scoped3A_14[%rem3A_188, %dma_start3A_191] : memref<8x64xi32, #tpu.memory_space<vmem>> -> memref<1x64xi32, #tpu.memory_space<vmem>>
      %dma_start3A_193 = tpu.memref_squeeze %dma_start3A_192 : memref<1x64xi32, #tpu.memory_space<vmem>> -> memref<64xi32, #tpu.memory_space<vmem>>
      %dma_start3A_194 = arith.constant 0 : i32
      %dma_start3A_195 = tpu.memref_slice %arg3[%add3A_190, %dma_start3A_194] : memref<5056x64xi32, #tpu.memory_space<hbm>> -> memref<1x64xi32, #tpu.memory_space<hbm>>
      %dma_start3A_196 = tpu.memref_squeeze %dma_start3A_195 : memref<1x64xi32, #tpu.memory_space<hbm>> -> memref<64xi32, #tpu.memory_space<hbm>>
      %dma_start3A_197 = arith.constant 0 : i32
      %dma_start3A_198 = tpu.memref_slice %run_scoped3A_14[%rem3A_188, %dma_start3A_197] : memref<8x64xi32, #tpu.memory_space<vmem>> -> memref<1x64xi32, #tpu.memory_space<vmem>>
      %dma_start3A_199 = tpu.memref_squeeze %dma_start3A_198 : memref<1x64xi32, #tpu.memory_space<vmem>> -> memref<64xi32, #tpu.memory_space<vmem>>
      %dma_start3A_200 = arith.constant 0 : i32
      %dma_start3A_201 = tpu.memref_slice %arg3[%add3A_190, %dma_start3A_200] : memref<5056x64xi32, #tpu.memory_space<hbm>> -> memref<1x64xi32, #tpu.memory_space<hbm>>
      %dma_start3A_202 = tpu.memref_squeeze %dma_start3A_201 : memref<1x64xi32, #tpu.memory_space<hbm>> -> memref<64xi32, #tpu.memory_space<hbm>>
      tpu.enqueue_dma source(%dma_start3A_202 : memref<64xi32, #tpu.memory_space<hbm>>) target(%dma_start3A_199 : memref<64xi32, #tpu.memory_space<vmem>>) target_semaphore(%arg16 : memref<!tpu.dma_semaphore, #tpu.memory_space<semaphore_mem>>)
      %add3A_203 = arith.constant 3 : i32
      %add3A_204 = arith.addi %select_n3A_13, %add3A_203 : i32
      %dma_start3A_205 = arith.constant 0 : i32
      %dma_start3A_206 = tpu.memref_slice %run_scoped3A_15[%rem3A_188, %dma_start3A_205] : memref<8x64xi32, #tpu.memory_space<vmem>> -> memref<1x64xi32, #tpu.memory_space<vmem>>
      %dma_start3A_207 = tpu.memref_squeeze %dma_start3A_206 : memref<1x64xi32, #tpu.memory_space<vmem>> -> memref<64xi32, #tpu.memory_space<vmem>>
      %dma_start3A_208 = arith.constant 0 : i32
      %dma_start3A_209 = tpu.memref_slice %arg4[%add3A_204, %dma_start3A_208] : memref<5056x64xi32, #tpu.memory_space<hbm>> -> memref<1x64xi32, #tpu.memory_space<hbm>>
      %dma_start3A_210 = tpu.memref_squeeze %dma_start3A_209 : memref<1x64xi32, #tpu.memory_space<hbm>> -> memref<64xi32, #tpu.memory_space<hbm>>
      %dma_start3A_211 = arith.constant 0 : i32
      %dma_start3A_212 = tpu.memref_slice %run_scoped3A_15[%rem3A_188, %dma_start3A_211] : memref<8x64xi32, #tpu.memory_space<vmem>> -> memref<1x64xi32, #tpu.memory_space<vmem>>
      %dma_start3A_213 = tpu.memref_squeeze %dma_start3A_212 : memref<1x64xi32, #tpu.memory_space<vmem>> -> memref<64xi32, #tpu.memory_space<vmem>>
      %dma_start3A_214 = arith.constant 0 : i32
      %dma_start3A_215 = tpu.memref_slice %arg4[%add3A_204, %dma_start3A_214] : memref<5056x64xi32, #tpu.memory_space<hbm>> -> memref<1x64xi32, #tpu.memory_space<hbm>>
      %dma_start3A_216 = tpu.memref_squeeze %dma_start3A_215 : memref<1x64xi32, #tpu.memory_space<hbm>> -> memref<64xi32, #tpu.memory_space<hbm>>
      tpu.enqueue_dma source(%dma_start3A_216 : memref<64xi32, #tpu.memory_space<hbm>>) target(%dma_start3A_213 : memref<64xi32, #tpu.memory_space<vmem>>) target_semaphore(%arg16 : memref<!tpu.dma_semaphore, #tpu.memory_space<semaphore_mem>>)
      %add3A_217 = arith.constant 3 : i32
      %add3A_218 = arith.addi %select_n3A_13, %add3A_217 : i32
      %dma_start3A_219 = arith.constant 0 : i32
      %dma_start3A_220 = tpu.memref_slice %run_scoped3A_16[%rem3A_188, %dma_start3A_219] : memref<8x64xf32, #tpu.memory_space<vmem>> -> memref<1x64xf32, #tpu.memory_space<vmem>>
      %dma_start3A_221 = tpu.memref_squeeze %dma_start3A_220 : memref<1x64xf32, #tpu.memory_space<vmem>> -> memref<64xf32, #tpu.memory_space<vmem>>
      %dma_start3A_222 = arith.constant 0 : i32
      %dma_start3A_223 = tpu.memref_slice %arg5[%add3A_218, %dma_start3A_222] : memref<5056x64xf32, #tpu.memory_space<hbm>> -> memref<1x64xf32, #tpu.memory_space<hbm>>
      %dma_start3A_224 = tpu.memref_squeeze %dma_start3A_223 : memref<1x64xf32, #tpu.memory_space<hbm>> -> memref<64xf32, #tpu.memory_space<hbm>>
      %dma_start3A_225 = arith.constant 0 : i32
      %dma_start3A_226 = tpu.memref_slice %run_scoped3A_16[%rem3A_188, %dma_start3A_225] : memref<8x64xf32, #tpu.memory_space<vmem>> -> memref<1x64xf32, #tpu.memory_space<vmem>>
      %dma_start3A_227 = tpu.memref_squeeze %dma_start3A_226 : memref<1x64xf32, #tpu.memory_space<vmem>> -> memref<64xf32, #tpu.memory_space<vmem>>
      %dma_start3A_228 = arith.constant 0 : i32
      %dma_start3A_229 = tpu.memref_slice %arg5[%add3A_218, %dma_start3A_228] : memref<5056x64xf32, #tpu.memory_space<hbm>> -> memref<1x64xf32, #tpu.memory_space<hbm>>
      %dma_start3A_230 = tpu.memref_squeeze %dma_start3A_229 : memref<1x64xf32, #tpu.memory_space<hbm>> -> memref<64xf32, #tpu.memory_space<hbm>>
      tpu.enqueue_dma source(%dma_start3A_230 : memref<64xf32, #tpu.memory_space<hbm>>) target(%dma_start3A_227 : memref<64xf32, #tpu.memory_space<vmem>>) target_semaphore(%arg16 : memref<!tpu.dma_semaphore, #tpu.memory_space<semaphore_mem>>)
      %rem3A_231 = arith.constant 4 : i32
      %rem3A_232 = arith.constant 8 : i32
      %rem3A_233 = arith.remsi %rem3A_231, %rem3A_232 : i32
      %add3A_234 = arith.constant 4 : i32
      %add3A_235 = arith.addi %select_n3A_13, %add3A_234 : i32
      %dma_start3A_236 = arith.constant 0 : i32
      %dma_start3A_237 = tpu.memref_slice %run_scoped3A_14[%rem3A_233, %dma_start3A_236] : memref<8x64xi32, #tpu.memory_space<vmem>> -> memref<1x64xi32, #tpu.memory_space<vmem>>
      %dma_start3A_238 = tpu.memref_squeeze %dma_start3A_237 : memref<1x64xi32, #tpu.memory_space<vmem>> -> memref<64xi32, #tpu.memory_space<vmem>>
      %dma_start3A_239 = arith.constant 0 : i32
      %dma_start3A_240 = tpu.memref_slice %arg3[%add3A_235, %dma_start3A_239] : memref<5056x64xi32, #tpu.memory_space<hbm>> -> memref<1x64xi32, #tpu.memory_space<hbm>>
      %dma_start3A_241 = tpu.memref_squeeze %dma_start3A_240 : memref<1x64xi32, #tpu.memory_space<hbm>> -> memref<64xi32, #tpu.memory_space<hbm>>
      %dma_start3A_242 = arith.constant 0 : i32
      %dma_start3A_243 = tpu.memref_slice %run_scoped3A_14[%rem3A_233, %dma_start3A_242] : memref<8x64xi32, #tpu.memory_space<vmem>> -> memref<1x64xi32, #tpu.memory_space<vmem>>
      %dma_start3A_244 = tpu.memref_squeeze %dma_start3A_243 : memref<1x64xi32, #tpu.memory_space<vmem>> -> memref<64xi32, #tpu.memory_space<vmem>>
      %dma_start3A_245 = arith.constant 0 : i32
      %dma_start3A_246 = tpu.memref_slice %arg3[%add3A_235, %dma_start3A_245] : memref<5056x64xi32, #tpu.memory_space<hbm>> -> memref<1x64xi32, #tpu.memory_space<hbm>>
      %dma_start3A_247 = tpu.memref_squeeze %dma_start3A_246 : memref<1x64xi32, #tpu.memory_space<hbm>> -> memref<64xi32, #tpu.memory_space<hbm>>
      tpu.enqueue_dma source(%dma_start3A_247 : memref<64xi32, #tpu.memory_space<hbm>>) target(%dma_start3A_244 : memref<64xi32, #tpu.memory_space<vmem>>) target_semaphore(%arg16 : memref<!tpu.dma_semaphore, #tpu.memory_space<semaphore_mem>>)
      %add3A_248 = arith.constant 4 : i32
      %add3A_249 = arith.addi %select_n3A_13, %add3A_248 : i32
      %dma_start3A_250 = arith.constant 0 : i32
      %dma_start3A_251 = tpu.memref_slice %run_scoped3A_15[%rem3A_233, %dma_start3A_250] : memref<8x64xi32, #tpu.memory_space<vmem>> -> memref<1x64xi32, #tpu.memory_space<vmem>>
      %dma_start3A_252 = tpu.memref_squeeze %dma_start3A_251 : memref<1x64xi32, #tpu.memory_space<vmem>> -> memref<64xi32, #tpu.memory_space<vmem>>
      %dma_start3A_253 = arith.constant 0 : i32
      %dma_start3A_254 = tpu.memref_slice %arg4[%add3A_249, %dma_start3A_253] : memref<5056x64xi32, #tpu.memory_space<hbm>> -> memref<1x64xi32, #tpu.memory_space<hbm>>
      %dma_start3A_255 = tpu.memref_squeeze %dma_start3A_254 : memref<1x64xi32, #tpu.memory_space<hbm>> -> memref<64xi32, #tpu.memory_space<hbm>>
      %dma_start3A_256 = arith.constant 0 : i32
      %dma_start3A_257 = tpu.memref_slice %run_scoped3A_15[%rem3A_233, %dma_start3A_256] : memref<8x64xi32, #tpu.memory_space<vmem>> -> memref<1x64xi32, #tpu.memory_space<vmem>>
      %dma_start3A_258 = tpu.memref_squeeze %dma_start3A_257 : memref<1x64xi32, #tpu.memory_space<vmem>> -> memref<64xi32, #tpu.memory_space<vmem>>
      %dma_start3A_259 = arith.constant 0 : i32
      %dma_start3A_260 = tpu.memref_slice %arg4[%add3A_249, %dma_start3A_259] : memref<5056x64xi32, #tpu.memory_space<hbm>> -> memref<1x64xi32, #tpu.memory_space<hbm>>
      %dma_start3A_261 = tpu.memref_squeeze %dma_start3A_260 : memref<1x64xi32, #tpu.memory_space<hbm>> -> memref<64xi32, #tpu.memory_space<hbm>>
      tpu.enqueue_dma source(%dma_start3A_261 : memref<64xi32, #tpu.memory_space<hbm>>) target(%dma_start3A_258 : memref<64xi32, #tpu.memory_space<vmem>>) target_semaphore(%arg16 : memref<!tpu.dma_semaphore, #tpu.memory_space<semaphore_mem>>)
      %add3A_262 = arith.constant 4 : i32
      %add3A_263 = arith.addi %select_n3A_13, %add3A_262 : i32
      %dma_start3A_264 = arith.constant 0 : i32
      %dma_start3A_265 = tpu.memref_slice %run_scoped3A_16[%rem3A_233, %dma_start3A_264] : memref<8x64xf32, #tpu.memory_space<vmem>> -> memref<1x64xf32, #tpu.memory_space<vmem>>
      %dma_start3A_266 = tpu.memref_squeeze %dma_start3A_265 : memref<1x64xf32, #tpu.memory_space<vmem>> -> memref<64xf32, #tpu.memory_space<vmem>>
      %dma_start3A_267 = arith.constant 0 : i32
      %dma_start3A_268 = tpu.memref_slice %arg5[%add3A_263, %dma_start3A_267] : memref<5056x64xf32, #tpu.memory_space<hbm>> -> memref<1x64xf32, #tpu.memory_space<hbm>>
      %dma_start3A_269 = tpu.memref_squeeze %dma_start3A_268 : memref<1x64xf32, #tpu.memory_space<hbm>> -> memref<64xf32, #tpu.memory_space<hbm>>
      %dma_start3A_270 = arith.constant 0 : i32
      %dma_start3A_271 = tpu.memref_slice %run_scoped3A_16[%rem3A_233, %dma_start3A_270] : memref<8x64xf32, #tpu.memory_space<vmem>> -> memref<1x64xf32, #tpu.memory_space<vmem>>
      %dma_start3A_272 = tpu.memref_squeeze %dma_start3A_271 : memref<1x64xf32, #tpu.memory_space<vmem>> -> memref<64xf32, #tpu.memory_space<vmem>>
      %dma_start3A_273 = arith.constant 0 : i32
      %dma_start3A_274 = tpu.memref_slice %arg5[%add3A_263, %dma_start3A_273] : memref<5056x64xf32, #tpu.memory_space<hbm>> -> memref<1x64xf32, #tpu.memory_space<hbm>>
      %dma_start3A_275 = tpu.memref_squeeze %dma_start3A_274 : memref<1x64xf32, #tpu.memory_space<hbm>> -> memref<64xf32, #tpu.memory_space<hbm>>
      tpu.enqueue_dma source(%dma_start3A_275 : memref<64xf32, #tpu.memory_space<hbm>>) target(%dma_start3A_272 : memref<64xf32, #tpu.memory_space<vmem>>) target_semaphore(%arg16 : memref<!tpu.dma_semaphore, #tpu.memory_space<semaphore_mem>>)
      %rem3A_276 = arith.constant 5 : i32
      %rem3A_277 = arith.constant 8 : i32
      %rem3A_278 = arith.remsi %rem3A_276, %rem3A_277 : i32
      %add3A_279 = arith.constant 5 : i32
      %add3A_280 = arith.addi %select_n3A_13, %add3A_279 : i32
      %dma_start3A_281 = arith.constant 0 : i32
      %dma_start3A_282 = tpu.memref_slice %run_scoped3A_14[%rem3A_278, %dma_start3A_281] : memref<8x64xi32, #tpu.memory_space<vmem>> -> memref<1x64xi32, #tpu.memory_space<vmem>>
      %dma_start3A_283 = tpu.memref_squeeze %dma_start3A_282 : memref<1x64xi32, #tpu.memory_space<vmem>> -> memref<64xi32, #tpu.memory_space<vmem>>
      %dma_start3A_284 = arith.constant 0 : i32
      %dma_start3A_285 = tpu.memref_slice %arg3[%add3A_280, %dma_start3A_284] : memref<5056x64xi32, #tpu.memory_space<hbm>> -> memref<1x64xi32, #tpu.memory_space<hbm>>
      %dma_start3A_286 = tpu.memref_squeeze %dma_start3A_285 : memref<1x64xi32, #tpu.memory_space<hbm>> -> memref<64xi32, #tpu.memory_space<hbm>>
      %dma_start3A_287 = arith.constant 0 : i32
      %dma_start3A_288 = tpu.memref_slice %run_scoped3A_14[%rem3A_278, %dma_start3A_287] : memref<8x64xi32, #tpu.memory_space<vmem>> -> memref<1x64xi32, #tpu.memory_space<vmem>>
      %dma_start3A_289 = tpu.memref_squeeze %dma_start3A_288 : memref<1x64xi32, #tpu.memory_space<vmem>> -> memref<64xi32, #tpu.memory_space<vmem>>
      %dma_start3A_290 = arith.constant 0 : i32
      %dma_start3A_291 = tpu.memref_slice %arg3[%add3A_280, %dma_start3A_290] : memref<5056x64xi32, #tpu.memory_space<hbm>> -> memref<1x64xi32, #tpu.memory_space<hbm>>
      %dma_start3A_292 = tpu.memref_squeeze %dma_start3A_291 : memref<1x64xi32, #tpu.memory_space<hbm>> -> memref<64xi32, #tpu.memory_space<hbm>>
      tpu.enqueue_dma source(%dma_start3A_292 : memref<64xi32, #tpu.memory_space<hbm>>) target(%dma_start3A_289 : memref<64xi32, #tpu.memory_space<vmem>>) target_semaphore(%arg16 : memref<!tpu.dma_semaphore, #tpu.memory_space<semaphore_mem>>)
      %add3A_293 = arith.constant 5 : i32
      %add3A_294 = arith.addi %select_n3A_13, %add3A_293 : i32
      %dma_start3A_295 = arith.constant 0 : i32
      %dma_start3A_296 = tpu.memref_slice %run_scoped3A_15[%rem3A_278, %dma_start3A_295] : memref<8x64xi32, #tpu.memory_space<vmem>> -> memref<1x64xi32, #tpu.memory_space<vmem>>
      %dma_start3A_297 = tpu.memref_squeeze %dma_start3A_296 : memref<1x64xi32, #tpu.memory_space<vmem>> -> memref<64xi32, #tpu.memory_space<vmem>>
      %dma_start3A_298 = arith.constant 0 : i32
      %dma_start3A_299 = tpu.memref_slice %arg4[%add3A_294, %dma_start3A_298] : memref<5056x64xi32, #tpu.memory_space<hbm>> -> memref<1x64xi32, #tpu.memory_space<hbm>>
      %dma_start3A_300 = tpu.memref_squeeze %dma_start3A_299 : memref<1x64xi32, #tpu.memory_space<hbm>> -> memref<64xi32, #tpu.memory_space<hbm>>
      %dma_start3A_301 = arith.constant 0 : i32
      %dma_start3A_302 = tpu.memref_slice %run_scoped3A_15[%rem3A_278, %dma_start3A_301] : memref<8x64xi32, #tpu.memory_space<vmem>> -> memref<1x64xi32, #tpu.memory_space<vmem>>
      %dma_start3A_303 = tpu.memref_squeeze %dma_start3A_302 : memref<1x64xi32, #tpu.memory_space<vmem>> -> memref<64xi32, #tpu.memory_space<vmem>>
      %dma_start3A_304 = arith.constant 0 : i32
      %dma_start3A_305 = tpu.memref_slice %arg4[%add3A_294, %dma_start3A_304] : memref<5056x64xi32, #tpu.memory_space<hbm>> -> memref<1x64xi32, #tpu.memory_space<hbm>>
      %dma_start3A_306 = tpu.memref_squeeze %dma_start3A_305 : memref<1x64xi32, #tpu.memory_space<hbm>> -> memref<64xi32, #tpu.memory_space<hbm>>
      tpu.enqueue_dma source(%dma_start3A_306 : memref<64xi32, #tpu.memory_space<hbm>>) target(%dma_start3A_303 : memref<64xi32, #tpu.memory_space<vmem>>) target_semaphore(%arg16 : memref<!tpu.dma_semaphore, #tpu.memory_space<semaphore_mem>>)
      %add3A_307 = arith.constant 5 : i32
      %add3A_308 = arith.addi %select_n3A_13, %add3A_307 : i32
      %dma_start3A_309 = arith.constant 0 : i32
      %dma_start3A_310 = tpu.memref_slice %run_scoped3A_16[%rem3A_278, %dma_start3A_309] : memref<8x64xf32, #tpu.memory_space<vmem>> -> memref<1x64xf32, #tpu.memory_space<vmem>>
      %dma_start3A_311 = tpu.memref_squeeze %dma_start3A_310 : memref<1x64xf32, #tpu.memory_space<vmem>> -> memref<64xf32, #tpu.memory_space<vmem>>
      %dma_start3A_312 = arith.constant 0 : i32
      %dma_start3A_313 = tpu.memref_slice %arg5[%add3A_308, %dma_start3A_312] : memref<5056x64xf32, #tpu.memory_space<hbm>> -> memref<1x64xf32, #tpu.memory_space<hbm>>
      %dma_start3A_314 = tpu.memref_squeeze %dma_start3A_313 : memref<1x64xf32, #tpu.memory_space<hbm>> -> memref<64xf32, #tpu.memory_space<hbm>>
      %dma_start3A_315 = arith.constant 0 : i32
      %dma_start3A_316 = tpu.memref_slice %run_scoped3A_16[%rem3A_278, %dma_start3A_315] : memref<8x64xf32, #tpu.memory_space<vmem>> -> memref<1x64xf32, #tpu.memory_space<vmem>>
      %dma_start3A_317 = tpu.memref_squeeze %dma_start3A_316 : memref<1x64xf32, #tpu.memory_space<vmem>> -> memref<64xf32, #tpu.memory_space<vmem>>
      %dma_start3A_318 = arith.constant 0 : i32
      %dma_start3A_319 = tpu.memref_slice %arg5[%add3A_308, %dma_start3A_318] : memref<5056x64xf32, #tpu.memory_space<hbm>> -> memref<1x64xf32, #tpu.memory_space<hbm>>
      %dma_start3A_320 = tpu.memref_squeeze %dma_start3A_319 : memref<1x64xf32, #tpu.memory_space<hbm>> -> memref<64xf32, #tpu.memory_space<hbm>>
      tpu.enqueue_dma source(%dma_start3A_320 : memref<64xf32, #tpu.memory_space<hbm>>) target(%dma_start3A_317 : memref<64xf32, #tpu.memory_space<vmem>>) target_semaphore(%arg16 : memref<!tpu.dma_semaphore, #tpu.memory_space<semaphore_mem>>)
      %rem3A_321 = arith.constant 0 : i32
      %rem3A_322 = arith.constant 8 : i32
      %rem3A_323 = arith.remsi %rem3A_321, %rem3A_322 : i32
      %add3A_324 = arith.constant 0 : i32
      %add3A_325 = arith.addi %select_n3A_13, %add3A_324 : i32
      %dma_wait3A = arith.constant 0 : i32
      %dma_wait3A_326 = tpu.memref_slice %run_scoped3A_14[%rem3A_323, %dma_wait3A] : memref<8x64xi32, #tpu.memory_space<vmem>> -> memref<1x64xi32, #tpu.memory_space<vmem>>
      %dma_wait3A_327 = tpu.memref_squeeze %dma_wait3A_326 : memref<1x64xi32, #tpu.memory_space<vmem>> -> memref<64xi32, #tpu.memory_space<vmem>>
      %dma_wait3A_328 = arith.constant 0 : i32
      %dma_wait3A_329 = tpu.memref_slice %arg3[%add3A_325, %dma_wait3A_328] : memref<5056x64xi32, #tpu.memory_space<hbm>> -> memref<1x64xi32, #tpu.memory_space<hbm>>
      %dma_wait3A_330 = tpu.memref_squeeze %dma_wait3A_329 : memref<1x64xi32, #tpu.memory_space<hbm>> -> memref<64xi32, #tpu.memory_space<hbm>>
      %dma_wait3A_331 = arith.constant 0 : i32
      %dma_wait3A_332 = tpu.memref_slice %run_scoped3A_14[%rem3A_323, %dma_wait3A_331] : memref<8x64xi32, #tpu.memory_space<vmem>> -> memref<1x64xi32, #tpu.memory_space<vmem>>
      %dma_wait3A_333 = tpu.memref_squeeze %dma_wait3A_332 : memref<1x64xi32, #tpu.memory_space<vmem>> -> memref<64xi32, #tpu.memory_space<vmem>>
      %dma_wait3A_334 = arith.constant 0 : i32
      %dma_wait3A_335 = tpu.memref_slice %arg3[%add3A_325, %dma_wait3A_334] : memref<5056x64xi32, #tpu.memory_space<hbm>> -> memref<1x64xi32, #tpu.memory_space<hbm>>
      %dma_wait3A_336 = tpu.memref_squeeze %dma_wait3A_335 : memref<1x64xi32, #tpu.memory_space<hbm>> -> memref<64xi32, #tpu.memory_space<hbm>>
      tpu.wait_dma2 semaphore(%arg16 : memref<!tpu.dma_semaphore, #tpu.memory_space<semaphore_mem>>) src(%dma_wait3A_336 : memref<64xi32, #tpu.memory_space<hbm>>) dst(%dma_wait3A_333 : memref<64xi32, #tpu.memory_space<vmem>>)
      %add3A_337 = arith.constant 0 : i32
      %add3A_338 = arith.addi %select_n3A_13, %add3A_337 : i32
      %dma_wait3A_339 = arith.constant 0 : i32
      %dma_wait3A_340 = tpu.memref_slice %run_scoped3A_15[%rem3A_323, %dma_wait3A_339] : memref<8x64xi32, #tpu.memory_space<vmem>> -> memref<1x64xi32, #tpu.memory_space<vmem>>
      %dma_wait3A_341 = tpu.memref_squeeze %dma_wait3A_340 : memref<1x64xi32, #tpu.memory_space<vmem>> -> memref<64xi32, #tpu.memory_space<vmem>>
      %dma_wait3A_342 = arith.constant 0 : i32
      %dma_wait3A_343 = tpu.memref_slice %arg4[%add3A_338, %dma_wait3A_342] : memref<5056x64xi32, #tpu.memory_space<hbm>> -> memref<1x64xi32, #tpu.memory_space<hbm>>
      %dma_wait3A_344 = tpu.memref_squeeze %dma_wait3A_343 : memref<1x64xi32, #tpu.memory_space<hbm>> -> memref<64xi32, #tpu.memory_space<hbm>>
      %dma_wait3A_345 = arith.constant 0 : i32
      %dma_wait3A_346 = tpu.memref_slice %run_scoped3A_15[%rem3A_323, %dma_wait3A_345] : memref<8x64xi32, #tpu.memory_space<vmem>> -> memref<1x64xi32, #tpu.memory_space<vmem>>
      %dma_wait3A_347 = tpu.memref_squeeze %dma_wait3A_346 : memref<1x64xi32, #tpu.memory_space<vmem>> -> memref<64xi32, #tpu.memory_space<vmem>>
      %dma_wait3A_348 = arith.constant 0 : i32
      %dma_wait3A_349 = tpu.memref_slice %arg4[%add3A_338, %dma_wait3A_348] : memref<5056x64xi32, #tpu.memory_space<hbm>> -> memref<1x64xi32, #tpu.memory_space<hbm>>
      %dma_wait3A_350 = tpu.memref_squeeze %dma_wait3A_349 : memref<1x64xi32, #tpu.memory_space<hbm>> -> memref<64xi32, #tpu.memory_space<hbm>>
      tpu.wait_dma2 semaphore(%arg16 : memref<!tpu.dma_semaphore, #tpu.memory_space<semaphore_mem>>) src(%dma_wait3A_350 : memref<64xi32, #tpu.memory_space<hbm>>) dst(%dma_wait3A_347 : memref<64xi32, #tpu.memory_space<vmem>>)
      %add3A_351 = arith.constant 0 : i32
      %add3A_352 = arith.addi %select_n3A_13, %add3A_351 : i32
      %dma_wait3A_353 = arith.constant 0 : i32
      %dma_wait3A_354 = tpu.memref_slice %run_scoped3A_16[%rem3A_323, %dma_wait3A_353] : memref<8x64xf32, #tpu.memory_space<vmem>> -> memref<1x64xf32, #tpu.memory_space<vmem>>
      %dma_wait3A_355 = tpu.memref_squeeze %dma_wait3A_354 : memref<1x64xf32, #tpu.memory_space<vmem>> -> memref<64xf32, #tpu.memory_space<vmem>>
      %dma_wait3A_356 = arith.constant 0 : i32
      %dma_wait3A_357 = tpu.memref_slice %arg5[%add3A_352, %dma_wait3A_356] : memref<5056x64xf32, #tpu.memory_space<hbm>> -> memref<1x64xf32, #tpu.memory_space<hbm>>
      %dma_wait3A_358 = tpu.memref_squeeze %dma_wait3A_357 : memref<1x64xf32, #tpu.memory_space<hbm>> -> memref<64xf32, #tpu.memory_space<hbm>>
      %dma_wait3A_359 = arith.constant 0 : i32
      %dma_wait3A_360 = tpu.memref_slice %run_scoped3A_16[%rem3A_323, %dma_wait3A_359] : memref<8x64xf32, #tpu.memory_space<vmem>> -> memref<1x64xf32, #tpu.memory_space<vmem>>
      %dma_wait3A_361 = tpu.memref_squeeze %dma_wait3A_360 : memref<1x64xf32, #tpu.memory_space<vmem>> -> memref<64xf32, #tpu.memory_space<vmem>>
      %dma_wait3A_362 = arith.constant 0 : i32
      %dma_wait3A_363 = tpu.memref_slice %arg5[%add3A_352, %dma_wait3A_362] : memref<5056x64xf32, #tpu.memory_space<hbm>> -> memref<1x64xf32, #tpu.memory_space<hbm>>
      %dma_wait3A_364 = tpu.memref_squeeze %dma_wait3A_363 : memref<1x64xf32, #tpu.memory_space<hbm>> -> memref<64xf32, #tpu.memory_space<hbm>>
      tpu.wait_dma2 semaphore(%arg16 : memref<!tpu.dma_semaphore, #tpu.memory_space<semaphore_mem>>) src(%dma_wait3A_364 : memref<64xf32, #tpu.memory_space<hbm>>) dst(%dma_wait3A_361 : memref<64xf32, #tpu.memory_space<vmem>>)
      %rem3A_365 = arith.constant 0 : i32
      %rem3A_366 = arith.constant 8 : i32
      %rem3A_367 = arith.remsi %rem3A_365, %rem3A_366 : i32
      %dma_start3A_368 = arith.constant 0 : i32
      %dma_start3A_369 = arith.constant 0 : i32
      %dma_start3A_370 = arith.constant 0 : i32
      %dma_start3A_371 = tpu.memref_slice %run_scoped3A[%dma_start3A_368, %dma_start3A_369, %dma_start3A_370] : memref<4x64x128xf32, #tpu.memory_space<vmem>> -> memref<1x64x128xf32, #tpu.memory_space<vmem>>
      %dma_start3A_372 = tpu.memref_squeeze %dma_start3A_371 : memref<1x64x128xf32, #tpu.memory_space<vmem>> -> memref<64x128xf32, #tpu.memory_space<vmem>>
      %dma_start3A_373 = arith.constant 0 : i32
      %dma_start3A_374 = tpu.memref_slice %run_scoped3A_14[%rem3A_367, %dma_start3A_373] : memref<8x64xi32, #tpu.memory_space<vmem>> -> memref<1x64xi32, #tpu.memory_space<vmem>>
      %dma_start3A_375 = tpu.memref_squeeze %dma_start3A_374 : memref<1x64xi32, #tpu.memory_space<vmem>> -> memref<64xi32, #tpu.memory_space<vmem>>
      %dma_start3A_376 = arith.constant 0 : i32
      %dma_start3A_377 = arith.constant 0 : i32
      %dma_start3A_378 = tpu.memref_slice %arg2[%dma_start3A_376, %dma_start3A_377] : memref<10240x128xf32, #tpu.memory_space<hbm>> -> memref<10240x128xf32, #tpu.memory_space<hbm>>
      tpu.enqueue_indirect_dma source(%dma_start3A_378 : memref<10240x128xf32, #tpu.memory_space<hbm>>) target(%dma_start3A_372 : memref<64x128xf32, #tpu.memory_space<vmem>>) offsets(%dma_start3A_375 : memref<64xi32, #tpu.memory_space<vmem>>) semaphore(%arg8 : memref<!tpu.dma_semaphore, #tpu.memory_space<semaphore_mem>>)
      %rem3A_379 = arith.constant 1 : i32
      %rem3A_380 = arith.constant 8 : i32
      %rem3A_381 = arith.remsi %rem3A_379, %rem3A_380 : i32
      %add3A_382 = arith.constant 1 : i32
      %add3A_383 = arith.addi %select_n3A_13, %add3A_382 : i32
      %dma_wait3A_384 = arith.constant 0 : i32
      %dma_wait3A_385 = tpu.memref_slice %run_scoped3A_14[%rem3A_381, %dma_wait3A_384] : memref<8x64xi32, #tpu.memory_space<vmem>> -> memref<1x64xi32, #tpu.memory_space<vmem>>
      %dma_wait3A_386 = tpu.memref_squeeze %dma_wait3A_385 : memref<1x64xi32, #tpu.memory_space<vmem>> -> memref<64xi32, #tpu.memory_space<vmem>>
      %dma_wait3A_387 = arith.constant 0 : i32
      %dma_wait3A_388 = tpu.memref_slice %arg3[%add3A_383, %dma_wait3A_387] : memref<5056x64xi32, #tpu.memory_space<hbm>> -> memref<1x64xi32, #tpu.memory_space<hbm>>
      %dma_wait3A_389 = tpu.memref_squeeze %dma_wait3A_388 : memref<1x64xi32, #tpu.memory_space<hbm>> -> memref<64xi32, #tpu.memory_space<hbm>>
      %dma_wait3A_390 = arith.constant 0 : i32
      %dma_wait3A_391 = tpu.memref_slice %run_scoped3A_14[%rem3A_381, %dma_wait3A_390] : memref<8x64xi32, #tpu.memory_space<vmem>> -> memref<1x64xi32, #tpu.memory_space<vmem>>
      %dma_wait3A_392 = tpu.memref_squeeze %dma_wait3A_391 : memref<1x64xi32, #tpu.memory_space<vmem>> -> memref<64xi32, #tpu.memory_space<vmem>>
      %dma_wait3A_393 = arith.constant 0 : i32
      %dma_wait3A_394 = tpu.memref_slice %arg3[%add3A_383, %dma_wait3A_393] : memref<5056x64xi32, #tpu.memory_space<hbm>> -> memref<1x64xi32, #tpu.memory_space<hbm>>
      %dma_wait3A_395 = tpu.memref_squeeze %dma_wait3A_394 : memref<1x64xi32, #tpu.memory_space<hbm>> -> memref<64xi32, #tpu.memory_space<hbm>>
      tpu.wait_dma2 semaphore(%arg16 : memref<!tpu.dma_semaphore, #tpu.memory_space<semaphore_mem>>) src(%dma_wait3A_395 : memref<64xi32, #tpu.memory_space<hbm>>) dst(%dma_wait3A_392 : memref<64xi32, #tpu.memory_space<vmem>>)
      %add3A_396 = arith.constant 1 : i32
      %add3A_397 = arith.addi %select_n3A_13, %add3A_396 : i32
      %dma_wait3A_398 = arith.constant 0 : i32
      %dma_wait3A_399 = tpu.memref_slice %run_scoped3A_15[%rem3A_381, %dma_wait3A_398] : memref<8x64xi32, #tpu.memory_space<vmem>> -> memref<1x64xi32, #tpu.memory_space<vmem>>
      %dma_wait3A_400 = tpu.memref_squeeze %dma_wait3A_399 : memref<1x64xi32, #tpu.memory_space<vmem>> -> memref<64xi32, #tpu.memory_space<vmem>>
      %dma_wait3A_401 = arith.constant 0 : i32
      %dma_wait3A_402 = tpu.memref_slice %arg4[%add3A_397, %dma_wait3A_401] : memref<5056x64xi32, #tpu.memory_space<hbm>> -> memref<1x64xi32, #tpu.memory_space<hbm>>
      %dma_wait3A_403 = tpu.memref_squeeze %dma_wait3A_402 : memref<1x64xi32, #tpu.memory_space<hbm>> -> memref<64xi32, #tpu.memory_space<hbm>>
      %dma_wait3A_404 = arith.constant 0 : i32
      %dma_wait3A_405 = tpu.memref_slice %run_scoped3A_15[%rem3A_381, %dma_wait3A_404] : memref<8x64xi32, #tpu.memory_space<vmem>> -> memref<1x64xi32, #tpu.memory_space<vmem>>
      %dma_wait3A_406 = tpu.memref_squeeze %dma_wait3A_405 : memref<1x64xi32, #tpu.memory_space<vmem>> -> memref<64xi32, #tpu.memory_space<vmem>>
      %dma_wait3A_407 = arith.constant 0 : i32
      %dma_wait3A_408 = tpu.memref_slice %arg4[%add3A_397, %dma_wait3A_407] : memref<5056x64xi32, #tpu.memory_space<hbm>> -> memref<1x64xi32, #tpu.memory_space<hbm>>
      %dma_wait3A_409 = tpu.memref_squeeze %dma_wait3A_408 : memref<1x64xi32, #tpu.memory_space<hbm>> -> memref<64xi32, #tpu.memory_space<hbm>>
      tpu.wait_dma2 semaphore(%arg16 : memref<!tpu.dma_semaphore, #tpu.memory_space<semaphore_mem>>) src(%dma_wait3A_409 : memref<64xi32, #tpu.memory_space<hbm>>) dst(%dma_wait3A_406 : memref<64xi32, #tpu.memory_space<vmem>>)
      %add3A_410 = arith.constant 1 : i32
      %add3A_411 = arith.addi %select_n3A_13, %add3A_410 : i32
      %dma_wait3A_412 = arith.constant 0 : i32
      %dma_wait3A_413 = tpu.memref_slice %run_scoped3A_16[%rem3A_381, %dma_wait3A_412] : memref<8x64xf32, #tpu.memory_space<vmem>> -> memref<1x64xf32, #tpu.memory_space<vmem>>
      %dma_wait3A_414 = tpu.memref_squeeze %dma_wait3A_413 : memref<1x64xf32, #tpu.memory_space<vmem>> -> memref<64xf32, #tpu.memory_space<vmem>>
      %dma_wait3A_415 = arith.constant 0 : i32
      %dma_wait3A_416 = tpu.memref_slice %arg5[%add3A_411, %dma_wait3A_415] : memref<5056x64xf32, #tpu.memory_space<hbm>> -> memref<1x64xf32, #tpu.memory_space<hbm>>
      %dma_wait3A_417 = tpu.memref_squeeze %dma_wait3A_416 : memref<1x64xf32, #tpu.memory_space<hbm>> -> memref<64xf32, #tpu.memory_space<hbm>>
      %dma_wait3A_418 = arith.constant 0 : i32
      %dma_wait3A_419 = tpu.memref_slice %run_scoped3A_16[%rem3A_381, %dma_wait3A_418] : memref<8x64xf32, #tpu.memory_space<vmem>> -> memref<1x64xf32, #tpu.memory_space<vmem>>
      %dma_wait3A_420 = tpu.memref_squeeze %dma_wait3A_419 : memref<1x64xf32, #tpu.memory_space<vmem>> -> memref<64xf32, #tpu.memory_space<vmem>>
      %dma_wait3A_421 = arith.constant 0 : i32
      %dma_wait3A_422 = tpu.memref_slice %arg5[%add3A_411, %dma_wait3A_421] : memref<5056x64xf32, #tpu.memory_space<hbm>> -> memref<1x64xf32, #tpu.memory_space<hbm>>
      %dma_wait3A_423 = tpu.memref_squeeze %dma_wait3A_422 : memref<1x64xf32, #tpu.memory_space<hbm>> -> memref<64xf32, #tpu.memory_space<hbm>>
      tpu.wait_dma2 semaphore(%arg16 : memref<!tpu.dma_semaphore, #tpu.memory_space<semaphore_mem>>) src(%dma_wait3A_423 : memref<64xf32, #tpu.memory_space<hbm>>) dst(%dma_wait3A_420 : memref<64xf32, #tpu.memory_space<vmem>>)
      %rem3A_424 = arith.constant 1 : i32
      %rem3A_425 = arith.constant 8 : i32
      %rem3A_426 = arith.remsi %rem3A_424, %rem3A_425 : i32
      %dma_start3A_427 = arith.constant 1 : i32
      %dma_start3A_428 = arith.constant 0 : i32
      %dma_start3A_429 = arith.constant 0 : i32
      %dma_start3A_430 = tpu.memref_slice %run_scoped3A[%dma_start3A_427, %dma_start3A_428, %dma_start3A_429] : memref<4x64x128xf32, #tpu.memory_space<vmem>> -> memref<1x64x128xf32, #tpu.memory_space<vmem>>
      %dma_start3A_431 = tpu.memref_squeeze %dma_start3A_430 : memref<1x64x128xf32, #tpu.memory_space<vmem>> -> memref<64x128xf32, #tpu.memory_space<vmem>>
      %dma_start3A_432 = arith.constant 0 : i32
      %dma_start3A_433 = tpu.memref_slice %run_scoped3A_14[%rem3A_426, %dma_start3A_432] : memref<8x64xi32, #tpu.memory_space<vmem>> -> memref<1x64xi32, #tpu.memory_space<vmem>>
      %dma_start3A_434 = tpu.memref_squeeze %dma_start3A_433 : memref<1x64xi32, #tpu.memory_space<vmem>> -> memref<64xi32, #tpu.memory_space<vmem>>
      %dma_start3A_435 = arith.constant 0 : i32
      %dma_start3A_436 = arith.constant 0 : i32
      %dma_start3A_437 = tpu.memref_slice %arg2[%dma_start3A_435, %dma_start3A_436] : memref<10240x128xf32, #tpu.memory_space<hbm>> -> memref<10240x128xf32, #tpu.memory_space<hbm>>
      tpu.enqueue_indirect_dma source(%dma_start3A_437 : memref<10240x128xf32, #tpu.memory_space<hbm>>) target(%dma_start3A_431 : memref<64x128xf32, #tpu.memory_space<vmem>>) offsets(%dma_start3A_434 : memref<64xi32, #tpu.memory_space<vmem>>) semaphore(%arg9 : memref<!tpu.dma_semaphore, #tpu.memory_space<semaphore_mem>>)
      %jit3A_438 = arith.constant 4 : i32
      %div3A = arith.divsi %select_n3A, %jit3A_438 : i32
      %sign3A = arith.constant 0 : i32
      %sign3A_439 = arith.cmpi sgt, %select_n3A, %sign3A : i32
      %sign3A_440 = arith.extui %sign3A_439 : i1 to i32
      %sign3A_441 = arith.constant 0 : i32
      %sign3A_442 = arith.cmpi slt, %select_n3A, %sign3A_441 : i32
      %sign3A_443 = arith.extui %sign3A_442 : i1 to i32
      %sign3A_444 = arith.subi %sign3A_440, %sign3A_443 : i32
      %sign3A_445 = arith.constant 0 : i32
      %sign3A_446 = arith.cmpi sgt, %jit3A_438, %sign3A_445 : i32
      %sign3A_447 = arith.extui %sign3A_446 : i1 to i32
      %sign3A_448 = arith.constant 0 : i32
      %sign3A_449 = arith.cmpi slt, %jit3A_438, %sign3A_448 : i32
      %sign3A_450 = arith.extui %sign3A_449 : i1 to i32
      %sign3A_451 = arith.subi %sign3A_447, %sign3A_450 : i32
      %ne3A = arith.cmpi ne, %sign3A_444, %sign3A_451 : i32
      %rem3A_452 = arith.remsi %select_n3A, %jit3A_438 : i32
      %ne3A_453 = arith.constant 0 : i32
      %ne3A_454 = arith.cmpi ne, %rem3A_452, %ne3A_453 : i32
      %and3A = arith.andi %ne3A, %ne3A_454 : i1
      %sub3A = arith.constant 1 : i32
      %sub3A_455 = arith.subi %div3A, %sub3A : i32
      %select_n3A_456 = arith.select %and3A, %sub3A_455, %div3A : i32
      %while3A = arith.constant 0 : i32
      %while3A_457 = arith.constant 0 : i32
      %while3A_458 = arith.subi %select_n3A_456, %while3A : i32
      %while3A_459 = arith.addi %while3A, %while3A_458 : i32
      %while3A_460 = arith.constant 1 : i32
      %while3A_461 = arith.divsi %while3A_458, %while3A_460 : i32
      %while3A_462 = arith.muli %while3A_461, %while3A_460 : i32
      %while3A_463 = arith.addi %while3A, %while3A_462 : i32
      %while3A_464 = arith.constant 1 : i32
      %while3A_465 = scf.for %while3A_544 = %while3A to %while3A_463 step %while3A_464 iter_args(%while3A_545 = %while3A_457) -> (i32)  : i32 {
        %mul3A_546 = arith.constant 4 : i32
        %mul3A_547 = arith.muli %while3A_544, %mul3A_546 : i32
        %add3A_548 = arith.constant 0 : i32
        %add3A_549 = arith.addi %mul3A_547, %add3A_548 : i32
        %rem3A_550 = arith.constant 8 : i32
        %rem3A_551 = arith.remsi %add3A_549, %rem3A_550 : i32
        %dma_wait3A_552 = arith.constant 0 : i32
        %dma_wait3A_553 = arith.constant 0 : i32
        %dma_wait3A_554 = arith.constant 0 : i32
        %dma_wait3A_555 = tpu.memref_slice %run_scoped3A[%dma_wait3A_552, %dma_wait3A_553, %dma_wait3A_554] : memref<4x64x128xf32, #tpu.memory_space<vmem>> -> memref<1x64x128xf32, #tpu.memory_space<vmem>>
        %dma_wait3A_556 = tpu.memref_squeeze %dma_wait3A_555 : memref<1x64x128xf32, #tpu.memory_space<vmem>> -> memref<64x128xf32, #tpu.memory_space<vmem>>
        %dma_wait3A_557 = arith.constant 0 : i32
        %dma_wait3A_558 = tpu.memref_slice %run_scoped3A_14[%rem3A_551, %dma_wait3A_557] : memref<8x64xi32, #tpu.memory_space<vmem>> -> memref<1x64xi32, #tpu.memory_space<vmem>>
        %dma_wait3A_559 = tpu.memref_squeeze %dma_wait3A_558 : memref<1x64xi32, #tpu.memory_space<vmem>> -> memref<64xi32, #tpu.memory_space<vmem>>
        %dma_wait3A_560 = arith.constant 0 : i32
        %dma_wait3A_561 = arith.constant 0 : i32
        %dma_wait3A_562 = tpu.memref_slice %arg2[%dma_wait3A_560, %dma_wait3A_561] : memref<10240x128xf32, #tpu.memory_space<hbm>> -> memref<10240x128xf32, #tpu.memory_space<hbm>>
        tpu.wait_indirect_dma semaphore(%arg8 : memref<!tpu.dma_semaphore, #tpu.memory_space<semaphore_mem>>) src(%dma_wait3A_562 : memref<10240x128xf32, #tpu.memory_space<hbm>>) dst(%dma_wait3A_556 : memref<64x128xf32, #tpu.memory_space<vmem>>)
        %rem3A_563 = arith.constant 8 : i32
        %rem3A_564 = arith.remsi %add3A_549, %rem3A_563 : i32
        %scan3A_565 = arith.constant 0 : i32
        %scan3A_566 = arith.constant 0 : i32
        %scan3A_567 = arith.constant 64 : i32
        %scan3A_568 = arith.addi %scan3A_566, %scan3A_567 : i32
        %scan3A_569 = arith.constant 1 : i32
        %scan3A_570 = scf.for %scan3A_742 = %scan3A_566 to %scan3A_568 step %scan3A_569 iter_args(%scan3A_743 = %scan3A_565) -> (i32)  : i32 {
          %add3A_744 = vector.broadcast %rem3A_564 : i32 to vector<16xi32>
          %add3A_745 = arith.addi %broadcast_in_dim3A_2, %add3A_744 : vector<16xi32>
          %add3A_746 = vector.broadcast %scan3A_742 : i32 to vector<16xi32>
          %add3A_747 = arith.addi %broadcast_in_dim3A_2, %add3A_746 : vector<16xi32>
          %gather3A = tpu.vector_load_idx %run_scoped3A_16[%add3A_745, %add3A_747] : memref<8x64xf32, #tpu.memory_space<vmem>>[vector<16xi32>, vector<16xi32>], vector<16xf32>,
          %get3A = arith.constant 0 : i32
          %get3A_748 = arith.index_cast %get3A : i32 to index
          %get3A_749 = arith.index_cast %scan3A_742 : i32 to index
          %get3A_750 = arith.constant 0 : index
          %get3A_751 = tpu.vector_load %run_scoped3A[%get3A_748, %get3A_749, %get3A_750] {strides = array<i32>} : memref<4x64x128xf32, #tpu.memory_space<vmem>>, vector<16xf32>,
          %mul3A_752 = arith.mulf %get3A_751, %gather3A : vector<16xf32>
          %swap3A = arith.constant 0 : i32
          %swap3A_753 = arith.index_cast %swap3A : i32 to index
          %swap3A_754 = arith.index_cast %scan3A_742 : i32 to index
          %swap3A_755 = arith.constant 0 : index
          %swap3A_756 = tpu.vector_load %run_scoped3A[%swap3A_753, %swap3A_754, %swap3A_755] {strides = array<i32>} : memref<4x64x128xf32, #tpu.memory_space<vmem>>, vector<16xf32>,
          tpu.vector_store %run_scoped3A[%swap3A_753, %swap3A_754, %swap3A_755], %mul3A_752 {strides = array<i32>} : memref<4x64x128xf32, #tpu.memory_space<vmem>>, vector<16xf32>,
          %get3A_757 = arith.constant 0 : i32
          %get3A_758 = arith.index_cast %get3A_757 : i32 to index
          %get3A_759 = arith.index_cast %scan3A_742 : i32 to index
          %get3A_760 = arith.constant 16 : index
          %get3A_761 = tpu.vector_load %run_scoped3A[%get3A_758, %get3A_759, %get3A_760] {strides = array<i32>} : memref<4x64x128xf32, #tpu.memory_space<vmem>>, vector<16xf32>,
          %mul3A_762 = arith.mulf %get3A_761, %gather3A : vector<16xf32>
          %swap3A_763 = arith.constant 0 : i32
          %swap3A_764 = arith.index_cast %swap3A_763 : i32 to index
          %swap3A_765 = arith.index_cast %scan3A_742 : i32 to index
          %swap3A_766 = arith.constant 16 : index
          %swap3A_767 = tpu.vector_load %run_scoped3A[%swap3A_764, %swap3A_765, %swap3A_766] {strides = array<i32>} : memref<4x64x128xf32, #tpu.memory_space<vmem>>, vector<16xf32>,
          tpu.vector_store %run_scoped3A[%swap3A_764, %swap3A_765, %swap3A_766], %mul3A_762 {strides = array<i32>} : memref<4x64x128xf32, #tpu.memory_space<vmem>>, vector<16xf32>,
          %get3A_768 = arith.constant 0 : i32
          %get3A_769 = arith.index_cast %get3A_768 : i32 to index
          %get3A_770 = arith.index_cast %scan3A_742 : i32 to index
          %get3A_771 = arith.constant 32 : index
          %get3A_772 = tpu.vector_load %run_scoped3A[%get3A_769, %get3A_770, %get3A_771] {strides = array<i32>} : memref<4x64x128xf32, #tpu.memory_space<vmem>>, vector<16xf32>,
          %mul3A_773 = arith.mulf %get3A_772, %gather3A : vector<16xf32>
          %swap3A_774 = arith.constant 0 : i32
          %swap3A_775 = arith.index_cast %swap3A_774 : i32 to index
          %swap3A_776 = arith.index_cast %scan3A_742 : i32 to index
          %swap3A_777 = arith.constant 32 : index
          %swap3A_778 = tpu.vector_load %run_scoped3A[%swap3A_775, %swap3A_776, %swap3A_777] {strides = array<i32>} : memref<4x64x128xf32, #tpu.memory_space<vmem>>, vector<16xf32>,
          tpu.vector_store %run_scoped3A[%swap3A_775, %swap3A_776, %swap3A_777], %mul3A_773 {strides = array<i32>} : memref<4x64x128xf32, #tpu.memory_space<vmem>>, vector<16xf32>,
          %get3A_779 = arith.constant 0 : i32
          %get3A_780 = arith.index_cast %get3A_779 : i32 to index
          %get3A_781 = arith.index_cast %scan3A_742 : i32 to index
          %get3A_782 = arith.constant 48 : index
          %get3A_783 = tpu.vector_load %run_scoped3A[%get3A_780, %get3A_781, %get3A_782] {strides = array<i32>} : memref<4x64x128xf32, #tpu.memory_space<vmem>>, vector<16xf32>,
          %mul3A_784 = arith.mulf %get3A_783, %gather3A : vector<16xf32>
          %swap3A_785 = arith.constant 0 : i32
          %swap3A_786 = arith.index_cast %swap3A_785 : i32 to index
          %swap3A_787 = arith.index_cast %scan3A_742 : i32 to index
          %swap3A_788 = arith.constant 48 : index
          %swap3A_789 = tpu.vector_load %run_scoped3A[%swap3A_786, %swap3A_787, %swap3A_788] {strides = array<i32>} : memref<4x64x128xf32, #tpu.memory_space<vmem>>, vector<16xf32>,
          tpu.vector_store %run_scoped3A[%swap3A_786, %swap3A_787, %swap3A_788], %mul3A_784 {strides = array<i32>} : memref<4x64x128xf32, #tpu.memory_space<vmem>>, vector<16xf32>,
          %get3A_790 = arith.constant 0 : i32
          %get3A_791 = arith.index_cast %get3A_790 : i32 to index
          %get3A_792 = arith.index_cast %scan3A_742 : i32 to index
          %get3A_793 = arith.constant 64 : index
          %get3A_794 = tpu.vector_load %run_scoped3A[%get3A_791, %get3A_792, %get3A_793] {strides = array<i32>} : memref<4x64x128xf32, #tpu.memory_space<vmem>>, vector<16xf32>,
          %mul3A_795 = arith.mulf %get3A_794, %gather3A : vector<16xf32>
          %swap3A_796 = arith.constant 0 : i32
          %swap3A_797 = arith.index_cast %swap3A_796 : i32 to index
          %swap3A_798 = arith.index_cast %scan3A_742 : i32 to index
          %swap3A_799 = arith.constant 64 : index
          %swap3A_800 = tpu.vector_load %run_scoped3A[%swap3A_797, %swap3A_798, %swap3A_799] {strides = array<i32>} : memref<4x64x128xf32, #tpu.memory_space<vmem>>, vector<16xf32>,
          tpu.vector_store %run_scoped3A[%swap3A_797, %swap3A_798, %swap3A_799], %mul3A_795 {strides = array<i32>} : memref<4x64x128xf32, #tpu.memory_space<vmem>>, vector<16xf32>,
          %get3A_801 = arith.constant 0 : i32
          %get3A_802 = arith.index_cast %get3A_801 : i32 to index
          %get3A_803 = arith.index_cast %scan3A_742 : i32 to index
          %get3A_804 = arith.constant 80 : index
          %get3A_805 = tpu.vector_load %run_scoped3A[%get3A_802, %get3A_803, %get3A_804] {strides = array<i32>} : memref<4x64x128xf32, #tpu.memory_space<vmem>>, vector<16xf32>,
          %mul3A_806 = arith.mulf %get3A_805, %gather3A : vector<16xf32>
          %swap3A_807 = arith.constant 0 : i32
          %swap3A_808 = arith.index_cast %swap3A_807 : i32 to index
          %swap3A_809 = arith.index_cast %scan3A_742 : i32 to index
          %swap3A_810 = arith.constant 80 : index
          %swap3A_811 = tpu.vector_load %run_scoped3A[%swap3A_808, %swap3A_809, %swap3A_810] {strides = array<i32>} : memref<4x64x128xf32, #tpu.memory_space<vmem>>, vector<16xf32>,
          tpu.vector_store %run_scoped3A[%swap3A_808, %swap3A_809, %swap3A_810], %mul3A_806 {strides = array<i32>} : memref<4x64x128xf32, #tpu.memory_space<vmem>>, vector<16xf32>,
          %get3A_812 = arith.constant 0 : i32
          %get3A_813 = arith.index_cast %get3A_812 : i32 to index
          %get3A_814 = arith.index_cast %scan3A_742 : i32 to index
          %get3A_815 = arith.constant 96 : index
          %get3A_816 = tpu.vector_load %run_scoped3A[%get3A_813, %get3A_814, %get3A_815] {strides = array<i32>} : memref<4x64x128xf32, #tpu.memory_space<vmem>>, vector<16xf32>,
          %mul3A_817 = arith.mulf %get3A_816, %gather3A : vector<16xf32>
          %swap3A_818 = arith.constant 0 : i32
          %swap3A_819 = arith.index_cast %swap3A_818 : i32 to index
          %swap3A_820 = arith.index_cast %scan3A_742 : i32 to index
          %swap3A_821 = arith.constant 96 : index
          %swap3A_822 = tpu.vector_load %run_scoped3A[%swap3A_819, %swap3A_820, %swap3A_821] {strides = array<i32>} : memref<4x64x128xf32, #tpu.memory_space<vmem>>, vector<16xf32>,
          tpu.vector_store %run_scoped3A[%swap3A_819, %swap3A_820, %swap3A_821], %mul3A_817 {strides = array<i32>} : memref<4x64x128xf32, #tpu.memory_space<vmem>>, vector<16xf32>,
          %get3A_823 = arith.constant 0 : i32
          %get3A_824 = arith.index_cast %get3A_823 : i32 to index
          %get3A_825 = arith.index_cast %scan3A_742 : i32 to index
          %get3A_826 = arith.constant 112 : index
          %get3A_827 = tpu.vector_load %run_scoped3A[%get3A_824, %get3A_825, %get3A_826] {strides = array<i32>} : memref<4x64x128xf32, #tpu.memory_space<vmem>>, vector<16xf32>,
          %mul3A_828 = arith.mulf %get3A_827, %gather3A : vector<16xf32>
          %swap3A_829 = arith.constant 0 : i32
          %swap3A_830 = arith.index_cast %swap3A_829 : i32 to index
          %swap3A_831 = arith.index_cast %scan3A_742 : i32 to index
          %swap3A_832 = arith.constant 112 : index
          %swap3A_833 = tpu.vector_load %run_scoped3A[%swap3A_830, %swap3A_831, %swap3A_832] {strides = array<i32>} : memref<4x64x128xf32, #tpu.memory_space<vmem>>, vector<16xf32>,
          tpu.vector_store %run_scoped3A[%swap3A_830, %swap3A_831, %swap3A_832], %mul3A_828 {strides = array<i32>} : memref<4x64x128xf32, #tpu.memory_space<vmem>>, vector<16xf32>,
          %scan3A_834 = arith.constant 0 : i32
          scf.yield %scan3A_834 : i32
        }
        %scan3A_571 = arith.constant 64 : i32
        %rem3A_572 = arith.constant 8 : i32
        %rem3A_573 = arith.remsi %add3A_549, %rem3A_572 : i32
        %dma_start3A_574 = arith.constant 0 : i32
        %dma_start3A_575 = arith.constant 0 : i32
        %dma_start3A_576 = arith.constant 0 : i32
        %dma_start3A_577 = tpu.memref_slice %run_scoped3A[%dma_start3A_574, %dma_start3A_575, %dma_start3A_576] : memref<4x64x128xf32, #tpu.memory_space<vmem>> -> memref<1x64x128xf32, #tpu.memory_space<vmem>>
        %dma_start3A_578 = tpu.memref_squeeze %dma_start3A_577 : memref<1x64x128xf32, #tpu.memory_space<vmem>> -> memref<64x128xf32, #tpu.memory_space<vmem>>
        %dma_start3A_579 = arith.constant 0 : i32
        %dma_start3A_580 = tpu.memref_slice %run_scoped3A_15[%rem3A_573, %dma_start3A_579] : memref<8x64xi32, #tpu.memory_space<vmem>> -> memref<1x64xi32, #tpu.memory_space<vmem>>
        %dma_start3A_581 = tpu.memref_squeeze %dma_start3A_580 : memref<1x64xi32, #tpu.memory_space<vmem>> -> memref<64xi32, #tpu.memory_space<vmem>>
        %dma_start3A_582 = arith.constant 0 : i32
        %dma_start3A_583 = arith.constant 0 : i32
        %dma_start3A_584 = tpu.memref_slice %arg7[%dma_start3A_582, %dma_start3A_583] : memref<10240x128xf32, #tpu.memory_space<vmem_shared>> -> memref<10240x128xf32, #tpu.memory_space<vmem_shared>>
        tpu.enqueue_indirect_dma source(%dma_start3A_578 : memref<64x128xf32, #tpu.memory_space<vmem>>) target(%dma_start3A_584 : memref<10240x128xf32, #tpu.memory_space<vmem_shared>>) offsets(%dma_start3A_581 : memref<64xi32, #tpu.memory_space<vmem>>) semaphore(%arg12 : memref<!tpu.dma_semaphore, #tpu.memory_space<semaphore_mem>>) {add = true}
        %add3A_585 = arith.constant 2 : i32
        %add3A_586 = arith.addi %add3A_549, %add3A_585 : i32
        %lt3A = arith.cmpi slt, %add3A_586, %select_n3A : i32
        %convert_element_type3A = arith.extui %lt3A : i1 to i32
        %cond3A = arith.constant 0 : i32
        %cond3A_587 = arith.cmpi ne, %convert_element_type3A, %cond3A : i32
        scf.if %cond3A_587 {
          %ge3A = arith.constant 4 : i32
          %ge3A_742 = arith.cmpi sge, %add3A_586, %ge3A : i32
          %convert_element_type3A_743 = arith.extui %ge3A_742 : i1 to i32
          %cond3A_744 = arith.constant 0 : i32
          %cond3A_745 = arith.cmpi ne, %convert_element_type3A_743, %cond3A_744 : i32
          scf.if %cond3A_745 {
            %sub3A_800 = arith.constant 4 : i32
            %sub3A_801 = arith.subi %add3A_586, %sub3A_800 : i32
            %rem3A_802 = arith.constant 8 : i32
            %rem3A_803 = arith.remsi %sub3A_801, %rem3A_802 : i32
            %dma_wait3A_804 = arith.constant 2 : i32
            %dma_wait3A_805 = arith.constant 0 : i32
            %dma_wait3A_806 = arith.constant 0 : i32
            %dma_wait3A_807 = tpu.memref_slice %run_scoped3A[%dma_wait3A_804, %dma_wait3A_805, %dma_wait3A_806] : memref<4x64x128xf32, #tpu.memory_space<vmem>> -> memref<1x64x128xf32, #tpu.memory_space<vmem>>
            %dma_wait3A_808 = tpu.memref_squeeze %dma_wait3A_807 : memref<1x64x128xf32, #tpu.memory_space<vmem>> -> memref<64x128xf32, #tpu.memory_space<vmem>>
            %dma_wait3A_809 = arith.constant 0 : i32
            %dma_wait3A_810 = tpu.memref_slice %run_scoped3A_15[%rem3A_803, %dma_wait3A_809] : memref<8x64xi32, #tpu.memory_space<vmem>> -> memref<1x64xi32, #tpu.memory_space<vmem>>
            %dma_wait3A_811 = tpu.memref_squeeze %dma_wait3A_810 : memref<1x64xi32, #tpu.memory_space<vmem>> -> memref<64xi32, #tpu.memory_space<vmem>>
            %dma_wait3A_812 = arith.constant 0 : i32
            %dma_wait3A_813 = arith.constant 0 : i32
            %dma_wait3A_814 = tpu.memref_slice %arg7[%dma_wait3A_812, %dma_wait3A_813] : memref<10240x128xf32, #tpu.memory_space<vmem_shared>> -> memref<10240x128xf32, #tpu.memory_space<vmem_shared>>
            tpu.wait_indirect_dma semaphore(%arg14 : memref<!tpu.dma_semaphore, #tpu.memory_space<semaphore_mem>>) src(%dma_wait3A_808 : memref<64x128xf32, #tpu.memory_space<vmem>>) dst(%dma_wait3A_814 : memref<10240x128xf32, #tpu.memory_space<vmem_shared>>)
          } else {
          }
          %rem3A_746 = arith.constant 8 : i32
          %rem3A_747 = arith.remsi %add3A_586, %rem3A_746 : i32
          %add3A_748 = arith.addi %select_n3A_13, %add3A_586 : i32
          %dma_wait3A_749 = arith.constant 0 : i32
          %dma_wait3A_750 = tpu.memref_slice %run_scoped3A_14[%rem3A_747, %dma_wait3A_749] : memref<8x64xi32, #tpu.memory_space<vmem>> -> memref<1x64xi32, #tpu.memory_space<vmem>>
          %dma_wait3A_751 = tpu.memref_squeeze %dma_wait3A_750 : memref<1x64xi32, #tpu.memory_space<vmem>> -> memref<64xi32, #tpu.memory_space<vmem>>
          %dma_wait3A_752 = arith.constant 0 : i32
          %dma_wait3A_753 = tpu.memref_slice %arg3[%add3A_748, %dma_wait3A_752] : memref<5056x64xi32, #tpu.memory_space<hbm>> -> memref<1x64xi32, #tpu.memory_space<hbm>>
          %dma_wait3A_754 = tpu.memref_squeeze %dma_wait3A_753 : memref<1x64xi32, #tpu.memory_space<hbm>> -> memref<64xi32, #tpu.memory_space<hbm>>
          %dma_wait3A_755 = arith.constant 0 : i32
          %dma_wait3A_756 = tpu.memref_slice %run_scoped3A_14[%rem3A_747, %dma_wait3A_755] : memref<8x64xi32, #tpu.memory_space<vmem>> -> memref<1x64xi32, #tpu.memory_space<vmem>>
          %dma_wait3A_757 = tpu.memref_squeeze %dma_wait3A_756 : memref<1x64xi32, #tpu.memory_space<vmem>> -> memref<64xi32, #tpu.memory_space<vmem>>
          %dma_wait3A_758 = arith.constant 0 : i32
          %dma_wait3A_759 = tpu.memref_slice %arg3[%add3A_748, %dma_wait3A_758] : memref<5056x64xi32, #tpu.memory_space<hbm>> -> memref<1x64xi32, #tpu.memory_space<hbm>>
          %dma_wait3A_760 = tpu.memref_squeeze %dma_wait3A_759 : memref<1x64xi32, #tpu.memory_space<hbm>> -> memref<64xi32, #tpu.memory_space<hbm>>
          tpu.wait_dma2 semaphore(%arg16 : memref<!tpu.dma_semaphore, #tpu.memory_space<semaphore_mem>>) src(%dma_wait3A_760 : memref<64xi32, #tpu.memory_space<hbm>>) dst(%dma_wait3A_757 : memref<64xi32, #tpu.memory_space<vmem>>)
          %add3A_761 = arith.addi %select_n3A_13, %add3A_586 : i32
          %dma_wait3A_762 = arith.constant 0 : i32
          %dma_wait3A_763 = tpu.memref_slice %run_scoped3A_15[%rem3A_747, %dma_wait3A_762] : memref<8x64xi32, #tpu.memory_space<vmem>> -> memref<1x64xi32, #tpu.memory_space<vmem>>
          %dma_wait3A_764 = tpu.memref_squeeze %dma_wait3A_763 : memref<1x64xi32, #tpu.memory_space<vmem>> -> memref<64xi32, #tpu.memory_space<vmem>>
          %dma_wait3A_765 = arith.constant 0 : i32
          %dma_wait3A_766 = tpu.memref_slice %arg4[%add3A_761, %dma_wait3A_765] : memref<5056x64xi32, #tpu.memory_space<hbm>> -> memref<1x64xi32, #tpu.memory_space<hbm>>
          %dma_wait3A_767 = tpu.memref_squeeze %dma_wait3A_766 : memref<1x64xi32, #tpu.memory_space<hbm>> -> memref<64xi32, #tpu.memory_space<hbm>>
          %dma_wait3A_768 = arith.constant 0 : i32
          %dma_wait3A_769 = tpu.memref_slice %run_scoped3A_15[%rem3A_747, %dma_wait3A_768] : memref<8x64xi32, #tpu.memory_space<vmem>> -> memref<1x64xi32, #tpu.memory_space<vmem>>
          %dma_wait3A_770 = tpu.memref_squeeze %dma_wait3A_769 : memref<1x64xi32, #tpu.memory_space<vmem>> -> memref<64xi32, #tpu.memory_space<vmem>>
          %dma_wait3A_771 = arith.constant 0 : i32
          %dma_wait3A_772 = tpu.memref_slice %arg4[%add3A_761, %dma_wait3A_771] : memref<5056x64xi32, #tpu.memory_space<hbm>> -> memref<1x64xi32, #tpu.memory_space<hbm>>
          %dma_wait3A_773 = tpu.memref_squeeze %dma_wait3A_772 : memref<1x64xi32, #tpu.memory_space<hbm>> -> memref<64xi32, #tpu.memory_space<hbm>>
          tpu.wait_dma2 semaphore(%arg16 : memref<!tpu.dma_semaphore, #tpu.memory_space<semaphore_mem>>) src(%dma_wait3A_773 : memref<64xi32, #tpu.memory_space<hbm>>) dst(%dma_wait3A_770 : memref<64xi32, #tpu.memory_space<vmem>>)
          %add3A_774 = arith.addi %select_n3A_13, %add3A_586 : i32
          %dma_wait3A_775 = arith.constant 0 : i32
          %dma_wait3A_776 = tpu.memref_slice %run_scoped3A_16[%rem3A_747, %dma_wait3A_775] : memref<8x64xf32, #tpu.memory_space<vmem>> -> memref<1x64xf32, #tpu.memory_space<vmem>>
          %dma_wait3A_777 = tpu.memref_squeeze %dma_wait3A_776 : memref<1x64xf32, #tpu.memory_space<vmem>> -> memref<64xf32, #tpu.memory_space<vmem>>
          %dma_wait3A_778 = arith.constant 0 : i32
          %dma_wait3A_779 = tpu.memref_slice %arg5[%add3A_774, %dma_wait3A_778] : memref<5056x64xf32, #tpu.memory_space<hbm>> -> memref<1x64xf32, #tpu.memory_space<hbm>>
          %dma_wait3A_780 = tpu.memref_squeeze %dma_wait3A_779 : memref<1x64xf32, #tpu.memory_space<hbm>> -> memref<64xf32, #tpu.memory_space<hbm>>
          %dma_wait3A_781 = arith.constant 0 : i32
          %dma_wait3A_782 = tpu.memref_slice %run_scoped3A_16[%rem3A_747, %dma_wait3A_781] : memref<8x64xf32, #tpu.memory_space<vmem>> -> memref<1x64xf32, #tpu.memory_space<vmem>>
          %dma_wait3A_783 = tpu.memref_squeeze %dma_wait3A_782 : memref<1x64xf32, #tpu.memory_space<vmem>> -> memref<64xf32, #tpu.memory_space<vmem>>
          %dma_wait3A_784 = arith.constant 0 : i32
          %dma_wait3A_785 = tpu.memref_slice %arg5[%add3A_774, %dma_wait3A_784] : memref<5056x64xf32, #tpu.memory_space<hbm>> -> memref<1x64xf32, #tpu.memory_space<hbm>>
          %dma_wait3A_786 = tpu.memref_squeeze %dma_wait3A_785 : memref<1x64xf32, #tpu.memory_space<hbm>> -> memref<64xf32, #tpu.memory_space<hbm>>
          tpu.wait_dma2 semaphore(%arg16 : memref<!tpu.dma_semaphore, #tpu.memory_space<semaphore_mem>>) src(%dma_wait3A_786 : memref<64xf32, #tpu.memory_space<hbm>>) dst(%dma_wait3A_783 : memref<64xf32, #tpu.memory_space<vmem>>)
          %rem3A_787 = arith.constant 8 : i32
          %rem3A_788 = arith.remsi %add3A_586, %rem3A_787 : i32
          %dma_start3A_789 = arith.constant 2 : i32
          %dma_start3A_790 = arith.constant 0 : i32
          %dma_start3A_791 = arith.constant 0 : i32
          %dma_start3A_792 = tpu.memref_slice %run_scoped3A[%dma_start3A_789, %dma_start3A_790, %dma_start3A_791] : memref<4x64x128xf32, #tpu.memory_space<vmem>> -> memref<1x64x128xf32, #tpu.memory_space<vmem>>
          %dma_start3A_793 = tpu.memref_squeeze %dma_start3A_792 : memref<1x64x128xf32, #tpu.memory_space<vmem>> -> memref<64x128xf32, #tpu.memory_space<vmem>>
          %dma_start3A_794 = arith.constant 0 : i32
          %dma_start3A_795 = tpu.memref_slice %run_scoped3A_14[%rem3A_788, %dma_start3A_794] : memref<8x64xi32, #tpu.memory_space<vmem>> -> memref<1x64xi32, #tpu.memory_space<vmem>>
          %dma_start3A_796 = tpu.memref_squeeze %dma_start3A_795 : memref<1x64xi32, #tpu.memory_space<vmem>> -> memref<64xi32, #tpu.memory_space<vmem>>
          %dma_start3A_797 = arith.constant 0 : i32
          %dma_start3A_798 = arith.constant 0 : i32
          %dma_start3A_799 = tpu.memref_slice %arg2[%dma_start3A_797, %dma_start3A_798] : memref<10240x128xf32, #tpu.memory_space<hbm>> -> memref<10240x128xf32, #tpu.memory_space<hbm>>
          tpu.enqueue_indirect_dma source(%dma_start3A_799 : memref<10240x128xf32, #tpu.memory_space<hbm>>) target(%dma_start3A_793 : memref<64x128xf32, #tpu.memory_space<vmem>>) offsets(%dma_start3A_796 : memref<64xi32, #tpu.memory_space<vmem>>) semaphore(%arg10 : memref<!tpu.dma_semaphore, #tpu.memory_space<semaphore_mem>>)
        } else {
        }
        %add3A_588 = arith.constant 6 : i32
        %add3A_589 = arith.addi %add3A_549, %add3A_588 : i32
        %lt3A_590 = arith.cmpi slt, %add3A_589, %select_n3A : i32
        %convert_element_type3A_591 = arith.extui %lt3A_590 : i1 to i32
        %cond3A_592 = arith.constant 0 : i32
        %cond3A_593 = arith.cmpi ne, %convert_element_type3A_591, %cond3A_592 : i32
        scf.if %cond3A_593 {
          %rem3A_742 = arith.constant 8 : i32
          %rem3A_743 = arith.remsi %add3A_589, %rem3A_742 : i32
          %add3A_744 = arith.addi %select_n3A_13, %add3A_589 : i32
          %dma_start3A_745 = arith.constant 0 : i32
          %dma_start3A_746 = tpu.memref_slice %run_scoped3A_14[%rem3A_743, %dma_start3A_745] : memref<8x64xi32, #tpu.memory_space<vmem>> -> memref<1x64xi32, #tpu.memory_space<vmem>>
          %dma_start3A_747 = tpu.memref_squeeze %dma_start3A_746 : memref<1x64xi32, #tpu.memory_space<vmem>> -> memref<64xi32, #tpu.memory_space<vmem>>
          %dma_start3A_748 = arith.constant 0 : i32
          %dma_start3A_749 = tpu.memref_slice %arg3[%add3A_744, %dma_start3A_748] : memref<5056x64xi32, #tpu.memory_space<hbm>> -> memref<1x64xi32, #tpu.memory_space<hbm>>
          %dma_start3A_750 = tpu.memref_squeeze %dma_start3A_749 : memref<1x64xi32, #tpu.memory_space<hbm>> -> memref<64xi32, #tpu.memory_space<hbm>>
          %dma_start3A_751 = arith.constant 0 : i32
          %dma_start3A_752 = tpu.memref_slice %run_scoped3A_14[%rem3A_743, %dma_start3A_751] : memref<8x64xi32, #tpu.memory_space<vmem>> -> memref<1x64xi32, #tpu.memory_space<vmem>>
          %dma_start3A_753 = tpu.memref_squeeze %dma_start3A_752 : memref<1x64xi32, #tpu.memory_space<vmem>> -> memref<64xi32, #tpu.memory_space<vmem>>
          %dma_start3A_754 = arith.constant 0 : i32
          %dma_start3A_755 = tpu.memref_slice %arg3[%add3A_744, %dma_start3A_754] : memref<5056x64xi32, #tpu.memory_space<hbm>> -> memref<1x64xi32, #tpu.memory_space<hbm>>
          %dma_start3A_756 = tpu.memref_squeeze %dma_start3A_755 : memref<1x64xi32, #tpu.memory_space<hbm>> -> memref<64xi32, #tpu.memory_space<hbm>>
          tpu.enqueue_dma source(%dma_start3A_756 : memref<64xi32, #tpu.memory_space<hbm>>) target(%dma_start3A_753 : memref<64xi32, #tpu.memory_space<vmem>>) target_semaphore(%arg16 : memref<!tpu.dma_semaphore, #tpu.memory_space<semaphore_mem>>)
          %add3A_757 = arith.addi %select_n3A_13, %add3A_589 : i32
          %dma_start3A_758 = arith.constant 0 : i32
          %dma_start3A_759 = tpu.memref_slice %run_scoped3A_15[%rem3A_743, %dma_start3A_758] : memref<8x64xi32, #tpu.memory_space<vmem>> -> memref<1x64xi32, #tpu.memory_space<vmem>>
          %dma_start3A_760 = tpu.memref_squeeze %dma_start3A_759 : memref<1x64xi32, #tpu.memory_space<vmem>> -> memref<64xi32, #tpu.memory_space<vmem>>
          %dma_start3A_761 = arith.constant 0 : i32
          %dma_start3A_762 = tpu.memref_slice %arg4[%add3A_757, %dma_start3A_761] : memref<5056x64xi32, #tpu.memory_space<hbm>> -> memref<1x64xi32, #tpu.memory_space<hbm>>
          %dma_start3A_763 = tpu.memref_squeeze %dma_start3A_762 : memref<1x64xi32, #tpu.memory_space<hbm>> -> memref<64xi32, #tpu.memory_space<hbm>>
          %dma_start3A_764 = arith.constant 0 : i32
          %dma_start3A_765 = tpu.memref_slice %run_scoped3A_15[%rem3A_743, %dma_start3A_764] : memref<8x64xi32, #tpu.memory_space<vmem>> -> memref<1x64xi32, #tpu.memory_space<vmem>>
          %dma_start3A_766 = tpu.memref_squeeze %dma_start3A_765 : memref<1x64xi32, #tpu.memory_space<vmem>> -> memref<64xi32, #tpu.memory_space<vmem>>
          %dma_start3A_767 = arith.constant 0 : i32
          %dma_start3A_768 = tpu.memref_slice %arg4[%add3A_757, %dma_start3A_767] : memref<5056x64xi32, #tpu.memory_space<hbm>> -> memref<1x64xi32, #tpu.memory_space<hbm>>
          %dma_start3A_769 = tpu.memref_squeeze %dma_start3A_768 : memref<1x64xi32, #tpu.memory_space<hbm>> -> memref<64xi32, #tpu.memory_space<hbm>>
          tpu.enqueue_dma source(%dma_start3A_769 : memref<64xi32, #tpu.memory_space<hbm>>) target(%dma_start3A_766 : memref<64xi32, #tpu.memory_space<vmem>>) target_semaphore(%arg16 : memref<!tpu.dma_semaphore, #tpu.memory_space<semaphore_mem>>)
          %add3A_770 = arith.addi %select_n3A_13, %add3A_589 : i32
          %dma_start3A_771 = arith.constant 0 : i32
          %dma_start3A_772 = tpu.memref_slice %run_scoped3A_16[%rem3A_743, %dma_start3A_771] : memref<8x64xf32, #tpu.memory_space<vmem>> -> memref<1x64xf32, #tpu.memory_space<vmem>>
          %dma_start3A_773 = tpu.memref_squeeze %dma_start3A_772 : memref<1x64xf32, #tpu.memory_space<vmem>> -> memref<64xf32, #tpu.memory_space<vmem>>
          %dma_start3A_774 = arith.constant 0 : i32
          %dma_start3A_775 = tpu.memref_slice %arg5[%add3A_770, %dma_start3A_774] : memref<5056x64xf32, #tpu.memory_space<hbm>> -> memref<1x64xf32, #tpu.memory_space<hbm>>
          %dma_start3A_776 = tpu.memref_squeeze %dma_start3A_775 : memref<1x64xf32, #tpu.memory_space<hbm>> -> memref<64xf32, #tpu.memory_space<hbm>>
          %dma_start3A_777 = arith.constant 0 : i32
          %dma_start3A_778 = tpu.memref_slice %run_scoped3A_16[%rem3A_743, %dma_start3A_777] : memref<8x64xf32, #tpu.memory_space<vmem>> -> memref<1x64xf32, #tpu.memory_space<vmem>>
          %dma_start3A_779 = tpu.memref_squeeze %dma_start3A_778 : memref<1x64xf32, #tpu.memory_space<vmem>> -> memref<64xf32, #tpu.memory_space<vmem>>
          %dma_start3A_780 = arith.constant 0 : i32
          %dma_start3A_781 = tpu.memref_slice %arg5[%add3A_770, %dma_start3A_780] : memref<5056x64xf32, #tpu.memory_space<hbm>> -> memref<1x64xf32, #tpu.memory_space<hbm>>
          %dma_start3A_782 = tpu.memref_squeeze %dma_start3A_781 : memref<1x64xf32, #tpu.memory_space<hbm>> -> memref<64xf32, #tpu.memory_space<hbm>>
          tpu.enqueue_dma source(%dma_start3A_782 : memref<64xf32, #tpu.memory_space<hbm>>) target(%dma_start3A_779 : memref<64xf32, #tpu.memory_space<vmem>>) target_semaphore(%arg16 : memref<!tpu.dma_semaphore, #tpu.memory_space<semaphore_mem>>)
        } else {
        }
        %add3A_594 = arith.constant 1 : i32
        %add3A_595 = arith.addi %mul3A_547, %add3A_594 : i32
        %rem3A_596 = arith.constant 8 : i32
        %rem3A_597 = arith.remsi %add3A_595, %rem3A_596 : i32
        %dma_wait3A_598 = arith.constant 1 : i32
        %dma_wait3A_599 = arith.constant 0 : i32
        %dma_wait3A_600 = arith.constant 0 : i32
        %dma_wait3A_601 = tpu.memref_slice %run_scoped3A[%dma_wait3A_598, %dma_wait3A_599, %dma_wait3A_600] : memref<4x64x128xf32, #tpu.memory_space<vmem>> -> memref<1x64x128xf32, #tpu.memory_space<vmem>>
        %dma_wait3A_602 = tpu.memref_squeeze %dma_wait3A_601 : memref<1x64x128xf32, #tpu.memory_space<vmem>> -> memref<64x128xf32, #tpu.memory_space<vmem>>
        %dma_wait3A_603 = arith.constant 0 : i32
        %dma_wait3A_604 = tpu.memref_slice %run_scoped3A_14[%rem3A_597, %dma_wait3A_603] : memref<8x64xi32, #tpu.memory_space<vmem>> -> memref<1x64xi32, #tpu.memory_space<vmem>>
        %dma_wait3A_605 = tpu.memref_squeeze %dma_wait3A_604 : memref<1x64xi32, #tpu.memory_space<vmem>> -> memref<64xi32, #tpu.memory_space<vmem>>
        %dma_wait3A_606 = arith.constant 0 : i32
        %dma_wait3A_607 = arith.constant 0 : i32
        %dma_wait3A_608 = tpu.memref_slice %arg2[%dma_wait3A_606, %dma_wait3A_607] : memref<10240x128xf32, #tpu.memory_space<hbm>> -> memref<10240x128xf32, #tpu.memory_space<hbm>>
        tpu.wait_indirect_dma semaphore(%arg9 : memref<!tpu.dma_semaphore, #tpu.memory_space<semaphore_mem>>) src(%dma_wait3A_608 : memref<10240x128xf32, #tpu.memory_space<hbm>>) dst(%dma_wait3A_602 : memref<64x128xf32, #tpu.memory_space<vmem>>)
        %rem3A_609 = arith.constant 8 : i32
        %rem3A_610 = arith.remsi %add3A_595, %rem3A_609 : i32
        %scan3A_611 = arith.constant 0 : i32
        %scan3A_612 = arith.constant 0 : i32
        %scan3A_613 = arith.constant 64 : i32
        %scan3A_614 = arith.addi %scan3A_612, %scan3A_613 : i32
        %scan3A_615 = arith.constant 1 : i32
        %scan3A_616 = scf.for %scan3A_742 = %scan3A_612 to %scan3A_614 step %scan3A_615 iter_args(%scan3A_743 = %scan3A_611) -> (i32)  : i32 {
          %add3A_744 = vector.broadcast %rem3A_610 : i32 to vector<16xi32>
          %add3A_745 = arith.addi %broadcast_in_dim3A_2, %add3A_744 : vector<16xi32>
          %add3A_746 = vector.broadcast %scan3A_742 : i32 to vector<16xi32>
          %add3A_747 = arith.addi %broadcast_in_dim3A_2, %add3A_746 : vector<16xi32>
          %gather3A = tpu.vector_load_idx %run_scoped3A_16[%add3A_745, %add3A_747] : memref<8x64xf32, #tpu.memory_space<vmem>>[vector<16xi32>, vector<16xi32>], vector<16xf32>,
          %get3A = arith.constant 1 : i32
          %get3A_748 = arith.index_cast %get3A : i32 to index
          %get3A_749 = arith.index_cast %scan3A_742 : i32 to index
          %get3A_750 = arith.constant 0 : index
          %get3A_751 = tpu.vector_load %run_scoped3A[%get3A_748, %get3A_749, %get3A_750] {strides = array<i32>} : memref<4x64x128xf32, #tpu.memory_space<vmem>>, vector<16xf32>,
          %mul3A_752 = arith.mulf %get3A_751, %gather3A : vector<16xf32>
          %swap3A = arith.constant 1 : i32
          %swap3A_753 = arith.index_cast %swap3A : i32 to index
          %swap3A_754 = arith.index_cast %scan3A_742 : i32 to index
          %swap3A_755 = arith.constant 0 : index
          %swap3A_756 = tpu.vector_load %run_scoped3A[%swap3A_753, %swap3A_754, %swap3A_755] {strides = array<i32>} : memref<4x64x128xf32, #tpu.memory_space<vmem>>, vector<16xf32>,
          tpu.vector_store %run_scoped3A[%swap3A_753, %swap3A_754, %swap3A_755], %mul3A_752 {strides = array<i32>} : memref<4x64x128xf32, #tpu.memory_space<vmem>>, vector<16xf32>,
          %get3A_757 = arith.constant 1 : i32
          %get3A_758 = arith.index_cast %get3A_757 : i32 to index
          %get3A_759 = arith.index_cast %scan3A_742 : i32 to index
          %get3A_760 = arith.constant 16 : index
          %get3A_761 = tpu.vector_load %run_scoped3A[%get3A_758, %get3A_759, %get3A_760] {strides = array<i32>} : memref<4x64x128xf32, #tpu.memory_space<vmem>>, vector<16xf32>,
          %mul3A_762 = arith.mulf %get3A_761, %gather3A : vector<16xf32>
          %swap3A_763 = arith.constant 1 : i32
          %swap3A_764 = arith.index_cast %swap3A_763 : i32 to index
          %swap3A_765 = arith.index_cast %scan3A_742 : i32 to index
          %swap3A_766 = arith.constant 16 : index
          %swap3A_767 = tpu.vector_load %run_scoped3A[%swap3A_764, %swap3A_765, %swap3A_766] {strides = array<i32>} : memref<4x64x128xf32, #tpu.memory_space<vmem>>, vector<16xf32>,
          tpu.vector_store %run_scoped3A[%swap3A_764, %swap3A_765, %swap3A_766], %mul3A_762 {strides = array<i32>} : memref<4x64x128xf32, #tpu.memory_space<vmem>>, vector<16xf32>,
          %get3A_768 = arith.constant 1 : i32
          %get3A_769 = arith.index_cast %get3A_768 : i32 to index
          %get3A_770 = arith.index_cast %scan3A_742 : i32 to index
          %get3A_771 = arith.constant 32 : index
          %get3A_772 = tpu.vector_load %run_scoped3A[%get3A_769, %get3A_770, %get3A_771] {strides = array<i32>} : memref<4x64x128xf32, #tpu.memory_space<vmem>>, vector<16xf32>,
          %mul3A_773 = arith.mulf %get3A_772, %gather3A : vector<16xf32>
          %swap3A_774 = arith.constant 1 : i32
          %swap3A_775 = arith.index_cast %swap3A_774 : i32 to index
          %swap3A_776 = arith.index_cast %scan3A_742 : i32 to index
          %swap3A_777 = arith.constant 32 : index
          %swap3A_778 = tpu.vector_load %run_scoped3A[%swap3A_775, %swap3A_776, %swap3A_777] {strides = array<i32>} : memref<4x64x128xf32, #tpu.memory_space<vmem>>, vector<16xf32>,
          tpu.vector_store %run_scoped3A[%swap3A_775, %swap3A_776, %swap3A_777], %mul3A_773 {strides = array<i32>} : memref<4x64x128xf32, #tpu.memory_space<vmem>>, vector<16xf32>,
          %get3A_779 = arith.constant 1 : i32
          %get3A_780 = arith.index_cast %get3A_779 : i32 to index
          %get3A_781 = arith.index_cast %scan3A_742 : i32 to index
          %get3A_782 = arith.constant 48 : index
          %get3A_783 = tpu.vector_load %run_scoped3A[%get3A_780, %get3A_781, %get3A_782] {strides = array<i32>} : memref<4x64x128xf32, #tpu.memory_space<vmem>>, vector<16xf32>,
          %mul3A_784 = arith.mulf %get3A_783, %gather3A : vector<16xf32>
          %swap3A_785 = arith.constant 1 : i32
          %swap3A_786 = arith.index_cast %swap3A_785 : i32 to index
          %swap3A_787 = arith.index_cast %scan3A_742 : i32 to index
          %swap3A_788 = arith.constant 48 : index
          %swap3A_789 = tpu.vector_load %run_scoped3A[%swap3A_786, %swap3A_787, %swap3A_788] {strides = array<i32>} : memref<4x64x128xf32, #tpu.memory_space<vmem>>, vector<16xf32>,
          tpu.vector_store %run_scoped3A[%swap3A_786, %swap3A_787, %swap3A_788], %mul3A_784 {strides = array<i32>} : memref<4x64x128xf32, #tpu.memory_space<vmem>>, vector<16xf32>,
          %get3A_790 = arith.constant 1 : i32
          %get3A_791 = arith.index_cast %get3A_790 : i32 to index
          %get3A_792 = arith.index_cast %scan3A_742 : i32 to index
          %get3A_793 = arith.constant 64 : index
          %get3A_794 = tpu.vector_load %run_scoped3A[%get3A_791, %get3A_792, %get3A_793] {strides = array<i32>} : memref<4x64x128xf32, #tpu.memory_space<vmem>>, vector<16xf32>,
          %mul3A_795 = arith.mulf %get3A_794, %gather3A : vector<16xf32>
          %swap3A_796 = arith.constant 1 : i32
          %swap3A_797 = arith.index_cast %swap3A_796 : i32 to index
          %swap3A_798 = arith.index_cast %scan3A_742 : i32 to index
          %swap3A_799 = arith.constant 64 : index
          %swap3A_800 = tpu.vector_load %run_scoped3A[%swap3A_797, %swap3A_798, %swap3A_799] {strides = array<i32>} : memref<4x64x128xf32, #tpu.memory_space<vmem>>, vector<16xf32>,
          tpu.vector_store %run_scoped3A[%swap3A_797, %swap3A_798, %swap3A_799], %mul3A_795 {strides = array<i32>} : memref<4x64x128xf32, #tpu.memory_space<vmem>>, vector<16xf32>,
          %get3A_801 = arith.constant 1 : i32
          %get3A_802 = arith.index_cast %get3A_801 : i32 to index
          %get3A_803 = arith.index_cast %scan3A_742 : i32 to index
          %get3A_804 = arith.constant 80 : index
          %get3A_805 = tpu.vector_load %run_scoped3A[%get3A_802, %get3A_803, %get3A_804] {strides = array<i32>} : memref<4x64x128xf32, #tpu.memory_space<vmem>>, vector<16xf32>,
          %mul3A_806 = arith.mulf %get3A_805, %gather3A : vector<16xf32>
          %swap3A_807 = arith.constant 1 : i32
          %swap3A_808 = arith.index_cast %swap3A_807 : i32 to index
          %swap3A_809 = arith.index_cast %scan3A_742 : i32 to index
          %swap3A_810 = arith.constant 80 : index
          %swap3A_811 = tpu.vector_load %run_scoped3A[%swap3A_808, %swap3A_809, %swap3A_810] {strides = array<i32>} : memref<4x64x128xf32, #tpu.memory_space<vmem>>, vector<16xf32>,
          tpu.vector_store %run_scoped3A[%swap3A_808, %swap3A_809, %swap3A_810], %mul3A_806 {strides = array<i32>} : memref<4x64x128xf32, #tpu.memory_space<vmem>>, vector<16xf32>,
          %get3A_812 = arith.constant 1 : i32
          %get3A_813 = arith.index_cast %get3A_812 : i32 to index
          %get3A_814 = arith.index_cast %scan3A_742 : i32 to index
          %get3A_815 = arith.constant 96 : index
          %get3A_816 = tpu.vector_load %run_scoped3A[%get3A_813, %get3A_814, %get3A_815] {strides = array<i32>} : memref<4x64x128xf32, #tpu.memory_space<vmem>>, vector<16xf32>,
          %mul3A_817 = arith.mulf %get3A_816, %gather3A : vector<16xf32>
          %swap3A_818 = arith.constant 1 : i32
          %swap3A_819 = arith.index_cast %swap3A_818 : i32 to index
          %swap3A_820 = arith.index_cast %scan3A_742 : i32 to index
          %swap3A_821 = arith.constant 96 : index
          %swap3A_822 = tpu.vector_load %run_scoped3A[%swap3A_819, %swap3A_820, %swap3A_821] {strides = array<i32>} : memref<4x64x128xf32, #tpu.memory_space<vmem>>, vector<16xf32>,
          tpu.vector_store %run_scoped3A[%swap3A_819, %swap3A_820, %swap3A_821], %mul3A_817 {strides = array<i32>} : memref<4x64x128xf32, #tpu.memory_space<vmem>>, vector<16xf32>,
          %get3A_823 = arith.constant 1 : i32
          %get3A_824 = arith.index_cast %get3A_823 : i32 to index
          %get3A_825 = arith.index_cast %scan3A_742 : i32 to index
          %get3A_826 = arith.constant 112 : index
          %get3A_827 = tpu.vector_load %run_scoped3A[%get3A_824, %get3A_825, %get3A_826] {strides = array<i32>} : memref<4x64x128xf32, #tpu.memory_space<vmem>>, vector<16xf32>,
          %mul3A_828 = arith.mulf %get3A_827, %gather3A : vector<16xf32>
          %swap3A_829 = arith.constant 1 : i32
          %swap3A_830 = arith.index_cast %swap3A_829 : i32 to index
          %swap3A_831 = arith.index_cast %scan3A_742 : i32 to index
          %swap3A_832 = arith.constant 112 : index
          %swap3A_833 = tpu.vector_load %run_scoped3A[%swap3A_830, %swap3A_831, %swap3A_832] {strides = array<i32>} : memref<4x64x128xf32, #tpu.memory_space<vmem>>, vector<16xf32>,
          tpu.vector_store %run_scoped3A[%swap3A_830, %swap3A_831, %swap3A_832], %mul3A_828 {strides = array<i32>} : memref<4x64x128xf32, #tpu.memory_space<vmem>>, vector<16xf32>,
          %scan3A_834 = arith.constant 0 : i32
          scf.yield %scan3A_834 : i32
        }
        %scan3A_617 = arith.constant 64 : i32
        %rem3A_618 = arith.constant 8 : i32
        %rem3A_619 = arith.remsi %add3A_595, %rem3A_618 : i32
        %dma_start3A_620 = arith.constant 1 : i32
        %dma_start3A_621 = arith.constant 0 : i32
        %dma_start3A_622 = arith.constant 0 : i32
        %dma_start3A_623 = tpu.memref_slice %run_scoped3A[%dma_start3A_620, %dma_start3A_621, %dma_start3A_622] : memref<4x64x128xf32, #tpu.memory_space<vmem>> -> memref<1x64x128xf32, #tpu.memory_space<vmem>>
        %dma_start3A_624 = tpu.memref_squeeze %dma_start3A_623 : memref<1x64x128xf32, #tpu.memory_space<vmem>> -> memref<64x128xf32, #tpu.memory_space<vmem>>
        %dma_start3A_625 = arith.constant 0 : i32
        %dma_start3A_626 = tpu.memref_slice %run_scoped3A_15[%rem3A_619, %dma_start3A_625] : memref<8x64xi32, #tpu.memory_space<vmem>> -> memref<1x64xi32, #tpu.memory_space<vmem>>
        %dma_start3A_627 = tpu.memref_squeeze %dma_start3A_626 : memref<1x64xi32, #tpu.memory_space<vmem>> -> memref<64xi32, #tpu.memory_space<vmem>>
        %dma_start3A_628 = arith.constant 0 : i32
        %dma_start3A_629 = arith.constant 0 : i32
        %dma_start3A_630 = tpu.memref_slice %arg7[%dma_start3A_628, %dma_start3A_629] : memref<10240x128xf32, #tpu.memory_space<vmem_shared>> -> memref<10240x128xf32, #tpu.memory_space<vmem_shared>>
        tpu.enqueue_indirect_dma source(%dma_start3A_624 : memref<64x128xf32, #tpu.memory_space<vmem>>) target(%dma_start3A_630 : memref<10240x128xf32, #tpu.memory_space<vmem_shared>>) offsets(%dma_start3A_627 : memref<64xi32, #tpu.memory_space<vmem>>) semaphore(%arg13 : memref<!tpu.dma_semaphore, #tpu.memory_space<semaphore_mem>>) {add = true}
        %add3A_631 = arith.constant 2 : i32
        %add3A_632 = arith.addi %add3A_595, %add3A_631 : i32
        %lt3A_633 = arith.cmpi slt, %add3A_632, %select_n3A : i32
        %convert_element_type3A_634 = arith.extui %lt3A_633 : i1 to i32
        %cond3A_635 = arith.constant 0 : i32
        %cond3A_636 = arith.cmpi ne, %convert_element_type3A_634, %cond3A_635 : i32
        scf.if %cond3A_636 {
          %ge3A = arith.constant 4 : i32
          %ge3A_742 = arith.cmpi sge, %add3A_632, %ge3A : i32
          %convert_element_type3A_743 = arith.extui %ge3A_742 : i1 to i32
          %cond3A_744 = arith.constant 0 : i32
          %cond3A_745 = arith.cmpi ne, %convert_element_type3A_743, %cond3A_744 : i32
          scf.if %cond3A_745 {
            %sub3A_800 = arith.constant 4 : i32
            %sub3A_801 = arith.subi %add3A_632, %sub3A_800 : i32
            %rem3A_802 = arith.constant 8 : i32
            %rem3A_803 = arith.remsi %sub3A_801, %rem3A_802 : i32
            %dma_wait3A_804 = arith.constant 3 : i32
            %dma_wait3A_805 = arith.constant 0 : i32
            %dma_wait3A_806 = arith.constant 0 : i32
            %dma_wait3A_807 = tpu.memref_slice %run_scoped3A[%dma_wait3A_804, %dma_wait3A_805, %dma_wait3A_806] : memref<4x64x128xf32, #tpu.memory_space<vmem>> -> memref<1x64x128xf32, #tpu.memory_space<vmem>>
            %dma_wait3A_808 = tpu.memref_squeeze %dma_wait3A_807 : memref<1x64x128xf32, #tpu.memory_space<vmem>> -> memref<64x128xf32, #tpu.memory_space<vmem>>
            %dma_wait3A_809 = arith.constant 0 : i32
            %dma_wait3A_810 = tpu.memref_slice %run_scoped3A_15[%rem3A_803, %dma_wait3A_809] : memref<8x64xi32, #tpu.memory_space<vmem>> -> memref<1x64xi32, #tpu.memory_space<vmem>>
            %dma_wait3A_811 = tpu.memref_squeeze %dma_wait3A_810 : memref<1x64xi32, #tpu.memory_space<vmem>> -> memref<64xi32, #tpu.memory_space<vmem>>
            %dma_wait3A_812 = arith.constant 0 : i32
            %dma_wait3A_813 = arith.constant 0 : i32
            %dma_wait3A_814 = tpu.memref_slice %arg7[%dma_wait3A_812, %dma_wait3A_813] : memref<10240x128xf32, #tpu.memory_space<vmem_shared>> -> memref<10240x128xf32, #tpu.memory_space<vmem_shared>>
            tpu.wait_indirect_dma semaphore(%arg15 : memref<!tpu.dma_semaphore, #tpu.memory_space<semaphore_mem>>) src(%dma_wait3A_808 : memref<64x128xf32, #tpu.memory_space<vmem>>) dst(%dma_wait3A_814 : memref<10240x128xf32, #tpu.memory_space<vmem_shared>>)
          } else {
          }
          %rem3A_746 = arith.constant 8 : i32
          %rem3A_747 = arith.remsi %add3A_632, %rem3A_746 : i32
          %add3A_748 = arith.addi %select_n3A_13, %add3A_632 : i32
          %dma_wait3A_749 = arith.constant 0 : i32
          %dma_wait3A_750 = tpu.memref_slice %run_scoped3A_14[%rem3A_747, %dma_wait3A_749] : memref<8x64xi32, #tpu.memory_space<vmem>> -> memref<1x64xi32, #tpu.memory_space<vmem>>
          %dma_wait3A_751 = tpu.memref_squeeze %dma_wait3A_750 : memref<1x64xi32, #tpu.memory_space<vmem>> -> memref<64xi32, #tpu.memory_space<vmem>>
          %dma_wait3A_752 = arith.constant 0 : i32
          %dma_wait3A_753 = tpu.memref_slice %arg3[%add3A_748, %dma_wait3A_752] : memref<5056x64xi32, #tpu.memory_space<hbm>> -> memref<1x64xi32, #tpu.memory_space<hbm>>
          %dma_wait3A_754 = tpu.memref_squeeze %dma_wait3A_753 : memref<1x64xi32, #tpu.memory_space<hbm>> -> memref<64xi32, #tpu.memory_space<hbm>>
          %dma_wait3A_755 = arith.constant 0 : i32
          %dma_wait3A_756 = tpu.memref_slice %run_scoped3A_14[%rem3A_747, %dma_wait3A_755] : memref<8x64xi32, #tpu.memory_space<vmem>> -> memref<1x64xi32, #tpu.memory_space<vmem>>
          %dma_wait3A_757 = tpu.memref_squeeze %dma_wait3A_756 : memref<1x64xi32, #tpu.memory_space<vmem>> -> memref<64xi32, #tpu.memory_space<vmem>>
          %dma_wait3A_758 = arith.constant 0 : i32
          %dma_wait3A_759 = tpu.memref_slice %arg3[%add3A_748, %dma_wait3A_758] : memref<5056x64xi32, #tpu.memory_space<hbm>> -> memref<1x64xi32, #tpu.memory_space<hbm>>
          %dma_wait3A_760 = tpu.memref_squeeze %dma_wait3A_759 : memref<1x64xi32, #tpu.memory_space<hbm>> -> memref<64xi32, #tpu.memory_space<hbm>>
          tpu.wait_dma2 semaphore(%arg16 : memref<!tpu.dma_semaphore, #tpu.memory_space<semaphore_mem>>) src(%dma_wait3A_760 : memref<64xi32, #tpu.memory_space<hbm>>) dst(%dma_wait3A_757 : memref<64xi32, #tpu.memory_space<vmem>>)
          %add3A_761 = arith.addi %select_n3A_13, %add3A_632 : i32
          %dma_wait3A_762 = arith.constant 0 : i32
          %dma_wait3A_763 = tpu.memref_slice %run_scoped3A_15[%rem3A_747, %dma_wait3A_762] : memref<8x64xi32, #tpu.memory_space<vmem>> -> memref<1x64xi32, #tpu.memory_space<vmem>>
          %dma_wait3A_764 = tpu.memref_squeeze %dma_wait3A_763 : memref<1x64xi32, #tpu.memory_space<vmem>> -> memref<64xi32, #tpu.memory_space<vmem>>
          %dma_wait3A_765 = arith.constant 0 : i32
          %dma_wait3A_766 = tpu.memref_slice %arg4[%add3A_761, %dma_wait3A_765] : memref<5056x64xi32, #tpu.memory_space<hbm>> -> memref<1x64xi32, #tpu.memory_space<hbm>>
          %dma_wait3A_767 = tpu.memref_squeeze %dma_wait3A_766 : memref<1x64xi32, #tpu.memory_space<hbm>> -> memref<64xi32, #tpu.memory_space<hbm>>
          %dma_wait3A_768 = arith.constant 0 : i32
          %dma_wait3A_769 = tpu.memref_slice %run_scoped3A_15[%rem3A_747, %dma_wait3A_768] : memref<8x64xi32, #tpu.memory_space<vmem>> -> memref<1x64xi32, #tpu.memory_space<vmem>>
          %dma_wait3A_770 = tpu.memref_squeeze %dma_wait3A_769 : memref<1x64xi32, #tpu.memory_space<vmem>> -> memref<64xi32, #tpu.memory_space<vmem>>
          %dma_wait3A_771 = arith.constant 0 : i32
          %dma_wait3A_772 = tpu.memref_slice %arg4[%add3A_761, %dma_wait3A_771] : memref<5056x64xi32, #tpu.memory_space<hbm>> -> memref<1x64xi32, #tpu.memory_space<hbm>>
          %dma_wait3A_773 = tpu.memref_squeeze %dma_wait3A_772 : memref<1x64xi32, #tpu.memory_space<hbm>> -> memref<64xi32, #tpu.memory_space<hbm>>
          tpu.wait_dma2 semaphore(%arg16 : memref<!tpu.dma_semaphore, #tpu.memory_space<semaphore_mem>>) src(%dma_wait3A_773 : memref<64xi32, #tpu.memory_space<hbm>>) dst(%dma_wait3A_770 : memref<64xi32, #tpu.memory_space<vmem>>)
          %add3A_774 = arith.addi %select_n3A_13, %add3A_632 : i32
          %dma_wait3A_775 = arith.constant 0 : i32
          %dma_wait3A_776 = tpu.memref_slice %run_scoped3A_16[%rem3A_747, %dma_wait3A_775] : memref<8x64xf32, #tpu.memory_space<vmem>> -> memref<1x64xf32, #tpu.memory_space<vmem>>
          %dma_wait3A_777 = tpu.memref_squeeze %dma_wait3A_776 : memref<1x64xf32, #tpu.memory_space<vmem>> -> memref<64xf32, #tpu.memory_space<vmem>>
          %dma_wait3A_778 = arith.constant 0 : i32
          %dma_wait3A_779 = tpu.memref_slice %arg5[%add3A_774, %dma_wait3A_778] : memref<5056x64xf32, #tpu.memory_space<hbm>> -> memref<1x64xf32, #tpu.memory_space<hbm>>
          %dma_wait3A_780 = tpu.memref_squeeze %dma_wait3A_779 : memref<1x64xf32, #tpu.memory_space<hbm>> -> memref<64xf32, #tpu.memory_space<hbm>>
          %dma_wait3A_781 = arith.constant 0 : i32
          %dma_wait3A_782 = tpu.memref_slice %run_scoped3A_16[%rem3A_747, %dma_wait3A_781] : memref<8x64xf32, #tpu.memory_space<vmem>> -> memref<1x64xf32, #tpu.memory_space<vmem>>
          %dma_wait3A_783 = tpu.memref_squeeze %dma_wait3A_782 : memref<1x64xf32, #tpu.memory_space<vmem>> -> memref<64xf32, #tpu.memory_space<vmem>>
          %dma_wait3A_784 = arith.constant 0 : i32
          %dma_wait3A_785 = tpu.memref_slice %arg5[%add3A_774, %dma_wait3A_784] : memref<5056x64xf32, #tpu.memory_space<hbm>> -> memref<1x64xf32, #tpu.memory_space<hbm>>
          %dma_wait3A_786 = tpu.memref_squeeze %dma_wait3A_785 : memref<1x64xf32, #tpu.memory_space<hbm>> -> memref<64xf32, #tpu.memory_space<hbm>>
          tpu.wait_dma2 semaphore(%arg16 : memref<!tpu.dma_semaphore, #tpu.memory_space<semaphore_mem>>) src(%dma_wait3A_786 : memref<64xf32, #tpu.memory_space<hbm>>) dst(%dma_wait3A_783 : memref<64xf32, #tpu.memory_space<vmem>>)
          %rem3A_787 = arith.constant 8 : i32
          %rem3A_788 = arith.remsi %add3A_632, %rem3A_787 : i32
          %dma_start3A_789 = arith.constant 3 : i32
          %dma_start3A_790 = arith.constant 0 : i32
          %dma_start3A_791 = arith.constant 0 : i32
          %dma_start3A_792 = tpu.memref_slice %run_scoped3A[%dma_start3A_789, %dma_start3A_790, %dma_start3A_791] : memref<4x64x128xf32, #tpu.memory_space<vmem>> -> memref<1x64x128xf32, #tpu.memory_space<vmem>>
          %dma_start3A_793 = tpu.memref_squeeze %dma_start3A_792 : memref<1x64x128xf32, #tpu.memory_space<vmem>> -> memref<64x128xf32, #tpu.memory_space<vmem>>
          %dma_start3A_794 = arith.constant 0 : i32
          %dma_start3A_795 = tpu.memref_slice %run_scoped3A_14[%rem3A_788, %dma_start3A_794] : memref<8x64xi32, #tpu.memory_space<vmem>> -> memref<1x64xi32, #tpu.memory_space<vmem>>
          %dma_start3A_796 = tpu.memref_squeeze %dma_start3A_795 : memref<1x64xi32, #tpu.memory_space<vmem>> -> memref<64xi32, #tpu.memory_space<vmem>>
          %dma_start3A_797 = arith.constant 0 : i32
          %dma_start3A_798 = arith.constant 0 : i32
          %dma_start3A_799 = tpu.memref_slice %arg2[%dma_start3A_797, %dma_start3A_798] : memref<10240x128xf32, #tpu.memory_space<hbm>> -> memref<10240x128xf32, #tpu.memory_space<hbm>>
          tpu.enqueue_indirect_dma source(%dma_start3A_799 : memref<10240x128xf32, #tpu.memory_space<hbm>>) target(%dma_start3A_793 : memref<64x128xf32, #tpu.memory_space<vmem>>) offsets(%dma_start3A_796 : memref<64xi32, #tpu.memory_space<vmem>>) semaphore(%arg11 : memref<!tpu.dma_semaphore, #tpu.memory_space<semaphore_mem>>)
        } else {
        }
        %add3A_637 = arith.constant 6 : i32
        %add3A_638 = arith.addi %add3A_595, %add3A_637 : i32
        %lt3A_639 = arith.cmpi slt, %add3A_638, %select_n3A : i32
        %convert_element_type3A_640 = arith.extui %lt3A_639 : i1 to i32
        %cond3A_641 = arith.constant 0 : i32
        %cond3A_642 = arith.cmpi ne, %convert_element_type3A_640, %cond3A_641 : i32
        scf.if %cond3A_642 {
          %rem3A_742 = arith.constant 8 : i32
          %rem3A_743 = arith.remsi %add3A_638, %rem3A_742 : i32
          %add3A_744 = arith.addi %select_n3A_13, %add3A_638 : i32
          %dma_start3A_745 = arith.constant 0 : i32
          %dma_start3A_746 = tpu.memref_slice %run_scoped3A_14[%rem3A_743, %dma_start3A_745] : memref<8x64xi32, #tpu.memory_space<vmem>> -> memref<1x64xi32, #tpu.memory_space<vmem>>
          %dma_start3A_747 = tpu.memref_squeeze %dma_start3A_746 : memref<1x64xi32, #tpu.memory_space<vmem>> -> memref<64xi32, #tpu.memory_space<vmem>>
          %dma_start3A_748 = arith.constant 0 : i32
          %dma_start3A_749 = tpu.memref_slice %arg3[%add3A_744, %dma_start3A_748] : memref<5056x64xi32, #tpu.memory_space<hbm>> -> memref<1x64xi32, #tpu.memory_space<hbm>>
          %dma_start3A_750 = tpu.memref_squeeze %dma_start3A_749 : memref<1x64xi32, #tpu.memory_space<hbm>> -> memref<64xi32, #tpu.memory_space<hbm>>
          %dma_start3A_751 = arith.constant 0 : i32
          %dma_start3A_752 = tpu.memref_slice %run_scoped3A_14[%rem3A_743, %dma_start3A_751] : memref<8x64xi32, #tpu.memory_space<vmem>> -> memref<1x64xi32, #tpu.memory_space<vmem>>
          %dma_start3A_753 = tpu.memref_squeeze %dma_start3A_752 : memref<1x64xi32, #tpu.memory_space<vmem>> -> memref<64xi32, #tpu.memory_space<vmem>>
          %dma_start3A_754 = arith.constant 0 : i32
          %dma_start3A_755 = tpu.memref_slice %arg3[%add3A_744, %dma_start3A_754] : memref<5056x64xi32, #tpu.memory_space<hbm>> -> memref<1x64xi32, #tpu.memory_space<hbm>>
          %dma_start3A_756 = tpu.memref_squeeze %dma_start3A_755 : memref<1x64xi32, #tpu.memory_space<hbm>> -> memref<64xi32, #tpu.memory_space<hbm>>
          tpu.enqueue_dma source(%dma_start3A_756 : memref<64xi32, #tpu.memory_space<hbm>>) target(%dma_start3A_753 : memref<64xi32, #tpu.memory_space<vmem>>) target_semaphore(%arg16 : memref<!tpu.dma_semaphore, #tpu.memory_space<semaphore_mem>>)
          %add3A_757 = arith.addi %select_n3A_13, %add3A_638 : i32
          %dma_start3A_758 = arith.constant 0 : i32
          %dma_start3A_759 = tpu.memref_slice %run_scoped3A_15[%rem3A_743, %dma_start3A_758] : memref<8x64xi32, #tpu.memory_space<vmem>> -> memref<1x64xi32, #tpu.memory_space<vmem>>
          %dma_start3A_760 = tpu.memref_squeeze %dma_start3A_759 : memref<1x64xi32, #tpu.memory_space<vmem>> -> memref<64xi32, #tpu.memory_space<vmem>>
          %dma_start3A_761 = arith.constant 0 : i32
          %dma_start3A_762 = tpu.memref_slice %arg4[%add3A_757, %dma_start3A_761] : memref<5056x64xi32, #tpu.memory_space<hbm>> -> memref<1x64xi32, #tpu.memory_space<hbm>>
          %dma_start3A_763 = tpu.memref_squeeze %dma_start3A_762 : memref<1x64xi32, #tpu.memory_space<hbm>> -> memref<64xi32, #tpu.memory_space<hbm>>
          %dma_start3A_764 = arith.constant 0 : i32
          %dma_start3A_765 = tpu.memref_slice %run_scoped3A_15[%rem3A_743, %dma_start3A_764] : memref<8x64xi32, #tpu.memory_space<vmem>> -> memref<1x64xi32, #tpu.memory_space<vmem>>
          %dma_start3A_766 = tpu.memref_squeeze %dma_start3A_765 : memref<1x64xi32, #tpu.memory_space<vmem>> -> memref<64xi32, #tpu.memory_space<vmem>>
          %dma_start3A_767 = arith.constant 0 : i32
          %dma_start3A_768 = tpu.memref_slice %arg4[%add3A_757, %dma_start3A_767] : memref<5056x64xi32, #tpu.memory_space<hbm>> -> memref<1x64xi32, #tpu.memory_space<hbm>>
          %dma_start3A_769 = tpu.memref_squeeze %dma_start3A_768 : memref<1x64xi32, #tpu.memory_space<hbm>> -> memref<64xi32, #tpu.memory_space<hbm>>
          tpu.enqueue_dma source(%dma_start3A_769 : memref<64xi32, #tpu.memory_space<hbm>>) target(%dma_start3A_766 : memref<64xi32, #tpu.memory_space<vmem>>) target_semaphore(%arg16 : memref<!tpu.dma_semaphore, #tpu.memory_space<semaphore_mem>>)
          %add3A_770 = arith.addi %select_n3A_13, %add3A_638 : i32
          %dma_start3A_771 = arith.constant 0 : i32
          %dma_start3A_772 = tpu.memref_slice %run_scoped3A_16[%rem3A_743, %dma_start3A_771] : memref<8x64xf32, #tpu.memory_space<vmem>> -> memref<1x64xf32, #tpu.memory_space<vmem>>
          %dma_start3A_773 = tpu.memref_squeeze %dma_start3A_772 : memref<1x64xf32, #tpu.memory_space<vmem>> -> memref<64xf32, #tpu.memory_space<vmem>>
          %dma_start3A_774 = arith.constant 0 : i32
          %dma_start3A_775 = tpu.memref_slice %arg5[%add3A_770, %dma_start3A_774] : memref<5056x64xf32, #tpu.memory_space<hbm>> -> memref<1x64xf32, #tpu.memory_space<hbm>>
          %dma_start3A_776 = tpu.memref_squeeze %dma_start3A_775 : memref<1x64xf32, #tpu.memory_space<hbm>> -> memref<64xf32, #tpu.memory_space<hbm>>
          %dma_start3A_777 = arith.constant 0 : i32
          %dma_start3A_778 = tpu.memref_slice %run_scoped3A_16[%rem3A_743, %dma_start3A_777] : memref<8x64xf32, #tpu.memory_space<vmem>> -> memref<1x64xf32, #tpu.memory_space<vmem>>
          %dma_start3A_779 = tpu.memref_squeeze %dma_start3A_778 : memref<1x64xf32, #tpu.memory_space<vmem>> -> memref<64xf32, #tpu.memory_space<vmem>>
          %dma_start3A_780 = arith.constant 0 : i32
          %dma_start3A_781 = tpu.memref_slice %arg5[%add3A_770, %dma_start3A_780] : memref<5056x64xf32, #tpu.memory_space<hbm>> -> memref<1x64xf32, #tpu.memory_space<hbm>>
          %dma_start3A_782 = tpu.memref_squeeze %dma_start3A_781 : memref<1x64xf32, #tpu.memory_space<hbm>> -> memref<64xf32, #tpu.memory_space<hbm>>
          tpu.enqueue_dma source(%dma_start3A_782 : memref<64xf32, #tpu.memory_space<hbm>>) target(%dma_start3A_779 : memref<64xf32, #tpu.memory_space<vmem>>) target_semaphore(%arg16 : memref<!tpu.dma_semaphore, #tpu.memory_space<semaphore_mem>>)
        } else {
        }
        %add3A_643 = arith.constant 2 : i32
        %add3A_644 = arith.addi %mul3A_547, %add3A_643 : i32
        %rem3A_645 = arith.constant 8 : i32
        %rem3A_646 = arith.remsi %add3A_644, %rem3A_645 : i32
        %dma_wait3A_647 = arith.constant 2 : i32
        %dma_wait3A_648 = arith.constant 0 : i32
        %dma_wait3A_649 = arith.constant 0 : i32
        %dma_wait3A_650 = tpu.memref_slice %run_scoped3A[%dma_wait3A_647, %dma_wait3A_648, %dma_wait3A_649] : memref<4x64x128xf32, #tpu.memory_space<vmem>> -> memref<1x64x128xf32, #tpu.memory_space<vmem>>
        %dma_wait3A_651 = tpu.memref_squeeze %dma_wait3A_650 : memref<1x64x128xf32, #tpu.memory_space<vmem>> -> memref<64x128xf32, #tpu.memory_space<vmem>>
        %dma_wait3A_652 = arith.constant 0 : i32
        %dma_wait3A_653 = tpu.memref_slice %run_scoped3A_14[%rem3A_646, %dma_wait3A_652] : memref<8x64xi32, #tpu.memory_space<vmem>> -> memref<1x64xi32, #tpu.memory_space<vmem>>
        %dma_wait3A_654 = tpu.memref_squeeze %dma_wait3A_653 : memref<1x64xi32, #tpu.memory_space<vmem>> -> memref<64xi32, #tpu.memory_space<vmem>>
        %dma_wait3A_655 = arith.constant 0 : i32
        %dma_wait3A_656 = arith.constant 0 : i32
        %dma_wait3A_657 = tpu.memref_slice %arg2[%dma_wait3A_655, %dma_wait3A_656] : memref<10240x128xf32, #tpu.memory_space<hbm>> -> memref<10240x128xf32, #tpu.memory_space<hbm>>
        tpu.wait_indirect_dma semaphore(%arg10 : memref<!tpu.dma_semaphore, #tpu.memory_space<semaphore_mem>>) src(%dma_wait3A_657 : memref<10240x128xf32, #tpu.memory_space<hbm>>) dst(%dma_wait3A_651 : memref<64x128xf32, #tpu.memory_space<vmem>>)
        %rem3A_658 = arith.constant 8 : i32
        %rem3A_659 = arith.remsi %add3A_644, %rem3A_658 : i32
        %scan3A_660 = arith.constant 0 : i32
        %scan3A_661 = arith.constant 0 : i32
        %scan3A_662 = arith.constant 64 : i32
        %scan3A_663 = arith.addi %scan3A_661, %scan3A_662 : i32
        %scan3A_664 = arith.constant 1 : i32
        %scan3A_665 = scf.for %scan3A_742 = %scan3A_661 to %scan3A_663 step %scan3A_664 iter_args(%scan3A_743 = %scan3A_660) -> (i32)  : i32 {
          %add3A_744 = vector.broadcast %rem3A_659 : i32 to vector<16xi32>
          %add3A_745 = arith.addi %broadcast_in_dim3A_2, %add3A_744 : vector<16xi32>
          %add3A_746 = vector.broadcast %scan3A_742 : i32 to vector<16xi32>
          %add3A_747 = arith.addi %broadcast_in_dim3A_2, %add3A_746 : vector<16xi32>
          %gather3A = tpu.vector_load_idx %run_scoped3A_16[%add3A_745, %add3A_747] : memref<8x64xf32, #tpu.memory_space<vmem>>[vector<16xi32>, vector<16xi32>], vector<16xf32>,
          %get3A = arith.constant 2 : i32
          %get3A_748 = arith.index_cast %get3A : i32 to index
          %get3A_749 = arith.index_cast %scan3A_742 : i32 to index
          %get3A_750 = arith.constant 0 : index
          %get3A_751 = tpu.vector_load %run_scoped3A[%get3A_748, %get3A_749, %get3A_750] {strides = array<i32>} : memref<4x64x128xf32, #tpu.memory_space<vmem>>, vector<16xf32>,
          %mul3A_752 = arith.mulf %get3A_751, %gather3A : vector<16xf32>
          %swap3A = arith.constant 2 : i32
          %swap3A_753 = arith.index_cast %swap3A : i32 to index
          %swap3A_754 = arith.index_cast %scan3A_742 : i32 to index
          %swap3A_755 = arith.constant 0 : index
          %swap3A_756 = tpu.vector_load %run_scoped3A[%swap3A_753, %swap3A_754, %swap3A_755] {strides = array<i32>} : memref<4x64x128xf32, #tpu.memory_space<vmem>>, vector<16xf32>,
          tpu.vector_store %run_scoped3A[%swap3A_753, %swap3A_754, %swap3A_755], %mul3A_752 {strides = array<i32>} : memref<4x64x128xf32, #tpu.memory_space<vmem>>, vector<16xf32>,
          %get3A_757 = arith.constant 2 : i32
          %get3A_758 = arith.index_cast %get3A_757 : i32 to index
          %get3A_759 = arith.index_cast %scan3A_742 : i32 to index
          %get3A_760 = arith.constant 16 : index
          %get3A_761 = tpu.vector_load %run_scoped3A[%get3A_758, %get3A_759, %get3A_760] {strides = array<i32>} : memref<4x64x128xf32, #tpu.memory_space<vmem>>, vector<16xf32>,
          %mul3A_762 = arith.mulf %get3A_761, %gather3A : vector<16xf32>
          %swap3A_763 = arith.constant 2 : i32
          %swap3A_764 = arith.index_cast %swap3A_763 : i32 to index
          %swap3A_765 = arith.index_cast %scan3A_742 : i32 to index
          %swap3A_766 = arith.constant 16 : index
          %swap3A_767 = tpu.vector_load %run_scoped3A[%swap3A_764, %swap3A_765, %swap3A_766] {strides = array<i32>} : memref<4x64x128xf32, #tpu.memory_space<vmem>>, vector<16xf32>,
          tpu.vector_store %run_scoped3A[%swap3A_764, %swap3A_765, %swap3A_766], %mul3A_762 {strides = array<i32>} : memref<4x64x128xf32, #tpu.memory_space<vmem>>, vector<16xf32>,
          %get3A_768 = arith.constant 2 : i32
          %get3A_769 = arith.index_cast %get3A_768 : i32 to index
          %get3A_770 = arith.index_cast %scan3A_742 : i32 to index
          %get3A_771 = arith.constant 32 : index
          %get3A_772 = tpu.vector_load %run_scoped3A[%get3A_769, %get3A_770, %get3A_771] {strides = array<i32>} : memref<4x64x128xf32, #tpu.memory_space<vmem>>, vector<16xf32>,
          %mul3A_773 = arith.mulf %get3A_772, %gather3A : vector<16xf32>
          %swap3A_774 = arith.constant 2 : i32
          %swap3A_775 = arith.index_cast %swap3A_774 : i32 to index
          %swap3A_776 = arith.index_cast %scan3A_742 : i32 to index
          %swap3A_777 = arith.constant 32 : index
          %swap3A_778 = tpu.vector_load %run_scoped3A[%swap3A_775, %swap3A_776, %swap3A_777] {strides = array<i32>} : memref<4x64x128xf32, #tpu.memory_space<vmem>>, vector<16xf32>,
          tpu.vector_store %run_scoped3A[%swap3A_775, %swap3A_776, %swap3A_777], %mul3A_773 {strides = array<i32>} : memref<4x64x128xf32, #tpu.memory_space<vmem>>, vector<16xf32>,
          %get3A_779 = arith.constant 2 : i32
          %get3A_780 = arith.index_cast %get3A_779 : i32 to index
          %get3A_781 = arith.index_cast %scan3A_742 : i32 to index
          %get3A_782 = arith.constant 48 : index
          %get3A_783 = tpu.vector_load %run_scoped3A[%get3A_780, %get3A_781, %get3A_782] {strides = array<i32>} : memref<4x64x128xf32, #tpu.memory_space<vmem>>, vector<16xf32>,
          %mul3A_784 = arith.mulf %get3A_783, %gather3A : vector<16xf32>
          %swap3A_785 = arith.constant 2 : i32
          %swap3A_786 = arith.index_cast %swap3A_785 : i32 to index
          %swap3A_787 = arith.index_cast %scan3A_742 : i32 to index
          %swap3A_788 = arith.constant 48 : index
          %swap3A_789 = tpu.vector_load %run_scoped3A[%swap3A_786, %swap3A_787, %swap3A_788] {strides = array<i32>} : memref<4x64x128xf32, #tpu.memory_space<vmem>>, vector<16xf32>,
          tpu.vector_store %run_scoped3A[%swap3A_786, %swap3A_787, %swap3A_788], %mul3A_784 {strides = array<i32>} : memref<4x64x128xf32, #tpu.memory_space<vmem>>, vector<16xf32>,
          %get3A_790 = arith.constant 2 : i32
          %get3A_791 = arith.index_cast %get3A_790 : i32 to index
          %get3A_792 = arith.index_cast %scan3A_742 : i32 to index
          %get3A_793 = arith.constant 64 : index
          %get3A_794 = tpu.vector_load %run_scoped3A[%get3A_791, %get3A_792, %get3A_793] {strides = array<i32>} : memref<4x64x128xf32, #tpu.memory_space<vmem>>, vector<16xf32>,
          %mul3A_795 = arith.mulf %get3A_794, %gather3A : vector<16xf32>
          %swap3A_796 = arith.constant 2 : i32
          %swap3A_797 = arith.index_cast %swap3A_796 : i32 to index
          %swap3A_798 = arith.index_cast %scan3A_742 : i32 to index
          %swap3A_799 = arith.constant 64 : index
          %swap3A_800 = tpu.vector_load %run_scoped3A[%swap3A_797, %swap3A_798, %swap3A_799] {strides = array<i32>} : memref<4x64x128xf32, #tpu.memory_space<vmem>>, vector<16xf32>,
          tpu.vector_store %run_scoped3A[%swap3A_797, %swap3A_798, %swap3A_799], %mul3A_795 {strides = array<i32>} : memref<4x64x128xf32, #tpu.memory_space<vmem>>, vector<16xf32>,
          %get3A_801 = arith.constant 2 : i32
          %get3A_802 = arith.index_cast %get3A_801 : i32 to index
          %get3A_803 = arith.index_cast %scan3A_742 : i32 to index
          %get3A_804 = arith.constant 80 : index
          %get3A_805 = tpu.vector_load %run_scoped3A[%get3A_802, %get3A_803, %get3A_804] {strides = array<i32>} : memref<4x64x128xf32, #tpu.memory_space<vmem>>, vector<16xf32>,
          %mul3A_806 = arith.mulf %get3A_805, %gather3A : vector<16xf32>
          %swap3A_807 = arith.constant 2 : i32
          %swap3A_808 = arith.index_cast %swap3A_807 : i32 to index
          %swap3A_809 = arith.index_cast %scan3A_742 : i32 to index
          %swap3A_810 = arith.constant 80 : index
          %swap3A_811 = tpu.vector_load %run_scoped3A[%swap3A_808, %swap3A_809, %swap3A_810] {strides = array<i32>} : memref<4x64x128xf32, #tpu.memory_space<vmem>>, vector<16xf32>,
          tpu.vector_store %run_scoped3A[%swap3A_808, %swap3A_809, %swap3A_810], %mul3A_806 {strides = array<i32>} : memref<4x64x128xf32, #tpu.memory_space<vmem>>, vector<16xf32>,
          %get3A_812 = arith.constant 2 : i32
          %get3A_813 = arith.index_cast %get3A_812 : i32 to index
          %get3A_814 = arith.index_cast %scan3A_742 : i32 to index
          %get3A_815 = arith.constant 96 : index
          %get3A_816 = tpu.vector_load %run_scoped3A[%get3A_813, %get3A_814, %get3A_815] {strides = array<i32>} : memref<4x64x128xf32, #tpu.memory_space<vmem>>, vector<16xf32>,
          %mul3A_817 = arith.mulf %get3A_816, %gather3A : vector<16xf32>
          %swap3A_818 = arith.constant 2 : i32
          %swap3A_819 = arith.index_cast %swap3A_818 : i32 to index
          %swap3A_820 = arith.index_cast %scan3A_742 : i32 to index
          %swap3A_821 = arith.constant 96 : index
          %swap3A_822 = tpu.vector_load %run_scoped3A[%swap3A_819, %swap3A_820, %swap3A_821] {strides = array<i32>} : memref<4x64x128xf32, #tpu.memory_space<vmem>>, vector<16xf32>,
          tpu.vector_store %run_scoped3A[%swap3A_819, %swap3A_820, %swap3A_821], %mul3A_817 {strides = array<i32>} : memref<4x64x128xf32, #tpu.memory_space<vmem>>, vector<16xf32>,
          %get3A_823 = arith.constant 2 : i32
          %get3A_824 = arith.index_cast %get3A_823 : i32 to index
          %get3A_825 = arith.index_cast %scan3A_742 : i32 to index
          %get3A_826 = arith.constant 112 : index
          %get3A_827 = tpu.vector_load %run_scoped3A[%get3A_824, %get3A_825, %get3A_826] {strides = array<i32>} : memref<4x64x128xf32, #tpu.memory_space<vmem>>, vector<16xf32>,
          %mul3A_828 = arith.mulf %get3A_827, %gather3A : vector<16xf32>
          %swap3A_829 = arith.constant 2 : i32
          %swap3A_830 = arith.index_cast %swap3A_829 : i32 to index
          %swap3A_831 = arith.index_cast %scan3A_742 : i32 to index
          %swap3A_832 = arith.constant 112 : index
          %swap3A_833 = tpu.vector_load %run_scoped3A[%swap3A_830, %swap3A_831, %swap3A_832] {strides = array<i32>} : memref<4x64x128xf32, #tpu.memory_space<vmem>>, vector<16xf32>,
          tpu.vector_store %run_scoped3A[%swap3A_830, %swap3A_831, %swap3A_832], %mul3A_828 {strides = array<i32>} : memref<4x64x128xf32, #tpu.memory_space<vmem>>, vector<16xf32>,
          %scan3A_834 = arith.constant 0 : i32
          scf.yield %scan3A_834 : i32
        }
        %scan3A_666 = arith.constant 64 : i32
        %rem3A_667 = arith.constant 8 : i32
        %rem3A_668 = arith.remsi %add3A_644, %rem3A_667 : i32
        %dma_start3A_669 = arith.constant 2 : i32
        %dma_start3A_670 = arith.constant 0 : i32
        %dma_start3A_671 = arith.constant 0 : i32
        %dma_start3A_672 = tpu.memref_slice %run_scoped3A[%dma_start3A_669, %dma_start3A_670, %dma_start3A_671] : memref<4x64x128xf32, #tpu.memory_space<vmem>> -> memref<1x64x128xf32, #tpu.memory_space<vmem>>
        %dma_start3A_673 = tpu.memref_squeeze %dma_start3A_672 : memref<1x64x128xf32, #tpu.memory_space<vmem>> -> memref<64x128xf32, #tpu.memory_space<vmem>>
        %dma_start3A_674 = arith.constant 0 : i32
        %dma_start3A_675 = tpu.memref_slice %run_scoped3A_15[%rem3A_668, %dma_start3A_674] : memref<8x64xi32, #tpu.memory_space<vmem>> -> memref<1x64xi32, #tpu.memory_space<vmem>>
        %dma_start3A_676 = tpu.memref_squeeze %dma_start3A_675 : memref<1x64xi32, #tpu.memory_space<vmem>> -> memref<64xi32, #tpu.memory_space<vmem>>
        %dma_start3A_677 = arith.constant 0 : i32
        %dma_start3A_678 = arith.constant 0 : i32
        %dma_start3A_679 = tpu.memref_slice %arg7[%dma_start3A_677, %dma_start3A_678] : memref<10240x128xf32, #tpu.memory_space<vmem_shared>> -> memref<10240x128xf32, #tpu.memory_space<vmem_shared>>
        tpu.enqueue_indirect_dma source(%dma_start3A_673 : memref<64x128xf32, #tpu.memory_space<vmem>>) target(%dma_start3A_679 : memref<10240x128xf32, #tpu.memory_space<vmem_shared>>) offsets(%dma_start3A_676 : memref<64xi32, #tpu.memory_space<vmem>>) semaphore(%arg14 : memref<!tpu.dma_semaphore, #tpu.memory_space<semaphore_mem>>) {add = true}
        %add3A_680 = arith.constant 2 : i32
        %add3A_681 = arith.addi %add3A_644, %add3A_680 : i32
        %lt3A_682 = arith.cmpi slt, %add3A_681, %select_n3A : i32
        %convert_element_type3A_683 = arith.extui %lt3A_682 : i1 to i32
        %cond3A_684 = arith.constant 0 : i32
        %cond3A_685 = arith.cmpi ne, %convert_element_type3A_683, %cond3A_684 : i32
        scf.if %cond3A_685 {
          %ge3A = arith.constant 4 : i32
          %ge3A_742 = arith.cmpi sge, %add3A_681, %ge3A : i32
          %convert_element_type3A_743 = arith.extui %ge3A_742 : i1 to i32
          %cond3A_744 = arith.constant 0 : i32
          %cond3A_745 = arith.cmpi ne, %convert_element_type3A_743, %cond3A_744 : i32
          scf.if %cond3A_745 {
            %sub3A_800 = arith.constant 4 : i32
            %sub3A_801 = arith.subi %add3A_681, %sub3A_800 : i32
            %rem3A_802 = arith.constant 8 : i32
            %rem3A_803 = arith.remsi %sub3A_801, %rem3A_802 : i32
            %dma_wait3A_804 = arith.constant 0 : i32
            %dma_wait3A_805 = arith.constant 0 : i32
            %dma_wait3A_806 = arith.constant 0 : i32
            %dma_wait3A_807 = tpu.memref_slice %run_scoped3A[%dma_wait3A_804, %dma_wait3A_805, %dma_wait3A_806] : memref<4x64x128xf32, #tpu.memory_space<vmem>> -> memref<1x64x128xf32, #tpu.memory_space<vmem>>
            %dma_wait3A_808 = tpu.memref_squeeze %dma_wait3A_807 : memref<1x64x128xf32, #tpu.memory_space<vmem>> -> memref<64x128xf32, #tpu.memory_space<vmem>>
            %dma_wait3A_809 = arith.constant 0 : i32
            %dma_wait3A_810 = tpu.memref_slice %run_scoped3A_15[%rem3A_803, %dma_wait3A_809] : memref<8x64xi32, #tpu.memory_space<vmem>> -> memref<1x64xi32, #tpu.memory_space<vmem>>
            %dma_wait3A_811 = tpu.memref_squeeze %dma_wait3A_810 : memref<1x64xi32, #tpu.memory_space<vmem>> -> memref<64xi32, #tpu.memory_space<vmem>>
            %dma_wait3A_812 = arith.constant 0 : i32
            %dma_wait3A_813 = arith.constant 0 : i32
            %dma_wait3A_814 = tpu.memref_slice %arg7[%dma_wait3A_812, %dma_wait3A_813] : memref<10240x128xf32, #tpu.memory_space<vmem_shared>> -> memref<10240x128xf32, #tpu.memory_space<vmem_shared>>
            tpu.wait_indirect_dma semaphore(%arg12 : memref<!tpu.dma_semaphore, #tpu.memory_space<semaphore_mem>>) src(%dma_wait3A_808 : memref<64x128xf32, #tpu.memory_space<vmem>>) dst(%dma_wait3A_814 : memref<10240x128xf32, #tpu.memory_space<vmem_shared>>)
          } else {
          }
          %rem3A_746 = arith.constant 8 : i32
          %rem3A_747 = arith.remsi %add3A_681, %rem3A_746 : i32
          %add3A_748 = arith.addi %select_n3A_13, %add3A_681 : i32
          %dma_wait3A_749 = arith.constant 0 : i32
          %dma_wait3A_750 = tpu.memref_slice %run_scoped3A_14[%rem3A_747, %dma_wait3A_749] : memref<8x64xi32, #tpu.memory_space<vmem>> -> memref<1x64xi32, #tpu.memory_space<vmem>>
          %dma_wait3A_751 = tpu.memref_squeeze %dma_wait3A_750 : memref<1x64xi32, #tpu.memory_space<vmem>> -> memref<64xi32, #tpu.memory_space<vmem>>
          %dma_wait3A_752 = arith.constant 0 : i32
          %dma_wait3A_753 = tpu.memref_slice %arg3[%add3A_748, %dma_wait3A_752] : memref<5056x64xi32, #tpu.memory_space<hbm>> -> memref<1x64xi32, #tpu.memory_space<hbm>>
          %dma_wait3A_754 = tpu.memref_squeeze %dma_wait3A_753 : memref<1x64xi32, #tpu.memory_space<hbm>> -> memref<64xi32, #tpu.memory_space<hbm>>
          %dma_wait3A_755 = arith.constant 0 : i32
          %dma_wait3A_756 = tpu.memref_slice %run_scoped3A_14[%rem3A_747, %dma_wait3A_755] : memref<8x64xi32, #tpu.memory_space<vmem>> -> memref<1x64xi32, #tpu.memory_space<vmem>>
          %dma_wait3A_757 = tpu.memref_squeeze %dma_wait3A_756 : memref<1x64xi32, #tpu.memory_space<vmem>> -> memref<64xi32, #tpu.memory_space<vmem>>
          %dma_wait3A_758 = arith.constant 0 : i32
          %dma_wait3A_759 = tpu.memref_slice %arg3[%add3A_748, %dma_wait3A_758] : memref<5056x64xi32, #tpu.memory_space<hbm>> -> memref<1x64xi32, #tpu.memory_space<hbm>>
          %dma_wait3A_760 = tpu.memref_squeeze %dma_wait3A_759 : memref<1x64xi32, #tpu.memory_space<hbm>> -> memref<64xi32, #tpu.memory_space<hbm>>
          tpu.wait_dma2 semaphore(%arg16 : memref<!tpu.dma_semaphore, #tpu.memory_space<semaphore_mem>>) src(%dma_wait3A_760 : memref<64xi32, #tpu.memory_space<hbm>>) dst(%dma_wait3A_757 : memref<64xi32, #tpu.memory_space<vmem>>)
          %add3A_761 = arith.addi %select_n3A_13, %add3A_681 : i32
          %dma_wait3A_762 = arith.constant 0 : i32
          %dma_wait3A_763 = tpu.memref_slice %run_scoped3A_15[%rem3A_747, %dma_wait3A_762] : memref<8x64xi32, #tpu.memory_space<vmem>> -> memref<1x64xi32, #tpu.memory_space<vmem>>
          %dma_wait3A_764 = tpu.memref_squeeze %dma_wait3A_763 : memref<1x64xi32, #tpu.memory_space<vmem>> -> memref<64xi32, #tpu.memory_space<vmem>>
          %dma_wait3A_765 = arith.constant 0 : i32
          %dma_wait3A_766 = tpu.memref_slice %arg4[%add3A_761, %dma_wait3A_765] : memref<5056x64xi32, #tpu.memory_space<hbm>> -> memref<1x64xi32, #tpu.memory_space<hbm>>
          %dma_wait3A_767 = tpu.memref_squeeze %dma_wait3A_766 : memref<1x64xi32, #tpu.memory_space<hbm>> -> memref<64xi32, #tpu.memory_space<hbm>>
          %dma_wait3A_768 = arith.constant 0 : i32
          %dma_wait3A_769 = tpu.memref_slice %run_scoped3A_15[%rem3A_747, %dma_wait3A_768] : memref<8x64xi32, #tpu.memory_space<vmem>> -> memref<1x64xi32, #tpu.memory_space<vmem>>
          %dma_wait3A_770 = tpu.memref_squeeze %dma_wait3A_769 : memref<1x64xi32, #tpu.memory_space<vmem>> -> memref<64xi32, #tpu.memory_space<vmem>>
          %dma_wait3A_771 = arith.constant 0 : i32
          %dma_wait3A_772 = tpu.memref_slice %arg4[%add3A_761, %dma_wait3A_771] : memref<5056x64xi32, #tpu.memory_space<hbm>> -> memref<1x64xi32, #tpu.memory_space<hbm>>
          %dma_wait3A_773 = tpu.memref_squeeze %dma_wait3A_772 : memref<1x64xi32, #tpu.memory_space<hbm>> -> memref<64xi32, #tpu.memory_space<hbm>>
          tpu.wait_dma2 semaphore(%arg16 : memref<!tpu.dma_semaphore, #tpu.memory_space<semaphore_mem>>) src(%dma_wait3A_773 : memref<64xi32, #tpu.memory_space<hbm>>) dst(%dma_wait3A_770 : memref<64xi32, #tpu.memory_space<vmem>>)
          %add3A_774 = arith.addi %select_n3A_13, %add3A_681 : i32
          %dma_wait3A_775 = arith.constant 0 : i32
          %dma_wait3A_776 = tpu.memref_slice %run_scoped3A_16[%rem3A_747, %dma_wait3A_775] : memref<8x64xf32, #tpu.memory_space<vmem>> -> memref<1x64xf32, #tpu.memory_space<vmem>>
          %dma_wait3A_777 = tpu.memref_squeeze %dma_wait3A_776 : memref<1x64xf32, #tpu.memory_space<vmem>> -> memref<64xf32, #tpu.memory_space<vmem>>
          %dma_wait3A_778 = arith.constant 0 : i32
          %dma_wait3A_779 = tpu.memref_slice %arg5[%add3A_774, %dma_wait3A_778] : memref<5056x64xf32, #tpu.memory_space<hbm>> -> memref<1x64xf32, #tpu.memory_space<hbm>>
          %dma_wait3A_780 = tpu.memref_squeeze %dma_wait3A_779 : memref<1x64xf32, #tpu.memory_space<hbm>> -> memref<64xf32, #tpu.memory_space<hbm>>
          %dma_wait3A_781 = arith.constant 0 : i32
          %dma_wait3A_782 = tpu.memref_slice %run_scoped3A_16[%rem3A_747, %dma_wait3A_781] : memref<8x64xf32, #tpu.memory_space<vmem>> -> memref<1x64xf32, #tpu.memory_space<vmem>>
          %dma_wait3A_783 = tpu.memref_squeeze %dma_wait3A_782 : memref<1x64xf32, #tpu.memory_space<vmem>> -> memref<64xf32, #tpu.memory_space<vmem>>
          %dma_wait3A_784 = arith.constant 0 : i32
          %dma_wait3A_785 = tpu.memref_slice %arg5[%add3A_774, %dma_wait3A_784] : memref<5056x64xf32, #tpu.memory_space<hbm>> -> memref<1x64xf32, #tpu.memory_space<hbm>>
          %dma_wait3A_786 = tpu.memref_squeeze %dma_wait3A_785 : memref<1x64xf32, #tpu.memory_space<hbm>> -> memref<64xf32, #tpu.memory_space<hbm>>
          tpu.wait_dma2 semaphore(%arg16 : memref<!tpu.dma_semaphore, #tpu.memory_space<semaphore_mem>>) src(%dma_wait3A_786 : memref<64xf32, #tpu.memory_space<hbm>>) dst(%dma_wait3A_783 : memref<64xf32, #tpu.memory_space<vmem>>)
          %rem3A_787 = arith.constant 8 : i32
          %rem3A_788 = arith.remsi %add3A_681, %rem3A_787 : i32
          %dma_start3A_789 = arith.constant 0 : i32
          %dma_start3A_790 = arith.constant 0 : i32
          %dma_start3A_791 = arith.constant 0 : i32
          %dma_start3A_792 = tpu.memref_slice %run_scoped3A[%dma_start3A_789, %dma_start3A_790, %dma_start3A_791] : memref<4x64x128xf32, #tpu.memory_space<vmem>> -> memref<1x64x128xf32, #tpu.memory_space<vmem>>
          %dma_start3A_793 = tpu.memref_squeeze %dma_start3A_792 : memref<1x64x128xf32, #tpu.memory_space<vmem>> -> memref<64x128xf32, #tpu.memory_space<vmem>>
          %dma_start3A_794 = arith.constant 0 : i32
          %dma_start3A_795 = tpu.memref_slice %run_scoped3A_14[%rem3A_788, %dma_start3A_794] : memref<8x64xi32, #tpu.memory_space<vmem>> -> memref<1x64xi32, #tpu.memory_space<vmem>>
          %dma_start3A_796 = tpu.memref_squeeze %dma_start3A_795 : memref<1x64xi32, #tpu.memory_space<vmem>> -> memref<64xi32, #tpu.memory_space<vmem>>
          %dma_start3A_797 = arith.constant 0 : i32
          %dma_start3A_798 = arith.constant 0 : i32
          %dma_start3A_799 = tpu.memref_slice %arg2[%dma_start3A_797, %dma_start3A_798] : memref<10240x128xf32, #tpu.memory_space<hbm>> -> memref<10240x128xf32, #tpu.memory_space<hbm>>
          tpu.enqueue_indirect_dma source(%dma_start3A_799 : memref<10240x128xf32, #tpu.memory_space<hbm>>) target(%dma_start3A_793 : memref<64x128xf32, #tpu.memory_space<vmem>>) offsets(%dma_start3A_796 : memref<64xi32, #tpu.memory_space<vmem>>) semaphore(%arg8 : memref<!tpu.dma_semaphore, #tpu.memory_space<semaphore_mem>>)
        } else {
        }
        %add3A_686 = arith.constant 6 : i32
        %add3A_687 = arith.addi %add3A_644, %add3A_686 : i32
        %lt3A_688 = arith.cmpi slt, %add3A_687, %select_n3A : i32
        %convert_element_type3A_689 = arith.extui %lt3A_688 : i1 to i32
        %cond3A_690 = arith.constant 0 : i32
        %cond3A_691 = arith.cmpi ne, %convert_element_type3A_689, %cond3A_690 : i32
        scf.if %cond3A_691 {
          %rem3A_742 = arith.constant 8 : i32
          %rem3A_743 = arith.remsi %add3A_687, %rem3A_742 : i32
          %add3A_744 = arith.addi %select_n3A_13, %add3A_687 : i32
          %dma_start3A_745 = arith.constant 0 : i32
          %dma_start3A_746 = tpu.memref_slice %run_scoped3A_14[%rem3A_743, %dma_start3A_745] : memref<8x64xi32, #tpu.memory_space<vmem>> -> memref<1x64xi32, #tpu.memory_space<vmem>>
          %dma_start3A_747 = tpu.memref_squeeze %dma_start3A_746 : memref<1x64xi32, #tpu.memory_space<vmem>> -> memref<64xi32, #tpu.memory_space<vmem>>
          %dma_start3A_748 = arith.constant 0 : i32
          %dma_start3A_749 = tpu.memref_slice %arg3[%add3A_744, %dma_start3A_748] : memref<5056x64xi32, #tpu.memory_space<hbm>> -> memref<1x64xi32, #tpu.memory_space<hbm>>
          %dma_start3A_750 = tpu.memref_squeeze %dma_start3A_749 : memref<1x64xi32, #tpu.memory_space<hbm>> -> memref<64xi32, #tpu.memory_space<hbm>>
          %dma_start3A_751 = arith.constant 0 : i32
          %dma_start3A_752 = tpu.memref_slice %run_scoped3A_14[%rem3A_743, %dma_start3A_751] : memref<8x64xi32, #tpu.memory_space<vmem>> -> memref<1x64xi32, #tpu.memory_space<vmem>>
          %dma_start3A_753 = tpu.memref_squeeze %dma_start3A_752 : memref<1x64xi32, #tpu.memory_space<vmem>> -> memref<64xi32, #tpu.memory_space<vmem>>
          %dma_start3A_754 = arith.constant 0 : i32
          %dma_start3A_755 = tpu.memref_slice %arg3[%add3A_744, %dma_start3A_754] : memref<5056x64xi32, #tpu.memory_space<hbm>> -> memref<1x64xi32, #tpu.memory_space<hbm>>
          %dma_start3A_756 = tpu.memref_squeeze %dma_start3A_755 : memref<1x64xi32, #tpu.memory_space<hbm>> -> memref<64xi32, #tpu.memory_space<hbm>>
          tpu.enqueue_dma source(%dma_start3A_756 : memref<64xi32, #tpu.memory_space<hbm>>) target(%dma_start3A_753 : memref<64xi32, #tpu.memory_space<vmem>>) target_semaphore(%arg16 : memref<!tpu.dma_semaphore, #tpu.memory_space<semaphore_mem>>)
          %add3A_757 = arith.addi %select_n3A_13, %add3A_687 : i32
          %dma_start3A_758 = arith.constant 0 : i32
          %dma_start3A_759 = tpu.memref_slice %run_scoped3A_15[%rem3A_743, %dma_start3A_758] : memref<8x64xi32, #tpu.memory_space<vmem>> -> memref<1x64xi32, #tpu.memory_space<vmem>>
          %dma_start3A_760 = tpu.memref_squeeze %dma_start3A_759 : memref<1x64xi32, #tpu.memory_space<vmem>> -> memref<64xi32, #tpu.memory_space<vmem>>
          %dma_start3A_761 = arith.constant 0 : i32
          %dma_start3A_762 = tpu.memref_slice %arg4[%add3A_757, %dma_start3A_761] : memref<5056x64xi32, #tpu.memory_space<hbm>> -> memref<1x64xi32, #tpu.memory_space<hbm>>
          %dma_start3A_763 = tpu.memref_squeeze %dma_start3A_762 : memref<1x64xi32, #tpu.memory_space<hbm>> -> memref<64xi32, #tpu.memory_space<hbm>>
          %dma_start3A_764 = arith.constant 0 : i32
          %dma_start3A_765 = tpu.memref_slice %run_scoped3A_15[%rem3A_743, %dma_start3A_764] : memref<8x64xi32, #tpu.memory_space<vmem>> -> memref<1x64xi32, #tpu.memory_space<vmem>>
          %dma_start3A_766 = tpu.memref_squeeze %dma_start3A_765 : memref<1x64xi32, #tpu.memory_space<vmem>> -> memref<64xi32, #tpu.memory_space<vmem>>
          %dma_start3A_767 = arith.constant 0 : i32
          %dma_start3A_768 = tpu.memref_slice %arg4[%add3A_757, %dma_start3A_767] : memref<5056x64xi32, #tpu.memory_space<hbm>> -> memref<1x64xi32, #tpu.memory_space<hbm>>
          %dma_start3A_769 = tpu.memref_squeeze %dma_start3A_768 : memref<1x64xi32, #tpu.memory_space<hbm>> -> memref<64xi32, #tpu.memory_space<hbm>>
          tpu.enqueue_dma source(%dma_start3A_769 : memref<64xi32, #tpu.memory_space<hbm>>) target(%dma_start3A_766 : memref<64xi32, #tpu.memory_space<vmem>>) target_semaphore(%arg16 : memref<!tpu.dma_semaphore, #tpu.memory_space<semaphore_mem>>)
          %add3A_770 = arith.addi %select_n3A_13, %add3A_687 : i32
          %dma_start3A_771 = arith.constant 0 : i32
          %dma_start3A_772 = tpu.memref_slice %run_scoped3A_16[%rem3A_743, %dma_start3A_771] : memref<8x64xf32, #tpu.memory_space<vmem>> -> memref<1x64xf32, #tpu.memory_space<vmem>>
          %dma_start3A_773 = tpu.memref_squeeze %dma_start3A_772 : memref<1x64xf32, #tpu.memory_space<vmem>> -> memref<64xf32, #tpu.memory_space<vmem>>
          %dma_start3A_774 = arith.constant 0 : i32
          %dma_start3A_775 = tpu.memref_slice %arg5[%add3A_770, %dma_start3A_774] : memref<5056x64xf32, #tpu.memory_space<hbm>> -> memref<1x64xf32, #tpu.memory_space<hbm>>
          %dma_start3A_776 = tpu.memref_squeeze %dma_start3A_775 : memref<1x64xf32, #tpu.memory_space<hbm>> -> memref<64xf32, #tpu.memory_space<hbm>>
          %dma_start3A_777 = arith.constant 0 : i32
          %dma_start3A_778 = tpu.memref_slice %run_scoped3A_16[%rem3A_743, %dma_start3A_777] : memref<8x64xf32, #tpu.memory_space<vmem>> -> memref<1x64xf32, #tpu.memory_space<vmem>>
          %dma_start3A_779 = tpu.memref_squeeze %dma_start3A_778 : memref<1x64xf32, #tpu.memory_space<vmem>> -> memref<64xf32, #tpu.memory_space<vmem>>
          %dma_start3A_780 = arith.constant 0 : i32
          %dma_start3A_781 = tpu.memref_slice %arg5[%add3A_770, %dma_start3A_780] : memref<5056x64xf32, #tpu.memory_space<hbm>> -> memref<1x64xf32, #tpu.memory_space<hbm>>
          %dma_start3A_782 = tpu.memref_squeeze %dma_start3A_781 : memref<1x64xf32, #tpu.memory_space<hbm>> -> memref<64xf32, #tpu.memory_space<hbm>>
          tpu.enqueue_dma source(%dma_start3A_782 : memref<64xf32, #tpu.memory_space<hbm>>) target(%dma_start3A_779 : memref<64xf32, #tpu.memory_space<vmem>>) target_semaphore(%arg16 : memref<!tpu.dma_semaphore, #tpu.memory_space<semaphore_mem>>)
        } else {
        }
        %add3A_692 = arith.constant 3 : i32
        %add3A_693 = arith.addi %mul3A_547, %add3A_692 : i32
        %rem3A_694 = arith.constant 8 : i32
        %rem3A_695 = arith.remsi %add3A_693, %rem3A_694 : i32
        %dma_wait3A_696 = arith.constant 3 : i32
        %dma_wait3A_697 = arith.constant 0 : i32
        %dma_wait3A_698 = arith.constant 0 : i32
        %dma_wait3A_699 = tpu.memref_slice %run_scoped3A[%dma_wait3A_696, %dma_wait3A_697, %dma_wait3A_698] : memref<4x64x128xf32, #tpu.memory_space<vmem>> -> memref<1x64x128xf32, #tpu.memory_space<vmem>>
        %dma_wait3A_700 = tpu.memref_squeeze %dma_wait3A_699 : memref<1x64x128xf32, #tpu.memory_space<vmem>> -> memref<64x128xf32, #tpu.memory_space<vmem>>
        %dma_wait3A_701 = arith.constant 0 : i32
        %dma_wait3A_702 = tpu.memref_slice %run_scoped3A_14[%rem3A_695, %dma_wait3A_701] : memref<8x64xi32, #tpu.memory_space<vmem>> -> memref<1x64xi32, #tpu.memory_space<vmem>>
        %dma_wait3A_703 = tpu.memref_squeeze %dma_wait3A_702 : memref<1x64xi32, #tpu.memory_space<vmem>> -> memref<64xi32, #tpu.memory_space<vmem>>
        %dma_wait3A_704 = arith.constant 0 : i32
        %dma_wait3A_705 = arith.constant 0 : i32
        %dma_wait3A_706 = tpu.memref_slice %arg2[%dma_wait3A_704, %dma_wait3A_705] : memref<10240x128xf32, #tpu.memory_space<hbm>> -> memref<10240x128xf32, #tpu.memory_space<hbm>>
        tpu.wait_indirect_dma semaphore(%arg11 : memref<!tpu.dma_semaphore, #tpu.memory_space<semaphore_mem>>) src(%dma_wait3A_706 : memref<10240x128xf32, #tpu.memory_space<hbm>>) dst(%dma_wait3A_700 : memref<64x128xf32, #tpu.memory_space<vmem>>)
        %rem3A_707 = arith.constant 8 : i32
        %rem3A_708 = arith.remsi %add3A_693, %rem3A_707 : i32
        %scan3A_709 = arith.constant 0 : i32
        %scan3A_710 = arith.constant 0 : i32
        %scan3A_711 = arith.constant 64 : i32
        %scan3A_712 = arith.addi %scan3A_710, %scan3A_711 : i32
        %scan3A_713 = arith.constant 1 : i32
        %scan3A_714 = scf.for %scan3A_742 = %scan3A_710 to %scan3A_712 step %scan3A_713 iter_args(%scan3A_743 = %scan3A_709) -> (i32)  : i32 {
          %add3A_744 = vector.broadcast %rem3A_708 : i32 to vector<16xi32>
          %add3A_745 = arith.addi %broadcast_in_dim3A_2, %add3A_744 : vector<16xi32>
          %add3A_746 = vector.broadcast %scan3A_742 : i32 to vector<16xi32>
          %add3A_747 = arith.addi %broadcast_in_dim3A_2, %add3A_746 : vector<16xi32>
          %gather3A = tpu.vector_load_idx %run_scoped3A_16[%add3A_745, %add3A_747] : memref<8x64xf32, #tpu.memory_space<vmem>>[vector<16xi32>, vector<16xi32>], vector<16xf32>,
          %get3A = arith.constant 3 : i32
          %get3A_748 = arith.index_cast %get3A : i32 to index
          %get3A_749 = arith.index_cast %scan3A_742 : i32 to index
          %get3A_750 = arith.constant 0 : index
          %get3A_751 = tpu.vector_load %run_scoped3A[%get3A_748, %get3A_749, %get3A_750] {strides = array<i32>} : memref<4x64x128xf32, #tpu.memory_space<vmem>>, vector<16xf32>,
          %mul3A_752 = arith.mulf %get3A_751, %gather3A : vector<16xf32>
          %swap3A = arith.constant 3 : i32
          %swap3A_753 = arith.index_cast %swap3A : i32 to index
          %swap3A_754 = arith.index_cast %scan3A_742 : i32 to index
          %swap3A_755 = arith.constant 0 : index
          %swap3A_756 = tpu.vector_load %run_scoped3A[%swap3A_753, %swap3A_754, %swap3A_755] {strides = array<i32>} : memref<4x64x128xf32, #tpu.memory_space<vmem>>, vector<16xf32>,
          tpu.vector_store %run_scoped3A[%swap3A_753, %swap3A_754, %swap3A_755], %mul3A_752 {strides = array<i32>} : memref<4x64x128xf32, #tpu.memory_space<vmem>>, vector<16xf32>,
          %get3A_757 = arith.constant 3 : i32
          %get3A_758 = arith.index_cast %get3A_757 : i32 to index
          %get3A_759 = arith.index_cast %scan3A_742 : i32 to index
          %get3A_760 = arith.constant 16 : index
          %get3A_761 = tpu.vector_load %run_scoped3A[%get3A_758, %get3A_759, %get3A_760] {strides = array<i32>} : memref<4x64x128xf32, #tpu.memory_space<vmem>>, vector<16xf32>,
          %mul3A_762 = arith.mulf %get3A_761, %gather3A : vector<16xf32>
          %swap3A_763 = arith.constant 3 : i32
          %swap3A_764 = arith.index_cast %swap3A_763 : i32 to index
          %swap3A_765 = arith.index_cast %scan3A_742 : i32 to index
          %swap3A_766 = arith.constant 16 : index
          %swap3A_767 = tpu.vector_load %run_scoped3A[%swap3A_764, %swap3A_765, %swap3A_766] {strides = array<i32>} : memref<4x64x128xf32, #tpu.memory_space<vmem>>, vector<16xf32>,
          tpu.vector_store %run_scoped3A[%swap3A_764, %swap3A_765, %swap3A_766], %mul3A_762 {strides = array<i32>} : memref<4x64x128xf32, #tpu.memory_space<vmem>>, vector<16xf32>,
          %get3A_768 = arith.constant 3 : i32
          %get3A_769 = arith.index_cast %get3A_768 : i32 to index
          %get3A_770 = arith.index_cast %scan3A_742 : i32 to index
          %get3A_771 = arith.constant 32 : index
          %get3A_772 = tpu.vector_load %run_scoped3A[%get3A_769, %get3A_770, %get3A_771] {strides = array<i32>} : memref<4x64x128xf32, #tpu.memory_space<vmem>>, vector<16xf32>,
          %mul3A_773 = arith.mulf %get3A_772, %gather3A : vector<16xf32>
          %swap3A_774 = arith.constant 3 : i32
          %swap3A_775 = arith.index_cast %swap3A_774 : i32 to index
          %swap3A_776 = arith.index_cast %scan3A_742 : i32 to index
          %swap3A_777 = arith.constant 32 : index
          %swap3A_778 = tpu.vector_load %run_scoped3A[%swap3A_775, %swap3A_776, %swap3A_777] {strides = array<i32>} : memref<4x64x128xf32, #tpu.memory_space<vmem>>, vector<16xf32>,
          tpu.vector_store %run_scoped3A[%swap3A_775, %swap3A_776, %swap3A_777], %mul3A_773 {strides = array<i32>} : memref<4x64x128xf32, #tpu.memory_space<vmem>>, vector<16xf32>,
          %get3A_779 = arith.constant 3 : i32
          %get3A_780 = arith.index_cast %get3A_779 : i32 to index
          %get3A_781 = arith.index_cast %scan3A_742 : i32 to index
          %get3A_782 = arith.constant 48 : index
          %get3A_783 = tpu.vector_load %run_scoped3A[%get3A_780, %get3A_781, %get3A_782] {strides = array<i32>} : memref<4x64x128xf32, #tpu.memory_space<vmem>>, vector<16xf32>,
          %mul3A_784 = arith.mulf %get3A_783, %gather3A : vector<16xf32>
          %swap3A_785 = arith.constant 3 : i32
          %swap3A_786 = arith.index_cast %swap3A_785 : i32 to index
          %swap3A_787 = arith.index_cast %scan3A_742 : i32 to index
          %swap3A_788 = arith.constant 48 : index
          %swap3A_789 = tpu.vector_load %run_scoped3A[%swap3A_786, %swap3A_787, %swap3A_788] {strides = array<i32>} : memref<4x64x128xf32, #tpu.memory_space<vmem>>, vector<16xf32>,
          tpu.vector_store %run_scoped3A[%swap3A_786, %swap3A_787, %swap3A_788], %mul3A_784 {strides = array<i32>} : memref<4x64x128xf32, #tpu.memory_space<vmem>>, vector<16xf32>,
          %get3A_790 = arith.constant 3 : i32
          %get3A_791 = arith.index_cast %get3A_790 : i32 to index
          %get3A_792 = arith.index_cast %scan3A_742 : i32 to index
          %get3A_793 = arith.constant 64 : index
          %get3A_794 = tpu.vector_load %run_scoped3A[%get3A_791, %get3A_792, %get3A_793] {strides = array<i32>} : memref<4x64x128xf32, #tpu.memory_space<vmem>>, vector<16xf32>,
          %mul3A_795 = arith.mulf %get3A_794, %gather3A : vector<16xf32>
          %swap3A_796 = arith.constant 3 : i32
          %swap3A_797 = arith.index_cast %swap3A_796 : i32 to index
          %swap3A_798 = arith.index_cast %scan3A_742 : i32 to index
          %swap3A_799 = arith.constant 64 : index
          %swap3A_800 = tpu.vector_load %run_scoped3A[%swap3A_797, %swap3A_798, %swap3A_799] {strides = array<i32>} : memref<4x64x128xf32, #tpu.memory_space<vmem>>, vector<16xf32>,
          tpu.vector_store %run_scoped3A[%swap3A_797, %swap3A_798, %swap3A_799], %mul3A_795 {strides = array<i32>} : memref<4x64x128xf32, #tpu.memory_space<vmem>>, vector<16xf32>,
          %get3A_801 = arith.constant 3 : i32
          %get3A_802 = arith.index_cast %get3A_801 : i32 to index
          %get3A_803 = arith.index_cast %scan3A_742 : i32 to index
          %get3A_804 = arith.constant 80 : index
          %get3A_805 = tpu.vector_load %run_scoped3A[%get3A_802, %get3A_803, %get3A_804] {strides = array<i32>} : memref<4x64x128xf32, #tpu.memory_space<vmem>>, vector<16xf32>,
          %mul3A_806 = arith.mulf %get3A_805, %gather3A : vector<16xf32>
          %swap3A_807 = arith.constant 3 : i32
          %swap3A_808 = arith.index_cast %swap3A_807 : i32 to index
          %swap3A_809 = arith.index_cast %scan3A_742 : i32 to index
          %swap3A_810 = arith.constant 80 : index
          %swap3A_811 = tpu.vector_load %run_scoped3A[%swap3A_808, %swap3A_809, %swap3A_810] {strides = array<i32>} : memref<4x64x128xf32, #tpu.memory_space<vmem>>, vector<16xf32>,
          tpu.vector_store %run_scoped3A[%swap3A_808, %swap3A_809, %swap3A_810], %mul3A_806 {strides = array<i32>} : memref<4x64x128xf32, #tpu.memory_space<vmem>>, vector<16xf32>,
          %get3A_812 = arith.constant 3 : i32
          %get3A_813 = arith.index_cast %get3A_812 : i32 to index
          %get3A_814 = arith.index_cast %scan3A_742 : i32 to index
          %get3A_815 = arith.constant 96 : index
          %get3A_816 = tpu.vector_load %run_scoped3A[%get3A_813, %get3A_814, %get3A_815] {strides = array<i32>} : memref<4x64x128xf32, #tpu.memory_space<vmem>>, vector<16xf32>,
          %mul3A_817 = arith.mulf %get3A_816, %gather3A : vector<16xf32>
          %swap3A_818 = arith.constant 3 : i32
          %swap3A_819 = arith.index_cast %swap3A_818 : i32 to index
          %swap3A_820 = arith.index_cast %scan3A_742 : i32 to index
          %swap3A_821 = arith.constant 96 : index
          %swap3A_822 = tpu.vector_load %run_scoped3A[%swap3A_819, %swap3A_820, %swap3A_821] {strides = array<i32>} : memref<4x64x128xf32, #tpu.memory_space<vmem>>, vector<16xf32>,
          tpu.vector_store %run_scoped3A[%swap3A_819, %swap3A_820, %swap3A_821], %mul3A_817 {strides = array<i32>} : memref<4x64x128xf32, #tpu.memory_space<vmem>>, vector<16xf32>,
          %get3A_823 = arith.constant 3 : i32
          %get3A_824 = arith.index_cast %get3A_823 : i32 to index
          %get3A_825 = arith.index_cast %scan3A_742 : i32 to index
          %get3A_826 = arith.constant 112 : index
          %get3A_827 = tpu.vector_load %run_scoped3A[%get3A_824, %get3A_825, %get3A_826] {strides = array<i32>} : memref<4x64x128xf32, #tpu.memory_space<vmem>>, vector<16xf32>,
          %mul3A_828 = arith.mulf %get3A_827, %gather3A : vector<16xf32>
          %swap3A_829 = arith.constant 3 : i32
          %swap3A_830 = arith.index_cast %swap3A_829 : i32 to index
          %swap3A_831 = arith.index_cast %scan3A_742 : i32 to index
          %swap3A_832 = arith.constant 112 : index
          %swap3A_833 = tpu.vector_load %run_scoped3A[%swap3A_830, %swap3A_831, %swap3A_832] {strides = array<i32>} : memref<4x64x128xf32, #tpu.memory_space<vmem>>, vector<16xf32>,
          tpu.vector_store %run_scoped3A[%swap3A_830, %swap3A_831, %swap3A_832], %mul3A_828 {strides = array<i32>} : memref<4x64x128xf32, #tpu.memory_space<vmem>>, vector<16xf32>,
          %scan3A_834 = arith.constant 0 : i32
          scf.yield %scan3A_834 : i32
        }
        %scan3A_715 = arith.constant 64 : i32
        %rem3A_716 = arith.constant 8 : i32
        %rem3A_717 = arith.remsi %add3A_693, %rem3A_716 : i32
        %dma_start3A_718 = arith.constant 3 : i32
        %dma_start3A_719 = arith.constant 0 : i32
        %dma_start3A_720 = arith.constant 0 : i32
        %dma_start3A_721 = tpu.memref_slice %run_scoped3A[%dma_start3A_718, %dma_start3A_719, %dma_start3A_720] : memref<4x64x128xf32, #tpu.memory_space<vmem>> -> memref<1x64x128xf32, #tpu.memory_space<vmem>>
        %dma_start3A_722 = tpu.memref_squeeze %dma_start3A_721 : memref<1x64x128xf32, #tpu.memory_space<vmem>> -> memref<64x128xf32, #tpu.memory_space<vmem>>
        %dma_start3A_723 = arith.constant 0 : i32
        %dma_start3A_724 = tpu.memref_slice %run_scoped3A_15[%rem3A_717, %dma_start3A_723] : memref<8x64xi32, #tpu.memory_space<vmem>> -> memref<1x64xi32, #tpu.memory_space<vmem>>
        %dma_start3A_725 = tpu.memref_squeeze %dma_start3A_724 : memref<1x64xi32, #tpu.memory_space<vmem>> -> memref<64xi32, #tpu.memory_space<vmem>>
        %dma_start3A_726 = arith.constant 0 : i32
        %dma_start3A_727 = arith.constant 0 : i32
        %dma_start3A_728 = tpu.memref_slice %arg7[%dma_start3A_726, %dma_start3A_727] : memref<10240x128xf32, #tpu.memory_space<vmem_shared>> -> memref<10240x128xf32, #tpu.memory_space<vmem_shared>>
        tpu.enqueue_indirect_dma source(%dma_start3A_722 : memref<64x128xf32, #tpu.memory_space<vmem>>) target(%dma_start3A_728 : memref<10240x128xf32, #tpu.memory_space<vmem_shared>>) offsets(%dma_start3A_725 : memref<64xi32, #tpu.memory_space<vmem>>) semaphore(%arg15 : memref<!tpu.dma_semaphore, #tpu.memory_space<semaphore_mem>>) {add = true}
        %add3A_729 = arith.constant 2 : i32
        %add3A_730 = arith.addi %add3A_693, %add3A_729 : i32
        %lt3A_731 = arith.cmpi slt, %add3A_730, %select_n3A : i32
        %convert_element_type3A_732 = arith.extui %lt3A_731 : i1 to i32
        %cond3A_733 = arith.constant 0 : i32
        %cond3A_734 = arith.cmpi ne, %convert_element_type3A_732, %cond3A_733 : i32
        scf.if %cond3A_734 {
          %ge3A = arith.constant 4 : i32
          %ge3A_742 = arith.cmpi sge, %add3A_730, %ge3A : i32
          %convert_element_type3A_743 = arith.extui %ge3A_742 : i1 to i32
          %cond3A_744 = arith.constant 0 : i32
          %cond3A_745 = arith.cmpi ne, %convert_element_type3A_743, %cond3A_744 : i32
          scf.if %cond3A_745 {
            %sub3A_800 = arith.constant 4 : i32
            %sub3A_801 = arith.subi %add3A_730, %sub3A_800 : i32
            %rem3A_802 = arith.constant 8 : i32
            %rem3A_803 = arith.remsi %sub3A_801, %rem3A_802 : i32
            %dma_wait3A_804 = arith.constant 1 : i32
            %dma_wait3A_805 = arith.constant 0 : i32
            %dma_wait3A_806 = arith.constant 0 : i32
            %dma_wait3A_807 = tpu.memref_slice %run_scoped3A[%dma_wait3A_804, %dma_wait3A_805, %dma_wait3A_806] : memref<4x64x128xf32, #tpu.memory_space<vmem>> -> memref<1x64x128xf32, #tpu.memory_space<vmem>>
            %dma_wait3A_808 = tpu.memref_squeeze %dma_wait3A_807 : memref<1x64x128xf32, #tpu.memory_space<vmem>> -> memref<64x128xf32, #tpu.memory_space<vmem>>
            %dma_wait3A_809 = arith.constant 0 : i32
            %dma_wait3A_810 = tpu.memref_slice %run_scoped3A_15[%rem3A_803, %dma_wait3A_809] : memref<8x64xi32, #tpu.memory_space<vmem>> -> memref<1x64xi32, #tpu.memory_space<vmem>>
            %dma_wait3A_811 = tpu.memref_squeeze %dma_wait3A_810 : memref<1x64xi32, #tpu.memory_space<vmem>> -> memref<64xi32, #tpu.memory_space<vmem>>
            %dma_wait3A_812 = arith.constant 0 : i32
            %dma_wait3A_813 = arith.constant 0 : i32
            %dma_wait3A_814 = tpu.memref_slice %arg7[%dma_wait3A_812, %dma_wait3A_813] : memref<10240x128xf32, #tpu.memory_space<vmem_shared>> -> memref<10240x128xf32, #tpu.memory_space<vmem_shared>>
            tpu.wait_indirect_dma semaphore(%arg13 : memref<!tpu.dma_semaphore, #tpu.memory_space<semaphore_mem>>) src(%dma_wait3A_808 : memref<64x128xf32, #tpu.memory_space<vmem>>) dst(%dma_wait3A_814 : memref<10240x128xf32, #tpu.memory_space<vmem_shared>>)
          } else {
          }
          %rem3A_746 = arith.constant 8 : i32
          %rem3A_747 = arith.remsi %add3A_730, %rem3A_746 : i32
          %add3A_748 = arith.addi %select_n3A_13, %add3A_730 : i32
          %dma_wait3A_749 = arith.constant 0 : i32
          %dma_wait3A_750 = tpu.memref_slice %run_scoped3A_14[%rem3A_747, %dma_wait3A_749] : memref<8x64xi32, #tpu.memory_space<vmem>> -> memref<1x64xi32, #tpu.memory_space<vmem>>
          %dma_wait3A_751 = tpu.memref_squeeze %dma_wait3A_750 : memref<1x64xi32, #tpu.memory_space<vmem>> -> memref<64xi32, #tpu.memory_space<vmem>>
          %dma_wait3A_752 = arith.constant 0 : i32
          %dma_wait3A_753 = tpu.memref_slice %arg3[%add3A_748, %dma_wait3A_752] : memref<5056x64xi32, #tpu.memory_space<hbm>> -> memref<1x64xi32, #tpu.memory_space<hbm>>
          %dma_wait3A_754 = tpu.memref_squeeze %dma_wait3A_753 : memref<1x64xi32, #tpu.memory_space<hbm>> -> memref<64xi32, #tpu.memory_space<hbm>>
          %dma_wait3A_755 = arith.constant 0 : i32
          %dma_wait3A_756 = tpu.memref_slice %run_scoped3A_14[%rem3A_747, %dma_wait3A_755] : memref<8x64xi32, #tpu.memory_space<vmem>> -> memref<1x64xi32, #tpu.memory_space<vmem>>
          %dma_wait3A_757 = tpu.memref_squeeze %dma_wait3A_756 : memref<1x64xi32, #tpu.memory_space<vmem>> -> memref<64xi32, #tpu.memory_space<vmem>>
          %dma_wait3A_758 = arith.constant 0 : i32
          %dma_wait3A_759 = tpu.memref_slice %arg3[%add3A_748, %dma_wait3A_758] : memref<5056x64xi32, #tpu.memory_space<hbm>> -> memref<1x64xi32, #tpu.memory_space<hbm>>
          %dma_wait3A_760 = tpu.memref_squeeze %dma_wait3A_759 : memref<1x64xi32, #tpu.memory_space<hbm>> -> memref<64xi32, #tpu.memory_space<hbm>>
          tpu.wait_dma2 semaphore(%arg16 : memref<!tpu.dma_semaphore, #tpu.memory_space<semaphore_mem>>) src(%dma_wait3A_760 : memref<64xi32, #tpu.memory_space<hbm>>) dst(%dma_wait3A_757 : memref<64xi32, #tpu.memory_space<vmem>>)
          %add3A_761 = arith.addi %select_n3A_13, %add3A_730 : i32
          %dma_wait3A_762 = arith.constant 0 : i32
          %dma_wait3A_763 = tpu.memref_slice %run_scoped3A_15[%rem3A_747, %dma_wait3A_762] : memref<8x64xi32, #tpu.memory_space<vmem>> -> memref<1x64xi32, #tpu.memory_space<vmem>>
          %dma_wait3A_764 = tpu.memref_squeeze %dma_wait3A_763 : memref<1x64xi32, #tpu.memory_space<vmem>> -> memref<64xi32, #tpu.memory_space<vmem>>
          %dma_wait3A_765 = arith.constant 0 : i32
          %dma_wait3A_766 = tpu.memref_slice %arg4[%add3A_761, %dma_wait3A_765] : memref<5056x64xi32, #tpu.memory_space<hbm>> -> memref<1x64xi32, #tpu.memory_space<hbm>>
          %dma_wait3A_767 = tpu.memref_squeeze %dma_wait3A_766 : memref<1x64xi32, #tpu.memory_space<hbm>> -> memref<64xi32, #tpu.memory_space<hbm>>
          %dma_wait3A_768 = arith.constant 0 : i32
          %dma_wait3A_769 = tpu.memref_slice %run_scoped3A_15[%rem3A_747, %dma_wait3A_768] : memref<8x64xi32, #tpu.memory_space<vmem>> -> memref<1x64xi32, #tpu.memory_space<vmem>>
          %dma_wait3A_770 = tpu.memref_squeeze %dma_wait3A_769 : memref<1x64xi32, #tpu.memory_space<vmem>> -> memref<64xi32, #tpu.memory_space<vmem>>
          %dma_wait3A_771 = arith.constant 0 : i32
          %dma_wait3A_772 = tpu.memref_slice %arg4[%add3A_761, %dma_wait3A_771] : memref<5056x64xi32, #tpu.memory_space<hbm>> -> memref<1x64xi32, #tpu.memory_space<hbm>>
          %dma_wait3A_773 = tpu.memref_squeeze %dma_wait3A_772 : memref<1x64xi32, #tpu.memory_space<hbm>> -> memref<64xi32, #tpu.memory_space<hbm>>
          tpu.wait_dma2 semaphore(%arg16 : memref<!tpu.dma_semaphore, #tpu.memory_space<semaphore_mem>>) src(%dma_wait3A_773 : memref<64xi32, #tpu.memory_space<hbm>>) dst(%dma_wait3A_770 : memref<64xi32, #tpu.memory_space<vmem>>)
          %add3A_774 = arith.addi %select_n3A_13, %add3A_730 : i32
          %dma_wait3A_775 = arith.constant 0 : i32
          %dma_wait3A_776 = tpu.memref_slice %run_scoped3A_16[%rem3A_747, %dma_wait3A_775] : memref<8x64xf32, #tpu.memory_space<vmem>> -> memref<1x64xf32, #tpu.memory_space<vmem>>
          %dma_wait3A_777 = tpu.memref_squeeze %dma_wait3A_776 : memref<1x64xf32, #tpu.memory_space<vmem>> -> memref<64xf32, #tpu.memory_space<vmem>>
          %dma_wait3A_778 = arith.constant 0 : i32
          %dma_wait3A_779 = tpu.memref_slice %arg5[%add3A_774, %dma_wait3A_778] : memref<5056x64xf32, #tpu.memory_space<hbm>> -> memref<1x64xf32, #tpu.memory_space<hbm>>
          %dma_wait3A_780 = tpu.memref_squeeze %dma_wait3A_779 : memref<1x64xf32, #tpu.memory_space<hbm>> -> memref<64xf32, #tpu.memory_space<hbm>>
          %dma_wait3A_781 = arith.constant 0 : i32
          %dma_wait3A_782 = tpu.memref_slice %run_scoped3A_16[%rem3A_747, %dma_wait3A_781] : memref<8x64xf32, #tpu.memory_space<vmem>> -> memref<1x64xf32, #tpu.memory_space<vmem>>
          %dma_wait3A_783 = tpu.memref_squeeze %dma_wait3A_782 : memref<1x64xf32, #tpu.memory_space<vmem>> -> memref<64xf32, #tpu.memory_space<vmem>>
          %dma_wait3A_784 = arith.constant 0 : i32
          %dma_wait3A_785 = tpu.memref_slice %arg5[%add3A_774, %dma_wait3A_784] : memref<5056x64xf32, #tpu.memory_space<hbm>> -> memref<1x64xf32, #tpu.memory_space<hbm>>
          %dma_wait3A_786 = tpu.memref_squeeze %dma_wait3A_785 : memref<1x64xf32, #tpu.memory_space<hbm>> -> memref<64xf32, #tpu.memory_space<hbm>>
          tpu.wait_dma2 semaphore(%arg16 : memref<!tpu.dma_semaphore, #tpu.memory_space<semaphore_mem>>) src(%dma_wait3A_786 : memref<64xf32, #tpu.memory_space<hbm>>) dst(%dma_wait3A_783 : memref<64xf32, #tpu.memory_space<vmem>>)
          %rem3A_787 = arith.constant 8 : i32
          %rem3A_788 = arith.remsi %add3A_730, %rem3A_787 : i32
          %dma_start3A_789 = arith.constant 1 : i32
          %dma_start3A_790 = arith.constant 0 : i32
          %dma_start3A_791 = arith.constant 0 : i32
          %dma_start3A_792 = tpu.memref_slice %run_scoped3A[%dma_start3A_789, %dma_start3A_790, %dma_start3A_791] : memref<4x64x128xf32, #tpu.memory_space<vmem>> -> memref<1x64x128xf32, #tpu.memory_space<vmem>>
          %dma_start3A_793 = tpu.memref_squeeze %dma_start3A_792 : memref<1x64x128xf32, #tpu.memory_space<vmem>> -> memref<64x128xf32, #tpu.memory_space<vmem>>
          %dma_start3A_794 = arith.constant 0 : i32
          %dma_start3A_795 = tpu.memref_slice %run_scoped3A_14[%rem3A_788, %dma_start3A_794] : memref<8x64xi32, #tpu.memory_space<vmem>> -> memref<1x64xi32, #tpu.memory_space<vmem>>
          %dma_start3A_796 = tpu.memref_squeeze %dma_start3A_795 : memref<1x64xi32, #tpu.memory_space<vmem>> -> memref<64xi32, #tpu.memory_space<vmem>>
          %dma_start3A_797 = arith.constant 0 : i32
          %dma_start3A_798 = arith.constant 0 : i32
          %dma_start3A_799 = tpu.memref_slice %arg2[%dma_start3A_797, %dma_start3A_798] : memref<10240x128xf32, #tpu.memory_space<hbm>> -> memref<10240x128xf32, #tpu.memory_space<hbm>>
          tpu.enqueue_indirect_dma source(%dma_start3A_799 : memref<10240x128xf32, #tpu.memory_space<hbm>>) target(%dma_start3A_793 : memref<64x128xf32, #tpu.memory_space<vmem>>) offsets(%dma_start3A_796 : memref<64xi32, #tpu.memory_space<vmem>>) semaphore(%arg9 : memref<!tpu.dma_semaphore, #tpu.memory_space<semaphore_mem>>)
        } else {
        }
        %add3A_735 = arith.constant 6 : i32
        %add3A_736 = arith.addi %add3A_693, %add3A_735 : i32
        %lt3A_737 = arith.cmpi slt, %add3A_736, %select_n3A : i32
        %convert_element_type3A_738 = arith.extui %lt3A_737 : i1 to i32
        %cond3A_739 = arith.constant 0 : i32
        %cond3A_740 = arith.cmpi ne, %convert_element_type3A_738, %cond3A_739 : i32
        scf.if %cond3A_740 {
          %rem3A_742 = arith.constant 8 : i32
          %rem3A_743 = arith.remsi %add3A_736, %rem3A_742 : i32
          %add3A_744 = arith.addi %select_n3A_13, %add3A_736 : i32
          %dma_start3A_745 = arith.constant 0 : i32
          %dma_start3A_746 = tpu.memref_slice %run_scoped3A_14[%rem3A_743, %dma_start3A_745] : memref<8x64xi32, #tpu.memory_space<vmem>> -> memref<1x64xi32, #tpu.memory_space<vmem>>
          %dma_start3A_747 = tpu.memref_squeeze %dma_start3A_746 : memref<1x64xi32, #tpu.memory_space<vmem>> -> memref<64xi32, #tpu.memory_space<vmem>>
          %dma_start3A_748 = arith.constant 0 : i32
          %dma_start3A_749 = tpu.memref_slice %arg3[%add3A_744, %dma_start3A_748] : memref<5056x64xi32, #tpu.memory_space<hbm>> -> memref<1x64xi32, #tpu.memory_space<hbm>>
          %dma_start3A_750 = tpu.memref_squeeze %dma_start3A_749 : memref<1x64xi32, #tpu.memory_space<hbm>> -> memref<64xi32, #tpu.memory_space<hbm>>
          %dma_start3A_751 = arith.constant 0 : i32
          %dma_start3A_752 = tpu.memref_slice %run_scoped3A_14[%rem3A_743, %dma_start3A_751] : memref<8x64xi32, #tpu.memory_space<vmem>> -> memref<1x64xi32, #tpu.memory_space<vmem>>
          %dma_start3A_753 = tpu.memref_squeeze %dma_start3A_752 : memref<1x64xi32, #tpu.memory_space<vmem>> -> memref<64xi32, #tpu.memory_space<vmem>>
          %dma_start3A_754 = arith.constant 0 : i32
          %dma_start3A_755 = tpu.memref_slice %arg3[%add3A_744, %dma_start3A_754] : memref<5056x64xi32, #tpu.memory_space<hbm>> -> memref<1x64xi32, #tpu.memory_space<hbm>>
          %dma_start3A_756 = tpu.memref_squeeze %dma_start3A_755 : memref<1x64xi32, #tpu.memory_space<hbm>> -> memref<64xi32, #tpu.memory_space<hbm>>
          tpu.enqueue_dma source(%dma_start3A_756 : memref<64xi32, #tpu.memory_space<hbm>>) target(%dma_start3A_753 : memref<64xi32, #tpu.memory_space<vmem>>) target_semaphore(%arg16 : memref<!tpu.dma_semaphore, #tpu.memory_space<semaphore_mem>>)
          %add3A_757 = arith.addi %select_n3A_13, %add3A_736 : i32
          %dma_start3A_758 = arith.constant 0 : i32
          %dma_start3A_759 = tpu.memref_slice %run_scoped3A_15[%rem3A_743, %dma_start3A_758] : memref<8x64xi32, #tpu.memory_space<vmem>> -> memref<1x64xi32, #tpu.memory_space<vmem>>
          %dma_start3A_760 = tpu.memref_squeeze %dma_start3A_759 : memref<1x64xi32, #tpu.memory_space<vmem>> -> memref<64xi32, #tpu.memory_space<vmem>>
          %dma_start3A_761 = arith.constant 0 : i32
          %dma_start3A_762 = tpu.memref_slice %arg4[%add3A_757, %dma_start3A_761] : memref<5056x64xi32, #tpu.memory_space<hbm>> -> memref<1x64xi32, #tpu.memory_space<hbm>>
          %dma_start3A_763 = tpu.memref_squeeze %dma_start3A_762 : memref<1x64xi32, #tpu.memory_space<hbm>> -> memref<64xi32, #tpu.memory_space<hbm>>
          %dma_start3A_764 = arith.constant 0 : i32
          %dma_start3A_765 = tpu.memref_slice %run_scoped3A_15[%rem3A_743, %dma_start3A_764] : memref<8x64xi32, #tpu.memory_space<vmem>> -> memref<1x64xi32, #tpu.memory_space<vmem>>
          %dma_start3A_766 = tpu.memref_squeeze %dma_start3A_765 : memref<1x64xi32, #tpu.memory_space<vmem>> -> memref<64xi32, #tpu.memory_space<vmem>>
          %dma_start3A_767 = arith.constant 0 : i32
          %dma_start3A_768 = tpu.memref_slice %arg4[%add3A_757, %dma_start3A_767] : memref<5056x64xi32, #tpu.memory_space<hbm>> -> memref<1x64xi32, #tpu.memory_space<hbm>>
          %dma_start3A_769 = tpu.memref_squeeze %dma_start3A_768 : memref<1x64xi32, #tpu.memory_space<hbm>> -> memref<64xi32, #tpu.memory_space<hbm>>
          tpu.enqueue_dma source(%dma_start3A_769 : memref<64xi32, #tpu.memory_space<hbm>>) target(%dma_start3A_766 : memref<64xi32, #tpu.memory_space<vmem>>) target_semaphore(%arg16 : memref<!tpu.dma_semaphore, #tpu.memory_space<semaphore_mem>>)
          %add3A_770 = arith.addi %select_n3A_13, %add3A_736 : i32
          %dma_start3A_771 = arith.constant 0 : i32
          %dma_start3A_772 = tpu.memref_slice %run_scoped3A_16[%rem3A_743, %dma_start3A_771] : memref<8x64xf32, #tpu.memory_space<vmem>> -> memref<1x64xf32, #tpu.memory_space<vmem>>
          %dma_start3A_773 = tpu.memref_squeeze %dma_start3A_772 : memref<1x64xf32, #tpu.memory_space<vmem>> -> memref<64xf32, #tpu.memory_space<vmem>>
          %dma_start3A_774 = arith.constant 0 : i32
          %dma_start3A_775 = tpu.memref_slice %arg5[%add3A_770, %dma_start3A_774] : memref<5056x64xf32, #tpu.memory_space<hbm>> -> memref<1x64xf32, #tpu.memory_space<hbm>>
          %dma_start3A_776 = tpu.memref_squeeze %dma_start3A_775 : memref<1x64xf32, #tpu.memory_space<hbm>> -> memref<64xf32, #tpu.memory_space<hbm>>
          %dma_start3A_777 = arith.constant 0 : i32
          %dma_start3A_778 = tpu.memref_slice %run_scoped3A_16[%rem3A_743, %dma_start3A_777] : memref<8x64xf32, #tpu.memory_space<vmem>> -> memref<1x64xf32, #tpu.memory_space<vmem>>
          %dma_start3A_779 = tpu.memref_squeeze %dma_start3A_778 : memref<1x64xf32, #tpu.memory_space<vmem>> -> memref<64xf32, #tpu.memory_space<vmem>>
          %dma_start3A_780 = arith.constant 0 : i32
          %dma_start3A_781 = tpu.memref_slice %arg5[%add3A_770, %dma_start3A_780] : memref<5056x64xf32, #tpu.memory_space<hbm>> -> memref<1x64xf32, #tpu.memory_space<hbm>>
          %dma_start3A_782 = tpu.memref_squeeze %dma_start3A_781 : memref<1x64xf32, #tpu.memory_space<hbm>> -> memref<64xf32, #tpu.memory_space<hbm>>
          tpu.enqueue_dma source(%dma_start3A_782 : memref<64xf32, #tpu.memory_space<hbm>>) target(%dma_start3A_779 : memref<64xf32, #tpu.memory_space<vmem>>) target_semaphore(%arg16 : memref<!tpu.dma_semaphore, #tpu.memory_space<semaphore_mem>>)
        } else {
        }
        %while3A_741 = arith.constant 0 : i32
        scf.yield %while3A_741 : i32
      }
      %while3A_466 = arith.constant 1 : i32
      %while3A_467 = scf.for %while3A_544 = %while3A_463 to %while3A_459 step %while3A_466 iter_args(%while3A_545 = %while3A_465) -> (i32)  : i32 {
        %mul3A_546 = arith.constant 4 : i32
        %mul3A_547 = arith.muli %while3A_544, %mul3A_546 : i32
        %add3A_548 = arith.constant 0 : i32
        %add3A_549 = arith.addi %mul3A_547, %add3A_548 : i32
        %rem3A_550 = arith.constant 8 : i32
        %rem3A_551 = arith.remsi %add3A_549, %rem3A_550 : i32
        %dma_wait3A_552 = arith.constant 0 : i32
        %dma_wait3A_553 = arith.constant 0 : i32
        %dma_wait3A_554 = arith.constant 0 : i32
        %dma_wait3A_555 = tpu.memref_slice %run_scoped3A[%dma_wait3A_552, %dma_wait3A_553, %dma_wait3A_554] : memref<4x64x128xf32, #tpu.memory_space<vmem>> -> memref<1x64x128xf32, #tpu.memory_space<vmem>>
        %dma_wait3A_556 = tpu.memref_squeeze %dma_wait3A_555 : memref<1x64x128xf32, #tpu.memory_space<vmem>> -> memref<64x128xf32, #tpu.memory_space<vmem>>
        %dma_wait3A_557 = arith.constant 0 : i32
        %dma_wait3A_558 = tpu.memref_slice %run_scoped3A_14[%rem3A_551, %dma_wait3A_557] : memref<8x64xi32, #tpu.memory_space<vmem>> -> memref<1x64xi32, #tpu.memory_space<vmem>>
        %dma_wait3A_559 = tpu.memref_squeeze %dma_wait3A_558 : memref<1x64xi32, #tpu.memory_space<vmem>> -> memref<64xi32, #tpu.memory_space<vmem>>
        %dma_wait3A_560 = arith.constant 0 : i32
        %dma_wait3A_561 = arith.constant 0 : i32
        %dma_wait3A_562 = tpu.memref_slice %arg2[%dma_wait3A_560, %dma_wait3A_561] : memref<10240x128xf32, #tpu.memory_space<hbm>> -> memref<10240x128xf32, #tpu.memory_space<hbm>>
        tpu.wait_indirect_dma semaphore(%arg8 : memref<!tpu.dma_semaphore, #tpu.memory_space<semaphore_mem>>) src(%dma_wait3A_562 : memref<10240x128xf32, #tpu.memory_space<hbm>>) dst(%dma_wait3A_556 : memref<64x128xf32, #tpu.memory_space<vmem>>)
        %rem3A_563 = arith.constant 8 : i32
        %rem3A_564 = arith.remsi %add3A_549, %rem3A_563 : i32
        %scan3A_565 = arith.constant 0 : i32
        %scan3A_566 = arith.constant 0 : i32
        %scan3A_567 = arith.constant 64 : i32
        %scan3A_568 = arith.addi %scan3A_566, %scan3A_567 : i32
        %scan3A_569 = arith.constant 1 : i32
        %scan3A_570 = scf.for %scan3A_742 = %scan3A_566 to %scan3A_568 step %scan3A_569 iter_args(%scan3A_743 = %scan3A_565) -> (i32)  : i32 {
          %add3A_744 = vector.broadcast %rem3A_564 : i32 to vector<16xi32>
          %add3A_745 = arith.addi %broadcast_in_dim3A_2, %add3A_744 : vector<16xi32>
          %add3A_746 = vector.broadcast %scan3A_742 : i32 to vector<16xi32>
          %add3A_747 = arith.addi %broadcast_in_dim3A_2, %add3A_746 : vector<16xi32>
          %gather3A = tpu.vector_load_idx %run_scoped3A_16[%add3A_745, %add3A_747] : memref<8x64xf32, #tpu.memory_space<vmem>>[vector<16xi32>, vector<16xi32>], vector<16xf32>,
          %get3A = arith.constant 0 : i32
          %get3A_748 = arith.index_cast %get3A : i32 to index
          %get3A_749 = arith.index_cast %scan3A_742 : i32 to index
          %get3A_750 = arith.constant 0 : index
          %get3A_751 = tpu.vector_load %run_scoped3A[%get3A_748, %get3A_749, %get3A_750] {strides = array<i32>} : memref<4x64x128xf32, #tpu.memory_space<vmem>>, vector<16xf32>,
          %mul3A_752 = arith.mulf %get3A_751, %gather3A : vector<16xf32>
          %swap3A = arith.constant 0 : i32
          %swap3A_753 = arith.index_cast %swap3A : i32 to index
          %swap3A_754 = arith.index_cast %scan3A_742 : i32 to index
          %swap3A_755 = arith.constant 0 : index
          %swap3A_756 = tpu.vector_load %run_scoped3A[%swap3A_753, %swap3A_754, %swap3A_755] {strides = array<i32>} : memref<4x64x128xf32, #tpu.memory_space<vmem>>, vector<16xf32>,
          tpu.vector_store %run_scoped3A[%swap3A_753, %swap3A_754, %swap3A_755], %mul3A_752 {strides = array<i32>} : memref<4x64x128xf32, #tpu.memory_space<vmem>>, vector<16xf32>,
          %get3A_757 = arith.constant 0 : i32
          %get3A_758 = arith.index_cast %get3A_757 : i32 to index
          %get3A_759 = arith.index_cast %scan3A_742 : i32 to index
          %get3A_760 = arith.constant 16 : index
          %get3A_761 = tpu.vector_load %run_scoped3A[%get3A_758, %get3A_759, %get3A_760] {strides = array<i32>} : memref<4x64x128xf32, #tpu.memory_space<vmem>>, vector<16xf32>,
          %mul3A_762 = arith.mulf %get3A_761, %gather3A : vector<16xf32>
          %swap3A_763 = arith.constant 0 : i32
          %swap3A_764 = arith.index_cast %swap3A_763 : i32 to index
          %swap3A_765 = arith.index_cast %scan3A_742 : i32 to index
          %swap3A_766 = arith.constant 16 : index
          %swap3A_767 = tpu.vector_load %run_scoped3A[%swap3A_764, %swap3A_765, %swap3A_766] {strides = array<i32>} : memref<4x64x128xf32, #tpu.memory_space<vmem>>, vector<16xf32>,
          tpu.vector_store %run_scoped3A[%swap3A_764, %swap3A_765, %swap3A_766], %mul3A_762 {strides = array<i32>} : memref<4x64x128xf32, #tpu.memory_space<vmem>>, vector<16xf32>,
          %get3A_768 = arith.constant 0 : i32
          %get3A_769 = arith.index_cast %get3A_768 : i32 to index
          %get3A_770 = arith.index_cast %scan3A_742 : i32 to index
          %get3A_771 = arith.constant 32 : index
          %get3A_772 = tpu.vector_load %run_scoped3A[%get3A_769, %get3A_770, %get3A_771] {strides = array<i32>} : memref<4x64x128xf32, #tpu.memory_space<vmem>>, vector<16xf32>,
          %mul3A_773 = arith.mulf %get3A_772, %gather3A : vector<16xf32>
          %swap3A_774 = arith.constant 0 : i32
          %swap3A_775 = arith.index_cast %swap3A_774 : i32 to index
          %swap3A_776 = arith.index_cast %scan3A_742 : i32 to index
          %swap3A_777 = arith.constant 32 : index
          %swap3A_778 = tpu.vector_load %run_scoped3A[%swap3A_775, %swap3A_776, %swap3A_777] {strides = array<i32>} : memref<4x64x128xf32, #tpu.memory_space<vmem>>, vector<16xf32>,
          tpu.vector_store %run_scoped3A[%swap3A_775, %swap3A_776, %swap3A_777], %mul3A_773 {strides = array<i32>} : memref<4x64x128xf32, #tpu.memory_space<vmem>>, vector<16xf32>,
          %get3A_779 = arith.constant 0 : i32
          %get3A_780 = arith.index_cast %get3A_779 : i32 to index
          %get3A_781 = arith.index_cast %scan3A_742 : i32 to index
          %get3A_782 = arith.constant 48 : index
          %get3A_783 = tpu.vector_load %run_scoped3A[%get3A_780, %get3A_781, %get3A_782] {strides = array<i32>} : memref<4x64x128xf32, #tpu.memory_space<vmem>>, vector<16xf32>,
          %mul3A_784 = arith.mulf %get3A_783, %gather3A : vector<16xf32>
          %swap3A_785 = arith.constant 0 : i32
          %swap3A_786 = arith.index_cast %swap3A_785 : i32 to index
          %swap3A_787 = arith.index_cast %scan3A_742 : i32 to index
          %swap3A_788 = arith.constant 48 : index
          %swap3A_789 = tpu.vector_load %run_scoped3A[%swap3A_786, %swap3A_787, %swap3A_788] {strides = array<i32>} : memref<4x64x128xf32, #tpu.memory_space<vmem>>, vector<16xf32>,
          tpu.vector_store %run_scoped3A[%swap3A_786, %swap3A_787, %swap3A_788], %mul3A_784 {strides = array<i32>} : memref<4x64x128xf32, #tpu.memory_space<vmem>>, vector<16xf32>,
          %get3A_790 = arith.constant 0 : i32
          %get3A_791 = arith.index_cast %get3A_790 : i32 to index
          %get3A_792 = arith.index_cast %scan3A_742 : i32 to index
          %get3A_793 = arith.constant 64 : index
          %get3A_794 = tpu.vector_load %run_scoped3A[%get3A_791, %get3A_792, %get3A_793] {strides = array<i32>} : memref<4x64x128xf32, #tpu.memory_space<vmem>>, vector<16xf32>,
          %mul3A_795 = arith.mulf %get3A_794, %gather3A : vector<16xf32>
          %swap3A_796 = arith.constant 0 : i32
          %swap3A_797 = arith.index_cast %swap3A_796 : i32 to index
          %swap3A_798 = arith.index_cast %scan3A_742 : i32 to index
          %swap3A_799 = arith.constant 64 : index
          %swap3A_800 = tpu.vector_load %run_scoped3A[%swap3A_797, %swap3A_798, %swap3A_799] {strides = array<i32>} : memref<4x64x128xf32, #tpu.memory_space<vmem>>, vector<16xf32>,
          tpu.vector_store %run_scoped3A[%swap3A_797, %swap3A_798, %swap3A_799], %mul3A_795 {strides = array<i32>} : memref<4x64x128xf32, #tpu.memory_space<vmem>>, vector<16xf32>,
          %get3A_801 = arith.constant 0 : i32
          %get3A_802 = arith.index_cast %get3A_801 : i32 to index
          %get3A_803 = arith.index_cast %scan3A_742 : i32 to index
          %get3A_804 = arith.constant 80 : index
          %get3A_805 = tpu.vector_load %run_scoped3A[%get3A_802, %get3A_803, %get3A_804] {strides = array<i32>} : memref<4x64x128xf32, #tpu.memory_space<vmem>>, vector<16xf32>,
          %mul3A_806 = arith.mulf %get3A_805, %gather3A : vector<16xf32>
          %swap3A_807 = arith.constant 0 : i32
          %swap3A_808 = arith.index_cast %swap3A_807 : i32 to index
          %swap3A_809 = arith.index_cast %scan3A_742 : i32 to index
          %swap3A_810 = arith.constant 80 : index
          %swap3A_811 = tpu.vector_load %run_scoped3A[%swap3A_808, %swap3A_809, %swap3A_810] {strides = array<i32>} : memref<4x64x128xf32, #tpu.memory_space<vmem>>, vector<16xf32>,
          tpu.vector_store %run_scoped3A[%swap3A_808, %swap3A_809, %swap3A_810], %mul3A_806 {strides = array<i32>} : memref<4x64x128xf32, #tpu.memory_space<vmem>>, vector<16xf32>,
          %get3A_812 = arith.constant 0 : i32
          %get3A_813 = arith.index_cast %get3A_812 : i32 to index
          %get3A_814 = arith.index_cast %scan3A_742 : i32 to index
          %get3A_815 = arith.constant 96 : index
          %get3A_816 = tpu.vector_load %run_scoped3A[%get3A_813, %get3A_814, %get3A_815] {strides = array<i32>} : memref<4x64x128xf32, #tpu.memory_space<vmem>>, vector<16xf32>,
          %mul3A_817 = arith.mulf %get3A_816, %gather3A : vector<16xf32>
          %swap3A_818 = arith.constant 0 : i32
          %swap3A_819 = arith.index_cast %swap3A_818 : i32 to index
          %swap3A_820 = arith.index_cast %scan3A_742 : i32 to index
          %swap3A_821 = arith.constant 96 : index
          %swap3A_822 = tpu.vector_load %run_scoped3A[%swap3A_819, %swap3A_820, %swap3A_821] {strides = array<i32>} : memref<4x64x128xf32, #tpu.memory_space<vmem>>, vector<16xf32>,
          tpu.vector_store %run_scoped3A[%swap3A_819, %swap3A_820, %swap3A_821], %mul3A_817 {strides = array<i32>} : memref<4x64x128xf32, #tpu.memory_space<vmem>>, vector<16xf32>,
          %get3A_823 = arith.constant 0 : i32
          %get3A_824 = arith.index_cast %get3A_823 : i32 to index
          %get3A_825 = arith.index_cast %scan3A_742 : i32 to index
          %get3A_826 = arith.constant 112 : index
          %get3A_827 = tpu.vector_load %run_scoped3A[%get3A_824, %get3A_825, %get3A_826] {strides = array<i32>} : memref<4x64x128xf32, #tpu.memory_space<vmem>>, vector<16xf32>,
          %mul3A_828 = arith.mulf %get3A_827, %gather3A : vector<16xf32>
          %swap3A_829 = arith.constant 0 : i32
          %swap3A_830 = arith.index_cast %swap3A_829 : i32 to index
          %swap3A_831 = arith.index_cast %scan3A_742 : i32 to index
          %swap3A_832 = arith.constant 112 : index
          %swap3A_833 = tpu.vector_load %run_scoped3A[%swap3A_830, %swap3A_831, %swap3A_832] {strides = array<i32>} : memref<4x64x128xf32, #tpu.memory_space<vmem>>, vector<16xf32>,
          tpu.vector_store %run_scoped3A[%swap3A_830, %swap3A_831, %swap3A_832], %mul3A_828 {strides = array<i32>} : memref<4x64x128xf32, #tpu.memory_space<vmem>>, vector<16xf32>,
          %scan3A_834 = arith.constant 0 : i32
          scf.yield %scan3A_834 : i32
        }
        %scan3A_571 = arith.constant 64 : i32
        %rem3A_572 = arith.constant 8 : i32
        %rem3A_573 = arith.remsi %add3A_549, %rem3A_572 : i32
        %dma_start3A_574 = arith.constant 0 : i32
        %dma_start3A_575 = arith.constant 0 : i32
        %dma_start3A_576 = arith.constant 0 : i32
        %dma_start3A_577 = tpu.memref_slice %run_scoped3A[%dma_start3A_574, %dma_start3A_575, %dma_start3A_576] : memref<4x64x128xf32, #tpu.memory_space<vmem>> -> memref<1x64x128xf32, #tpu.memory_space<vmem>>
        %dma_start3A_578 = tpu.memref_squeeze %dma_start3A_577 : memref<1x64x128xf32, #tpu.memory_space<vmem>> -> memref<64x128xf32, #tpu.memory_space<vmem>>
        %dma_start3A_579 = arith.constant 0 : i32
        %dma_start3A_580 = tpu.memref_slice %run_scoped3A_15[%rem3A_573, %dma_start3A_579] : memref<8x64xi32, #tpu.memory_space<vmem>> -> memref<1x64xi32, #tpu.memory_space<vmem>>
        %dma_start3A_581 = tpu.memref_squeeze %dma_start3A_580 : memref<1x64xi32, #tpu.memory_space<vmem>> -> memref<64xi32, #tpu.memory_space<vmem>>
        %dma_start3A_582 = arith.constant 0 : i32
        %dma_start3A_583 = arith.constant 0 : i32
        %dma_start3A_584 = tpu.memref_slice %arg7[%dma_start3A_582, %dma_start3A_583] : memref<10240x128xf32, #tpu.memory_space<vmem_shared>> -> memref<10240x128xf32, #tpu.memory_space<vmem_shared>>
        tpu.enqueue_indirect_dma source(%dma_start3A_578 : memref<64x128xf32, #tpu.memory_space<vmem>>) target(%dma_start3A_584 : memref<10240x128xf32, #tpu.memory_space<vmem_shared>>) offsets(%dma_start3A_581 : memref<64xi32, #tpu.memory_space<vmem>>) semaphore(%arg12 : memref<!tpu.dma_semaphore, #tpu.memory_space<semaphore_mem>>) {add = true}
        %add3A_585 = arith.constant 2 : i32
        %add3A_586 = arith.addi %add3A_549, %add3A_585 : i32
        %lt3A = arith.cmpi slt, %add3A_586, %select_n3A : i32
        %convert_element_type3A = arith.extui %lt3A : i1 to i32
        %cond3A = arith.constant 0 : i32
        %cond3A_587 = arith.cmpi ne, %convert_element_type3A, %cond3A : i32
        scf.if %cond3A_587 {
          %ge3A = arith.constant 4 : i32
          %ge3A_742 = arith.cmpi sge, %add3A_586, %ge3A : i32
          %convert_element_type3A_743 = arith.extui %ge3A_742 : i1 to i32
          %cond3A_744 = arith.constant 0 : i32
          %cond3A_745 = arith.cmpi ne, %convert_element_type3A_743, %cond3A_744 : i32
          scf.if %cond3A_745 {
            %sub3A_800 = arith.constant 4 : i32
            %sub3A_801 = arith.subi %add3A_586, %sub3A_800 : i32
            %rem3A_802 = arith.constant 8 : i32
            %rem3A_803 = arith.remsi %sub3A_801, %rem3A_802 : i32
            %dma_wait3A_804 = arith.constant 2 : i32
            %dma_wait3A_805 = arith.constant 0 : i32
            %dma_wait3A_806 = arith.constant 0 : i32
            %dma_wait3A_807 = tpu.memref_slice %run_scoped3A[%dma_wait3A_804, %dma_wait3A_805, %dma_wait3A_806] : memref<4x64x128xf32, #tpu.memory_space<vmem>> -> memref<1x64x128xf32, #tpu.memory_space<vmem>>
            %dma_wait3A_808 = tpu.memref_squeeze %dma_wait3A_807 : memref<1x64x128xf32, #tpu.memory_space<vmem>> -> memref<64x128xf32, #tpu.memory_space<vmem>>
            %dma_wait3A_809 = arith.constant 0 : i32
            %dma_wait3A_810 = tpu.memref_slice %run_scoped3A_15[%rem3A_803, %dma_wait3A_809] : memref<8x64xi32, #tpu.memory_space<vmem>> -> memref<1x64xi32, #tpu.memory_space<vmem>>
            %dma_wait3A_811 = tpu.memref_squeeze %dma_wait3A_810 : memref<1x64xi32, #tpu.memory_space<vmem>> -> memref<64xi32, #tpu.memory_space<vmem>>
            %dma_wait3A_812 = arith.constant 0 : i32
            %dma_wait3A_813 = arith.constant 0 : i32
            %dma_wait3A_814 = tpu.memref_slice %arg7[%dma_wait3A_812, %dma_wait3A_813] : memref<10240x128xf32, #tpu.memory_space<vmem_shared>> -> memref<10240x128xf32, #tpu.memory_space<vmem_shared>>
            tpu.wait_indirect_dma semaphore(%arg14 : memref<!tpu.dma_semaphore, #tpu.memory_space<semaphore_mem>>) src(%dma_wait3A_808 : memref<64x128xf32, #tpu.memory_space<vmem>>) dst(%dma_wait3A_814 : memref<10240x128xf32, #tpu.memory_space<vmem_shared>>)
          } else {
          }
          %rem3A_746 = arith.constant 8 : i32
          %rem3A_747 = arith.remsi %add3A_586, %rem3A_746 : i32
          %add3A_748 = arith.addi %select_n3A_13, %add3A_586 : i32
          %dma_wait3A_749 = arith.constant 0 : i32
          %dma_wait3A_750 = tpu.memref_slice %run_scoped3A_14[%rem3A_747, %dma_wait3A_749] : memref<8x64xi32, #tpu.memory_space<vmem>> -> memref<1x64xi32, #tpu.memory_space<vmem>>
          %dma_wait3A_751 = tpu.memref_squeeze %dma_wait3A_750 : memref<1x64xi32, #tpu.memory_space<vmem>> -> memref<64xi32, #tpu.memory_space<vmem>>
          %dma_wait3A_752 = arith.constant 0 : i32
          %dma_wait3A_753 = tpu.memref_slice %arg3[%add3A_748, %dma_wait3A_752] : memref<5056x64xi32, #tpu.memory_space<hbm>> -> memref<1x64xi32, #tpu.memory_space<hbm>>
          %dma_wait3A_754 = tpu.memref_squeeze %dma_wait3A_753 : memref<1x64xi32, #tpu.memory_space<hbm>> -> memref<64xi32, #tpu.memory_space<hbm>>
          %dma_wait3A_755 = arith.constant 0 : i32
          %dma_wait3A_756 = tpu.memref_slice %run_scoped3A_14[%rem3A_747, %dma_wait3A_755] : memref<8x64xi32, #tpu.memory_space<vmem>> -> memref<1x64xi32, #tpu.memory_space<vmem>>
          %dma_wait3A_757 = tpu.memref_squeeze %dma_wait3A_756 : memref<1x64xi32, #tpu.memory_space<vmem>> -> memref<64xi32, #tpu.memory_space<vmem>>
          %dma_wait3A_758 = arith.constant 0 : i32
          %dma_wait3A_759 = tpu.memref_slice %arg3[%add3A_748, %dma_wait3A_758] : memref<5056x64xi32, #tpu.memory_space<hbm>> -> memref<1x64xi32, #tpu.memory_space<hbm>>
          %dma_wait3A_760 = tpu.memref_squeeze %dma_wait3A_759 : memref<1x64xi32, #tpu.memory_space<hbm>> -> memref<64xi32, #tpu.memory_space<hbm>>
          tpu.wait_dma2 semaphore(%arg16 : memref<!tpu.dma_semaphore, #tpu.memory_space<semaphore_mem>>) src(%dma_wait3A_760 : memref<64xi32, #tpu.memory_space<hbm>>) dst(%dma_wait3A_757 : memref<64xi32, #tpu.memory_space<vmem>>)
          %add3A_761 = arith.addi %select_n3A_13, %add3A_586 : i32
          %dma_wait3A_762 = arith.constant 0 : i32
          %dma_wait3A_763 = tpu.memref_slice %run_scoped3A_15[%rem3A_747, %dma_wait3A_762] : memref<8x64xi32, #tpu.memory_space<vmem>> -> memref<1x64xi32, #tpu.memory_space<vmem>>
          %dma_wait3A_764 = tpu.memref_squeeze %dma_wait3A_763 : memref<1x64xi32, #tpu.memory_space<vmem>> -> memref<64xi32, #tpu.memory_space<vmem>>
          %dma_wait3A_765 = arith.constant 0 : i32
          %dma_wait3A_766 = tpu.memref_slice %arg4[%add3A_761, %dma_wait3A_765] : memref<5056x64xi32, #tpu.memory_space<hbm>> -> memref<1x64xi32, #tpu.memory_space<hbm>>
          %dma_wait3A_767 = tpu.memref_squeeze %dma_wait3A_766 : memref<1x64xi32, #tpu.memory_space<hbm>> -> memref<64xi32, #tpu.memory_space<hbm>>
          %dma_wait3A_768 = arith.constant 0 : i32
          %dma_wait3A_769 = tpu.memref_slice %run_scoped3A_15[%rem3A_747, %dma_wait3A_768] : memref<8x64xi32, #tpu.memory_space<vmem>> -> memref<1x64xi32, #tpu.memory_space<vmem>>
          %dma_wait3A_770 = tpu.memref_squeeze %dma_wait3A_769 : memref<1x64xi32, #tpu.memory_space<vmem>> -> memref<64xi32, #tpu.memory_space<vmem>>
          %dma_wait3A_771 = arith.constant 0 : i32
          %dma_wait3A_772 = tpu.memref_slice %arg4[%add3A_761, %dma_wait3A_771] : memref<5056x64xi32, #tpu.memory_space<hbm>> -> memref<1x64xi32, #tpu.memory_space<hbm>>
          %dma_wait3A_773 = tpu.memref_squeeze %dma_wait3A_772 : memref<1x64xi32, #tpu.memory_space<hbm>> -> memref<64xi32, #tpu.memory_space<hbm>>
          tpu.wait_dma2 semaphore(%arg16 : memref<!tpu.dma_semaphore, #tpu.memory_space<semaphore_mem>>) src(%dma_wait3A_773 : memref<64xi32, #tpu.memory_space<hbm>>) dst(%dma_wait3A_770 : memref<64xi32, #tpu.memory_space<vmem>>)
          %add3A_774 = arith.addi %select_n3A_13, %add3A_586 : i32
          %dma_wait3A_775 = arith.constant 0 : i32
          %dma_wait3A_776 = tpu.memref_slice %run_scoped3A_16[%rem3A_747, %dma_wait3A_775] : memref<8x64xf32, #tpu.memory_space<vmem>> -> memref<1x64xf32, #tpu.memory_space<vmem>>
          %dma_wait3A_777 = tpu.memref_squeeze %dma_wait3A_776 : memref<1x64xf32, #tpu.memory_space<vmem>> -> memref<64xf32, #tpu.memory_space<vmem>>
          %dma_wait3A_778 = arith.constant 0 : i32
          %dma_wait3A_779 = tpu.memref_slice %arg5[%add3A_774, %dma_wait3A_778] : memref<5056x64xf32, #tpu.memory_space<hbm>> -> memref<1x64xf32, #tpu.memory_space<hbm>>
          %dma_wait3A_780 = tpu.memref_squeeze %dma_wait3A_779 : memref<1x64xf32, #tpu.memory_space<hbm>> -> memref<64xf32, #tpu.memory_space<hbm>>
          %dma_wait3A_781 = arith.constant 0 : i32
          %dma_wait3A_782 = tpu.memref_slice %run_scoped3A_16[%rem3A_747, %dma_wait3A_781] : memref<8x64xf32, #tpu.memory_space<vmem>> -> memref<1x64xf32, #tpu.memory_space<vmem>>
          %dma_wait3A_783 = tpu.memref_squeeze %dma_wait3A_782 : memref<1x64xf32, #tpu.memory_space<vmem>> -> memref<64xf32, #tpu.memory_space<vmem>>
          %dma_wait3A_784 = arith.constant 0 : i32
          %dma_wait3A_785 = tpu.memref_slice %arg5[%add3A_774, %dma_wait3A_784] : memref<5056x64xf32, #tpu.memory_space<hbm>> -> memref<1x64xf32, #tpu.memory_space<hbm>>
          %dma_wait3A_786 = tpu.memref_squeeze %dma_wait3A_785 : memref<1x64xf32, #tpu.memory_space<hbm>> -> memref<64xf32, #tpu.memory_space<hbm>>
          tpu.wait_dma2 semaphore(%arg16 : memref<!tpu.dma_semaphore, #tpu.memory_space<semaphore_mem>>) src(%dma_wait3A_786 : memref<64xf32, #tpu.memory_space<hbm>>) dst(%dma_wait3A_783 : memref<64xf32, #tpu.memory_space<vmem>>)
          %rem3A_787 = arith.constant 8 : i32
          %rem3A_788 = arith.remsi %add3A_586, %rem3A_787 : i32
          %dma_start3A_789 = arith.constant 2 : i32
          %dma_start3A_790 = arith.constant 0 : i32
          %dma_start3A_791 = arith.constant 0 : i32
          %dma_start3A_792 = tpu.memref_slice %run_scoped3A[%dma_start3A_789, %dma_start3A_790, %dma_start3A_791] : memref<4x64x128xf32, #tpu.memory_space<vmem>> -> memref<1x64x128xf32, #tpu.memory_space<vmem>>
          %dma_start3A_793 = tpu.memref_squeeze %dma_start3A_792 : memref<1x64x128xf32, #tpu.memory_space<vmem>> -> memref<64x128xf32, #tpu.memory_space<vmem>>
          %dma_start3A_794 = arith.constant 0 : i32
          %dma_start3A_795 = tpu.memref_slice %run_scoped3A_14[%rem3A_788, %dma_start3A_794] : memref<8x64xi32, #tpu.memory_space<vmem>> -> memref<1x64xi32, #tpu.memory_space<vmem>>
          %dma_start3A_796 = tpu.memref_squeeze %dma_start3A_795 : memref<1x64xi32, #tpu.memory_space<vmem>> -> memref<64xi32, #tpu.memory_space<vmem>>
          %dma_start3A_797 = arith.constant 0 : i32
          %dma_start3A_798 = arith.constant 0 : i32
          %dma_start3A_799 = tpu.memref_slice %arg2[%dma_start3A_797, %dma_start3A_798] : memref<10240x128xf32, #tpu.memory_space<hbm>> -> memref<10240x128xf32, #tpu.memory_space<hbm>>
          tpu.enqueue_indirect_dma source(%dma_start3A_799 : memref<10240x128xf32, #tpu.memory_space<hbm>>) target(%dma_start3A_793 : memref<64x128xf32, #tpu.memory_space<vmem>>) offsets(%dma_start3A_796 : memref<64xi32, #tpu.memory_space<vmem>>) semaphore(%arg10 : memref<!tpu.dma_semaphore, #tpu.memory_space<semaphore_mem>>)
        } else {
        }
        %add3A_588 = arith.constant 6 : i32
        %add3A_589 = arith.addi %add3A_549, %add3A_588 : i32
        %lt3A_590 = arith.cmpi slt, %add3A_589, %select_n3A : i32
        %convert_element_type3A_591 = arith.extui %lt3A_590 : i1 to i32
        %cond3A_592 = arith.constant 0 : i32
        %cond3A_593 = arith.cmpi ne, %convert_element_type3A_591, %cond3A_592 : i32
        scf.if %cond3A_593 {
          %rem3A_742 = arith.constant 8 : i32
          %rem3A_743 = arith.remsi %add3A_589, %rem3A_742 : i32
          %add3A_744 = arith.addi %select_n3A_13, %add3A_589 : i32
          %dma_start3A_745 = arith.constant 0 : i32
          %dma_start3A_746 = tpu.memref_slice %run_scoped3A_14[%rem3A_743, %dma_start3A_745] : memref<8x64xi32, #tpu.memory_space<vmem>> -> memref<1x64xi32, #tpu.memory_space<vmem>>
          %dma_start3A_747 = tpu.memref_squeeze %dma_start3A_746 : memref<1x64xi32, #tpu.memory_space<vmem>> -> memref<64xi32, #tpu.memory_space<vmem>>
          %dma_start3A_748 = arith.constant 0 : i32
          %dma_start3A_749 = tpu.memref_slice %arg3[%add3A_744, %dma_start3A_748] : memref<5056x64xi32, #tpu.memory_space<hbm>> -> memref<1x64xi32, #tpu.memory_space<hbm>>
          %dma_start3A_750 = tpu.memref_squeeze %dma_start3A_749 : memref<1x64xi32, #tpu.memory_space<hbm>> -> memref<64xi32, #tpu.memory_space<hbm>>
          %dma_start3A_751 = arith.constant 0 : i32
          %dma_start3A_752 = tpu.memref_slice %run_scoped3A_14[%rem3A_743, %dma_start3A_751] : memref<8x64xi32, #tpu.memory_space<vmem>> -> memref<1x64xi32, #tpu.memory_space<vmem>>
          %dma_start3A_753 = tpu.memref_squeeze %dma_start3A_752 : memref<1x64xi32, #tpu.memory_space<vmem>> -> memref<64xi32, #tpu.memory_space<vmem>>
          %dma_start3A_754 = arith.constant 0 : i32
          %dma_start3A_755 = tpu.memref_slice %arg3[%add3A_744, %dma_start3A_754] : memref<5056x64xi32, #tpu.memory_space<hbm>> -> memref<1x64xi32, #tpu.memory_space<hbm>>
          %dma_start3A_756 = tpu.memref_squeeze %dma_start3A_755 : memref<1x64xi32, #tpu.memory_space<hbm>> -> memref<64xi32, #tpu.memory_space<hbm>>
          tpu.enqueue_dma source(%dma_start3A_756 : memref<64xi32, #tpu.memory_space<hbm>>) target(%dma_start3A_753 : memref<64xi32, #tpu.memory_space<vmem>>) target_semaphore(%arg16 : memref<!tpu.dma_semaphore, #tpu.memory_space<semaphore_mem>>)
          %add3A_757 = arith.addi %select_n3A_13, %add3A_589 : i32
          %dma_start3A_758 = arith.constant 0 : i32
          %dma_start3A_759 = tpu.memref_slice %run_scoped3A_15[%rem3A_743, %dma_start3A_758] : memref<8x64xi32, #tpu.memory_space<vmem>> -> memref<1x64xi32, #tpu.memory_space<vmem>>
          %dma_start3A_760 = tpu.memref_squeeze %dma_start3A_759 : memref<1x64xi32, #tpu.memory_space<vmem>> -> memref<64xi32, #tpu.memory_space<vmem>>
          %dma_start3A_761 = arith.constant 0 : i32
          %dma_start3A_762 = tpu.memref_slice %arg4[%add3A_757, %dma_start3A_761] : memref<5056x64xi32, #tpu.memory_space<hbm>> -> memref<1x64xi32, #tpu.memory_space<hbm>>
          %dma_start3A_763 = tpu.memref_squeeze %dma_start3A_762 : memref<1x64xi32, #tpu.memory_space<hbm>> -> memref<64xi32, #tpu.memory_space<hbm>>
          %dma_start3A_764 = arith.constant 0 : i32
          %dma_start3A_765 = tpu.memref_slice %run_scoped3A_15[%rem3A_743, %dma_start3A_764] : memref<8x64xi32, #tpu.memory_space<vmem>> -> memref<1x64xi32, #tpu.memory_space<vmem>>
          %dma_start3A_766 = tpu.memref_squeeze %dma_start3A_765 : memref<1x64xi32, #tpu.memory_space<vmem>> -> memref<64xi32, #tpu.memory_space<vmem>>
          %dma_start3A_767 = arith.constant 0 : i32
          %dma_start3A_768 = tpu.memref_slice %arg4[%add3A_757, %dma_start3A_767] : memref<5056x64xi32, #tpu.memory_space<hbm>> -> memref<1x64xi32, #tpu.memory_space<hbm>>
          %dma_start3A_769 = tpu.memref_squeeze %dma_start3A_768 : memref<1x64xi32, #tpu.memory_space<hbm>> -> memref<64xi32, #tpu.memory_space<hbm>>
          tpu.enqueue_dma source(%dma_start3A_769 : memref<64xi32, #tpu.memory_space<hbm>>) target(%dma_start3A_766 : memref<64xi32, #tpu.memory_space<vmem>>) target_semaphore(%arg16 : memref<!tpu.dma_semaphore, #tpu.memory_space<semaphore_mem>>)
          %add3A_770 = arith.addi %select_n3A_13, %add3A_589 : i32
          %dma_start3A_771 = arith.constant 0 : i32
          %dma_start3A_772 = tpu.memref_slice %run_scoped3A_16[%rem3A_743, %dma_start3A_771] : memref<8x64xf32, #tpu.memory_space<vmem>> -> memref<1x64xf32, #tpu.memory_space<vmem>>
          %dma_start3A_773 = tpu.memref_squeeze %dma_start3A_772 : memref<1x64xf32, #tpu.memory_space<vmem>> -> memref<64xf32, #tpu.memory_space<vmem>>
          %dma_start3A_774 = arith.constant 0 : i32
          %dma_start3A_775 = tpu.memref_slice %arg5[%add3A_770, %dma_start3A_774] : memref<5056x64xf32, #tpu.memory_space<hbm>> -> memref<1x64xf32, #tpu.memory_space<hbm>>
          %dma_start3A_776 = tpu.memref_squeeze %dma_start3A_775 : memref<1x64xf32, #tpu.memory_space<hbm>> -> memref<64xf32, #tpu.memory_space<hbm>>
          %dma_start3A_777 = arith.constant 0 : i32
          %dma_start3A_778 = tpu.memref_slice %run_scoped3A_16[%rem3A_743, %dma_start3A_777] : memref<8x64xf32, #tpu.memory_space<vmem>> -> memref<1x64xf32, #tpu.memory_space<vmem>>
          %dma_start3A_779 = tpu.memref_squeeze %dma_start3A_778 : memref<1x64xf32, #tpu.memory_space<vmem>> -> memref<64xf32, #tpu.memory_space<vmem>>
          %dma_start3A_780 = arith.constant 0 : i32
          %dma_start3A_781 = tpu.memref_slice %arg5[%add3A_770, %dma_start3A_780] : memref<5056x64xf32, #tpu.memory_space<hbm>> -> memref<1x64xf32, #tpu.memory_space<hbm>>
          %dma_start3A_782 = tpu.memref_squeeze %dma_start3A_781 : memref<1x64xf32, #tpu.memory_space<hbm>> -> memref<64xf32, #tpu.memory_space<hbm>>
          tpu.enqueue_dma source(%dma_start3A_782 : memref<64xf32, #tpu.memory_space<hbm>>) target(%dma_start3A_779 : memref<64xf32, #tpu.memory_space<vmem>>) target_semaphore(%arg16 : memref<!tpu.dma_semaphore, #tpu.memory_space<semaphore_mem>>)
        } else {
        }
        %add3A_594 = arith.constant 1 : i32
        %add3A_595 = arith.addi %mul3A_547, %add3A_594 : i32
        %rem3A_596 = arith.constant 8 : i32
        %rem3A_597 = arith.remsi %add3A_595, %rem3A_596 : i32
        %dma_wait3A_598 = arith.constant 1 : i32
        %dma_wait3A_599 = arith.constant 0 : i32
        %dma_wait3A_600 = arith.constant 0 : i32
        %dma_wait3A_601 = tpu.memref_slice %run_scoped3A[%dma_wait3A_598, %dma_wait3A_599, %dma_wait3A_600] : memref<4x64x128xf32, #tpu.memory_space<vmem>> -> memref<1x64x128xf32, #tpu.memory_space<vmem>>
        %dma_wait3A_602 = tpu.memref_squeeze %dma_wait3A_601 : memref<1x64x128xf32, #tpu.memory_space<vmem>> -> memref<64x128xf32, #tpu.memory_space<vmem>>
        %dma_wait3A_603 = arith.constant 0 : i32
        %dma_wait3A_604 = tpu.memref_slice %run_scoped3A_14[%rem3A_597, %dma_wait3A_603] : memref<8x64xi32, #tpu.memory_space<vmem>> -> memref<1x64xi32, #tpu.memory_space<vmem>>
        %dma_wait3A_605 = tpu.memref_squeeze %dma_wait3A_604 : memref<1x64xi32, #tpu.memory_space<vmem>> -> memref<64xi32, #tpu.memory_space<vmem>>
        %dma_wait3A_606 = arith.constant 0 : i32
        %dma_wait3A_607 = arith.constant 0 : i32
        %dma_wait3A_608 = tpu.memref_slice %arg2[%dma_wait3A_606, %dma_wait3A_607] : memref<10240x128xf32, #tpu.memory_space<hbm>> -> memref<10240x128xf32, #tpu.memory_space<hbm>>
        tpu.wait_indirect_dma semaphore(%arg9 : memref<!tpu.dma_semaphore, #tpu.memory_space<semaphore_mem>>) src(%dma_wait3A_608 : memref<10240x128xf32, #tpu.memory_space<hbm>>) dst(%dma_wait3A_602 : memref<64x128xf32, #tpu.memory_space<vmem>>)
        %rem3A_609 = arith.constant 8 : i32
        %rem3A_610 = arith.remsi %add3A_595, %rem3A_609 : i32
        %scan3A_611 = arith.constant 0 : i32
        %scan3A_612 = arith.constant 0 : i32
        %scan3A_613 = arith.constant 64 : i32
        %scan3A_614 = arith.addi %scan3A_612, %scan3A_613 : i32
        %scan3A_615 = arith.constant 1 : i32
        %scan3A_616 = scf.for %scan3A_742 = %scan3A_612 to %scan3A_614 step %scan3A_615 iter_args(%scan3A_743 = %scan3A_611) -> (i32)  : i32 {
          %add3A_744 = vector.broadcast %rem3A_610 : i32 to vector<16xi32>
          %add3A_745 = arith.addi %broadcast_in_dim3A_2, %add3A_744 : vector<16xi32>
          %add3A_746 = vector.broadcast %scan3A_742 : i32 to vector<16xi32>
          %add3A_747 = arith.addi %broadcast_in_dim3A_2, %add3A_746 : vector<16xi32>
          %gather3A = tpu.vector_load_idx %run_scoped3A_16[%add3A_745, %add3A_747] : memref<8x64xf32, #tpu.memory_space<vmem>>[vector<16xi32>, vector<16xi32>], vector<16xf32>,
          %get3A = arith.constant 1 : i32
          %get3A_748 = arith.index_cast %get3A : i32 to index
          %get3A_749 = arith.index_cast %scan3A_742 : i32 to index
          %get3A_750 = arith.constant 0 : index
          %get3A_751 = tpu.vector_load %run_scoped3A[%get3A_748, %get3A_749, %get3A_750] {strides = array<i32>} : memref<4x64x128xf32, #tpu.memory_space<vmem>>, vector<16xf32>,
          %mul3A_752 = arith.mulf %get3A_751, %gather3A : vector<16xf32>
          %swap3A = arith.constant 1 : i32
          %swap3A_753 = arith.index_cast %swap3A : i32 to index
          %swap3A_754 = arith.index_cast %scan3A_742 : i32 to index
          %swap3A_755 = arith.constant 0 : index
          %swap3A_756 = tpu.vector_load %run_scoped3A[%swap3A_753, %swap3A_754, %swap3A_755] {strides = array<i32>} : memref<4x64x128xf32, #tpu.memory_space<vmem>>, vector<16xf32>,
          tpu.vector_store %run_scoped3A[%swap3A_753, %swap3A_754, %swap3A_755], %mul3A_752 {strides = array<i32>} : memref<4x64x128xf32, #tpu.memory_space<vmem>>, vector<16xf32>,
          %get3A_757 = arith.constant 1 : i32
          %get3A_758 = arith.index_cast %get3A_757 : i32 to index
          %get3A_759 = arith.index_cast %scan3A_742 : i32 to index
          %get3A_760 = arith.constant 16 : index
          %get3A_761 = tpu.vector_load %run_scoped3A[%get3A_758, %get3A_759, %get3A_760] {strides = array<i32>} : memref<4x64x128xf32, #tpu.memory_space<vmem>>, vector<16xf32>,
          %mul3A_762 = arith.mulf %get3A_761, %gather3A : vector<16xf32>
          %swap3A_763 = arith.constant 1 : i32
          %swap3A_764 = arith.index_cast %swap3A_763 : i32 to index
          %swap3A_765 = arith.index_cast %scan3A_742 : i32 to index
          %swap3A_766 = arith.constant 16 : index
          %swap3A_767 = tpu.vector_load %run_scoped3A[%swap3A_764, %swap3A_765, %swap3A_766] {strides = array<i32>} : memref<4x64x128xf32, #tpu.memory_space<vmem>>, vector<16xf32>,
          tpu.vector_store %run_scoped3A[%swap3A_764, %swap3A_765, %swap3A_766], %mul3A_762 {strides = array<i32>} : memref<4x64x128xf32, #tpu.memory_space<vmem>>, vector<16xf32>,
          %get3A_768 = arith.constant 1 : i32
          %get3A_769 = arith.index_cast %get3A_768 : i32 to index
          %get3A_770 = arith.index_cast %scan3A_742 : i32 to index
          %get3A_771 = arith.constant 32 : index
          %get3A_772 = tpu.vector_load %run_scoped3A[%get3A_769, %get3A_770, %get3A_771] {strides = array<i32>} : memref<4x64x128xf32, #tpu.memory_space<vmem>>, vector<16xf32>,
          %mul3A_773 = arith.mulf %get3A_772, %gather3A : vector<16xf32>
          %swap3A_774 = arith.constant 1 : i32
          %swap3A_775 = arith.index_cast %swap3A_774 : i32 to index
          %swap3A_776 = arith.index_cast %scan3A_742 : i32 to index
          %swap3A_777 = arith.constant 32 : index
          %swap3A_778 = tpu.vector_load %run_scoped3A[%swap3A_775, %swap3A_776, %swap3A_777] {strides = array<i32>} : memref<4x64x128xf32, #tpu.memory_space<vmem>>, vector<16xf32>,
          tpu.vector_store %run_scoped3A[%swap3A_775, %swap3A_776, %swap3A_777], %mul3A_773 {strides = array<i32>} : memref<4x64x128xf32, #tpu.memory_space<vmem>>, vector<16xf32>,
          %get3A_779 = arith.constant 1 : i32
          %get3A_780 = arith.index_cast %get3A_779 : i32 to index
          %get3A_781 = arith.index_cast %scan3A_742 : i32 to index
          %get3A_782 = arith.constant 48 : index
          %get3A_783 = tpu.vector_load %run_scoped3A[%get3A_780, %get3A_781, %get3A_782] {strides = array<i32>} : memref<4x64x128xf32, #tpu.memory_space<vmem>>, vector<16xf32>,
          %mul3A_784 = arith.mulf %get3A_783, %gather3A : vector<16xf32>
          %swap3A_785 = arith.constant 1 : i32
          %swap3A_786 = arith.index_cast %swap3A_785 : i32 to index
          %swap3A_787 = arith.index_cast %scan3A_742 : i32 to index
          %swap3A_788 = arith.constant 48 : index
          %swap3A_789 = tpu.vector_load %run_scoped3A[%swap3A_786, %swap3A_787, %swap3A_788] {strides = array<i32>} : memref<4x64x128xf32, #tpu.memory_space<vmem>>, vector<16xf32>,
          tpu.vector_store %run_scoped3A[%swap3A_786, %swap3A_787, %swap3A_788], %mul3A_784 {strides = array<i32>} : memref<4x64x128xf32, #tpu.memory_space<vmem>>, vector<16xf32>,
          %get3A_790 = arith.constant 1 : i32
          %get3A_791 = arith.index_cast %get3A_790 : i32 to index
          %get3A_792 = arith.index_cast %scan3A_742 : i32 to index
          %get3A_793 = arith.constant 64 : index
          %get3A_794 = tpu.vector_load %run_scoped3A[%get3A_791, %get3A_792, %get3A_793] {strides = array<i32>} : memref<4x64x128xf32, #tpu.memory_space<vmem>>, vector<16xf32>,
          %mul3A_795 = arith.mulf %get3A_794, %gather3A : vector<16xf32>
          %swap3A_796 = arith.constant 1 : i32
          %swap3A_797 = arith.index_cast %swap3A_796 : i32 to index
          %swap3A_798 = arith.index_cast %scan3A_742 : i32 to index
          %swap3A_799 = arith.constant 64 : index
          %swap3A_800 = tpu.vector_load %run_scoped3A[%swap3A_797, %swap3A_798, %swap3A_799] {strides = array<i32>} : memref<4x64x128xf32, #tpu.memory_space<vmem>>, vector<16xf32>,
          tpu.vector_store %run_scoped3A[%swap3A_797, %swap3A_798, %swap3A_799], %mul3A_795 {strides = array<i32>} : memref<4x64x128xf32, #tpu.memory_space<vmem>>, vector<16xf32>,
          %get3A_801 = arith.constant 1 : i32
          %get3A_802 = arith.index_cast %get3A_801 : i32 to index
          %get3A_803 = arith.index_cast %scan3A_742 : i32 to index
          %get3A_804 = arith.constant 80 : index
          %get3A_805 = tpu.vector_load %run_scoped3A[%get3A_802, %get3A_803, %get3A_804] {strides = array<i32>} : memref<4x64x128xf32, #tpu.memory_space<vmem>>, vector<16xf32>,
          %mul3A_806 = arith.mulf %get3A_805, %gather3A : vector<16xf32>
          %swap3A_807 = arith.constant 1 : i32
          %swap3A_808 = arith.index_cast %swap3A_807 : i32 to index
          %swap3A_809 = arith.index_cast %scan3A_742 : i32 to index
          %swap3A_810 = arith.constant 80 : index
          %swap3A_811 = tpu.vector_load %run_scoped3A[%swap3A_808, %swap3A_809, %swap3A_810] {strides = array<i32>} : memref<4x64x128xf32, #tpu.memory_space<vmem>>, vector<16xf32>,
          tpu.vector_store %run_scoped3A[%swap3A_808, %swap3A_809, %swap3A_810], %mul3A_806 {strides = array<i32>} : memref<4x64x128xf32, #tpu.memory_space<vmem>>, vector<16xf32>,
          %get3A_812 = arith.constant 1 : i32
          %get3A_813 = arith.index_cast %get3A_812 : i32 to index
          %get3A_814 = arith.index_cast %scan3A_742 : i32 to index
          %get3A_815 = arith.constant 96 : index
          %get3A_816 = tpu.vector_load %run_scoped3A[%get3A_813, %get3A_814, %get3A_815] {strides = array<i32>} : memref<4x64x128xf32, #tpu.memory_space<vmem>>, vector<16xf32>,
          %mul3A_817 = arith.mulf %get3A_816, %gather3A : vector<16xf32>
          %swap3A_818 = arith.constant 1 : i32
          %swap3A_819 = arith.index_cast %swap3A_818 : i32 to index
          %swap3A_820 = arith.index_cast %scan3A_742 : i32 to index
          %swap3A_821 = arith.constant 96 : index
          %swap3A_822 = tpu.vector_load %run_scoped3A[%swap3A_819, %swap3A_820, %swap3A_821] {strides = array<i32>} : memref<4x64x128xf32, #tpu.memory_space<vmem>>, vector<16xf32>,
          tpu.vector_store %run_scoped3A[%swap3A_819, %swap3A_820, %swap3A_821], %mul3A_817 {strides = array<i32>} : memref<4x64x128xf32, #tpu.memory_space<vmem>>, vector<16xf32>,
          %get3A_823 = arith.constant 1 : i32
          %get3A_824 = arith.index_cast %get3A_823 : i32 to index
          %get3A_825 = arith.index_cast %scan3A_742 : i32 to index
          %get3A_826 = arith.constant 112 : index
          %get3A_827 = tpu.vector_load %run_scoped3A[%get3A_824, %get3A_825, %get3A_826] {strides = array<i32>} : memref<4x64x128xf32, #tpu.memory_space<vmem>>, vector<16xf32>,
          %mul3A_828 = arith.mulf %get3A_827, %gather3A : vector<16xf32>
          %swap3A_829 = arith.constant 1 : i32
          %swap3A_830 = arith.index_cast %swap3A_829 : i32 to index
          %swap3A_831 = arith.index_cast %scan3A_742 : i32 to index
          %swap3A_832 = arith.constant 112 : index
          %swap3A_833 = tpu.vector_load %run_scoped3A[%swap3A_830, %swap3A_831, %swap3A_832] {strides = array<i32>} : memref<4x64x128xf32, #tpu.memory_space<vmem>>, vector<16xf32>,
          tpu.vector_store %run_scoped3A[%swap3A_830, %swap3A_831, %swap3A_832], %mul3A_828 {strides = array<i32>} : memref<4x64x128xf32, #tpu.memory_space<vmem>>, vector<16xf32>,
          %scan3A_834 = arith.constant 0 : i32
          scf.yield %scan3A_834 : i32
        }
        %scan3A_617 = arith.constant 64 : i32
        %rem3A_618 = arith.constant 8 : i32
        %rem3A_619 = arith.remsi %add3A_595, %rem3A_618 : i32
        %dma_start3A_620 = arith.constant 1 : i32
        %dma_start3A_621 = arith.constant 0 : i32
        %dma_start3A_622 = arith.constant 0 : i32
        %dma_start3A_623 = tpu.memref_slice %run_scoped3A[%dma_start3A_620, %dma_start3A_621, %dma_start3A_622] : memref<4x64x128xf32, #tpu.memory_space<vmem>> -> memref<1x64x128xf32, #tpu.memory_space<vmem>>
        %dma_start3A_624 = tpu.memref_squeeze %dma_start3A_623 : memref<1x64x128xf32, #tpu.memory_space<vmem>> -> memref<64x128xf32, #tpu.memory_space<vmem>>
        %dma_start3A_625 = arith.constant 0 : i32
        %dma_start3A_626 = tpu.memref_slice %run_scoped3A_15[%rem3A_619, %dma_start3A_625] : memref<8x64xi32, #tpu.memory_space<vmem>> -> memref<1x64xi32, #tpu.memory_space<vmem>>
        %dma_start3A_627 = tpu.memref_squeeze %dma_start3A_626 : memref<1x64xi32, #tpu.memory_space<vmem>> -> memref<64xi32, #tpu.memory_space<vmem>>
        %dma_start3A_628 = arith.constant 0 : i32
        %dma_start3A_629 = arith.constant 0 : i32
        %dma_start3A_630 = tpu.memref_slice %arg7[%dma_start3A_628, %dma_start3A_629] : memref<10240x128xf32, #tpu.memory_space<vmem_shared>> -> memref<10240x128xf32, #tpu.memory_space<vmem_shared>>
        tpu.enqueue_indirect_dma source(%dma_start3A_624 : memref<64x128xf32, #tpu.memory_space<vmem>>) target(%dma_start3A_630 : memref<10240x128xf32, #tpu.memory_space<vmem_shared>>) offsets(%dma_start3A_627 : memref<64xi32, #tpu.memory_space<vmem>>) semaphore(%arg13 : memref<!tpu.dma_semaphore, #tpu.memory_space<semaphore_mem>>) {add = true}
        %add3A_631 = arith.constant 2 : i32
        %add3A_632 = arith.addi %add3A_595, %add3A_631 : i32
        %lt3A_633 = arith.cmpi slt, %add3A_632, %select_n3A : i32
        %convert_element_type3A_634 = arith.extui %lt3A_633 : i1 to i32
        %cond3A_635 = arith.constant 0 : i32
        %cond3A_636 = arith.cmpi ne, %convert_element_type3A_634, %cond3A_635 : i32
        scf.if %cond3A_636 {
          %ge3A = arith.constant 4 : i32
          %ge3A_742 = arith.cmpi sge, %add3A_632, %ge3A : i32
          %convert_element_type3A_743 = arith.extui %ge3A_742 : i1 to i32
          %cond3A_744 = arith.constant 0 : i32
          %cond3A_745 = arith.cmpi ne, %convert_element_type3A_743, %cond3A_744 : i32
          scf.if %cond3A_745 {
            %sub3A_800 = arith.constant 4 : i32
            %sub3A_801 = arith.subi %add3A_632, %sub3A_800 : i32
            %rem3A_802 = arith.constant 8 : i32
            %rem3A_803 = arith.remsi %sub3A_801, %rem3A_802 : i32
            %dma_wait3A_804 = arith.constant 3 : i32
            %dma_wait3A_805 = arith.constant 0 : i32
            %dma_wait3A_806 = arith.constant 0 : i32
            %dma_wait3A_807 = tpu.memref_slice %run_scoped3A[%dma_wait3A_804, %dma_wait3A_805, %dma_wait3A_806] : memref<4x64x128xf32, #tpu.memory_space<vmem>> -> memref<1x64x128xf32, #tpu.memory_space<vmem>>
            %dma_wait3A_808 = tpu.memref_squeeze %dma_wait3A_807 : memref<1x64x128xf32, #tpu.memory_space<vmem>> -> memref<64x128xf32, #tpu.memory_space<vmem>>
            %dma_wait3A_809 = arith.constant 0 : i32
            %dma_wait3A_810 = tpu.memref_slice %run_scoped3A_15[%rem3A_803, %dma_wait3A_809] : memref<8x64xi32, #tpu.memory_space<vmem>> -> memref<1x64xi32, #tpu.memory_space<vmem>>
            %dma_wait3A_811 = tpu.memref_squeeze %dma_wait3A_810 : memref<1x64xi32, #tpu.memory_space<vmem>> -> memref<64xi32, #tpu.memory_space<vmem>>
            %dma_wait3A_812 = arith.constant 0 : i32
            %dma_wait3A_813 = arith.constant 0 : i32
            %dma_wait3A_814 = tpu.memref_slice %arg7[%dma_wait3A_812, %dma_wait3A_813] : memref<10240x128xf32, #tpu.memory_space<vmem_shared>> -> memref<10240x128xf32, #tpu.memory_space<vmem_shared>>
            tpu.wait_indirect_dma semaphore(%arg15 : memref<!tpu.dma_semaphore, #tpu.memory_space<semaphore_mem>>) src(%dma_wait3A_808 : memref<64x128xf32, #tpu.memory_space<vmem>>) dst(%dma_wait3A_814 : memref<10240x128xf32, #tpu.memory_space<vmem_shared>>)
          } else {
          }
          %rem3A_746 = arith.constant 8 : i32
          %rem3A_747 = arith.remsi %add3A_632, %rem3A_746 : i32
          %add3A_748 = arith.addi %select_n3A_13, %add3A_632 : i32
          %dma_wait3A_749 = arith.constant 0 : i32
          %dma_wait3A_750 = tpu.memref_slice %run_scoped3A_14[%rem3A_747, %dma_wait3A_749] : memref<8x64xi32, #tpu.memory_space<vmem>> -> memref<1x64xi32, #tpu.memory_space<vmem>>
          %dma_wait3A_751 = tpu.memref_squeeze %dma_wait3A_750 : memref<1x64xi32, #tpu.memory_space<vmem>> -> memref<64xi32, #tpu.memory_space<vmem>>
          %dma_wait3A_752 = arith.constant 0 : i32
          %dma_wait3A_753 = tpu.memref_slice %arg3[%add3A_748, %dma_wait3A_752] : memref<5056x64xi32, #tpu.memory_space<hbm>> -> memref<1x64xi32, #tpu.memory_space<hbm>>
          %dma_wait3A_754 = tpu.memref_squeeze %dma_wait3A_753 : memref<1x64xi32, #tpu.memory_space<hbm>> -> memref<64xi32, #tpu.memory_space<hbm>>
          %dma_wait3A_755 = arith.constant 0 : i32
          %dma_wait3A_756 = tpu.memref_slice %run_scoped3A_14[%rem3A_747, %dma_wait3A_755] : memref<8x64xi32, #tpu.memory_space<vmem>> -> memref<1x64xi32, #tpu.memory_space<vmem>>
          %dma_wait3A_757 = tpu.memref_squeeze %dma_wait3A_756 : memref<1x64xi32, #tpu.memory_space<vmem>> -> memref<64xi32, #tpu.memory_space<vmem>>
          %dma_wait3A_758 = arith.constant 0 : i32
          %dma_wait3A_759 = tpu.memref_slice %arg3[%add3A_748, %dma_wait3A_758] : memref<5056x64xi32, #tpu.memory_space<hbm>> -> memref<1x64xi32, #tpu.memory_space<hbm>>
          %dma_wait3A_760 = tpu.memref_squeeze %dma_wait3A_759 : memref<1x64xi32, #tpu.memory_space<hbm>> -> memref<64xi32, #tpu.memory_space<hbm>>
          tpu.wait_dma2 semaphore(%arg16 : memref<!tpu.dma_semaphore, #tpu.memory_space<semaphore_mem>>) src(%dma_wait3A_760 : memref<64xi32, #tpu.memory_space<hbm>>) dst(%dma_wait3A_757 : memref<64xi32, #tpu.memory_space<vmem>>)
          %add3A_761 = arith.addi %select_n3A_13, %add3A_632 : i32
          %dma_wait3A_762 = arith.constant 0 : i32
          %dma_wait3A_763 = tpu.memref_slice %run_scoped3A_15[%rem3A_747, %dma_wait3A_762] : memref<8x64xi32, #tpu.memory_space<vmem>> -> memref<1x64xi32, #tpu.memory_space<vmem>>
          %dma_wait3A_764 = tpu.memref_squeeze %dma_wait3A_763 : memref<1x64xi32, #tpu.memory_space<vmem>> -> memref<64xi32, #tpu.memory_space<vmem>>
          %dma_wait3A_765 = arith.constant 0 : i32
          %dma_wait3A_766 = tpu.memref_slice %arg4[%add3A_761, %dma_wait3A_765] : memref<5056x64xi32, #tpu.memory_space<hbm>> -> memref<1x64xi32, #tpu.memory_space<hbm>>
          %dma_wait3A_767 = tpu.memref_squeeze %dma_wait3A_766 : memref<1x64xi32, #tpu.memory_space<hbm>> -> memref<64xi32, #tpu.memory_space<hbm>>
          %dma_wait3A_768 = arith.constant 0 : i32
          %dma_wait3A_769 = tpu.memref_slice %run_scoped3A_15[%rem3A_747, %dma_wait3A_768] : memref<8x64xi32, #tpu.memory_space<vmem>> -> memref<1x64xi32, #tpu.memory_space<vmem>>
          %dma_wait3A_770 = tpu.memref_squeeze %dma_wait3A_769 : memref<1x64xi32, #tpu.memory_space<vmem>> -> memref<64xi32, #tpu.memory_space<vmem>>
          %dma_wait3A_771 = arith.constant 0 : i32
          %dma_wait3A_772 = tpu.memref_slice %arg4[%add3A_761, %dma_wait3A_771] : memref<5056x64xi32, #tpu.memory_space<hbm>> -> memref<1x64xi32, #tpu.memory_space<hbm>>
          %dma_wait3A_773 = tpu.memref_squeeze %dma_wait3A_772 : memref<1x64xi32, #tpu.memory_space<hbm>> -> memref<64xi32, #tpu.memory_space<hbm>>
          tpu.wait_dma2 semaphore(%arg16 : memref<!tpu.dma_semaphore, #tpu.memory_space<semaphore_mem>>) src(%dma_wait3A_773 : memref<64xi32, #tpu.memory_space<hbm>>) dst(%dma_wait3A_770 : memref<64xi32, #tpu.memory_space<vmem>>)
          %add3A_774 = arith.addi %select_n3A_13, %add3A_632 : i32
          %dma_wait3A_775 = arith.constant 0 : i32
          %dma_wait3A_776 = tpu.memref_slice %run_scoped3A_16[%rem3A_747, %dma_wait3A_775] : memref<8x64xf32, #tpu.memory_space<vmem>> -> memref<1x64xf32, #tpu.memory_space<vmem>>
          %dma_wait3A_777 = tpu.memref_squeeze %dma_wait3A_776 : memref<1x64xf32, #tpu.memory_space<vmem>> -> memref<64xf32, #tpu.memory_space<vmem>>
          %dma_wait3A_778 = arith.constant 0 : i32
          %dma_wait3A_779 = tpu.memref_slice %arg5[%add3A_774, %dma_wait3A_778] : memref<5056x64xf32, #tpu.memory_space<hbm>> -> memref<1x64xf32, #tpu.memory_space<hbm>>
          %dma_wait3A_780 = tpu.memref_squeeze %dma_wait3A_779 : memref<1x64xf32, #tpu.memory_space<hbm>> -> memref<64xf32, #tpu.memory_space<hbm>>
          %dma_wait3A_781 = arith.constant 0 : i32
          %dma_wait3A_782 = tpu.memref_slice %run_scoped3A_16[%rem3A_747, %dma_wait3A_781] : memref<8x64xf32, #tpu.memory_space<vmem>> -> memref<1x64xf32, #tpu.memory_space<vmem>>
          %dma_wait3A_783 = tpu.memref_squeeze %dma_wait3A_782 : memref<1x64xf32, #tpu.memory_space<vmem>> -> memref<64xf32, #tpu.memory_space<vmem>>
          %dma_wait3A_784 = arith.constant 0 : i32
          %dma_wait3A_785 = tpu.memref_slice %arg5[%add3A_774, %dma_wait3A_784] : memref<5056x64xf32, #tpu.memory_space<hbm>> -> memref<1x64xf32, #tpu.memory_space<hbm>>
          %dma_wait3A_786 = tpu.memref_squeeze %dma_wait3A_785 : memref<1x64xf32, #tpu.memory_space<hbm>> -> memref<64xf32, #tpu.memory_space<hbm>>
          tpu.wait_dma2 semaphore(%arg16 : memref<!tpu.dma_semaphore, #tpu.memory_space<semaphore_mem>>) src(%dma_wait3A_786 : memref<64xf32, #tpu.memory_space<hbm>>) dst(%dma_wait3A_783 : memref<64xf32, #tpu.memory_space<vmem>>)
          %rem3A_787 = arith.constant 8 : i32
          %rem3A_788 = arith.remsi %add3A_632, %rem3A_787 : i32
          %dma_start3A_789 = arith.constant 3 : i32
          %dma_start3A_790 = arith.constant 0 : i32
          %dma_start3A_791 = arith.constant 0 : i32
          %dma_start3A_792 = tpu.memref_slice %run_scoped3A[%dma_start3A_789, %dma_start3A_790, %dma_start3A_791] : memref<4x64x128xf32, #tpu.memory_space<vmem>> -> memref<1x64x128xf32, #tpu.memory_space<vmem>>
          %dma_start3A_793 = tpu.memref_squeeze %dma_start3A_792 : memref<1x64x128xf32, #tpu.memory_space<vmem>> -> memref<64x128xf32, #tpu.memory_space<vmem>>
          %dma_start3A_794 = arith.constant 0 : i32
          %dma_start3A_795 = tpu.memref_slice %run_scoped3A_14[%rem3A_788, %dma_start3A_794] : memref<8x64xi32, #tpu.memory_space<vmem>> -> memref<1x64xi32, #tpu.memory_space<vmem>>
          %dma_start3A_796 = tpu.memref_squeeze %dma_start3A_795 : memref<1x64xi32, #tpu.memory_space<vmem>> -> memref<64xi32, #tpu.memory_space<vmem>>
          %dma_start3A_797 = arith.constant 0 : i32
          %dma_start3A_798 = arith.constant 0 : i32
          %dma_start3A_799 = tpu.memref_slice %arg2[%dma_start3A_797, %dma_start3A_798] : memref<10240x128xf32, #tpu.memory_space<hbm>> -> memref<10240x128xf32, #tpu.memory_space<hbm>>
          tpu.enqueue_indirect_dma source(%dma_start3A_799 : memref<10240x128xf32, #tpu.memory_space<hbm>>) target(%dma_start3A_793 : memref<64x128xf32, #tpu.memory_space<vmem>>) offsets(%dma_start3A_796 : memref<64xi32, #tpu.memory_space<vmem>>) semaphore(%arg11 : memref<!tpu.dma_semaphore, #tpu.memory_space<semaphore_mem>>)
        } else {
        }
        %add3A_637 = arith.constant 6 : i32
        %add3A_638 = arith.addi %add3A_595, %add3A_637 : i32
        %lt3A_639 = arith.cmpi slt, %add3A_638, %select_n3A : i32
        %convert_element_type3A_640 = arith.extui %lt3A_639 : i1 to i32
        %cond3A_641 = arith.constant 0 : i32
        %cond3A_642 = arith.cmpi ne, %convert_element_type3A_640, %cond3A_641 : i32
        scf.if %cond3A_642 {
          %rem3A_742 = arith.constant 8 : i32
          %rem3A_743 = arith.remsi %add3A_638, %rem3A_742 : i32
          %add3A_744 = arith.addi %select_n3A_13, %add3A_638 : i32
          %dma_start3A_745 = arith.constant 0 : i32
          %dma_start3A_746 = tpu.memref_slice %run_scoped3A_14[%rem3A_743, %dma_start3A_745] : memref<8x64xi32, #tpu.memory_space<vmem>> -> memref<1x64xi32, #tpu.memory_space<vmem>>
          %dma_start3A_747 = tpu.memref_squeeze %dma_start3A_746 : memref<1x64xi32, #tpu.memory_space<vmem>> -> memref<64xi32, #tpu.memory_space<vmem>>
          %dma_start3A_748 = arith.constant 0 : i32
          %dma_start3A_749 = tpu.memref_slice %arg3[%add3A_744, %dma_start3A_748] : memref<5056x64xi32, #tpu.memory_space<hbm>> -> memref<1x64xi32, #tpu.memory_space<hbm>>
          %dma_start3A_750 = tpu.memref_squeeze %dma_start3A_749 : memref<1x64xi32, #tpu.memory_space<hbm>> -> memref<64xi32, #tpu.memory_space<hbm>>
          %dma_start3A_751 = arith.constant 0 : i32
          %dma_start3A_752 = tpu.memref_slice %run_scoped3A_14[%rem3A_743, %dma_start3A_751] : memref<8x64xi32, #tpu.memory_space<vmem>> -> memref<1x64xi32, #tpu.memory_space<vmem>>
          %dma_start3A_753 = tpu.memref_squeeze %dma_start3A_752 : memref<1x64xi32, #tpu.memory_space<vmem>> -> memref<64xi32, #tpu.memory_space<vmem>>
          %dma_start3A_754 = arith.constant 0 : i32
          %dma_start3A_755 = tpu.memref_slice %arg3[%add3A_744, %dma_start3A_754] : memref<5056x64xi32, #tpu.memory_space<hbm>> -> memref<1x64xi32, #tpu.memory_space<hbm>>
          %dma_start3A_756 = tpu.memref_squeeze %dma_start3A_755 : memref<1x64xi32, #tpu.memory_space<hbm>> -> memref<64xi32, #tpu.memory_space<hbm>>
          tpu.enqueue_dma source(%dma_start3A_756 : memref<64xi32, #tpu.memory_space<hbm>>) target(%dma_start3A_753 : memref<64xi32, #tpu.memory_space<vmem>>) target_semaphore(%arg16 : memref<!tpu.dma_semaphore, #tpu.memory_space<semaphore_mem>>)
          %add3A_757 = arith.addi %select_n3A_13, %add3A_638 : i32
          %dma_start3A_758 = arith.constant 0 : i32
          %dma_start3A_759 = tpu.memref_slice %run_scoped3A_15[%rem3A_743, %dma_start3A_758] : memref<8x64xi32, #tpu.memory_space<vmem>> -> memref<1x64xi32, #tpu.memory_space<vmem>>
          %dma_start3A_760 = tpu.memref_squeeze %dma_start3A_759 : memref<1x64xi32, #tpu.memory_space<vmem>> -> memref<64xi32, #tpu.memory_space<vmem>>
          %dma_start3A_761 = arith.constant 0 : i32
          %dma_start3A_762 = tpu.memref_slice %arg4[%add3A_757, %dma_start3A_761] : memref<5056x64xi32, #tpu.memory_space<hbm>> -> memref<1x64xi32, #tpu.memory_space<hbm>>
          %dma_start3A_763 = tpu.memref_squeeze %dma_start3A_762 : memref<1x64xi32, #tpu.memory_space<hbm>> -> memref<64xi32, #tpu.memory_space<hbm>>
          %dma_start3A_764 = arith.constant 0 : i32
          %dma_start3A_765 = tpu.memref_slice %run_scoped3A_15[%rem3A_743, %dma_start3A_764] : memref<8x64xi32, #tpu.memory_space<vmem>> -> memref<1x64xi32, #tpu.memory_space<vmem>>
          %dma_start3A_766 = tpu.memref_squeeze %dma_start3A_765 : memref<1x64xi32, #tpu.memory_space<vmem>> -> memref<64xi32, #tpu.memory_space<vmem>>
          %dma_start3A_767 = arith.constant 0 : i32
          %dma_start3A_768 = tpu.memref_slice %arg4[%add3A_757, %dma_start3A_767] : memref<5056x64xi32, #tpu.memory_space<hbm>> -> memref<1x64xi32, #tpu.memory_space<hbm>>
          %dma_start3A_769 = tpu.memref_squeeze %dma_start3A_768 : memref<1x64xi32, #tpu.memory_space<hbm>> -> memref<64xi32, #tpu.memory_space<hbm>>
          tpu.enqueue_dma source(%dma_start3A_769 : memref<64xi32, #tpu.memory_space<hbm>>) target(%dma_start3A_766 : memref<64xi32, #tpu.memory_space<vmem>>) target_semaphore(%arg16 : memref<!tpu.dma_semaphore, #tpu.memory_space<semaphore_mem>>)
          %add3A_770 = arith.addi %select_n3A_13, %add3A_638 : i32
          %dma_start3A_771 = arith.constant 0 : i32
          %dma_start3A_772 = tpu.memref_slice %run_scoped3A_16[%rem3A_743, %dma_start3A_771] : memref<8x64xf32, #tpu.memory_space<vmem>> -> memref<1x64xf32, #tpu.memory_space<vmem>>
          %dma_start3A_773 = tpu.memref_squeeze %dma_start3A_772 : memref<1x64xf32, #tpu.memory_space<vmem>> -> memref<64xf32, #tpu.memory_space<vmem>>
          %dma_start3A_774 = arith.constant 0 : i32
          %dma_start3A_775 = tpu.memref_slice %arg5[%add3A_770, %dma_start3A_774] : memref<5056x64xf32, #tpu.memory_space<hbm>> -> memref<1x64xf32, #tpu.memory_space<hbm>>
          %dma_start3A_776 = tpu.memref_squeeze %dma_start3A_775 : memref<1x64xf32, #tpu.memory_space<hbm>> -> memref<64xf32, #tpu.memory_space<hbm>>
          %dma_start3A_777 = arith.constant 0 : i32
          %dma_start3A_778 = tpu.memref_slice %run_scoped3A_16[%rem3A_743, %dma_start3A_777] : memref<8x64xf32, #tpu.memory_space<vmem>> -> memref<1x64xf32, #tpu.memory_space<vmem>>
          %dma_start3A_779 = tpu.memref_squeeze %dma_start3A_778 : memref<1x64xf32, #tpu.memory_space<vmem>> -> memref<64xf32, #tpu.memory_space<vmem>>
          %dma_start3A_780 = arith.constant 0 : i32
          %dma_start3A_781 = tpu.memref_slice %arg5[%add3A_770, %dma_start3A_780] : memref<5056x64xf32, #tpu.memory_space<hbm>> -> memref<1x64xf32, #tpu.memory_space<hbm>>
          %dma_start3A_782 = tpu.memref_squeeze %dma_start3A_781 : memref<1x64xf32, #tpu.memory_space<hbm>> -> memref<64xf32, #tpu.memory_space<hbm>>
          tpu.enqueue_dma source(%dma_start3A_782 : memref<64xf32, #tpu.memory_space<hbm>>) target(%dma_start3A_779 : memref<64xf32, #tpu.memory_space<vmem>>) target_semaphore(%arg16 : memref<!tpu.dma_semaphore, #tpu.memory_space<semaphore_mem>>)
        } else {
        }
        %add3A_643 = arith.constant 2 : i32
        %add3A_644 = arith.addi %mul3A_547, %add3A_643 : i32
        %rem3A_645 = arith.constant 8 : i32
        %rem3A_646 = arith.remsi %add3A_644, %rem3A_645 : i32
        %dma_wait3A_647 = arith.constant 2 : i32
        %dma_wait3A_648 = arith.constant 0 : i32
        %dma_wait3A_649 = arith.constant 0 : i32
        %dma_wait3A_650 = tpu.memref_slice %run_scoped3A[%dma_wait3A_647, %dma_wait3A_648, %dma_wait3A_649] : memref<4x64x128xf32, #tpu.memory_space<vmem>> -> memref<1x64x128xf32, #tpu.memory_space<vmem>>
        %dma_wait3A_651 = tpu.memref_squeeze %dma_wait3A_650 : memref<1x64x128xf32, #tpu.memory_space<vmem>> -> memref<64x128xf32, #tpu.memory_space<vmem>>
        %dma_wait3A_652 = arith.constant 0 : i32
        %dma_wait3A_653 = tpu.memref_slice %run_scoped3A_14[%rem3A_646, %dma_wait3A_652] : memref<8x64xi32, #tpu.memory_space<vmem>> -> memref<1x64xi32, #tpu.memory_space<vmem>>
        %dma_wait3A_654 = tpu.memref_squeeze %dma_wait3A_653 : memref<1x64xi32, #tpu.memory_space<vmem>> -> memref<64xi32, #tpu.memory_space<vmem>>
        %dma_wait3A_655 = arith.constant 0 : i32
        %dma_wait3A_656 = arith.constant 0 : i32
        %dma_wait3A_657 = tpu.memref_slice %arg2[%dma_wait3A_655, %dma_wait3A_656] : memref<10240x128xf32, #tpu.memory_space<hbm>> -> memref<10240x128xf32, #tpu.memory_space<hbm>>
        tpu.wait_indirect_dma semaphore(%arg10 : memref<!tpu.dma_semaphore, #tpu.memory_space<semaphore_mem>>) src(%dma_wait3A_657 : memref<10240x128xf32, #tpu.memory_space<hbm>>) dst(%dma_wait3A_651 : memref<64x128xf32, #tpu.memory_space<vmem>>)
        %rem3A_658 = arith.constant 8 : i32
        %rem3A_659 = arith.remsi %add3A_644, %rem3A_658 : i32
        %scan3A_660 = arith.constant 0 : i32
        %scan3A_661 = arith.constant 0 : i32
        %scan3A_662 = arith.constant 64 : i32
        %scan3A_663 = arith.addi %scan3A_661, %scan3A_662 : i32
        %scan3A_664 = arith.constant 1 : i32
        %scan3A_665 = scf.for %scan3A_742 = %scan3A_661 to %scan3A_663 step %scan3A_664 iter_args(%scan3A_743 = %scan3A_660) -> (i32)  : i32 {
          %add3A_744 = vector.broadcast %rem3A_659 : i32 to vector<16xi32>
          %add3A_745 = arith.addi %broadcast_in_dim3A_2, %add3A_744 : vector<16xi32>
          %add3A_746 = vector.broadcast %scan3A_742 : i32 to vector<16xi32>
          %add3A_747 = arith.addi %broadcast_in_dim3A_2, %add3A_746 : vector<16xi32>
          %gather3A = tpu.vector_load_idx %run_scoped3A_16[%add3A_745, %add3A_747] : memref<8x64xf32, #tpu.memory_space<vmem>>[vector<16xi32>, vector<16xi32>], vector<16xf32>,
          %get3A = arith.constant 2 : i32
          %get3A_748 = arith.index_cast %get3A : i32 to index
          %get3A_749 = arith.index_cast %scan3A_742 : i32 to index
          %get3A_750 = arith.constant 0 : index
          %get3A_751 = tpu.vector_load %run_scoped3A[%get3A_748, %get3A_749, %get3A_750] {strides = array<i32>} : memref<4x64x128xf32, #tpu.memory_space<vmem>>, vector<16xf32>,
          %mul3A_752 = arith.mulf %get3A_751, %gather3A : vector<16xf32>
          %swap3A = arith.constant 2 : i32
          %swap3A_753 = arith.index_cast %swap3A : i32 to index
          %swap3A_754 = arith.index_cast %scan3A_742 : i32 to index
          %swap3A_755 = arith.constant 0 : index
          %swap3A_756 = tpu.vector_load %run_scoped3A[%swap3A_753, %swap3A_754, %swap3A_755] {strides = array<i32>} : memref<4x64x128xf32, #tpu.memory_space<vmem>>, vector<16xf32>,
          tpu.vector_store %run_scoped3A[%swap3A_753, %swap3A_754, %swap3A_755], %mul3A_752 {strides = array<i32>} : memref<4x64x128xf32, #tpu.memory_space<vmem>>, vector<16xf32>,
          %get3A_757 = arith.constant 2 : i32
          %get3A_758 = arith.index_cast %get3A_757 : i32 to index
          %get3A_759 = arith.index_cast %scan3A_742 : i32 to index
          %get3A_760 = arith.constant 16 : index
          %get3A_761 = tpu.vector_load %run_scoped3A[%get3A_758, %get3A_759, %get3A_760] {strides = array<i32>} : memref<4x64x128xf32, #tpu.memory_space<vmem>>, vector<16xf32>,
          %mul3A_762 = arith.mulf %get3A_761, %gather3A : vector<16xf32>
          %swap3A_763 = arith.constant 2 : i32
          %swap3A_764 = arith.index_cast %swap3A_763 : i32 to index
          %swap3A_765 = arith.index_cast %scan3A_742 : i32 to index
          %swap3A_766 = arith.constant 16 : index
          %swap3A_767 = tpu.vector_load %run_scoped3A[%swap3A_764, %swap3A_765, %swap3A_766] {strides = array<i32>} : memref<4x64x128xf32, #tpu.memory_space<vmem>>, vector<16xf32>,
          tpu.vector_store %run_scoped3A[%swap3A_764, %swap3A_765, %swap3A_766], %mul3A_762 {strides = array<i32>} : memref<4x64x128xf32, #tpu.memory_space<vmem>>, vector<16xf32>,
          %get3A_768 = arith.constant 2 : i32
          %get3A_769 = arith.index_cast %get3A_768 : i32 to index
          %get3A_770 = arith.index_cast %scan3A_742 : i32 to index
          %get3A_771 = arith.constant 32 : index
          %get3A_772 = tpu.vector_load %run_scoped3A[%get3A_769, %get3A_770, %get3A_771] {strides = array<i32>} : memref<4x64x128xf32, #tpu.memory_space<vmem>>, vector<16xf32>,
          %mul3A_773 = arith.mulf %get3A_772, %gather3A : vector<16xf32>
          %swap3A_774 = arith.constant 2 : i32
          %swap3A_775 = arith.index_cast %swap3A_774 : i32 to index
          %swap3A_776 = arith.index_cast %scan3A_742 : i32 to index
          %swap3A_777 = arith.constant 32 : index
          %swap3A_778 = tpu.vector_load %run_scoped3A[%swap3A_775, %swap3A_776, %swap3A_777] {strides = array<i32>} : memref<4x64x128xf32, #tpu.memory_space<vmem>>, vector<16xf32>,
          tpu.vector_store %run_scoped3A[%swap3A_775, %swap3A_776, %swap3A_777], %mul3A_773 {strides = array<i32>} : memref<4x64x128xf32, #tpu.memory_space<vmem>>, vector<16xf32>,
          %get3A_779 = arith.constant 2 : i32
          %get3A_780 = arith.index_cast %get3A_779 : i32 to index
          %get3A_781 = arith.index_cast %scan3A_742 : i32 to index
          %get3A_782 = arith.constant 48 : index
          %get3A_783 = tpu.vector_load %run_scoped3A[%get3A_780, %get3A_781, %get3A_782] {strides = array<i32>} : memref<4x64x128xf32, #tpu.memory_space<vmem>>, vector<16xf32>,
          %mul3A_784 = arith.mulf %get3A_783, %gather3A : vector<16xf32>
          %swap3A_785 = arith.constant 2 : i32
          %swap3A_786 = arith.index_cast %swap3A_785 : i32 to index
          %swap3A_787 = arith.index_cast %scan3A_742 : i32 to index
          %swap3A_788 = arith.constant 48 : index
          %swap3A_789 = tpu.vector_load %run_scoped3A[%swap3A_786, %swap3A_787, %swap3A_788] {strides = array<i32>} : memref<4x64x128xf32, #tpu.memory_space<vmem>>, vector<16xf32>,
          tpu.vector_store %run_scoped3A[%swap3A_786, %swap3A_787, %swap3A_788], %mul3A_784 {strides = array<i32>} : memref<4x64x128xf32, #tpu.memory_space<vmem>>, vector<16xf32>,
          %get3A_790 = arith.constant 2 : i32
          %get3A_791 = arith.index_cast %get3A_790 : i32 to index
          %get3A_792 = arith.index_cast %scan3A_742 : i32 to index
          %get3A_793 = arith.constant 64 : index
          %get3A_794 = tpu.vector_load %run_scoped3A[%get3A_791, %get3A_792, %get3A_793] {strides = array<i32>} : memref<4x64x128xf32, #tpu.memory_space<vmem>>, vector<16xf32>,
          %mul3A_795 = arith.mulf %get3A_794, %gather3A : vector<16xf32>
          %swap3A_796 = arith.constant 2 : i32
          %swap3A_797 = arith.index_cast %swap3A_796 : i32 to index
          %swap3A_798 = arith.index_cast %scan3A_742 : i32 to index
          %swap3A_799 = arith.constant 64 : index
          %swap3A_800 = tpu.vector_load %run_scoped3A[%swap3A_797, %swap3A_798, %swap3A_799] {strides = array<i32>} : memref<4x64x128xf32, #tpu.memory_space<vmem>>, vector<16xf32>,
          tpu.vector_store %run_scoped3A[%swap3A_797, %swap3A_798, %swap3A_799], %mul3A_795 {strides = array<i32>} : memref<4x64x128xf32, #tpu.memory_space<vmem>>, vector<16xf32>,
          %get3A_801 = arith.constant 2 : i32
          %get3A_802 = arith.index_cast %get3A_801 : i32 to index
          %get3A_803 = arith.index_cast %scan3A_742 : i32 to index
          %get3A_804 = arith.constant 80 : index
          %get3A_805 = tpu.vector_load %run_scoped3A[%get3A_802, %get3A_803, %get3A_804] {strides = array<i32>} : memref<4x64x128xf32, #tpu.memory_space<vmem>>, vector<16xf32>,
          %mul3A_806 = arith.mulf %get3A_805, %gather3A : vector<16xf32>
          %swap3A_807 = arith.constant 2 : i32
          %swap3A_808 = arith.index_cast %swap3A_807 : i32 to index
          %swap3A_809 = arith.index_cast %scan3A_742 : i32 to index
          %swap3A_810 = arith.constant 80 : index
          %swap3A_811 = tpu.vector_load %run_scoped3A[%swap3A_808, %swap3A_809, %swap3A_810] {strides = array<i32>} : memref<4x64x128xf32, #tpu.memory_space<vmem>>, vector<16xf32>,
          tpu.vector_store %run_scoped3A[%swap3A_808, %swap3A_809, %swap3A_810], %mul3A_806 {strides = array<i32>} : memref<4x64x128xf32, #tpu.memory_space<vmem>>, vector<16xf32>,
          %get3A_812 = arith.constant 2 : i32
          %get3A_813 = arith.index_cast %get3A_812 : i32 to index
          %get3A_814 = arith.index_cast %scan3A_742 : i32 to index
          %get3A_815 = arith.constant 96 : index
          %get3A_816 = tpu.vector_load %run_scoped3A[%get3A_813, %get3A_814, %get3A_815] {strides = array<i32>} : memref<4x64x128xf32, #tpu.memory_space<vmem>>, vector<16xf32>,
          %mul3A_817 = arith.mulf %get3A_816, %gather3A : vector<16xf32>
          %swap3A_818 = arith.constant 2 : i32
          %swap3A_819 = arith.index_cast %swap3A_818 : i32 to index
          %swap3A_820 = arith.index_cast %scan3A_742 : i32 to index
          %swap3A_821 = arith.constant 96 : index
          %swap3A_822 = tpu.vector_load %run_scoped3A[%swap3A_819, %swap3A_820, %swap3A_821] {strides = array<i32>} : memref<4x64x128xf32, #tpu.memory_space<vmem>>, vector<16xf32>,
          tpu.vector_store %run_scoped3A[%swap3A_819, %swap3A_820, %swap3A_821], %mul3A_817 {strides = array<i32>} : memref<4x64x128xf32, #tpu.memory_space<vmem>>, vector<16xf32>,
          %get3A_823 = arith.constant 2 : i32
          %get3A_824 = arith.index_cast %get3A_823 : i32 to index
          %get3A_825 = arith.index_cast %scan3A_742 : i32 to index
          %get3A_826 = arith.constant 112 : index
          %get3A_827 = tpu.vector_load %run_scoped3A[%get3A_824, %get3A_825, %get3A_826] {strides = array<i32>} : memref<4x64x128xf32, #tpu.memory_space<vmem>>, vector<16xf32>,
          %mul3A_828 = arith.mulf %get3A_827, %gather3A : vector<16xf32>
          %swap3A_829 = arith.constant 2 : i32
          %swap3A_830 = arith.index_cast %swap3A_829 : i32 to index
          %swap3A_831 = arith.index_cast %scan3A_742 : i32 to index
          %swap3A_832 = arith.constant 112 : index
          %swap3A_833 = tpu.vector_load %run_scoped3A[%swap3A_830, %swap3A_831, %swap3A_832] {strides = array<i32>} : memref<4x64x128xf32, #tpu.memory_space<vmem>>, vector<16xf32>,
          tpu.vector_store %run_scoped3A[%swap3A_830, %swap3A_831, %swap3A_832], %mul3A_828 {strides = array<i32>} : memref<4x64x128xf32, #tpu.memory_space<vmem>>, vector<16xf32>,
          %scan3A_834 = arith.constant 0 : i32
          scf.yield %scan3A_834 : i32
        }
        %scan3A_666 = arith.constant 64 : i32
        %rem3A_667 = arith.constant 8 : i32
        %rem3A_668 = arith.remsi %add3A_644, %rem3A_667 : i32
        %dma_start3A_669 = arith.constant 2 : i32
        %dma_start3A_670 = arith.constant 0 : i32
        %dma_start3A_671 = arith.constant 0 : i32
        %dma_start3A_672 = tpu.memref_slice %run_scoped3A[%dma_start3A_669, %dma_start3A_670, %dma_start3A_671] : memref<4x64x128xf32, #tpu.memory_space<vmem>> -> memref<1x64x128xf32, #tpu.memory_space<vmem>>
        %dma_start3A_673 = tpu.memref_squeeze %dma_start3A_672 : memref<1x64x128xf32, #tpu.memory_space<vmem>> -> memref<64x128xf32, #tpu.memory_space<vmem>>
        %dma_start3A_674 = arith.constant 0 : i32
        %dma_start3A_675 = tpu.memref_slice %run_scoped3A_15[%rem3A_668, %dma_start3A_674] : memref<8x64xi32, #tpu.memory_space<vmem>> -> memref<1x64xi32, #tpu.memory_space<vmem>>
        %dma_start3A_676 = tpu.memref_squeeze %dma_start3A_675 : memref<1x64xi32, #tpu.memory_space<vmem>> -> memref<64xi32, #tpu.memory_space<vmem>>
        %dma_start3A_677 = arith.constant 0 : i32
        %dma_start3A_678 = arith.constant 0 : i32
        %dma_start3A_679 = tpu.memref_slice %arg7[%dma_start3A_677, %dma_start3A_678] : memref<10240x128xf32, #tpu.memory_space<vmem_shared>> -> memref<10240x128xf32, #tpu.memory_space<vmem_shared>>
        tpu.enqueue_indirect_dma source(%dma_start3A_673 : memref<64x128xf32, #tpu.memory_space<vmem>>) target(%dma_start3A_679 : memref<10240x128xf32, #tpu.memory_space<vmem_shared>>) offsets(%dma_start3A_676 : memref<64xi32, #tpu.memory_space<vmem>>) semaphore(%arg14 : memref<!tpu.dma_semaphore, #tpu.memory_space<semaphore_mem>>) {add = true}
        %add3A_680 = arith.constant 2 : i32
        %add3A_681 = arith.addi %add3A_644, %add3A_680 : i32
        %lt3A_682 = arith.cmpi slt, %add3A_681, %select_n3A : i32
        %convert_element_type3A_683 = arith.extui %lt3A_682 : i1 to i32
        %cond3A_684 = arith.constant 0 : i32
        %cond3A_685 = arith.cmpi ne, %convert_element_type3A_683, %cond3A_684 : i32
        scf.if %cond3A_685 {
          %ge3A = arith.constant 4 : i32
          %ge3A_742 = arith.cmpi sge, %add3A_681, %ge3A : i32
          %convert_element_type3A_743 = arith.extui %ge3A_742 : i1 to i32
          %cond3A_744 = arith.constant 0 : i32
          %cond3A_745 = arith.cmpi ne, %convert_element_type3A_743, %cond3A_744 : i32
          scf.if %cond3A_745 {
            %sub3A_800 = arith.constant 4 : i32
            %sub3A_801 = arith.subi %add3A_681, %sub3A_800 : i32
            %rem3A_802 = arith.constant 8 : i32
            %rem3A_803 = arith.remsi %sub3A_801, %rem3A_802 : i32
            %dma_wait3A_804 = arith.constant 0 : i32
            %dma_wait3A_805 = arith.constant 0 : i32
            %dma_wait3A_806 = arith.constant 0 : i32
            %dma_wait3A_807 = tpu.memref_slice %run_scoped3A[%dma_wait3A_804, %dma_wait3A_805, %dma_wait3A_806] : memref<4x64x128xf32, #tpu.memory_space<vmem>> -> memref<1x64x128xf32, #tpu.memory_space<vmem>>
            %dma_wait3A_808 = tpu.memref_squeeze %dma_wait3A_807 : memref<1x64x128xf32, #tpu.memory_space<vmem>> -> memref<64x128xf32, #tpu.memory_space<vmem>>
            %dma_wait3A_809 = arith.constant 0 : i32
            %dma_wait3A_810 = tpu.memref_slice %run_scoped3A_15[%rem3A_803, %dma_wait3A_809] : memref<8x64xi32, #tpu.memory_space<vmem>> -> memref<1x64xi32, #tpu.memory_space<vmem>>
            %dma_wait3A_811 = tpu.memref_squeeze %dma_wait3A_810 : memref<1x64xi32, #tpu.memory_space<vmem>> -> memref<64xi32, #tpu.memory_space<vmem>>
            %dma_wait3A_812 = arith.constant 0 : i32
            %dma_wait3A_813 = arith.constant 0 : i32
            %dma_wait3A_814 = tpu.memref_slice %arg7[%dma_wait3A_812, %dma_wait3A_813] : memref<10240x128xf32, #tpu.memory_space<vmem_shared>> -> memref<10240x128xf32, #tpu.memory_space<vmem_shared>>
            tpu.wait_indirect_dma semaphore(%arg12 : memref<!tpu.dma_semaphore, #tpu.memory_space<semaphore_mem>>) src(%dma_wait3A_808 : memref<64x128xf32, #tpu.memory_space<vmem>>) dst(%dma_wait3A_814 : memref<10240x128xf32, #tpu.memory_space<vmem_shared>>)
          } else {
          }
          %rem3A_746 = arith.constant 8 : i32
          %rem3A_747 = arith.remsi %add3A_681, %rem3A_746 : i32
          %add3A_748 = arith.addi %select_n3A_13, %add3A_681 : i32
          %dma_wait3A_749 = arith.constant 0 : i32
          %dma_wait3A_750 = tpu.memref_slice %run_scoped3A_14[%rem3A_747, %dma_wait3A_749] : memref<8x64xi32, #tpu.memory_space<vmem>> -> memref<1x64xi32, #tpu.memory_space<vmem>>
          %dma_wait3A_751 = tpu.memref_squeeze %dma_wait3A_750 : memref<1x64xi32, #tpu.memory_space<vmem>> -> memref<64xi32, #tpu.memory_space<vmem>>
          %dma_wait3A_752 = arith.constant 0 : i32
          %dma_wait3A_753 = tpu.memref_slice %arg3[%add3A_748, %dma_wait3A_752] : memref<5056x64xi32, #tpu.memory_space<hbm>> -> memref<1x64xi32, #tpu.memory_space<hbm>>
          %dma_wait3A_754 = tpu.memref_squeeze %dma_wait3A_753 : memref<1x64xi32, #tpu.memory_space<hbm>> -> memref<64xi32, #tpu.memory_space<hbm>>
          %dma_wait3A_755 = arith.constant 0 : i32
          %dma_wait3A_756 = tpu.memref_slice %run_scoped3A_14[%rem3A_747, %dma_wait3A_755] : memref<8x64xi32, #tpu.memory_space<vmem>> -> memref<1x64xi32, #tpu.memory_space<vmem>>
          %dma_wait3A_757 = tpu.memref_squeeze %dma_wait3A_756 : memref<1x64xi32, #tpu.memory_space<vmem>> -> memref<64xi32, #tpu.memory_space<vmem>>
          %dma_wait3A_758 = arith.constant 0 : i32
          %dma_wait3A_759 = tpu.memref_slice %arg3[%add3A_748, %dma_wait3A_758] : memref<5056x64xi32, #tpu.memory_space<hbm>> -> memref<1x64xi32, #tpu.memory_space<hbm>>
          %dma_wait3A_760 = tpu.memref_squeeze %dma_wait3A_759 : memref<1x64xi32, #tpu.memory_space<hbm>> -> memref<64xi32, #tpu.memory_space<hbm>>
          tpu.wait_dma2 semaphore(%arg16 : memref<!tpu.dma_semaphore, #tpu.memory_space<semaphore_mem>>) src(%dma_wait3A_760 : memref<64xi32, #tpu.memory_space<hbm>>) dst(%dma_wait3A_757 : memref<64xi32, #tpu.memory_space<vmem>>)
          %add3A_761 = arith.addi %select_n3A_13, %add3A_681 : i32
          %dma_wait3A_762 = arith.constant 0 : i32
          %dma_wait3A_763 = tpu.memref_slice %run_scoped3A_15[%rem3A_747, %dma_wait3A_762] : memref<8x64xi32, #tpu.memory_space<vmem>> -> memref<1x64xi32, #tpu.memory_space<vmem>>
          %dma_wait3A_764 = tpu.memref_squeeze %dma_wait3A_763 : memref<1x64xi32, #tpu.memory_space<vmem>> -> memref<64xi32, #tpu.memory_space<vmem>>
          %dma_wait3A_765 = arith.constant 0 : i32
          %dma_wait3A_766 = tpu.memref_slice %arg4[%add3A_761, %dma_wait3A_765] : memref<5056x64xi32, #tpu.memory_space<hbm>> -> memref<1x64xi32, #tpu.memory_space<hbm>>
          %dma_wait3A_767 = tpu.memref_squeeze %dma_wait3A_766 : memref<1x64xi32, #tpu.memory_space<hbm>> -> memref<64xi32, #tpu.memory_space<hbm>>
          %dma_wait3A_768 = arith.constant 0 : i32
          %dma_wait3A_769 = tpu.memref_slice %run_scoped3A_15[%rem3A_747, %dma_wait3A_768] : memref<8x64xi32, #tpu.memory_space<vmem>> -> memref<1x64xi32, #tpu.memory_space<vmem>>
          %dma_wait3A_770 = tpu.memref_squeeze %dma_wait3A_769 : memref<1x64xi32, #tpu.memory_space<vmem>> -> memref<64xi32, #tpu.memory_space<vmem>>
          %dma_wait3A_771 = arith.constant 0 : i32
          %dma_wait3A_772 = tpu.memref_slice %arg4[%add3A_761, %dma_wait3A_771] : memref<5056x64xi32, #tpu.memory_space<hbm>> -> memref<1x64xi32, #tpu.memory_space<hbm>>
          %dma_wait3A_773 = tpu.memref_squeeze %dma_wait3A_772 : memref<1x64xi32, #tpu.memory_space<hbm>> -> memref<64xi32, #tpu.memory_space<hbm>>
          tpu.wait_dma2 semaphore(%arg16 : memref<!tpu.dma_semaphore, #tpu.memory_space<semaphore_mem>>) src(%dma_wait3A_773 : memref<64xi32, #tpu.memory_space<hbm>>) dst(%dma_wait3A_770 : memref<64xi32, #tpu.memory_space<vmem>>)
          %add3A_774 = arith.addi %select_n3A_13, %add3A_681 : i32
          %dma_wait3A_775 = arith.constant 0 : i32
          %dma_wait3A_776 = tpu.memref_slice %run_scoped3A_16[%rem3A_747, %dma_wait3A_775] : memref<8x64xf32, #tpu.memory_space<vmem>> -> memref<1x64xf32, #tpu.memory_space<vmem>>
          %dma_wait3A_777 = tpu.memref_squeeze %dma_wait3A_776 : memref<1x64xf32, #tpu.memory_space<vmem>> -> memref<64xf32, #tpu.memory_space<vmem>>
          %dma_wait3A_778 = arith.constant 0 : i32
          %dma_wait3A_779 = tpu.memref_slice %arg5[%add3A_774, %dma_wait3A_778] : memref<5056x64xf32, #tpu.memory_space<hbm>> -> memref<1x64xf32, #tpu.memory_space<hbm>>
          %dma_wait3A_780 = tpu.memref_squeeze %dma_wait3A_779 : memref<1x64xf32, #tpu.memory_space<hbm>> -> memref<64xf32, #tpu.memory_space<hbm>>
          %dma_wait3A_781 = arith.constant 0 : i32
          %dma_wait3A_782 = tpu.memref_slice %run_scoped3A_16[%rem3A_747, %dma_wait3A_781] : memref<8x64xf32, #tpu.memory_space<vmem>> -> memref<1x64xf32, #tpu.memory_space<vmem>>
          %dma_wait3A_783 = tpu.memref_squeeze %dma_wait3A_782 : memref<1x64xf32, #tpu.memory_space<vmem>> -> memref<64xf32, #tpu.memory_space<vmem>>
          %dma_wait3A_784 = arith.constant 0 : i32
          %dma_wait3A_785 = tpu.memref_slice %arg5[%add3A_774, %dma_wait3A_784] : memref<5056x64xf32, #tpu.memory_space<hbm>> -> memref<1x64xf32, #tpu.memory_space<hbm>>
          %dma_wait3A_786 = tpu.memref_squeeze %dma_wait3A_785 : memref<1x64xf32, #tpu.memory_space<hbm>> -> memref<64xf32, #tpu.memory_space<hbm>>
          tpu.wait_dma2 semaphore(%arg16 : memref<!tpu.dma_semaphore, #tpu.memory_space<semaphore_mem>>) src(%dma_wait3A_786 : memref<64xf32, #tpu.memory_space<hbm>>) dst(%dma_wait3A_783 : memref<64xf32, #tpu.memory_space<vmem>>)
          %rem3A_787 = arith.constant 8 : i32
          %rem3A_788 = arith.remsi %add3A_681, %rem3A_787 : i32
          %dma_start3A_789 = arith.constant 0 : i32
          %dma_start3A_790 = arith.constant 0 : i32
          %dma_start3A_791 = arith.constant 0 : i32
          %dma_start3A_792 = tpu.memref_slice %run_scoped3A[%dma_start3A_789, %dma_start3A_790, %dma_start3A_791] : memref<4x64x128xf32, #tpu.memory_space<vmem>> -> memref<1x64x128xf32, #tpu.memory_space<vmem>>
          %dma_start3A_793 = tpu.memref_squeeze %dma_start3A_792 : memref<1x64x128xf32, #tpu.memory_space<vmem>> -> memref<64x128xf32, #tpu.memory_space<vmem>>
          %dma_start3A_794 = arith.constant 0 : i32
          %dma_start3A_795 = tpu.memref_slice %run_scoped3A_14[%rem3A_788, %dma_start3A_794] : memref<8x64xi32, #tpu.memory_space<vmem>> -> memref<1x64xi32, #tpu.memory_space<vmem>>
          %dma_start3A_796 = tpu.memref_squeeze %dma_start3A_795 : memref<1x64xi32, #tpu.memory_space<vmem>> -> memref<64xi32, #tpu.memory_space<vmem>>
          %dma_start3A_797 = arith.constant 0 : i32
          %dma_start3A_798 = arith.constant 0 : i32
          %dma_start3A_799 = tpu.memref_slice %arg2[%dma_start3A_797, %dma_start3A_798] : memref<10240x128xf32, #tpu.memory_space<hbm>> -> memref<10240x128xf32, #tpu.memory_space<hbm>>
          tpu.enqueue_indirect_dma source(%dma_start3A_799 : memref<10240x128xf32, #tpu.memory_space<hbm>>) target(%dma_start3A_793 : memref<64x128xf32, #tpu.memory_space<vmem>>) offsets(%dma_start3A_796 : memref<64xi32, #tpu.memory_space<vmem>>) semaphore(%arg8 : memref<!tpu.dma_semaphore, #tpu.memory_space<semaphore_mem>>)
        } else {
        }
        %add3A_686 = arith.constant 6 : i32
        %add3A_687 = arith.addi %add3A_644, %add3A_686 : i32
        %lt3A_688 = arith.cmpi slt, %add3A_687, %select_n3A : i32
        %convert_element_type3A_689 = arith.extui %lt3A_688 : i1 to i32
        %cond3A_690 = arith.constant 0 : i32
        %cond3A_691 = arith.cmpi ne, %convert_element_type3A_689, %cond3A_690 : i32
        scf.if %cond3A_691 {
          %rem3A_742 = arith.constant 8 : i32
          %rem3A_743 = arith.remsi %add3A_687, %rem3A_742 : i32
          %add3A_744 = arith.addi %select_n3A_13, %add3A_687 : i32
          %dma_start3A_745 = arith.constant 0 : i32
          %dma_start3A_746 = tpu.memref_slice %run_scoped3A_14[%rem3A_743, %dma_start3A_745] : memref<8x64xi32, #tpu.memory_space<vmem>> -> memref<1x64xi32, #tpu.memory_space<vmem>>
          %dma_start3A_747 = tpu.memref_squeeze %dma_start3A_746 : memref<1x64xi32, #tpu.memory_space<vmem>> -> memref<64xi32, #tpu.memory_space<vmem>>
          %dma_start3A_748 = arith.constant 0 : i32
          %dma_start3A_749 = tpu.memref_slice %arg3[%add3A_744, %dma_start3A_748] : memref<5056x64xi32, #tpu.memory_space<hbm>> -> memref<1x64xi32, #tpu.memory_space<hbm>>
          %dma_start3A_750 = tpu.memref_squeeze %dma_start3A_749 : memref<1x64xi32, #tpu.memory_space<hbm>> -> memref<64xi32, #tpu.memory_space<hbm>>
          %dma_start3A_751 = arith.constant 0 : i32
          %dma_start3A_752 = tpu.memref_slice %run_scoped3A_14[%rem3A_743, %dma_start3A_751] : memref<8x64xi32, #tpu.memory_space<vmem>> -> memref<1x64xi32, #tpu.memory_space<vmem>>
          %dma_start3A_753 = tpu.memref_squeeze %dma_start3A_752 : memref<1x64xi32, #tpu.memory_space<vmem>> -> memref<64xi32, #tpu.memory_space<vmem>>
          %dma_start3A_754 = arith.constant 0 : i32
          %dma_start3A_755 = tpu.memref_slice %arg3[%add3A_744, %dma_start3A_754] : memref<5056x64xi32, #tpu.memory_space<hbm>> -> memref<1x64xi32, #tpu.memory_space<hbm>>
          %dma_start3A_756 = tpu.memref_squeeze %dma_start3A_755 : memref<1x64xi32, #tpu.memory_space<hbm>> -> memref<64xi32, #tpu.memory_space<hbm>>
          tpu.enqueue_dma source(%dma_start3A_756 : memref<64xi32, #tpu.memory_space<hbm>>) target(%dma_start3A_753 : memref<64xi32, #tpu.memory_space<vmem>>) target_semaphore(%arg16 : memref<!tpu.dma_semaphore, #tpu.memory_space<semaphore_mem>>)
          %add3A_757 = arith.addi %select_n3A_13, %add3A_687 : i32
          %dma_start3A_758 = arith.constant 0 : i32
          %dma_start3A_759 = tpu.memref_slice %run_scoped3A_15[%rem3A_743, %dma_start3A_758] : memref<8x64xi32, #tpu.memory_space<vmem>> -> memref<1x64xi32, #tpu.memory_space<vmem>>
          %dma_start3A_760 = tpu.memref_squeeze %dma_start3A_759 : memref<1x64xi32, #tpu.memory_space<vmem>> -> memref<64xi32, #tpu.memory_space<vmem>>
          %dma_start3A_761 = arith.constant 0 : i32
          %dma_start3A_762 = tpu.memref_slice %arg4[%add3A_757, %dma_start3A_761] : memref<5056x64xi32, #tpu.memory_space<hbm>> -> memref<1x64xi32, #tpu.memory_space<hbm>>
          %dma_start3A_763 = tpu.memref_squeeze %dma_start3A_762 : memref<1x64xi32, #tpu.memory_space<hbm>> -> memref<64xi32, #tpu.memory_space<hbm>>
          %dma_start3A_764 = arith.constant 0 : i32
          %dma_start3A_765 = tpu.memref_slice %run_scoped3A_15[%rem3A_743, %dma_start3A_764] : memref<8x64xi32, #tpu.memory_space<vmem>> -> memref<1x64xi32, #tpu.memory_space<vmem>>
          %dma_start3A_766 = tpu.memref_squeeze %dma_start3A_765 : memref<1x64xi32, #tpu.memory_space<vmem>> -> memref<64xi32, #tpu.memory_space<vmem>>
          %dma_start3A_767 = arith.constant 0 : i32
          %dma_start3A_768 = tpu.memref_slice %arg4[%add3A_757, %dma_start3A_767] : memref<5056x64xi32, #tpu.memory_space<hbm>> -> memref<1x64xi32, #tpu.memory_space<hbm>>
          %dma_start3A_769 = tpu.memref_squeeze %dma_start3A_768 : memref<1x64xi32, #tpu.memory_space<hbm>> -> memref<64xi32, #tpu.memory_space<hbm>>
          tpu.enqueue_dma source(%dma_start3A_769 : memref<64xi32, #tpu.memory_space<hbm>>) target(%dma_start3A_766 : memref<64xi32, #tpu.memory_space<vmem>>) target_semaphore(%arg16 : memref<!tpu.dma_semaphore, #tpu.memory_space<semaphore_mem>>)
          %add3A_770 = arith.addi %select_n3A_13, %add3A_687 : i32
          %dma_start3A_771 = arith.constant 0 : i32
          %dma_start3A_772 = tpu.memref_slice %run_scoped3A_16[%rem3A_743, %dma_start3A_771] : memref<8x64xf32, #tpu.memory_space<vmem>> -> memref<1x64xf32, #tpu.memory_space<vmem>>
          %dma_start3A_773 = tpu.memref_squeeze %dma_start3A_772 : memref<1x64xf32, #tpu.memory_space<vmem>> -> memref<64xf32, #tpu.memory_space<vmem>>
          %dma_start3A_774 = arith.constant 0 : i32
          %dma_start3A_775 = tpu.memref_slice %arg5[%add3A_770, %dma_start3A_774] : memref<5056x64xf32, #tpu.memory_space<hbm>> -> memref<1x64xf32, #tpu.memory_space<hbm>>
          %dma_start3A_776 = tpu.memref_squeeze %dma_start3A_775 : memref<1x64xf32, #tpu.memory_space<hbm>> -> memref<64xf32, #tpu.memory_space<hbm>>
          %dma_start3A_777 = arith.constant 0 : i32
          %dma_start3A_778 = tpu.memref_slice %run_scoped3A_16[%rem3A_743, %dma_start3A_777] : memref<8x64xf32, #tpu.memory_space<vmem>> -> memref<1x64xf32, #tpu.memory_space<vmem>>
          %dma_start3A_779 = tpu.memref_squeeze %dma_start3A_778 : memref<1x64xf32, #tpu.memory_space<vmem>> -> memref<64xf32, #tpu.memory_space<vmem>>
          %dma_start3A_780 = arith.constant 0 : i32
          %dma_start3A_781 = tpu.memref_slice %arg5[%add3A_770, %dma_start3A_780] : memref<5056x64xf32, #tpu.memory_space<hbm>> -> memref<1x64xf32, #tpu.memory_space<hbm>>
          %dma_start3A_782 = tpu.memref_squeeze %dma_start3A_781 : memref<1x64xf32, #tpu.memory_space<hbm>> -> memref<64xf32, #tpu.memory_space<hbm>>
          tpu.enqueue_dma source(%dma_start3A_782 : memref<64xf32, #tpu.memory_space<hbm>>) target(%dma_start3A_779 : memref<64xf32, #tpu.memory_space<vmem>>) target_semaphore(%arg16 : memref<!tpu.dma_semaphore, #tpu.memory_space<semaphore_mem>>)
        } else {
        }
        %add3A_692 = arith.constant 3 : i32
        %add3A_693 = arith.addi %mul3A_547, %add3A_692 : i32
        %rem3A_694 = arith.constant 8 : i32
        %rem3A_695 = arith.remsi %add3A_693, %rem3A_694 : i32
        %dma_wait3A_696 = arith.constant 3 : i32
        %dma_wait3A_697 = arith.constant 0 : i32
        %dma_wait3A_698 = arith.constant 0 : i32
        %dma_wait3A_699 = tpu.memref_slice %run_scoped3A[%dma_wait3A_696, %dma_wait3A_697, %dma_wait3A_698] : memref<4x64x128xf32, #tpu.memory_space<vmem>> -> memref<1x64x128xf32, #tpu.memory_space<vmem>>
        %dma_wait3A_700 = tpu.memref_squeeze %dma_wait3A_699 : memref<1x64x128xf32, #tpu.memory_space<vmem>> -> memref<64x128xf32, #tpu.memory_space<vmem>>
        %dma_wait3A_701 = arith.constant 0 : i32
        %dma_wait3A_702 = tpu.memref_slice %run_scoped3A_14[%rem3A_695, %dma_wait3A_701] : memref<8x64xi32, #tpu.memory_space<vmem>> -> memref<1x64xi32, #tpu.memory_space<vmem>>
        %dma_wait3A_703 = tpu.memref_squeeze %dma_wait3A_702 : memref<1x64xi32, #tpu.memory_space<vmem>> -> memref<64xi32, #tpu.memory_space<vmem>>
        %dma_wait3A_704 = arith.constant 0 : i32
        %dma_wait3A_705 = arith.constant 0 : i32
        %dma_wait3A_706 = tpu.memref_slice %arg2[%dma_wait3A_704, %dma_wait3A_705] : memref<10240x128xf32, #tpu.memory_space<hbm>> -> memref<10240x128xf32, #tpu.memory_space<hbm>>
        tpu.wait_indirect_dma semaphore(%arg11 : memref<!tpu.dma_semaphore, #tpu.memory_space<semaphore_mem>>) src(%dma_wait3A_706 : memref<10240x128xf32, #tpu.memory_space<hbm>>) dst(%dma_wait3A_700 : memref<64x128xf32, #tpu.memory_space<vmem>>)
        %rem3A_707 = arith.constant 8 : i32
        %rem3A_708 = arith.remsi %add3A_693, %rem3A_707 : i32
        %scan3A_709 = arith.constant 0 : i32
        %scan3A_710 = arith.constant 0 : i32
        %scan3A_711 = arith.constant 64 : i32
        %scan3A_712 = arith.addi %scan3A_710, %scan3A_711 : i32
        %scan3A_713 = arith.constant 1 : i32
        %scan3A_714 = scf.for %scan3A_742 = %scan3A_710 to %scan3A_712 step %scan3A_713 iter_args(%scan3A_743 = %scan3A_709) -> (i32)  : i32 {
          %add3A_744 = vector.broadcast %rem3A_708 : i32 to vector<16xi32>
          %add3A_745 = arith.addi %broadcast_in_dim3A_2, %add3A_744 : vector<16xi32>
          %add3A_746 = vector.broadcast %scan3A_742 : i32 to vector<16xi32>
          %add3A_747 = arith.addi %broadcast_in_dim3A_2, %add3A_746 : vector<16xi32>
          %gather3A = tpu.vector_load_idx %run_scoped3A_16[%add3A_745, %add3A_747] : memref<8x64xf32, #tpu.memory_space<vmem>>[vector<16xi32>, vector<16xi32>], vector<16xf32>,
          %get3A = arith.constant 3 : i32
          %get3A_748 = arith.index_cast %get3A : i32 to index
          %get3A_749 = arith.index_cast %scan3A_742 : i32 to index
          %get3A_750 = arith.constant 0 : index
          %get3A_751 = tpu.vector_load %run_scoped3A[%get3A_748, %get3A_749, %get3A_750] {strides = array<i32>} : memref<4x64x128xf32, #tpu.memory_space<vmem>>, vector<16xf32>,
          %mul3A_752 = arith.mulf %get3A_751, %gather3A : vector<16xf32>
          %swap3A = arith.constant 3 : i32
          %swap3A_753 = arith.index_cast %swap3A : i32 to index
          %swap3A_754 = arith.index_cast %scan3A_742 : i32 to index
          %swap3A_755 = arith.constant 0 : index
          %swap3A_756 = tpu.vector_load %run_scoped3A[%swap3A_753, %swap3A_754, %swap3A_755] {strides = array<i32>} : memref<4x64x128xf32, #tpu.memory_space<vmem>>, vector<16xf32>,
          tpu.vector_store %run_scoped3A[%swap3A_753, %swap3A_754, %swap3A_755], %mul3A_752 {strides = array<i32>} : memref<4x64x128xf32, #tpu.memory_space<vmem>>, vector<16xf32>,
          %get3A_757 = arith.constant 3 : i32
          %get3A_758 = arith.index_cast %get3A_757 : i32 to index
          %get3A_759 = arith.index_cast %scan3A_742 : i32 to index
          %get3A_760 = arith.constant 16 : index
          %get3A_761 = tpu.vector_load %run_scoped3A[%get3A_758, %get3A_759, %get3A_760] {strides = array<i32>} : memref<4x64x128xf32, #tpu.memory_space<vmem>>, vector<16xf32>,
          %mul3A_762 = arith.mulf %get3A_761, %gather3A : vector<16xf32>
          %swap3A_763 = arith.constant 3 : i32
          %swap3A_764 = arith.index_cast %swap3A_763 : i32 to index
          %swap3A_765 = arith.index_cast %scan3A_742 : i32 to index
          %swap3A_766 = arith.constant 16 : index
          %swap3A_767 = tpu.vector_load %run_scoped3A[%swap3A_764, %swap3A_765, %swap3A_766] {strides = array<i32>} : memref<4x64x128xf32, #tpu.memory_space<vmem>>, vector<16xf32>,
          tpu.vector_store %run_scoped3A[%swap3A_764, %swap3A_765, %swap3A_766], %mul3A_762 {strides = array<i32>} : memref<4x64x128xf32, #tpu.memory_space<vmem>>, vector<16xf32>,
          %get3A_768 = arith.constant 3 : i32
          %get3A_769 = arith.index_cast %get3A_768 : i32 to index
          %get3A_770 = arith.index_cast %scan3A_742 : i32 to index
          %get3A_771 = arith.constant 32 : index
          %get3A_772 = tpu.vector_load %run_scoped3A[%get3A_769, %get3A_770, %get3A_771] {strides = array<i32>} : memref<4x64x128xf32, #tpu.memory_space<vmem>>, vector<16xf32>,
          %mul3A_773 = arith.mulf %get3A_772, %gather3A : vector<16xf32>
          %swap3A_774 = arith.constant 3 : i32
          %swap3A_775 = arith.index_cast %swap3A_774 : i32 to index
          %swap3A_776 = arith.index_cast %scan3A_742 : i32 to index
          %swap3A_777 = arith.constant 32 : index
          %swap3A_778 = tpu.vector_load %run_scoped3A[%swap3A_775, %swap3A_776, %swap3A_777] {strides = array<i32>} : memref<4x64x128xf32, #tpu.memory_space<vmem>>, vector<16xf32>,
          tpu.vector_store %run_scoped3A[%swap3A_775, %swap3A_776, %swap3A_777], %mul3A_773 {strides = array<i32>} : memref<4x64x128xf32, #tpu.memory_space<vmem>>, vector<16xf32>,
          %get3A_779 = arith.constant 3 : i32
          %get3A_780 = arith.index_cast %get3A_779 : i32 to index
          %get3A_781 = arith.index_cast %scan3A_742 : i32 to index
          %get3A_782 = arith.constant 48 : index
          %get3A_783 = tpu.vector_load %run_scoped3A[%get3A_780, %get3A_781, %get3A_782] {strides = array<i32>} : memref<4x64x128xf32, #tpu.memory_space<vmem>>, vector<16xf32>,
          %mul3A_784 = arith.mulf %get3A_783, %gather3A : vector<16xf32>
          %swap3A_785 = arith.constant 3 : i32
          %swap3A_786 = arith.index_cast %swap3A_785 : i32 to index
          %swap3A_787 = arith.index_cast %scan3A_742 : i32 to index
          %swap3A_788 = arith.constant 48 : index
          %swap3A_789 = tpu.vector_load %run_scoped3A[%swap3A_786, %swap3A_787, %swap3A_788] {strides = array<i32>} : memref<4x64x128xf32, #tpu.memory_space<vmem>>, vector<16xf32>,
          tpu.vector_store %run_scoped3A[%swap3A_786, %swap3A_787, %swap3A_788], %mul3A_784 {strides = array<i32>} : memref<4x64x128xf32, #tpu.memory_space<vmem>>, vector<16xf32>,
          %get3A_790 = arith.constant 3 : i32
          %get3A_791 = arith.index_cast %get3A_790 : i32 to index
          %get3A_792 = arith.index_cast %scan3A_742 : i32 to index
          %get3A_793 = arith.constant 64 : index
          %get3A_794 = tpu.vector_load %run_scoped3A[%get3A_791, %get3A_792, %get3A_793] {strides = array<i32>} : memref<4x64x128xf32, #tpu.memory_space<vmem>>, vector<16xf32>,
          %mul3A_795 = arith.mulf %get3A_794, %gather3A : vector<16xf32>
          %swap3A_796 = arith.constant 3 : i32
          %swap3A_797 = arith.index_cast %swap3A_796 : i32 to index
          %swap3A_798 = arith.index_cast %scan3A_742 : i32 to index
          %swap3A_799 = arith.constant 64 : index
          %swap3A_800 = tpu.vector_load %run_scoped3A[%swap3A_797, %swap3A_798, %swap3A_799] {strides = array<i32>} : memref<4x64x128xf32, #tpu.memory_space<vmem>>, vector<16xf32>,
          tpu.vector_store %run_scoped3A[%swap3A_797, %swap3A_798, %swap3A_799], %mul3A_795 {strides = array<i32>} : memref<4x64x128xf32, #tpu.memory_space<vmem>>, vector<16xf32>,
          %get3A_801 = arith.constant 3 : i32
          %get3A_802 = arith.index_cast %get3A_801 : i32 to index
          %get3A_803 = arith.index_cast %scan3A_742 : i32 to index
          %get3A_804 = arith.constant 80 : index
          %get3A_805 = tpu.vector_load %run_scoped3A[%get3A_802, %get3A_803, %get3A_804] {strides = array<i32>} : memref<4x64x128xf32, #tpu.memory_space<vmem>>, vector<16xf32>,
          %mul3A_806 = arith.mulf %get3A_805, %gather3A : vector<16xf32>
          %swap3A_807 = arith.constant 3 : i32
          %swap3A_808 = arith.index_cast %swap3A_807 : i32 to index
          %swap3A_809 = arith.index_cast %scan3A_742 : i32 to index
          %swap3A_810 = arith.constant 80 : index
          %swap3A_811 = tpu.vector_load %run_scoped3A[%swap3A_808, %swap3A_809, %swap3A_810] {strides = array<i32>} : memref<4x64x128xf32, #tpu.memory_space<vmem>>, vector<16xf32>,
          tpu.vector_store %run_scoped3A[%swap3A_808, %swap3A_809, %swap3A_810], %mul3A_806 {strides = array<i32>} : memref<4x64x128xf32, #tpu.memory_space<vmem>>, vector<16xf32>,
          %get3A_812 = arith.constant 3 : i32
          %get3A_813 = arith.index_cast %get3A_812 : i32 to index
          %get3A_814 = arith.index_cast %scan3A_742 : i32 to index
          %get3A_815 = arith.constant 96 : index
          %get3A_816 = tpu.vector_load %run_scoped3A[%get3A_813, %get3A_814, %get3A_815] {strides = array<i32>} : memref<4x64x128xf32, #tpu.memory_space<vmem>>, vector<16xf32>,
          %mul3A_817 = arith.mulf %get3A_816, %gather3A : vector<16xf32>
          %swap3A_818 = arith.constant 3 : i32
          %swap3A_819 = arith.index_cast %swap3A_818 : i32 to index
          %swap3A_820 = arith.index_cast %scan3A_742 : i32 to index
          %swap3A_821 = arith.constant 96 : index
          %swap3A_822 = tpu.vector_load %run_scoped3A[%swap3A_819, %swap3A_820, %swap3A_821] {strides = array<i32>} : memref<4x64x128xf32, #tpu.memory_space<vmem>>, vector<16xf32>,
          tpu.vector_store %run_scoped3A[%swap3A_819, %swap3A_820, %swap3A_821], %mul3A_817 {strides = array<i32>} : memref<4x64x128xf32, #tpu.memory_space<vmem>>, vector<16xf32>,
          %get3A_823 = arith.constant 3 : i32
          %get3A_824 = arith.index_cast %get3A_823 : i32 to index
          %get3A_825 = arith.index_cast %scan3A_742 : i32 to index
          %get3A_826 = arith.constant 112 : index
          %get3A_827 = tpu.vector_load %run_scoped3A[%get3A_824, %get3A_825, %get3A_826] {strides = array<i32>} : memref<4x64x128xf32, #tpu.memory_space<vmem>>, vector<16xf32>,
          %mul3A_828 = arith.mulf %get3A_827, %gather3A : vector<16xf32>
          %swap3A_829 = arith.constant 3 : i32
          %swap3A_830 = arith.index_cast %swap3A_829 : i32 to index
          %swap3A_831 = arith.index_cast %scan3A_742 : i32 to index
          %swap3A_832 = arith.constant 112 : index
          %swap3A_833 = tpu.vector_load %run_scoped3A[%swap3A_830, %swap3A_831, %swap3A_832] {strides = array<i32>} : memref<4x64x128xf32, #tpu.memory_space<vmem>>, vector<16xf32>,
          tpu.vector_store %run_scoped3A[%swap3A_830, %swap3A_831, %swap3A_832], %mul3A_828 {strides = array<i32>} : memref<4x64x128xf32, #tpu.memory_space<vmem>>, vector<16xf32>,
          %scan3A_834 = arith.constant 0 : i32
          scf.yield %scan3A_834 : i32
        }
        %scan3A_715 = arith.constant 64 : i32
        %rem3A_716 = arith.constant 8 : i32
        %rem3A_717 = arith.remsi %add3A_693, %rem3A_716 : i32
        %dma_start3A_718 = arith.constant 3 : i32
        %dma_start3A_719 = arith.constant 0 : i32
        %dma_start3A_720 = arith.constant 0 : i32
        %dma_start3A_721 = tpu.memref_slice %run_scoped3A[%dma_start3A_718, %dma_start3A_719, %dma_start3A_720] : memref<4x64x128xf32, #tpu.memory_space<vmem>> -> memref<1x64x128xf32, #tpu.memory_space<vmem>>
        %dma_start3A_722 = tpu.memref_squeeze %dma_start3A_721 : memref<1x64x128xf32, #tpu.memory_space<vmem>> -> memref<64x128xf32, #tpu.memory_space<vmem>>
        %dma_start3A_723 = arith.constant 0 : i32
        %dma_start3A_724 = tpu.memref_slice %run_scoped3A_15[%rem3A_717, %dma_start3A_723] : memref<8x64xi32, #tpu.memory_space<vmem>> -> memref<1x64xi32, #tpu.memory_space<vmem>>
        %dma_start3A_725 = tpu.memref_squeeze %dma_start3A_724 : memref<1x64xi32, #tpu.memory_space<vmem>> -> memref<64xi32, #tpu.memory_space<vmem>>
        %dma_start3A_726 = arith.constant 0 : i32
        %dma_start3A_727 = arith.constant 0 : i32
        %dma_start3A_728 = tpu.memref_slice %arg7[%dma_start3A_726, %dma_start3A_727] : memref<10240x128xf32, #tpu.memory_space<vmem_shared>> -> memref<10240x128xf32, #tpu.memory_space<vmem_shared>>
        tpu.enqueue_indirect_dma source(%dma_start3A_722 : memref<64x128xf32, #tpu.memory_space<vmem>>) target(%dma_start3A_728 : memref<10240x128xf32, #tpu.memory_space<vmem_shared>>) offsets(%dma_start3A_725 : memref<64xi32, #tpu.memory_space<vmem>>) semaphore(%arg15 : memref<!tpu.dma_semaphore, #tpu.memory_space<semaphore_mem>>) {add = true}
        %add3A_729 = arith.constant 2 : i32
        %add3A_730 = arith.addi %add3A_693, %add3A_729 : i32
        %lt3A_731 = arith.cmpi slt, %add3A_730, %select_n3A : i32
        %convert_element_type3A_732 = arith.extui %lt3A_731 : i1 to i32
        %cond3A_733 = arith.constant 0 : i32
        %cond3A_734 = arith.cmpi ne, %convert_element_type3A_732, %cond3A_733 : i32
        scf.if %cond3A_734 {
          %ge3A = arith.constant 4 : i32
          %ge3A_742 = arith.cmpi sge, %add3A_730, %ge3A : i32
          %convert_element_type3A_743 = arith.extui %ge3A_742 : i1 to i32
          %cond3A_744 = arith.constant 0 : i32
          %cond3A_745 = arith.cmpi ne, %convert_element_type3A_743, %cond3A_744 : i32
          scf.if %cond3A_745 {
            %sub3A_800 = arith.constant 4 : i32
            %sub3A_801 = arith.subi %add3A_730, %sub3A_800 : i32
            %rem3A_802 = arith.constant 8 : i32
            %rem3A_803 = arith.remsi %sub3A_801, %rem3A_802 : i32
            %dma_wait3A_804 = arith.constant 1 : i32
            %dma_wait3A_805 = arith.constant 0 : i32
            %dma_wait3A_806 = arith.constant 0 : i32
            %dma_wait3A_807 = tpu.memref_slice %run_scoped3A[%dma_wait3A_804, %dma_wait3A_805, %dma_wait3A_806] : memref<4x64x128xf32, #tpu.memory_space<vmem>> -> memref<1x64x128xf32, #tpu.memory_space<vmem>>
            %dma_wait3A_808 = tpu.memref_squeeze %dma_wait3A_807 : memref<1x64x128xf32, #tpu.memory_space<vmem>> -> memref<64x128xf32, #tpu.memory_space<vmem>>
            %dma_wait3A_809 = arith.constant 0 : i32
            %dma_wait3A_810 = tpu.memref_slice %run_scoped3A_15[%rem3A_803, %dma_wait3A_809] : memref<8x64xi32, #tpu.memory_space<vmem>> -> memref<1x64xi32, #tpu.memory_space<vmem>>
            %dma_wait3A_811 = tpu.memref_squeeze %dma_wait3A_810 : memref<1x64xi32, #tpu.memory_space<vmem>> -> memref<64xi32, #tpu.memory_space<vmem>>
            %dma_wait3A_812 = arith.constant 0 : i32
            %dma_wait3A_813 = arith.constant 0 : i32
            %dma_wait3A_814 = tpu.memref_slice %arg7[%dma_wait3A_812, %dma_wait3A_813] : memref<10240x128xf32, #tpu.memory_space<vmem_shared>> -> memref<10240x128xf32, #tpu.memory_space<vmem_shared>>
            tpu.wait_indirect_dma semaphore(%arg13 : memref<!tpu.dma_semaphore, #tpu.memory_space<semaphore_mem>>) src(%dma_wait3A_808 : memref<64x128xf32, #tpu.memory_space<vmem>>) dst(%dma_wait3A_814 : memref<10240x128xf32, #tpu.memory_space<vmem_shared>>)
          } else {
          }
          %rem3A_746 = arith.constant 8 : i32
          %rem3A_747 = arith.remsi %add3A_730, %rem3A_746 : i32
          %add3A_748 = arith.addi %select_n3A_13, %add3A_730 : i32
          %dma_wait3A_749 = arith.constant 0 : i32
          %dma_wait3A_750 = tpu.memref_slice %run_scoped3A_14[%rem3A_747, %dma_wait3A_749] : memref<8x64xi32, #tpu.memory_space<vmem>> -> memref<1x64xi32, #tpu.memory_space<vmem>>
          %dma_wait3A_751 = tpu.memref_squeeze %dma_wait3A_750 : memref<1x64xi32, #tpu.memory_space<vmem>> -> memref<64xi32, #tpu.memory_space<vmem>>
          %dma_wait3A_752 = arith.constant 0 : i32
          %dma_wait3A_753 = tpu.memref_slice %arg3[%add3A_748, %dma_wait3A_752] : memref<5056x64xi32, #tpu.memory_space<hbm>> -> memref<1x64xi32, #tpu.memory_space<hbm>>
          %dma_wait3A_754 = tpu.memref_squeeze %dma_wait3A_753 : memref<1x64xi32, #tpu.memory_space<hbm>> -> memref<64xi32, #tpu.memory_space<hbm>>
          %dma_wait3A_755 = arith.constant 0 : i32
          %dma_wait3A_756 = tpu.memref_slice %run_scoped3A_14[%rem3A_747, %dma_wait3A_755] : memref<8x64xi32, #tpu.memory_space<vmem>> -> memref<1x64xi32, #tpu.memory_space<vmem>>
          %dma_wait3A_757 = tpu.memref_squeeze %dma_wait3A_756 : memref<1x64xi32, #tpu.memory_space<vmem>> -> memref<64xi32, #tpu.memory_space<vmem>>
          %dma_wait3A_758 = arith.constant 0 : i32
          %dma_wait3A_759 = tpu.memref_slice %arg3[%add3A_748, %dma_wait3A_758] : memref<5056x64xi32, #tpu.memory_space<hbm>> -> memref<1x64xi32, #tpu.memory_space<hbm>>
          %dma_wait3A_760 = tpu.memref_squeeze %dma_wait3A_759 : memref<1x64xi32, #tpu.memory_space<hbm>> -> memref<64xi32, #tpu.memory_space<hbm>>
          tpu.wait_dma2 semaphore(%arg16 : memref<!tpu.dma_semaphore, #tpu.memory_space<semaphore_mem>>) src(%dma_wait3A_760 : memref<64xi32, #tpu.memory_space<hbm>>) dst(%dma_wait3A_757 : memref<64xi32, #tpu.memory_space<vmem>>)
          %add3A_761 = arith.addi %select_n3A_13, %add3A_730 : i32
          %dma_wait3A_762 = arith.constant 0 : i32
          %dma_wait3A_763 = tpu.memref_slice %run_scoped3A_15[%rem3A_747, %dma_wait3A_762] : memref<8x64xi32, #tpu.memory_space<vmem>> -> memref<1x64xi32, #tpu.memory_space<vmem>>
          %dma_wait3A_764 = tpu.memref_squeeze %dma_wait3A_763 : memref<1x64xi32, #tpu.memory_space<vmem>> -> memref<64xi32, #tpu.memory_space<vmem>>
          %dma_wait3A_765 = arith.constant 0 : i32
          %dma_wait3A_766 = tpu.memref_slice %arg4[%add3A_761, %dma_wait3A_765] : memref<5056x64xi32, #tpu.memory_space<hbm>> -> memref<1x64xi32, #tpu.memory_space<hbm>>
          %dma_wait3A_767 = tpu.memref_squeeze %dma_wait3A_766 : memref<1x64xi32, #tpu.memory_space<hbm>> -> memref<64xi32, #tpu.memory_space<hbm>>
          %dma_wait3A_768 = arith.constant 0 : i32
          %dma_wait3A_769 = tpu.memref_slice %run_scoped3A_15[%rem3A_747, %dma_wait3A_768] : memref<8x64xi32, #tpu.memory_space<vmem>> -> memref<1x64xi32, #tpu.memory_space<vmem>>
          %dma_wait3A_770 = tpu.memref_squeeze %dma_wait3A_769 : memref<1x64xi32, #tpu.memory_space<vmem>> -> memref<64xi32, #tpu.memory_space<vmem>>
          %dma_wait3A_771 = arith.constant 0 : i32
          %dma_wait3A_772 = tpu.memref_slice %arg4[%add3A_761, %dma_wait3A_771] : memref<5056x64xi32, #tpu.memory_space<hbm>> -> memref<1x64xi32, #tpu.memory_space<hbm>>
          %dma_wait3A_773 = tpu.memref_squeeze %dma_wait3A_772 : memref<1x64xi32, #tpu.memory_space<hbm>> -> memref<64xi32, #tpu.memory_space<hbm>>
          tpu.wait_dma2 semaphore(%arg16 : memref<!tpu.dma_semaphore, #tpu.memory_space<semaphore_mem>>) src(%dma_wait3A_773 : memref<64xi32, #tpu.memory_space<hbm>>) dst(%dma_wait3A_770 : memref<64xi32, #tpu.memory_space<vmem>>)
          %add3A_774 = arith.addi %select_n3A_13, %add3A_730 : i32
          %dma_wait3A_775 = arith.constant 0 : i32
          %dma_wait3A_776 = tpu.memref_slice %run_scoped3A_16[%rem3A_747, %dma_wait3A_775] : memref<8x64xf32, #tpu.memory_space<vmem>> -> memref<1x64xf32, #tpu.memory_space<vmem>>
          %dma_wait3A_777 = tpu.memref_squeeze %dma_wait3A_776 : memref<1x64xf32, #tpu.memory_space<vmem>> -> memref<64xf32, #tpu.memory_space<vmem>>
          %dma_wait3A_778 = arith.constant 0 : i32
          %dma_wait3A_779 = tpu.memref_slice %arg5[%add3A_774, %dma_wait3A_778] : memref<5056x64xf32, #tpu.memory_space<hbm>> -> memref<1x64xf32, #tpu.memory_space<hbm>>
          %dma_wait3A_780 = tpu.memref_squeeze %dma_wait3A_779 : memref<1x64xf32, #tpu.memory_space<hbm>> -> memref<64xf32, #tpu.memory_space<hbm>>
          %dma_wait3A_781 = arith.constant 0 : i32
          %dma_wait3A_782 = tpu.memref_slice %run_scoped3A_16[%rem3A_747, %dma_wait3A_781] : memref<8x64xf32, #tpu.memory_space<vmem>> -> memref<1x64xf32, #tpu.memory_space<vmem>>
          %dma_wait3A_783 = tpu.memref_squeeze %dma_wait3A_782 : memref<1x64xf32, #tpu.memory_space<vmem>> -> memref<64xf32, #tpu.memory_space<vmem>>
          %dma_wait3A_784 = arith.constant 0 : i32
          %dma_wait3A_785 = tpu.memref_slice %arg5[%add3A_774, %dma_wait3A_784] : memref<5056x64xf32, #tpu.memory_space<hbm>> -> memref<1x64xf32, #tpu.memory_space<hbm>>
          %dma_wait3A_786 = tpu.memref_squeeze %dma_wait3A_785 : memref<1x64xf32, #tpu.memory_space<hbm>> -> memref<64xf32, #tpu.memory_space<hbm>>
          tpu.wait_dma2 semaphore(%arg16 : memref<!tpu.dma_semaphore, #tpu.memory_space<semaphore_mem>>) src(%dma_wait3A_786 : memref<64xf32, #tpu.memory_space<hbm>>) dst(%dma_wait3A_783 : memref<64xf32, #tpu.memory_space<vmem>>)
          %rem3A_787 = arith.constant 8 : i32
          %rem3A_788 = arith.remsi %add3A_730, %rem3A_787 : i32
          %dma_start3A_789 = arith.constant 1 : i32
          %dma_start3A_790 = arith.constant 0 : i32
          %dma_start3A_791 = arith.constant 0 : i32
          %dma_start3A_792 = tpu.memref_slice %run_scoped3A[%dma_start3A_789, %dma_start3A_790, %dma_start3A_791] : memref<4x64x128xf32, #tpu.memory_space<vmem>> -> memref<1x64x128xf32, #tpu.memory_space<vmem>>
          %dma_start3A_793 = tpu.memref_squeeze %dma_start3A_792 : memref<1x64x128xf32, #tpu.memory_space<vmem>> -> memref<64x128xf32, #tpu.memory_space<vmem>>
          %dma_start3A_794 = arith.constant 0 : i32
          %dma_start3A_795 = tpu.memref_slice %run_scoped3A_14[%rem3A_788, %dma_start3A_794] : memref<8x64xi32, #tpu.memory_space<vmem>> -> memref<1x64xi32, #tpu.memory_space<vmem>>
          %dma_start3A_796 = tpu.memref_squeeze %dma_start3A_795 : memref<1x64xi32, #tpu.memory_space<vmem>> -> memref<64xi32, #tpu.memory_space<vmem>>
          %dma_start3A_797 = arith.constant 0 : i32
          %dma_start3A_798 = arith.constant 0 : i32
          %dma_start3A_799 = tpu.memref_slice %arg2[%dma_start3A_797, %dma_start3A_798] : memref<10240x128xf32, #tpu.memory_space<hbm>> -> memref<10240x128xf32, #tpu.memory_space<hbm>>
          tpu.enqueue_indirect_dma source(%dma_start3A_799 : memref<10240x128xf32, #tpu.memory_space<hbm>>) target(%dma_start3A_793 : memref<64x128xf32, #tpu.memory_space<vmem>>) offsets(%dma_start3A_796 : memref<64xi32, #tpu.memory_space<vmem>>) semaphore(%arg9 : memref<!tpu.dma_semaphore, #tpu.memory_space<semaphore_mem>>)
        } else {
        }
        %add3A_735 = arith.constant 6 : i32
        %add3A_736 = arith.addi %add3A_693, %add3A_735 : i32
        %lt3A_737 = arith.cmpi slt, %add3A_736, %select_n3A : i32
        %convert_element_type3A_738 = arith.extui %lt3A_737 : i1 to i32
        %cond3A_739 = arith.constant 0 : i32
        %cond3A_740 = arith.cmpi ne, %convert_element_type3A_738, %cond3A_739 : i32
        scf.if %cond3A_740 {
          %rem3A_742 = arith.constant 8 : i32
          %rem3A_743 = arith.remsi %add3A_736, %rem3A_742 : i32
          %add3A_744 = arith.addi %select_n3A_13, %add3A_736 : i32
          %dma_start3A_745 = arith.constant 0 : i32
          %dma_start3A_746 = tpu.memref_slice %run_scoped3A_14[%rem3A_743, %dma_start3A_745] : memref<8x64xi32, #tpu.memory_space<vmem>> -> memref<1x64xi32, #tpu.memory_space<vmem>>
          %dma_start3A_747 = tpu.memref_squeeze %dma_start3A_746 : memref<1x64xi32, #tpu.memory_space<vmem>> -> memref<64xi32, #tpu.memory_space<vmem>>
          %dma_start3A_748 = arith.constant 0 : i32
          %dma_start3A_749 = tpu.memref_slice %arg3[%add3A_744, %dma_start3A_748] : memref<5056x64xi32, #tpu.memory_space<hbm>> -> memref<1x64xi32, #tpu.memory_space<hbm>>
          %dma_start3A_750 = tpu.memref_squeeze %dma_start3A_749 : memref<1x64xi32, #tpu.memory_space<hbm>> -> memref<64xi32, #tpu.memory_space<hbm>>
          %dma_start3A_751 = arith.constant 0 : i32
          %dma_start3A_752 = tpu.memref_slice %run_scoped3A_14[%rem3A_743, %dma_start3A_751] : memref<8x64xi32, #tpu.memory_space<vmem>> -> memref<1x64xi32, #tpu.memory_space<vmem>>
          %dma_start3A_753 = tpu.memref_squeeze %dma_start3A_752 : memref<1x64xi32, #tpu.memory_space<vmem>> -> memref<64xi32, #tpu.memory_space<vmem>>
          %dma_start3A_754 = arith.constant 0 : i32
          %dma_start3A_755 = tpu.memref_slice %arg3[%add3A_744, %dma_start3A_754] : memref<5056x64xi32, #tpu.memory_space<hbm>> -> memref<1x64xi32, #tpu.memory_space<hbm>>
          %dma_start3A_756 = tpu.memref_squeeze %dma_start3A_755 : memref<1x64xi32, #tpu.memory_space<hbm>> -> memref<64xi32, #tpu.memory_space<hbm>>
          tpu.enqueue_dma source(%dma_start3A_756 : memref<64xi32, #tpu.memory_space<hbm>>) target(%dma_start3A_753 : memref<64xi32, #tpu.memory_space<vmem>>) target_semaphore(%arg16 : memref<!tpu.dma_semaphore, #tpu.memory_space<semaphore_mem>>)
          %add3A_757 = arith.addi %select_n3A_13, %add3A_736 : i32
          %dma_start3A_758 = arith.constant 0 : i32
          %dma_start3A_759 = tpu.memref_slice %run_scoped3A_15[%rem3A_743, %dma_start3A_758] : memref<8x64xi32, #tpu.memory_space<vmem>> -> memref<1x64xi32, #tpu.memory_space<vmem>>
          %dma_start3A_760 = tpu.memref_squeeze %dma_start3A_759 : memref<1x64xi32, #tpu.memory_space<vmem>> -> memref<64xi32, #tpu.memory_space<vmem>>
          %dma_start3A_761 = arith.constant 0 : i32
          %dma_start3A_762 = tpu.memref_slice %arg4[%add3A_757, %dma_start3A_761] : memref<5056x64xi32, #tpu.memory_space<hbm>> -> memref<1x64xi32, #tpu.memory_space<hbm>>
          %dma_start3A_763 = tpu.memref_squeeze %dma_start3A_762 : memref<1x64xi32, #tpu.memory_space<hbm>> -> memref<64xi32, #tpu.memory_space<hbm>>
          %dma_start3A_764 = arith.constant 0 : i32
          %dma_start3A_765 = tpu.memref_slice %run_scoped3A_15[%rem3A_743, %dma_start3A_764] : memref<8x64xi32, #tpu.memory_space<vmem>> -> memref<1x64xi32, #tpu.memory_space<vmem>>
          %dma_start3A_766 = tpu.memref_squeeze %dma_start3A_765 : memref<1x64xi32, #tpu.memory_space<vmem>> -> memref<64xi32, #tpu.memory_space<vmem>>
          %dma_start3A_767 = arith.constant 0 : i32
          %dma_start3A_768 = tpu.memref_slice %arg4[%add3A_757, %dma_start3A_767] : memref<5056x64xi32, #tpu.memory_space<hbm>> -> memref<1x64xi32, #tpu.memory_space<hbm>>
          %dma_start3A_769 = tpu.memref_squeeze %dma_start3A_768 : memref<1x64xi32, #tpu.memory_space<hbm>> -> memref<64xi32, #tpu.memory_space<hbm>>
          tpu.enqueue_dma source(%dma_start3A_769 : memref<64xi32, #tpu.memory_space<hbm>>) target(%dma_start3A_766 : memref<64xi32, #tpu.memory_space<vmem>>) target_semaphore(%arg16 : memref<!tpu.dma_semaphore, #tpu.memory_space<semaphore_mem>>)
          %add3A_770 = arith.addi %select_n3A_13, %add3A_736 : i32
          %dma_start3A_771 = arith.constant 0 : i32
          %dma_start3A_772 = tpu.memref_slice %run_scoped3A_16[%rem3A_743, %dma_start3A_771] : memref<8x64xf32, #tpu.memory_space<vmem>> -> memref<1x64xf32, #tpu.memory_space<vmem>>
          %dma_start3A_773 = tpu.memref_squeeze %dma_start3A_772 : memref<1x64xf32, #tpu.memory_space<vmem>> -> memref<64xf32, #tpu.memory_space<vmem>>
          %dma_start3A_774 = arith.constant 0 : i32
          %dma_start3A_775 = tpu.memref_slice %arg5[%add3A_770, %dma_start3A_774] : memref<5056x64xf32, #tpu.memory_space<hbm>> -> memref<1x64xf32, #tpu.memory_space<hbm>>
          %dma_start3A_776 = tpu.memref_squeeze %dma_start3A_775 : memref<1x64xf32, #tpu.memory_space<hbm>> -> memref<64xf32, #tpu.memory_space<hbm>>
          %dma_start3A_777 = arith.constant 0 : i32
          %dma_start3A_778 = tpu.memref_slice %run_scoped3A_16[%rem3A_743, %dma_start3A_777] : memref<8x64xf32, #tpu.memory_space<vmem>> -> memref<1x64xf32, #tpu.memory_space<vmem>>
          %dma_start3A_779 = tpu.memref_squeeze %dma_start3A_778 : memref<1x64xf32, #tpu.memory_space<vmem>> -> memref<64xf32, #tpu.memory_space<vmem>>
          %dma_start3A_780 = arith.constant 0 : i32
          %dma_start3A_781 = tpu.memref_slice %arg5[%add3A_770, %dma_start3A_780] : memref<5056x64xf32, #tpu.memory_space<hbm>> -> memref<1x64xf32, #tpu.memory_space<hbm>>
          %dma_start3A_782 = tpu.memref_squeeze %dma_start3A_781 : memref<1x64xf32, #tpu.memory_space<hbm>> -> memref<64xf32, #tpu.memory_space<hbm>>
          tpu.enqueue_dma source(%dma_start3A_782 : memref<64xf32, #tpu.memory_space<hbm>>) target(%dma_start3A_779 : memref<64xf32, #tpu.memory_space<vmem>>) target_semaphore(%arg16 : memref<!tpu.dma_semaphore, #tpu.memory_space<semaphore_mem>>)
        } else {
        }
        %while3A_741 = arith.constant 0 : i32
        scf.yield %while3A_741 : i32
      }
      %sub3A_468 = arith.constant 4 : i32
      %sub3A_469 = arith.subi %select_n3A, %sub3A_468 : i32
      %add3A_470 = arith.constant 0 : i32
      %add3A_471 = arith.addi %sub3A_469, %add3A_470 : i32
      %rem3A_472 = arith.constant 8 : i32
      %rem3A_473 = arith.remsi %add3A_471, %rem3A_472 : i32
      %dma_wait3A_474 = arith.constant 0 : i32
      %dma_wait3A_475 = arith.constant 0 : i32
      %dma_wait3A_476 = arith.constant 0 : i32
      %dma_wait3A_477 = tpu.memref_slice %run_scoped3A[%dma_wait3A_474, %dma_wait3A_475, %dma_wait3A_476] : memref<4x64x128xf32, #tpu.memory_space<vmem>> -> memref<1x64x128xf32, #tpu.memory_space<vmem>>
      %dma_wait3A_478 = tpu.memref_squeeze %dma_wait3A_477 : memref<1x64x128xf32, #tpu.memory_space<vmem>> -> memref<64x128xf32, #tpu.memory_space<vmem>>
      %dma_wait3A_479 = arith.constant 0 : i32
      %dma_wait3A_480 = tpu.memref_slice %run_scoped3A_15[%rem3A_473, %dma_wait3A_479] : memref<8x64xi32, #tpu.memory_space<vmem>> -> memref<1x64xi32, #tpu.memory_space<vmem>>
      %dma_wait3A_481 = tpu.memref_squeeze %dma_wait3A_480 : memref<1x64xi32, #tpu.memory_space<vmem>> -> memref<64xi32, #tpu.memory_space<vmem>>
      %dma_wait3A_482 = arith.constant 0 : i32
      %dma_wait3A_483 = arith.constant 0 : i32
      %dma_wait3A_484 = tpu.memref_slice %arg7[%dma_wait3A_482, %dma_wait3A_483] : memref<10240x128xf32, #tpu.memory_space<vmem_shared>> -> memref<10240x128xf32, #tpu.memory_space<vmem_shared>>
      tpu.wait_indirect_dma semaphore(%arg12 : memref<!tpu.dma_semaphore, #tpu.memory_space<semaphore_mem>>) src(%dma_wait3A_478 : memref<64x128xf32, #tpu.memory_space<vmem>>) dst(%dma_wait3A_484 : memref<10240x128xf32, #tpu.memory_space<vmem_shared>>)
      %sub3A_485 = arith.constant 4 : i32
      %sub3A_486 = arith.subi %select_n3A, %sub3A_485 : i32
      %add3A_487 = arith.constant 1 : i32
      %add3A_488 = arith.addi %sub3A_486, %add3A_487 : i32
      %rem3A_489 = arith.constant 8 : i32
      %rem3A_490 = arith.remsi %add3A_488, %rem3A_489 : i32
      %dma_wait3A_491 = arith.constant 1 : i32
      %dma_wait3A_492 = arith.constant 0 : i32
      %dma_wait3A_493 = arith.constant 0 : i32
      %dma_wait3A_494 = tpu.memref_slice %run_scoped3A[%dma_wait3A_491, %dma_wait3A_492, %dma_wait3A_493] : memref<4x64x128xf32, #tpu.memory_space<vmem>> -> memref<1x64x128xf32, #tpu.memory_space<vmem>>
      %dma_wait3A_495 = tpu.memref_squeeze %dma_wait3A_494 : memref<1x64x128xf32, #tpu.memory_space<vmem>> -> memref<64x128xf32, #tpu.memory_space<vmem>>
      %dma_wait3A_496 = arith.constant 0 : i32
      %dma_wait3A_497 = tpu.memref_slice %run_scoped3A_15[%rem3A_490, %dma_wait3A_496] : memref<8x64xi32, #tpu.memory_space<vmem>> -> memref<1x64xi32, #tpu.memory_space<vmem>>
      %dma_wait3A_498 = tpu.memref_squeeze %dma_wait3A_497 : memref<1x64xi32, #tpu.memory_space<vmem>> -> memref<64xi32, #tpu.memory_space<vmem>>
      %dma_wait3A_499 = arith.constant 0 : i32
      %dma_wait3A_500 = arith.constant 0 : i32
      %dma_wait3A_501 = tpu.memref_slice %arg7[%dma_wait3A_499, %dma_wait3A_500] : memref<10240x128xf32, #tpu.memory_space<vmem_shared>> -> memref<10240x128xf32, #tpu.memory_space<vmem_shared>>
      tpu.wait_indirect_dma semaphore(%arg13 : memref<!tpu.dma_semaphore, #tpu.memory_space<semaphore_mem>>) src(%dma_wait3A_495 : memref<64x128xf32, #tpu.memory_space<vmem>>) dst(%dma_wait3A_501 : memref<10240x128xf32, #tpu.memory_space<vmem_shared>>)
      %sub3A_502 = arith.constant 4 : i32
      %sub3A_503 = arith.subi %select_n3A, %sub3A_502 : i32
      %add3A_504 = arith.constant 2 : i32
      %add3A_505 = arith.addi %sub3A_503, %add3A_504 : i32
      %rem3A_506 = arith.constant 8 : i32
      %rem3A_507 = arith.remsi %add3A_505, %rem3A_506 : i32
      %dma_wait3A_508 = arith.constant 2 : i32
      %dma_wait3A_509 = arith.constant 0 : i32
      %dma_wait3A_510 = arith.constant 0 : i32
      %dma_wait3A_511 = tpu.memref_slice %run_scoped3A[%dma_wait3A_508, %dma_wait3A_509, %dma_wait3A_510] : memref<4x64x128xf32, #tpu.memory_space<vmem>> -> memref<1x64x128xf32, #tpu.memory_space<vmem>>
      %dma_wait3A_512 = tpu.memref_squeeze %dma_wait3A_511 : memref<1x64x128xf32, #tpu.memory_space<vmem>> -> memref<64x128xf32, #tpu.memory_space<vmem>>
      %dma_wait3A_513 = arith.constant 0 : i32
      %dma_wait3A_514 = tpu.memref_slice %run_scoped3A_15[%rem3A_507, %dma_wait3A_513] : memref<8x64xi32, #tpu.memory_space<vmem>> -> memref<1x64xi32, #tpu.memory_space<vmem>>
      %dma_wait3A_515 = tpu.memref_squeeze %dma_wait3A_514 : memref<1x64xi32, #tpu.memory_space<vmem>> -> memref<64xi32, #tpu.memory_space<vmem>>
      %dma_wait3A_516 = arith.constant 0 : i32
      %dma_wait3A_517 = arith.constant 0 : i32
      %dma_wait3A_518 = tpu.memref_slice %arg7[%dma_wait3A_516, %dma_wait3A_517] : memref<10240x128xf32, #tpu.memory_space<vmem_shared>> -> memref<10240x128xf32, #tpu.memory_space<vmem_shared>>
      tpu.wait_indirect_dma semaphore(%arg14 : memref<!tpu.dma_semaphore, #tpu.memory_space<semaphore_mem>>) src(%dma_wait3A_512 : memref<64x128xf32, #tpu.memory_space<vmem>>) dst(%dma_wait3A_518 : memref<10240x128xf32, #tpu.memory_space<vmem_shared>>)
      %sub3A_519 = arith.constant 4 : i32
      %sub3A_520 = arith.subi %select_n3A, %sub3A_519 : i32
      %add3A_521 = arith.constant 3 : i32
      %add3A_522 = arith.addi %sub3A_520, %add3A_521 : i32
      %rem3A_523 = arith.constant 8 : i32
      %rem3A_524 = arith.remsi %add3A_522, %rem3A_523 : i32
      %dma_wait3A_525 = arith.constant 3 : i32
      %dma_wait3A_526 = arith.constant 0 : i32
      %dma_wait3A_527 = arith.constant 0 : i32
      %dma_wait3A_528 = tpu.memref_slice %run_scoped3A[%dma_wait3A_525, %dma_wait3A_526, %dma_wait3A_527] : memref<4x64x128xf32, #tpu.memory_space<vmem>> -> memref<1x64x128xf32, #tpu.memory_space<vmem>>
      %dma_wait3A_529 = tpu.memref_squeeze %dma_wait3A_528 : memref<1x64x128xf32, #tpu.memory_space<vmem>> -> memref<64x128xf32, #tpu.memory_space<vmem>>
      %dma_wait3A_530 = arith.constant 0 : i32
      %dma_wait3A_531 = tpu.memref_slice %run_scoped3A_15[%rem3A_524, %dma_wait3A_530] : memref<8x64xi32, #tpu.memory_space<vmem>> -> memref<1x64xi32, #tpu.memory_space<vmem>>
      %dma_wait3A_532 = tpu.memref_squeeze %dma_wait3A_531 : memref<1x64xi32, #tpu.memory_space<vmem>> -> memref<64xi32, #tpu.memory_space<vmem>>
      %dma_wait3A_533 = arith.constant 0 : i32
      %dma_wait3A_534 = arith.constant 0 : i32
      %dma_wait3A_535 = tpu.memref_slice %arg7[%dma_wait3A_533, %dma_wait3A_534] : memref<10240x128xf32, #tpu.memory_space<vmem_shared>> -> memref<10240x128xf32, #tpu.memory_space<vmem_shared>>
      tpu.wait_indirect_dma semaphore(%arg15 : memref<!tpu.dma_semaphore, #tpu.memory_space<semaphore_mem>>) src(%dma_wait3A_529 : memref<64x128xf32, #tpu.memory_space<vmem>>) dst(%dma_wait3A_535 : memref<10240x128xf32, #tpu.memory_space<vmem_shared>>)
      %barrier3A_536 = arith.constant 0 : index
      tpu.barrier barrier_id(%barrier3A_536)
      %scan3A_537 = arith.constant 0 : i32
      %scan3A_538 = arith.constant 0 : i32
      %scan3A_539 = arith.constant 10 : i32
      %scan3A_540 = arith.addi %scan3A_538, %scan3A_539 : i32
      %scan3A_541 = arith.constant 1 : i32
      %scan3A_542 = scf.for %scan3A_544 = %scan3A_538 to %scan3A_540 step %scan3A_541 iter_args(%scan3A_545 = %scan3A_537) -> (i32)  : i32 {
        %mul3A_546 = arith.constant 64 : i32
        %mul3A_547 = arith.muli %scan3A_544, %mul3A_546 : i32
        %add3A_548 = arith.addi %mul3A_3, %mul3A_547 : i32
        %run_scoped3A_549 = arith.constant 0 : i32
        "tpu.region"() ({
          %run_scoped3A_555 = tpu.sem_alloc : memref<!tpu.dma_semaphore, #tpu.memory_space<semaphore_mem>>
          %dma_start3A_556 = arith.constant 0 : i32
          %dma_start3A_557 = arith.constant 0 : i32
          %dma_start3A_558 = tpu.memref_slice %run_scoped3A[%run_scoped3A_549, %dma_start3A_556, %dma_start3A_557] : memref<4x64x128xf32, #tpu.memory_space<vmem>> -> memref<1x64x128xf32, #tpu.memory_space<vmem>>
          %dma_start3A_559 = tpu.memref_squeeze %dma_start3A_558 : memref<1x64x128xf32, #tpu.memory_space<vmem>> -> memref<64x128xf32, #tpu.memory_space<vmem>>
          %dma_start3A_560 = arith.constant 0 : i32
          %dma_start3A_561 = tpu.memref_slice %arg7[%add3A_548, %dma_start3A_560] : memref<10240x128xf32, #tpu.memory_space<vmem_shared>> -> memref<64x128xf32, #tpu.memory_space<vmem_shared>>
          %dma_start3A_562 = arith.constant 0 : i32
          %dma_start3A_563 = arith.constant 0 : i32
          %dma_start3A_564 = tpu.memref_slice %run_scoped3A[%run_scoped3A_549, %dma_start3A_562, %dma_start3A_563] : memref<4x64x128xf32, #tpu.memory_space<vmem>> -> memref<1x64x128xf32, #tpu.memory_space<vmem>>
          %dma_start3A_565 = tpu.memref_squeeze %dma_start3A_564 : memref<1x64x128xf32, #tpu.memory_space<vmem>> -> memref<64x128xf32, #tpu.memory_space<vmem>>
          %dma_start3A_566 = arith.constant 0 : i32
          %dma_start3A_567 = tpu.memref_slice %arg7[%add3A_548, %dma_start3A_566] : memref<10240x128xf32, #tpu.memory_space<vmem_shared>> -> memref<64x128xf32, #tpu.memory_space<vmem_shared>>
          tpu.enqueue_dma source(%dma_start3A_567 : memref<64x128xf32, #tpu.memory_space<vmem_shared>>) target(%dma_start3A_565 : memref<64x128xf32, #tpu.memory_space<vmem>>) target_semaphore(%run_scoped3A_555 : memref<!tpu.dma_semaphore, #tpu.memory_space<semaphore_mem>>)
          %dma_wait3A_568 = arith.constant 0 : i32
          %dma_wait3A_569 = arith.constant 0 : i32
          %dma_wait3A_570 = tpu.memref_slice %run_scoped3A[%run_scoped3A_549, %dma_wait3A_568, %dma_wait3A_569] : memref<4x64x128xf32, #tpu.memory_space<vmem>> -> memref<1x64x128xf32, #tpu.memory_space<vmem>>
          %dma_wait3A_571 = tpu.memref_squeeze %dma_wait3A_570 : memref<1x64x128xf32, #tpu.memory_space<vmem>> -> memref<64x128xf32, #tpu.memory_space<vmem>>
          %dma_wait3A_572 = arith.constant 0 : i32
          %dma_wait3A_573 = tpu.memref_slice %arg7[%add3A_548, %dma_wait3A_572] : memref<10240x128xf32, #tpu.memory_space<vmem_shared>> -> memref<64x128xf32, #tpu.memory_space<vmem_shared>>
          %dma_wait3A_574 = arith.constant 0 : i32
          %dma_wait3A_575 = arith.constant 0 : i32
          %dma_wait3A_576 = tpu.memref_slice %run_scoped3A[%run_scoped3A_549, %dma_wait3A_574, %dma_wait3A_575] : memref<4x64x128xf32, #tpu.memory_space<vmem>> -> memref<1x64x128xf32, #tpu.memory_space<vmem>>
          %dma_wait3A_577 = tpu.memref_squeeze %dma_wait3A_576 : memref<1x64x128xf32, #tpu.memory_space<vmem>> -> memref<64x128xf32, #tpu.memory_space<vmem>>
          %dma_wait3A_578 = arith.constant 0 : i32
          %dma_wait3A_579 = tpu.memref_slice %arg7[%add3A_548, %dma_wait3A_578] : memref<10240x128xf32, #tpu.memory_space<vmem_shared>> -> memref<64x128xf32, #tpu.memory_space<vmem_shared>>
          tpu.wait_dma2 semaphore(%run_scoped3A_555 : memref<!tpu.dma_semaphore, #tpu.memory_space<semaphore_mem>>) src(%dma_wait3A_579 : memref<64x128xf32, #tpu.memory_space<vmem_shared>>) dst(%dma_wait3A_577 : memref<64x128xf32, #tpu.memory_space<vmem>>)
          tpu.yield
        }) : () -> ()
        %mul3A_550 = arith.constant 64 : i32
        %mul3A_551 = arith.muli %scan3A_544, %mul3A_550 : i32
        %add3A_552 = arith.addi %mul3A_3, %mul3A_551 : i32
        %run_scoped3A_553 = arith.constant 0 : i32
        "tpu.region"() ({
          %run_scoped3A_555 = tpu.sem_alloc : memref<!tpu.dma_semaphore, #tpu.memory_space<semaphore_mem>>
          %dma_start3A_556 = arith.constant 0 : i32
          %dma_start3A_557 = arith.constant 0 : i32
          %dma_start3A_558 = tpu.memref_slice %run_scoped3A[%run_scoped3A_553, %dma_start3A_556, %dma_start3A_557] : memref<4x64x128xf32, #tpu.memory_space<vmem>> -> memref<1x64x128xf32, #tpu.memory_space<vmem>>
          %dma_start3A_559 = tpu.memref_squeeze %dma_start3A_558 : memref<1x64x128xf32, #tpu.memory_space<vmem>> -> memref<64x128xf32, #tpu.memory_space<vmem>>
          %dma_start3A_560 = arith.constant 0 : i32
          %dma_start3A_561 = tpu.memref_slice %arg6[%arg0, %add3A_552, %dma_start3A_560] : memref<2x10240x128xf32, #tpu.memory_space<hbm>> -> memref<1x64x128xf32, #tpu.memory_space<hbm>>
          %dma_start3A_562 = tpu.memref_squeeze %dma_start3A_561 : memref<1x64x128xf32, #tpu.memory_space<hbm>> -> memref<64x128xf32, #tpu.memory_space<hbm>>
          %dma_start3A_563 = arith.constant 0 : i32
          %dma_start3A_564 = tpu.memref_slice %arg6[%arg0, %add3A_552, %dma_start3A_563] : memref<2x10240x128xf32, #tpu.memory_space<hbm>> -> memref<1x64x128xf32, #tpu.memory_space<hbm>>
          %dma_start3A_565 = tpu.memref_squeeze %dma_start3A_564 : memref<1x64x128xf32, #tpu.memory_space<hbm>> -> memref<64x128xf32, #tpu.memory_space<hbm>>
          %dma_start3A_566 = arith.constant 0 : i32
          %dma_start3A_567 = arith.constant 0 : i32
          %dma_start3A_568 = tpu.memref_slice %run_scoped3A[%run_scoped3A_553, %dma_start3A_566, %dma_start3A_567] : memref<4x64x128xf32, #tpu.memory_space<vmem>> -> memref<1x64x128xf32, #tpu.memory_space<vmem>>
          %dma_start3A_569 = tpu.memref_squeeze %dma_start3A_568 : memref<1x64x128xf32, #tpu.memory_space<vmem>> -> memref<64x128xf32, #tpu.memory_space<vmem>>
          tpu.enqueue_dma source(%dma_start3A_569 : memref<64x128xf32, #tpu.memory_space<vmem>>) target(%dma_start3A_565 : memref<64x128xf32, #tpu.memory_space<hbm>>) target_semaphore(%run_scoped3A_555 : memref<!tpu.dma_semaphore, #tpu.memory_space<semaphore_mem>>)
          %dma_wait3A_570 = arith.constant 0 : i32
          %dma_wait3A_571 = arith.constant 0 : i32
          %dma_wait3A_572 = tpu.memref_slice %run_scoped3A[%run_scoped3A_553, %dma_wait3A_570, %dma_wait3A_571] : memref<4x64x128xf32, #tpu.memory_space<vmem>> -> memref<1x64x128xf32, #tpu.memory_space<vmem>>
          %dma_wait3A_573 = tpu.memref_squeeze %dma_wait3A_572 : memref<1x64x128xf32, #tpu.memory_space<vmem>> -> memref<64x128xf32, #tpu.memory_space<vmem>>
          %dma_wait3A_574 = arith.constant 0 : i32
          %dma_wait3A_575 = tpu.memref_slice %arg6[%arg0, %add3A_552, %dma_wait3A_574] : memref<2x10240x128xf32, #tpu.memory_space<hbm>> -> memref<1x64x128xf32, #tpu.memory_space<hbm>>
          %dma_wait3A_576 = tpu.memref_squeeze %dma_wait3A_575 : memref<1x64x128xf32, #tpu.memory_space<hbm>> -> memref<64x128xf32, #tpu.memory_space<hbm>>
          %dma_wait3A_577 = arith.constant 0 : i32
          %dma_wait3A_578 = tpu.memref_slice %arg6[%arg0, %add3A_552, %dma_wait3A_577] : memref<2x10240x128xf32, #tpu.memory_space<hbm>> -> memref<1x64x128xf32, #tpu.memory_space<hbm>>
          %dma_wait3A_579 = tpu.memref_squeeze %dma_wait3A_578 : memref<1x64x128xf32, #tpu.memory_space<hbm>> -> memref<64x128xf32, #tpu.memory_space<hbm>>
          %dma_wait3A_580 = arith.constant 0 : i32
          %dma_wait3A_581 = arith.constant 0 : i32
          %dma_wait3A_582 = tpu.memref_slice %run_scoped3A[%run_scoped3A_553, %dma_wait3A_580, %dma_wait3A_581] : memref<4x64x128xf32, #tpu.memory_space<vmem>> -> memref<1x64x128xf32, #tpu.memory_space<vmem>>
          %dma_wait3A_583 = tpu.memref_squeeze %dma_wait3A_582 : memref<1x64x128xf32, #tpu.memory_space<vmem>> -> memref<64x128xf32, #tpu.memory_space<vmem>>
          tpu.wait_dma2 semaphore(%run_scoped3A_555 : memref<!tpu.dma_semaphore, #tpu.memory_space<semaphore_mem>>) src(%dma_wait3A_583 : memref<64x128xf32, #tpu.memory_space<vmem>>) dst(%dma_wait3A_579 : memref<64x128xf32, #tpu.memory_space<hbm>>)
          tpu.yield
        }) : () -> ()
        %scan3A_554 = arith.constant 0 : i32
        scf.yield %scan3A_554 : i32
      }
      %scan3A_543 = arith.constant 10 : i32
      tpu.yield
    }) : () -> ()
    return
  }
}

#map = affine_map<(d0, d1) -> (0, 0)>
module attributes {stable_mosaic.version = 14 : i64} {
  func.func @_deg_body(%arg0: i32, %arg1: i32, %arg2: memref<32x10112xi32, #tpu.memory_space<hbm>>, %arg3: memref<32x10112xf32, #tpu.memory_space<hbm>>, %arg4: memref<32x10240xf32, #tpu.memory_space<hbm>>) attributes {dimension_semantics = [#tpu.dimension_semantics<core_parallel>, #tpu.dimension_semantics<subcore_parallel>], iteration_bounds = array<i64: 2, 16>, scalar_prefetch = 0 : i64, scratch_operands = 0 : i64, tpu.core_type = #tpu.core_type<sc_vector_subcore>, window_params = [{transform_indices = #map}, {transform_indices = #map}, {transform_indices = #map}]} {
    %mul3A = arith.constant 2 : i32
    %mul3A_0 = arith.muli %arg1, %mul3A : i32
    %add3A = arith.addi %mul3A_0, %arg0 : i32
    %broadcast_in_dim3A = arith.constant 0.000000e+00 : f32
    %broadcast_in_dim3A_1 = vector.broadcast %broadcast_in_dim3A : f32 to vector<16xf32>
    "tpu.region"() ({
      %run_scoped3A = memref.alloca() : memref<10112xi32, #tpu.memory_space<vmem>>
      %run_scoped3A_2 = memref.alloca() : memref<10112xf32, #tpu.memory_space<vmem>>
      %run_scoped3A_3 = memref.alloca() : memref<10240xf32, #tpu.memory_space<vmem>>
      %scan3A = arith.constant 0 : i32
      %scan3A_4 = arith.constant 0 : i32
      %scan3A_5 = arith.constant 640 : i32
      %scan3A_6 = arith.addi %scan3A_4, %scan3A_5 : i32
      %scan3A_7 = arith.constant 1 : i32
      %scan3A_8 = scf.for %scan3A_17 = %scan3A_4 to %scan3A_6 step %scan3A_7 iter_args(%scan3A_18 = %scan3A) -> (i32)  : i32 {
        %mul3A_19 = arith.constant 16 : i32
        %mul3A_20 = arith.muli %scan3A_17, %mul3A_19 : i32
        %swap3A = arith.index_cast %mul3A_20 : i32 to index
        %swap3A_21 = tpu.vector_load %run_scoped3A_3[%swap3A] {strides = array<i32>} : memref<10240xf32, #tpu.memory_space<vmem>>, vector<16xf32>,
        tpu.vector_store %run_scoped3A_3[%swap3A], %broadcast_in_dim3A_1 {strides = array<i32>} : memref<10240xf32, #tpu.memory_space<vmem>>, vector<16xf32>,
        %scan3A_22 = arith.constant 0 : i32
        scf.yield %scan3A_22 : i32
      }
      %scan3A_9 = arith.constant 640 : i32
      "tpu.region"() ({
        %run_scoped3A_17 = tpu.sem_alloc : memref<!tpu.dma_semaphore, #tpu.memory_space<semaphore_mem>>
        %dma_start3A = arith.constant 0 : i32
        %dma_start3A_18 = tpu.memref_slice %arg2[%add3A, %dma_start3A] : memref<32x10112xi32, #tpu.memory_space<hbm>> -> memref<1x10112xi32, #tpu.memory_space<hbm>>
        %dma_start3A_19 = tpu.memref_squeeze %dma_start3A_18 : memref<1x10112xi32, #tpu.memory_space<hbm>> -> memref<10112xi32, #tpu.memory_space<hbm>>
        %dma_start3A_20 = arith.constant 0 : i32
        %dma_start3A_21 = tpu.memref_slice %arg2[%add3A, %dma_start3A_20] : memref<32x10112xi32, #tpu.memory_space<hbm>> -> memref<1x10112xi32, #tpu.memory_space<hbm>>
        %dma_start3A_22 = tpu.memref_squeeze %dma_start3A_21 : memref<1x10112xi32, #tpu.memory_space<hbm>> -> memref<10112xi32, #tpu.memory_space<hbm>>
        tpu.enqueue_dma source(%dma_start3A_22 : memref<10112xi32, #tpu.memory_space<hbm>>) target(%run_scoped3A : memref<10112xi32, #tpu.memory_space<vmem>>) target_semaphore(%run_scoped3A_17 : memref<!tpu.dma_semaphore, #tpu.memory_space<semaphore_mem>>)
        %dma_wait3A = arith.constant 0 : i32
        %dma_wait3A_23 = tpu.memref_slice %arg2[%add3A, %dma_wait3A] : memref<32x10112xi32, #tpu.memory_space<hbm>> -> memref<1x10112xi32, #tpu.memory_space<hbm>>
        %dma_wait3A_24 = tpu.memref_squeeze %dma_wait3A_23 : memref<1x10112xi32, #tpu.memory_space<hbm>> -> memref<10112xi32, #tpu.memory_space<hbm>>
        %dma_wait3A_25 = arith.constant 0 : i32
        %dma_wait3A_26 = tpu.memref_slice %arg2[%add3A, %dma_wait3A_25] : memref<32x10112xi32, #tpu.memory_space<hbm>> -> memref<1x10112xi32, #tpu.memory_space<hbm>>
        %dma_wait3A_27 = tpu.memref_squeeze %dma_wait3A_26 : memref<1x10112xi32, #tpu.memory_space<hbm>> -> memref<10112xi32, #tpu.memory_space<hbm>>
        tpu.wait_dma2 semaphore(%run_scoped3A_17 : memref<!tpu.dma_semaphore, #tpu.memory_space<semaphore_mem>>) src(%dma_wait3A_27 : memref<10112xi32, #tpu.memory_space<hbm>>) dst(%run_scoped3A : memref<10112xi32, #tpu.memory_space<vmem>>)
        tpu.yield
      }) : () -> ()
      "tpu.region"() ({
        %run_scoped3A_17 = tpu.sem_alloc : memref<!tpu.dma_semaphore, #tpu.memory_space<semaphore_mem>>
        %dma_start3A = arith.constant 0 : i32
        %dma_start3A_18 = tpu.memref_slice %arg3[%add3A, %dma_start3A] : memref<32x10112xf32, #tpu.memory_space<hbm>> -> memref<1x10112xf32, #tpu.memory_space<hbm>>
        %dma_start3A_19 = tpu.memref_squeeze %dma_start3A_18 : memref<1x10112xf32, #tpu.memory_space<hbm>> -> memref<10112xf32, #tpu.memory_space<hbm>>
        %dma_start3A_20 = arith.constant 0 : i32
        %dma_start3A_21 = tpu.memref_slice %arg3[%add3A, %dma_start3A_20] : memref<32x10112xf32, #tpu.memory_space<hbm>> -> memref<1x10112xf32, #tpu.memory_space<hbm>>
        %dma_start3A_22 = tpu.memref_squeeze %dma_start3A_21 : memref<1x10112xf32, #tpu.memory_space<hbm>> -> memref<10112xf32, #tpu.memory_space<hbm>>
        tpu.enqueue_dma source(%dma_start3A_22 : memref<10112xf32, #tpu.memory_space<hbm>>) target(%run_scoped3A_2 : memref<10112xf32, #tpu.memory_space<vmem>>) target_semaphore(%run_scoped3A_17 : memref<!tpu.dma_semaphore, #tpu.memory_space<semaphore_mem>>)
        %dma_wait3A = arith.constant 0 : i32
        %dma_wait3A_23 = tpu.memref_slice %arg3[%add3A, %dma_wait3A] : memref<32x10112xf32, #tpu.memory_space<hbm>> -> memref<1x10112xf32, #tpu.memory_space<hbm>>
        %dma_wait3A_24 = tpu.memref_squeeze %dma_wait3A_23 : memref<1x10112xf32, #tpu.memory_space<hbm>> -> memref<10112xf32, #tpu.memory_space<hbm>>
        %dma_wait3A_25 = arith.constant 0 : i32
        %dma_wait3A_26 = tpu.memref_slice %arg3[%add3A, %dma_wait3A_25] : memref<32x10112xf32, #tpu.memory_space<hbm>> -> memref<1x10112xf32, #tpu.memory_space<hbm>>
        %dma_wait3A_27 = tpu.memref_squeeze %dma_wait3A_26 : memref<1x10112xf32, #tpu.memory_space<hbm>> -> memref<10112xf32, #tpu.memory_space<hbm>>
        tpu.wait_dma2 semaphore(%run_scoped3A_17 : memref<!tpu.dma_semaphore, #tpu.memory_space<semaphore_mem>>) src(%dma_wait3A_27 : memref<10112xf32, #tpu.memory_space<hbm>>) dst(%run_scoped3A_2 : memref<10112xf32, #tpu.memory_space<vmem>>)
        tpu.yield
      }) : () -> ()
      %scan3A_10 = arith.constant 0 : i32
      %scan3A_11 = arith.constant 0 : i32
      %scan3A_12 = arith.constant 632 : i32
      %scan3A_13 = arith.addi %scan3A_11, %scan3A_12 : i32
      %scan3A_14 = arith.constant 1 : i32
      %scan3A_15 = scf.for %scan3A_17 = %scan3A_11 to %scan3A_13 step %scan3A_14 iter_args(%scan3A_18 = %scan3A_10) -> (i32)  : i32 {
        %mul3A_19 = arith.constant 16 : i32
        %mul3A_20 = arith.muli %scan3A_17, %mul3A_19 : i32
        %get3A = arith.index_cast %mul3A_20 : i32 to index
        %get3A_21 = tpu.vector_load %run_scoped3A[%get3A] {strides = array<i32>} : memref<10112xi32, #tpu.memory_space<vmem>>, vector<16xi32>,
        %mul3A_22 = arith.constant 16 : i32
        %mul3A_23 = arith.muli %scan3A_17, %mul3A_22 : i32
        %get3A_24 = arith.index_cast %mul3A_23 : i32 to index
        %get3A_25 = tpu.vector_load %run_scoped3A_2[%get3A_24] {strides = array<i32>} : memref<10112xf32, #tpu.memory_space<vmem>>, vector<16xf32>,
        tpu.vector_store_idx %run_scoped3A_3[%get3A_21], %get3A_25 {add = true} : memref<10240xf32, #tpu.memory_space<vmem>>[vector<16xi32>], vector<16xf32>,
        %scan3A_26 = arith.constant 0 : i32
        scf.yield %scan3A_26 : i32
      }
      %scan3A_16 = arith.constant 632 : i32
      "tpu.region"() ({
        %run_scoped3A_17 = tpu.sem_alloc : memref<!tpu.dma_semaphore, #tpu.memory_space<semaphore_mem>>
        %dma_start3A = arith.constant 0 : i32
        %dma_start3A_18 = tpu.memref_slice %arg4[%add3A, %dma_start3A] : memref<32x10240xf32, #tpu.memory_space<hbm>> -> memref<1x10240xf32, #tpu.memory_space<hbm>>
        %dma_start3A_19 = tpu.memref_squeeze %dma_start3A_18 : memref<1x10240xf32, #tpu.memory_space<hbm>> -> memref<10240xf32, #tpu.memory_space<hbm>>
        %dma_start3A_20 = arith.constant 0 : i32
        %dma_start3A_21 = tpu.memref_slice %arg4[%add3A, %dma_start3A_20] : memref<32x10240xf32, #tpu.memory_space<hbm>> -> memref<1x10240xf32, #tpu.memory_space<hbm>>
        %dma_start3A_22 = tpu.memref_squeeze %dma_start3A_21 : memref<1x10240xf32, #tpu.memory_space<hbm>> -> memref<10240xf32, #tpu.memory_space<hbm>>
        tpu.enqueue_dma source(%run_scoped3A_3 : memref<10240xf32, #tpu.memory_space<vmem>>) target(%dma_start3A_22 : memref<10240xf32, #tpu.memory_space<hbm>>) target_semaphore(%run_scoped3A_17 : memref<!tpu.dma_semaphore, #tpu.memory_space<semaphore_mem>>)
        %dma_wait3A = arith.constant 0 : i32
        %dma_wait3A_23 = tpu.memref_slice %arg4[%add3A, %dma_wait3A] : memref<32x10240xf32, #tpu.memory_space<hbm>> -> memref<1x10240xf32, #tpu.memory_space<hbm>>
        %dma_wait3A_24 = tpu.memref_squeeze %dma_wait3A_23 : memref<1x10240xf32, #tpu.memory_space<hbm>> -> memref<10240xf32, #tpu.memory_space<hbm>>
        %dma_wait3A_25 = arith.constant 0 : i32
        %dma_wait3A_26 = tpu.memref_slice %arg4[%add3A, %dma_wait3A_25] : memref<32x10240xf32, #tpu.memory_space<hbm>> -> memref<1x10240xf32, #tpu.memory_space<hbm>>
        %dma_wait3A_27 = tpu.memref_squeeze %dma_wait3A_26 : memref<1x10240xf32, #tpu.memory_space<hbm>> -> memref<10240xf32, #tpu.memory_space<hbm>>
        tpu.wait_dma2 semaphore(%run_scoped3A_17 : memref<!tpu.dma_semaphore, #tpu.memory_space<semaphore_mem>>) src(%run_scoped3A_3 : memref<10240xf32, #tpu.memory_space<vmem>>) dst(%dma_wait3A_27 : memref<10240xf32, #tpu.memory_space<hbm>>)
        tpu.yield
      }) : () -> ()
      tpu.yield
    }) : () -> ()
    return
  }
}

module attributes {stable_mosaic.version = 14 : i64} {
  func.func @_h2_body(%arg0: i32, %arg1: memref<32x2048xf32, #tpu.memory_space<vmem>>, %arg2: memref<2048x128xf32, #tpu.memory_space<vmem>>, %arg3: memref<128x128xf32, #tpu.memory_space<vmem>>, %arg4: memref<2048x128xf32, #tpu.memory_space<vmem>>) attributes {dimension_semantics = [#tpu.dimension_semantics<arbitrary>], iteration_bounds = array<i64: 5>, scalar_prefetch = 0 : i64, scratch_operands = 0 : i64, tpu.core_type = #tpu.core_type<tc>, window_params = [{transform_indices = @transform_0, window_bounds = array<i64: 32, 2048>}, {transform_indices = @transform_1, window_bounds = array<i64: 2048, 128>}, {pipeline_mode = #tpu.pipeline_mode<synchronous>, transform_indices = @transform_2, window_bounds = array<i64: 128, 128>}, {transform_indices = @transform_3, window_bounds = array<i64: 2048, 128>}]} {
    %get3A = arith.constant 0 : index
    %get3A_0 = arith.constant 0 : index
    %get3A_1 = vector.load %arg1[%get3A, %get3A_0] : memref<32x2048xf32, #tpu.memory_space<vmem>>, vector<32x2048xf32>
    %reduce_sum3A = arith.constant dense<0.000000e+00> : vector<2048xf32>
    %reduce_sum3A_2 = vector.multi_reduction <add>, %get3A_1, %reduce_sum3A [0] : vector<32x2048xf32> to vector<2048xf32>
    %add3A = arith.constant 1.000000e+00 : f32
    %add3A_3 = vector.broadcast %add3A : f32 to vector<2048xf32>
    %add3A_4 = arith.addf %reduce_sum3A_2, %add3A_3 : vector<2048xf32>
    %rsqrt3A = math.rsqrt %add3A_4 : vector<2048xf32>
    %get3A_5 = arith.constant 0 : index
    %get3A_6 = arith.constant 0 : index
    %get3A_7 = vector.load %arg2[%get3A_5, %get3A_6] : memref<2048x128xf32, #tpu.memory_space<vmem>>, vector<2048x128xf32>
    %get3A_8 = arith.constant 0 : index
    %get3A_9 = arith.constant 0 : index
    %get3A_10 = vector.load %arg3[%get3A_8, %get3A_9] : memref<128x128xf32, #tpu.memory_space<vmem>>, vector<128x128xf32>
    %dot_general3A = arith.constant dense<0.000000e+00> : vector<2048x128xf32>
    %dot_general3A_11 = tpu.matmul %get3A_7, %get3A_10, %dot_general3A {dimension_numbers = #tpu.dot_dimension_numbers<[1], [0], [0], [1], [0, 0, 1, 1], [], []>, transpose_lhs_hint = false} : vector<2048x128xf32>, vector<128x128xf32>, vector<2048x128xf32> -> vector<2048x128xf32>
    %broadcast_in_dim3A = vector.shape_cast %rsqrt3A : vector<2048xf32> to vector<2048x1xf32>
    %mul3A = vector.broadcast %broadcast_in_dim3A : vector<2048x1xf32> to vector<2048x128xf32>
    %mul3A_12 = arith.mulf %dot_general3A_11, %mul3A : vector<2048x128xf32>
    %swap3A = arith.constant 0 : index
    %swap3A_13 = arith.constant 0 : index
    %swap3A_14 = vector.load %arg4[%swap3A, %swap3A_13] : memref<2048x128xf32, #tpu.memory_space<vmem>>, vector<2048x128xf32>
    tpu.vector_store %arg4[%swap3A, %swap3A_13], %mul3A_12 {strides = array<i32>} : memref<2048x128xf32, #tpu.memory_space<vmem>>, vector<2048x128xf32>,
    return
  }
  func.func @transform_0(%arg0: i32) -> (i32, i32) {
    %c0_i32 = arith.constant 0 : i32
    %c0_i32_0 = arith.constant 0 : i32
    return %c0_i32, %arg0 : i32, i32
  }
  func.func @transform_1(%arg0: i32) -> (i32, i32) {
    %c0_i32 = arith.constant 0 : i32
    %c0_i32_0 = arith.constant 0 : i32
    return %arg0, %c0_i32 : i32, i32
  }
  func.func @transform_2(%arg0: i32) -> (i32, i32) {
    %c0_i32 = arith.constant 0 : i32
    %c0_i32_0 = arith.constant 0 : i32
    %c0_i32_1 = arith.constant 0 : i32
    return %c0_i32, %c0_i32_0 : i32, i32
  }
  func.func @transform_3(%arg0: i32) -> (i32, i32) {
    %c0_i32 = arith.constant 0 : i32
    %c0_i32_0 = arith.constant 0 : i32
    return %arg0, %c0_i32 : i32, i32
  }
}

module attributes {stable_mosaic.version = 14 : i64} {
  func.func @_out_body(%arg0: i32, %arg1: memref<2x2048x128xf32, #tpu.memory_space<vmem>>, %arg2: memref<2048x128xf32, #tpu.memory_space<vmem>>, %arg3: memref<32x2048xf32, #tpu.memory_space<vmem>>, %arg4: memref<1x128xf32, #tpu.memory_space<vmem>>, %arg5: memref<2048x128xf32, #tpu.memory_space<vmem>>) attributes {dimension_semantics = [#tpu.dimension_semantics<arbitrary>], iteration_bounds = array<i64: 5>, scalar_prefetch = 0 : i64, scratch_operands = 0 : i64, tpu.core_type = #tpu.core_type<tc>, window_params = [{transform_indices = @transform_0, window_bounds = array<i64: 2, 2048, 128>}, {transform_indices = @transform_1, window_bounds = array<i64: 2048, 128>}, {transform_indices = @transform_2, window_bounds = array<i64: 32, 2048>}, {pipeline_mode = #tpu.pipeline_mode<synchronous>, transform_indices = @transform_3, window_bounds = array<i64: 1, 128>}, {transform_indices = @transform_4, window_bounds = array<i64: 2048, 128>}]} {
    %get3A = arith.constant 0 : index
    %get3A_0 = arith.constant 0 : index
    %get3A_1 = vector.load %arg3[%get3A, %get3A_0] : memref<32x2048xf32, #tpu.memory_space<vmem>>, vector<32x2048xf32>
    %reduce_sum3A = arith.constant dense<0.000000e+00> : vector<2048xf32>
    %reduce_sum3A_2 = vector.multi_reduction <add>, %get3A_1, %reduce_sum3A [0] : vector<32x2048xf32> to vector<2048xf32>
    %add3A = arith.constant 1.000000e+00 : f32
    %add3A_3 = vector.broadcast %add3A : f32 to vector<2048xf32>
    %add3A_4 = arith.addf %reduce_sum3A_2, %add3A_3 : vector<2048xf32>
    %rsqrt3A = math.rsqrt %add3A_4 : vector<2048xf32>
    %get3A_5 = arith.constant 0 : index
    %get3A_6 = arith.constant 0 : index
    %get3A_7 = arith.constant 0 : index
    %get3A_8 = vector.load %arg1[%get3A_5, %get3A_6, %get3A_7] : memref<2x2048x128xf32, #tpu.memory_space<vmem>>, vector<1x2048x128xf32>
    %get3A_9 = vector.shape_cast %get3A_8 : vector<1x2048x128xf32> to vector<2048x128xf32>
    %get3A_10 = arith.constant 1 : index
    %get3A_11 = arith.constant 0 : index
    %get3A_12 = arith.constant 0 : index
    %get3A_13 = vector.load %arg1[%get3A_10, %get3A_11, %get3A_12] : memref<2x2048x128xf32, #tpu.memory_space<vmem>>, vector<1x2048x128xf32>
    %get3A_14 = vector.shape_cast %get3A_13 : vector<1x2048x128xf32> to vector<2048x128xf32>
    %add3A_15 = arith.addf %get3A_9, %get3A_14 : vector<2048x128xf32>
    %get3A_16 = arith.constant 0 : index
    %get3A_17 = arith.constant 0 : index
    %get3A_18 = vector.load %arg2[%get3A_16, %get3A_17] : memref<2048x128xf32, #tpu.memory_space<vmem>>, vector<2048x128xf32>
    %add3A_19 = arith.addf %add3A_15, %get3A_18 : vector<2048x128xf32>
    %broadcast_in_dim3A = vector.shape_cast %rsqrt3A : vector<2048xf32> to vector<2048x1xf32>
    %mul3A = vector.broadcast %broadcast_in_dim3A : vector<2048x1xf32> to vector<2048x128xf32>
    %mul3A_20 = arith.mulf %add3A_19, %mul3A : vector<2048x128xf32>
    %get3A_21 = arith.constant 0 : index
    %get3A_22 = arith.constant 0 : index
    %get3A_23 = vector.load %arg4[%get3A_21, %get3A_22] : memref<1x128xf32, #tpu.memory_space<vmem>>, vector<1x128xf32>
    %add3A_24 = vector.broadcast %get3A_23 : vector<1x128xf32> to vector<2048x128xf32>
    %add3A_25 = arith.addf %mul3A_20, %add3A_24 : vector<2048x128xf32>
    %max3A = arith.constant 0.000000e+00 : f32
    %max3A_26 = vector.broadcast %max3A : f32 to vector<2048x128xf32>
    %max3A_27 = arith.maximumf %add3A_25, %max3A_26 : vector<2048x128xf32>
    %swap3A = arith.constant 0 : index
    %swap3A_28 = arith.constant 0 : index
    %swap3A_29 = vector.load %arg5[%swap3A, %swap3A_28] : memref<2048x128xf32, #tpu.memory_space<vmem>>, vector<2048x128xf32>
    tpu.vector_store %arg5[%swap3A, %swap3A_28], %max3A_27 {strides = array<i32>} : memref<2048x128xf32, #tpu.memory_space<vmem>>, vector<2048x128xf32>,
    return
  }
  func.func @transform_0(%arg0: i32) -> (i32, i32, i32) {
    %c0_i32 = arith.constant 0 : i32
    %c0_i32_0 = arith.constant 0 : i32
    %c0_i32_1 = arith.constant 0 : i32
    return %c0_i32, %arg0, %c0_i32_0 : i32, i32, i32
  }
  func.func @transform_1(%arg0: i32) -> (i32, i32) {
    %c0_i32 = arith.constant 0 : i32
    %c0_i32_0 = arith.constant 0 : i32
    return %arg0, %c0_i32 : i32, i32
  }
  func.func @transform_2(%arg0: i32) -> (i32, i32) {
    %c0_i32 = arith.constant 0 : i32
    %c0_i32_0 = arith.constant 0 : i32
    return %c0_i32, %arg0 : i32, i32
  }
  func.func @transform_3(%arg0: i32) -> (i32, i32) {
    %c0_i32 = arith.constant 0 : i32
    %c0_i32_0 = arith.constant 0 : i32
    %c0_i32_1 = arith.constant 0 : i32
    return %c0_i32, %c0_i32_0 : i32, i32
  }
  func.func @transform_4(%arg0: i32) -> (i32, i32) {
    %c0_i32 = arith.constant 0 : i32
    %c0_i32_0 = arith.constant 0 : i32
    return %arg0, %c0_i32 : i32, i32
  }
}

</mosaic_0001>

<sc_bundles>
// kernel: kernel.6.cloned.1.call-start
scs
__scs_entry_jumppad:
0x0: {  	(pc) =	sbr.rel $0x88, $3  }
0x1: {  	(tag) =	ssettag $0x0;
	lr =	simm.s32 $0x1  }
0x2: {  	[smem:$0x3F9B] =	sst lr;
	_ =	strace $0xD0000000  }
0x3: {  	_ = 	snop  }
0x4: {  	_ = 	snop  }
0x5: {  	_ = 	snop  }
0x6: {  	_ = 	snop  }
0x7: {  	_ = 	snop  }
__scs_overlays_trampoline_lowered:
0x8: {  	[smem:$0x3FAA] =	sst s0  }
0x9: {  	[smem:$0x3FAB] =	sst s1  }
0xa: {  	[smem:$0x3FAC] =	sst s2  }
0xb: {  	[smem:$0x3FAD] =	sst s3  }
0xc: {  	[smem:$0x3FAE] =	sst s4  }
0xd: {  	[smem:$0x3FAF] =	sst s5  }
0xe: {  	[smem:$0x3FB0] =	sst s6  }
0xf: {  	[smem:$0x3FB1] =	sst s7  }
0x10: {  	[smem:$0x3FB2] =	sst s8  }
0x11: {  	[smem:$0x3FB3] =	sst s9;
	s0 =	simm.s32 @!p0 $0x0  }
0x12: {  	s1 =	sld [smem:$0x3F99];
	s0 =	simm.s32 @p0 $0x1  }
0x13: {  	[smem:$0x3FB4] =	sst s0;
	s0 =	simm.s32 @!p1 $0x0  }
0x14: {  	s2 =	sld [smem:$0x3F98];
	s0 =	simm.s32 @p1 $0x1  }
0x15: {  	[smem:$0x3FB5] =	sst s0;
	s0 =	simm.s32 @!p2 $0x0  }
0x16: {  	s3 =	sld [smem:$0x3FDB];
	s0 =	simm.s32 @p2 $0x1  }
0x17: {  	s4 =	simm.s32 $0x1BF5;
	[smem:$0x3FB7] =	sst s0  }
0x18: {  	s0 =	sld [smem:$0x3F9A];
	_ =	swait.ge [sflag:s4], $0x0  }
0x19: {  	s7 =	sld [smem:$0x3F9B]  }
0x1a: {  	s8 =	sadd.s32 $0xFFFFE003, lr  }
0x1b: {  	s9 =	sadd.s32 $0xFFFFFEF7, lr;
	s5 =	simm.s32 $0xFFFFFFFF;
	p2 =	slt.u32 s8, $0xFFFFF086  }
0x1c: {  	p1 =	slt.u32 s9, $0xF7A;
	s5 =	simm.s32 @!p2 $0x0  }
0x1d: {  	s5 =	simm.s32 @p1 $0x1;
	p0 =	seq.s32 s7, s2  }
0x1e: {  	s7 =	smul.u32 @!p0 $0xF7A, s2;
	p2 =	seq.s32 @!p0 s5, $0x0  }
0x1f: {  	s9 =	smul.u32 $0xF7A, s1;
	s8 =	simm.s32 @!p0 $0x1BF5;
	p2 =	por !p2, p0  }
0x20: {  	[sflag:s8] =	ssyncset.s32 @!p0 $0xFFFFF086;
	s6 =	sadd.s32 @!p0 s3, s7;
	s7 =	simm.s32 @!p0 $0x108  }
0x21: {  	s3 =	sadd.s32 s3, s9;
	s6 =	sadd.s32 @!p0 $0x88, s6;
	s7 =	simm.s32 @p2 $0x1082  }
0x22: {  	[simem:s7], [sflag:s8] =	dma.local @!p0 [hbm:s6], $0xF7A  }
0x23: {  	s9 =	sor.u32 $0xD0000000, s2;
	s6 =	simm.s32 $0x108;
	_ =	swait.ge @!p0 [sflag:s8], $0x0  }
0x24: {  	s3 =	sadd.s32 $0x88, s3;
	s6 =	simm.s32 @!p1 $0x1082;
	[sflag:s4] =	ssyncset.s32 $0xFFFFF086  }
0x25: {  	[simem:s6], [sflag:s4] =	dma.local [hbm:s3], $0xF7A  }
0x26: {  	[smem:$0x3F9B] =	sst s1;
	(tag) =	ssettag s2;
	_ =	strace s9  }
0x27: {  	s1 =	sld [smem:$0x3FAB]  }
0x28: {  	s2 =	sld [smem:$0x3FAC]  }
0x29: {  	s4 =	sld [smem:$0x3FAE]  }
0x2a: {  	p0 =	seq.s32 s5, $0x0;
	s5 =	sld [smem:$0x3FAF]  }
0x2b: {  	s6 =	sld [smem:$0x3FB0]  }
0x2c: {  	s7 =	sld [smem:$0x3FB1]  }
0x2d: {  	s3 =	simm.s32 $0x108;
	s8 =	sld [smem:$0x3FB2]  }
0x2e: {  	s3 =	simm.s32 @!p0 $0x1082;
	s9 =	sld [smem:$0x3FB3]  }
0x2f: {  	lr =	sadd.s32 s0, s3;
	s0 =	sld [smem:$0x3FAA]  }
0x30: {  	s3 =	sld [smem:$0x3FAD]  }
0x31: {  	[smem:$0x3FB6] =	sst s10  }
0x32: {  	s10 =	sld [smem:$0x3FB4];
	_ =	sdelay $0x3  }
0x33: {  	p0 =	seq.s32 s10, $0x1;
	s10 =	sld [smem:$0x3FB6];
	_ =	sdelay $0x3  }
0x34: {  	[smem:$0x3FB6] =	sst s10  }
0x35: {  	s10 =	sld [smem:$0x3FB5];
	_ =	sdelay $0x3  }
0x36: {  	p1 =	seq.s32 s10, $0x1;
	s10 =	sld [smem:$0x3FB6];
	_ =	sdelay $0x3  }
0x37: {  	[smem:$0x3FB6] =	sst s10  }
0x38: {  	s10 =	sld [smem:$0x3FB7]  }
0x39: {  	_ = 	snop;
	(pc) =	sbr.ind lr, $3  }
0x3a: {  	_ = 	snop  }
0x3b: {  	_ = 	snop  }
0x3c: {  	p2 =	seq.s32 s10, $0x1;
	s10 =	sld [smem:$0x3FB6]  }
0x3d: {  	_ =	shalt  }
0x3e: {  	_ =	shalt  }
0x3f: {  	_ =	shalt  }
0x40: {  	_ =	shalt  }
0x41: {  	_ =	shalt  }
0x42: {  	_ =	shalt  }
0x43: {  	_ =	shalt  }
0x44: {  	_ =	shalt  }
0x45: {  	_ =	shalt  }
0x46: {  	_ =	shalt  }
0x47: {  	_ =	shalt  }
0x48: {  	_ =	shalt  }
0x49: {  	_ =	shalt  }
0x4a: {  	_ =	shalt  }
0x4b: {  	_ =	shalt  }
0x4c: {  	_ =	shalt  }
0x4d: {  	_ =	shalt  }
0x4e: {  	_ =	shalt  }
0x4f: {  	_ =	shalt  }
0x50: {  	_ =	shalt  }
0x51: {  	_ =	shalt  }
0x52: {  	_ =	shalt  }
0x53: {  	_ =	shalt  }
0x54: {  	_ =	shalt  }
0x55: {  	_ =	shalt  }
0x56: {  	_ =	shalt  }
0x57: {  	_ =	shalt  }
0x58: {  	_ =	shalt  }
0x59: {  	_ =	shalt  }
0x5a: {  	_ =	shalt  }
0x5b: {  	_ =	shalt  }
0x5c: {  	_ =	shalt  }
0x5d: {  	_ =	shalt  }
0x5e: {  	_ =	shalt  }
0x5f: {  	_ =	shalt  }
0x60: {  	_ =	shalt  }
0x61: {  	_ =	shalt  }
0x62: {  	_ =	shalt  }
0x63: {  	_ =	shalt  }
0x64: {  	_ =	shalt  }
0x65: {  	_ =	shalt  }
0x66: {  	_ =	shalt  }
0x67: {  	_ =	shalt  }
0x68: {  	_ =	shalt  }
0x69: {  	_ =	shalt  }
0x6a: {  	_ =	shalt  }
0x6b: {  	_ =	shalt  }
0x6c: {  	_ =	shalt  }
0x6d: {  	_ =	shalt  }
0x6e: {  	_ =	shalt  }
0x6f: {  	_ =	shalt  }
0x70: {  	_ =	shalt  }
0x71: {  	_ =	shalt  }
0x72: {  	_ =	shalt  }
0x73: {  	_ =	shalt  }
0x74: {  	_ =	shalt  }
0x75: {  	_ =	shalt  }
0x76: {  	_ =	shalt  }
0x77: {  	_ =	shalt  }
0x78: {  	_ =	shalt  }
0x79: {  	_ =	shalt  }
0x7a: {  	_ =	shalt  }
0x7b: {  	_ =	shalt  }
0x7c: {  	_ =	shalt  }
0x7d: {  	_ =	shalt  }
0x7e: {  	_ =	shalt  }
0x7f: {  	_ =	shalt  }
0x80: {  	_ =	shalt  }
0x81: {  	_ =	shalt  }
0x82: {  	_ =	shalt  }
0x83: {  	_ =	shalt  }
0x84: {  	_ =	shalt  }
0x85: {  	_ =	shalt  }
0x86: {  	_ =	shalt  }
0x87: {  	_ =	shalt  }
.Lfunc_end0:
.L_simem_size_0:
called_computation_lowered:
.L_overlay_start_0:
0x88: {  	s2 =	sld [smem:$0x3FD9]  }
0x89: {  	s3 =	sld [smem:$0x3FFE];
	_ =	sdelay $0x1  }
0x8a: {  	s1 =	srdreg.scid  }
0x8b: {  	s0 =	sand.u32 $0x1, s1  }
0x8c: {  	s14 =	sshll.u32 s0, $0xA;
	s2 =	sadd.s32 s3, s2  }
0x8d: {  	s2 =	sadd.s32 s2, s14  }
0x8e: {  	[smem:$0x3FC2] =	sst s2  }
0x8f: {  	_ = 	snop  }
0x90: {  	s2 =	sld [smem:$0x3FD0];
	_ =	sdelay $0x2  }
0x91: {  	s15 =	simm.s32 $0xA;
	s4 =	simm.s32 $0x10  }
0x92: {  	[smem:s4], [sflag:s15] =	dma.local [hbm:s2], $0x1  }
0x93: {  	_ =	swait.eq [sflag:s15], $0x1  }
0x94: {  	[sflag:s15] =	ssyncset.done $0x0  }
0x95: {  	[sflag:s15] =	ssyncadd.s32 $0xFFFFFFFF  }
0x96: {  	s16 =	sld [smem:$0x11];
	(tm) =	ssettm $0x1  }
0x97: {  	s17 =	sld [smem:$0x3FFB];
	_ =	sdelay $0x3  }
0x98: {  	_ =	strace s17  }
0x99: {  	s3 =	sld [smem:$0x3FFC];
	_ =	sdelay $0x3  }
0x9a: {  	_ =	strace s3  }
0x9b: {  	s3 =	sld [smem:$0x3FFD];
	_ =	sdelay $0x3  }
0x9c: {  	_ =	strace s3  }
0x9d: {  	_ =	strace $0x8FFFFFFF  }
0x9e: {  	s18 =	sld [smem:$0x3FDB];
	_ =	sdelay $0x1  }
0x9f: {  	s19 =	simm.s32 $_scs_section_size  }
0xa0: {  	s5 =	simm.s32 $_size__tile_overlayer_lowered;
	s6 =	simm.s32 $_tile_overlayer_lowered  }
0xa1: {  	s22 =	simm.s32 $0x1BFF;
	s21 =	sshll.u32 s6, $0x1;
	s3 =	sadd.s32 s19, s18  }
0xa2: {  	s7 =	simm.s32 $0x0;
	s20 =	sshll.u32 s5, $0x1;
	s5 =	sadd.s32 s21, s3  }
0xa3: {  	[timem:s7], [sflag:s22] =	dma.local [hbm:s5], s20  }
0xa4: {  	_ =	swait.ge [sflag:s22], s20  }
0xa5: {  	s4 =	ssub.s32 $0x0, s20;
	[sflag:s22] =	ssyncset.done $0x0  }
0xa6: {  	[sflag:s22] =	ssyncadd.s32 s4;
	_ =	sdelay $0x1  }
0xa7: {  	s23 =	simm.s32 $0x1B8B  }
0xa8: {  	_ =	swait.ge [sflag:s23], $0x1  }
0xa9: {  	[sflag:s23] =	ssyncset.done $0x0  }
0xaa: {  	s25 =	simm.s32 $0x1B8E;
	s24 =	sld [smem:$0x3FFE];
	[sflag:s23] =	ssyncadd.s32 $0xFFFFFFFF  }
0xab: {  	s26 =	simm.s32 $execute0_lowered;
	[smem:$0x3FD2] =	sst s25  }
0xac: {  	s5 =	sshll.u32 s26, $0x1;
	_ =	strace $0x80000046;
	[dreg:$0x1] =	wrdreg $0xFFFFFFFF  }
0xad: {  	s28 =	simm.s32 $_size_execute0_lowered;
	s3 =	sadd.s32 s3, s5;
	[dreg:$0x0] =	wrdreg $0x0  }
0xae: {  	s5 =	sshll.u32 s28, $0x1;
	[dreg:$0x2] =	wrdreg s3  }
0xaf: {  	[dreg:$0x3] =	wrdreg s5  }
0xb0: {  	[dreg:$0x4] =	wrdreg $0xC0  }
0xb1: {  	_ =	task [dreg:s7], $0x5FFFF  }
0xb2: {  	[dreg:$0x1] =	wrdreg $0xFFFFFFFF  }
0xb3: {  	[dreg:$0x0] =	wrdreg $0x60  }
0xb4: {  	[dreg:$0x2] =	wrdreg s24  }
0xb5: {  	[dreg:$0x3] =	wrdreg s16  }
0xb6: {  	[dreg:$0x4] =	wrdreg $0x9  }
0xb7: {  	_ =	task.clear_ibuf [dreg:s7], $0x5FFFF;
	_ =	strace $0x90000046  }
0xb8: {  	s29 =	simm.s32 $0x9;
	_ =	strace $0x80000048  }
0xb9: {  	_ =	swait.ge [sflag:s29], $0x1  }
0xba: {  	[sflag:s29] =	ssyncadd.s32 $0xFFFFFFFF  }
0xbb: {  	_ =	strace $0x90000048  }
0xbc: {  	_ =	sfence  }
0xbd: {  	s30 =	sld [smem:$0x0];
	_ =	sdelay $0x2  }
0xbe: {  	s31 =	sshll.u32 s1, $0xD;
	s1 =	sshrl.u32 s1, $0x2  }
0xbf: {  	s3 =	sand.u32 $0x4000, s31;
	s1 =	sadd.s32 s1, s30  }
0xc0: {  	s0 =	sor.u32 s3, s0;
	s1 =	sshll.u32 s1, $0x11  }
0xc1: {  	s0 =	sor.u32 s1, s0  }
0xc2: {  	s0 =	sadd.s32 $0x8F2B, s0  }
0xc3: {  	[sflag:s0] =	ssyncadd.remote.s32 $0x1  }
0xc4: {  	_ =	sfence.sel $0xFFFF  }
0xc5: {  	[dreg:$0x0] =	wrdreg $0xFFFFFFFF;
	(pc) =	sbr.abs _section_cstart, $3  }
0xc6: {  	[dreg:$0x1] =	wrdreg $0xFFFFFFFF  }
0xc7: {  	_ =	task.clear_ibuf [dreg:s7], $0x2FFFF;
	_ =	strace $0x9FFFFFFF  }
0xc8: {  	(tm) =	ssettm $0x7FFFFFFF  }
0xc9: {  	_ =	shalt  }
tec
execute0_lowered:
.L_overlay_start_1:
0x0: {  	(tag) =	ssettag $0x1  }
0x1: {  	s3 =	rddreg [dreg:$0x0]  }
0x2: {  	s5 =	rddreg [dreg:$0x1]  }
0x3: {  	s0 =	rddreg [dreg:$0x2]  }
0x4: {  	s2 =	simm.s32 $0x0;
	s4 =	srdreg.scid;
	s1 =	stileid.u32  }
0x5: {  	s10 =	simm.s32 $0x2780;
	s11 =	simm.s32 $0x4F00;
	s4 =	sand.u32 $0x1, s4  }
0x6: {  	s6 =	sshrl.u32 s1, $0x2;
	s7 =	sshll.u32 s1, $0x8;
	[smem:$0x7FF] =	sst s2  }
0x7: {  	s8 =	sshll.u32 s4, $0x7;
	s7 =	sand.u32 $0x300, s7;
	s9 =	smul.u32 $0x13C00, s6  }
0x8: {  	s6 =	smul.u32 $0x14000, s6;
	s4 =	ssub.s32 $0x2, s4;
	s7 =	sor.u32 s8, s7  }
0x9: {  	_ =	strace $0x80000047;
	s29 =	sshrl.u32 s4, $0x1;
	s8 =	sor.u32 s9, s7  }
0xa: {  	s6 =	sor.u32 s6, s7;
	s31 =	ssub.s32 s4, s29;
	s7 =	simm.s32 $0x80  }
0xb: {  	s9 =	simm.s32 $0x1;
	s8 =	sshrl.u32 s8, $0x3;
	s6 =	sshrl.u32 s6, $0x3  }
0xc: {  	s30 =	sadd.s32 s8, s3;
	s5 =	sadd.s32 s5, s6;
	s6 =	smax.u32 s31, $0x1  }
0xd: {  	v0 =	vimm.f32 $0.0e+00;
	s8 =	simm.s32 $0x400;
	s3 =	sadd.s32 $0xB400, s30;
	s4 =	sadd.s32 $0x1600, s30  }
.LBB2_1:
0xe: {  	s12 =	simm.s32 $0x40;
	s13 =	simm.s32 $0x0  }
.LBB2_2:
0xf: {  	p0 =	sne.s32 s12, $0x9FC0;
	[tilespmem:s13+$0x4F00] =	vst v0;
	s13 =	smov.u32 s12;
	s12 =	sadd.s32 $0x40, s12  }
.Ltmp0:
0x10: {  	(pc) =	sbr.rel @p0 .LBB2_2-.Ltmp0, $2  }
0x11: {  	_ =	sdelay $0x2  }
0x12: {  	s13 =	sshra.s32 s13, $0x2  }
0x13: {  	[tilespmem:s13+$0x4F00] =	vst v0;
	s12 =	simm.s32 $0x0  }
0x14: {  	[tilespmem:s12], [sflag:$0x1] =	stream.strided.gather [hbm4b:s3+s7], $0x2780, s8, s7, $0x38;
	[tilespmem:$0x7700] =	vst v63  }
0x15: {  	_ =	swait.ge [sflag:s9], $0x2780  }
0x16: {  	[sflag:s9] =	ssyncset.done $0x0  }
0x17: {  	[sflag:s9] =	ssyncadd.s32 $0xFFFFD880  }
0x18: {  	[tilespmem:s10], [sflag:$0x1] =	stream.strided.gather [hbm4b:s4+s7], $0x2780, s8, s7, $0x38;
	[tilespmem:$0x7700] =	vst v63  }
0x19: {  	_ =	swait.ge [sflag:s9], $0x2780  }
0x1a: {  	[sflag:s9] =	ssyncset.done $0x0  }
0x1b: {  	s13 =	simm.s32 $0x0;
	s12 =	simm.s32 $0x40;
	[sflag:s9] =	ssyncadd.s32 $0xFFFFD880  }
.LBB2_4:
0x1c: {  	p0 =	sne.s32 s12, $0x9DC0;
	v1 =	vld [tilespmem:s13+$0x0];
	_ =	sdelay $0x2  }
0x1d: {  	v2 =	vld [tilespmem:s13+$0x2780]  }
.Ltmp1:
0x1e: {  	(pc) =	sbr.rel @p0 .LBB2_4-.Ltmp1, $2  }
0x1f: {  	_ =	sdelay $0x2  }
0x20: {  	s13 =	sshra.s32 s12, $0x2;
	s12 =	sadd.s32 $0x40, s12;
	[tilespmem:v1+s11+$0x0] =	vst.idx.add.f32.msk $0xffff, v2  }
0x21: {  	v1 =	vld [tilespmem:s13+$0x0];
	_ =	sdelay $0x2  }
0x22: {  	v2 =	vld [tilespmem:s13+$0x2780];
	_ =	sdelay $0x2  }
0x23: {  	s2 =	sadd.s32 $0x1, s2  }
0x24: {  	p0 =	sne.s32 s2, s6  }
.Ltmp2:
0x25: {  	[tilespmem:v1+s11+$0x0] =	vst.idx.add.f32.msk $0xffff, v2;
	(pc) =	sbr.rel @p0 .LBB2_1-.Ltmp2, $4  }
0x26: {  	[hbm4b:s5+s7] =	stream.strided.scatter [tilespmem:s11], [sflag:$0x1], $0x2800, s8, s7, $0x38;
	[tilespmem:$0x7700] =	vst v63  }
0x27: {  	_ =	swait.ge [sflag:s9], $0x2800  }
0x28: {  	[sflag:s9] =	ssyncset.done $0x0  }
0x29: {  	[sflag:s9] =	ssyncadd.s32 $0xFFFFD800  }
0x2a: {  	_ =	sfence.sel $0x180000  }
0x2b: {  	[bflag:$0x0] =	sbarrier.arrive $0xFFFF  }
0x2c: {  	p0 =	sne.s32 s1, $0x0;
	_ =	strace $0x90000047  }
0x2d: {  	s0 =	sadd.s32 @!p0 $0x100000, s0;
	[bflag:$0x2] =	sbarrier.arrive $0xFFFF  }
0x2e: {  	[sflag:s0] =	ssyncadd.tile.s32 @!p0 $0x1;
	_ =	shalt  }
.Lfunc_end2:
_tile_overlayer_lowered:
.L_overlay_start_2:
0x2f: {  	(tag) =	ssettag $0x2  }
0x30: {  	s0 =	rddreg [dreg:$0x0];
	s2 =	stileid.u32  }
0x31: {  	s1 =	rddreg [dreg:$0x1];
	p0 =	sne.s32 s2, $0x0  }
0x32: {  	s3 =	rddreg [dreg:$0x2];
	[bflag:$0x3] =	sbarrier.arrive $0xFFFF;
	s2 =	simm.s32 @!p0 $0x1C01  }
0x33: {  	[timem:s3], [sflag:s2] =	dma.local @!p0 [hbm:s0], s1  }
0x34: {  	s0 =	simm.s32 @!p0 $0x1  }
0x35: {  	_ =	swait.ge @!p0 [sflag:s0], s1  }
0x36: {  	s1 =	ssub.s32 @!p0 $0x0, s1;
	[sflag:s0] =	ssyncset.done @!p0 $0x0  }
0x37: {  	[sflag:s0] =	ssyncadd.s32 @!p0 s1  }
0x38: {  	[bflag:$0x3] =	sbarrier.arrive $0xFFFF  }
0x39: {  	_ =	shalt  }

// kernel: kernel.9.cloned.1.call-start
scs
__scs_entry_jumppad:
0x0: {  	(pc) =	sbr.rel $0x88, $3  }
0x1: {  	(tag) =	ssettag $0x0;
	lr =	simm.s32 $0x1  }
0x2: {  	[smem:$0x3F9B] =	sst lr;
	_ =	strace $0xD0000000  }
0x3: {  	_ = 	snop  }
0x4: {  	_ = 	snop  }
0x5: {  	_ = 	snop  }
0x6: {  	_ = 	snop  }
0x7: {  	_ = 	snop  }
__scs_overlays_trampoline_lowered:
0x8: {  	[smem:$0x3FAA] =	sst s0  }
0x9: {  	[smem:$0x3FAB] =	sst s1  }
0xa: {  	[smem:$0x3FAC] =	sst s2  }
0xb: {  	[smem:$0x3FAD] =	sst s3  }
0xc: {  	[smem:$0x3FAE] =	sst s4  }
0xd: {  	[smem:$0x3FAF] =	sst s5  }
0xe: {  	[smem:$0x3FB0] =	sst s6  }
0xf: {  	[smem:$0x3FB1] =	sst s7  }
0x10: {  	[smem:$0x3FB2] =	sst s8  }
0x11: {  	[smem:$0x3FB3] =	sst s9;
	s0 =	simm.s32 @!p0 $0x0  }
0x12: {  	s1 =	sld [smem:$0x3F99];
	s0 =	simm.s32 @p0 $0x1  }
0x13: {  	[smem:$0x3FB4] =	sst s0;
	s0 =	simm.s32 @!p1 $0x0  }
0x14: {  	s2 =	sld [smem:$0x3F98];
	s0 =	simm.s32 @p1 $0x1  }
0x15: {  	[smem:$0x3FB5] =	sst s0;
	s0 =	simm.s32 @!p2 $0x0  }
0x16: {  	s3 =	sld [smem:$0x3FDB];
	s0 =	simm.s32 @p2 $0x1  }
0x17: {  	s4 =	simm.s32 $0x1BF5;
	[smem:$0x3FB7] =	sst s0  }
0x18: {  	s0 =	sld [smem:$0x3F9A];
	_ =	swait.ge [sflag:s4], $0x0  }
0x19: {  	s7 =	sld [smem:$0x3F9B]  }
0x1a: {  	s8 =	sadd.s32 $0xFFFFE003, lr  }
0x1b: {  	s9 =	sadd.s32 $0xFFFFFEF7, lr;
	s5 =	simm.s32 $0xFFFFFFFF;
	p2 =	slt.u32 s8, $0xFFFFF086  }
0x1c: {  	p1 =	slt.u32 s9, $0xF7A;
	s5 =	simm.s32 @!p2 $0x0  }
0x1d: {  	s5 =	simm.s32 @p1 $0x1;
	p0 =	seq.s32 s7, s2  }
0x1e: {  	s7 =	smul.u32 @!p0 $0xF7A, s2;
	p2 =	seq.s32 @!p0 s5, $0x0  }
0x1f: {  	s9 =	smul.u32 $0xF7A, s1;
	s8 =	simm.s32 @!p0 $0x1BF5;
	p2 =	por !p2, p0  }
0x20: {  	[sflag:s8] =	ssyncset.s32 @!p0 $0xFFFFF086;
	s6 =	sadd.s32 @!p0 s3, s7;
	s7 =	simm.s32 @!p0 $0x108  }
0x21: {  	s3 =	sadd.s32 s3, s9;
	s6 =	sadd.s32 @!p0 $0x88, s6;
	s7 =	simm.s32 @p2 $0x1082  }
0x22: {  	[simem:s7], [sflag:s8] =	dma.local @!p0 [hbm:s6], $0xF7A  }
0x23: {  	s9 =	sor.u32 $0xD0000000, s2;
	s6 =	simm.s32 $0x108;
	_ =	swait.ge @!p0 [sflag:s8], $0x0  }
0x24: {  	s3 =	sadd.s32 $0x88, s3;
	s6 =	simm.s32 @!p1 $0x1082;
	[sflag:s4] =	ssyncset.s32 $0xFFFFF086  }
0x25: {  	[simem:s6], [sflag:s4] =	dma.local [hbm:s3], $0xF7A  }
0x26: {  	[smem:$0x3F9B] =	sst s1;
	(tag) =	ssettag s2;
	_ =	strace s9  }
0x27: {  	s1 =	sld [smem:$0x3FAB]  }
0x28: {  	s2 =	sld [smem:$0x3FAC]  }
0x29: {  	s4 =	sld [smem:$0x3FAE]  }
0x2a: {  	p0 =	seq.s32 s5, $0x0;
	s5 =	sld [smem:$0x3FAF]  }
0x2b: {  	s6 =	sld [smem:$0x3FB0]  }
0x2c: {  	s7 =	sld [smem:$0x3FB1]  }
0x2d: {  	s3 =	simm.s32 $0x108;
	s8 =	sld [smem:$0x3FB2]  }
0x2e: {  	s3 =	simm.s32 @!p0 $0x1082;
	s9 =	sld [smem:$0x3FB3]  }
0x2f: {  	lr =	sadd.s32 s0, s3;
	s0 =	sld [smem:$0x3FAA]  }
0x30: {  	s3 =	sld [smem:$0x3FAD]  }
0x31: {  	[smem:$0x3FB6] =	sst s10  }
0x32: {  	s10 =	sld [smem:$0x3FB4];
	_ =	sdelay $0x3  }
0x33: {  	p0 =	seq.s32 s10, $0x1;
	s10 =	sld [smem:$0x3FB6];
	_ =	sdelay $0x3  }
0x34: {  	[smem:$0x3FB6] =	sst s10  }
0x35: {  	s10 =	sld [smem:$0x3FB5];
	_ =	sdelay $0x3  }
0x36: {  	p1 =	seq.s32 s10, $0x1;
	s10 =	sld [smem:$0x3FB6];
	_ =	sdelay $0x3  }
0x37: {  	[smem:$0x3FB6] =	sst s10  }
0x38: {  	s10 =	sld [smem:$0x3FB7]  }
0x39: {  	_ = 	snop;
	(pc) =	sbr.ind lr, $3  }
0x3a: {  	_ = 	snop  }
0x3b: {  	_ = 	snop  }
0x3c: {  	p2 =	seq.s32 s10, $0x1;
	s10 =	sld [smem:$0x3FB6]  }
0x3d: {  	_ =	shalt  }
0x3e: {  	_ =	shalt  }
0x3f: {  	_ =	shalt  }
0x40: {  	_ =	shalt  }
0x41: {  	_ =	shalt  }
0x42: {  	_ =	shalt  }
0x43: {  	_ =	shalt  }
0x44: {  	_ =	shalt  }
0x45: {  	_ =	shalt  }
0x46: {  	_ =	shalt  }
0x47: {  	_ =	shalt  }
0x48: {  	_ =	shalt  }
0x49: {  	_ =	shalt  }
0x4a: {  	_ =	shalt  }
0x4b: {  	_ =	shalt  }
0x4c: {  	_ =	shalt  }
0x4d: {  	_ =	shalt  }
0x4e: {  	_ =	shalt  }
0x4f: {  	_ =	shalt  }
0x50: {  	_ =	shalt  }
0x51: {  	_ =	shalt  }
0x52: {  	_ =	shalt  }
0x53: {  	_ =	shalt  }
0x54: {  	_ =	shalt  }
0x55: {  	_ =	shalt  }
0x56: {  	_ =	shalt  }
0x57: {  	_ =	shalt  }
0x58: {  	_ =	shalt  }
0x59: {  	_ =	shalt  }
0x5a: {  	_ =	shalt  }
0x5b: {  	_ =	shalt  }
0x5c: {  	_ =	shalt  }
0x5d: {  	_ =	shalt  }
0x5e: {  	_ =	shalt  }
0x5f: {  	_ =	shalt  }
0x60: {  	_ =	shalt  }
0x61: {  	_ =	shalt  }
0x62: {  	_ =	shalt  }
0x63: {  	_ =	shalt  }
0x64: {  	_ =	shalt  }
0x65: {  	_ =	shalt  }
0x66: {  	_ =	shalt  }
0x67: {  	_ =	shalt  }
0x68: {  	_ =	shalt  }
0x69: {  	_ =	shalt  }
0x6a: {  	_ =	shalt  }
0x6b: {  	_ =	shalt  }
0x6c: {  	_ =	shalt  }
0x6d: {  	_ =	shalt  }
0x6e: {  	_ =	shalt  }
0x6f: {  	_ =	shalt  }
0x70: {  	_ =	shalt  }
0x71: {  	_ =	shalt  }
0x72: {  	_ =	shalt  }
0x73: {  	_ =	shalt  }
0x74: {  	_ =	shalt  }
0x75: {  	_ =	shalt  }
0x76: {  	_ =	shalt  }
0x77: {  	_ =	shalt  }
0x78: {  	_ =	shalt  }
0x79: {  	_ =	shalt  }
0x7a: {  	_ =	shalt  }
0x7b: {  	_ =	shalt  }
0x7c: {  	_ =	shalt  }
0x7d: {  	_ =	shalt  }
0x7e: {  	_ =	shalt  }
0x7f: {  	_ =	shalt  }
0x80: {  	_ =	shalt  }
0x81: {  	_ =	shalt  }
0x82: {  	_ =	shalt  }
0x83: {  	_ =	shalt  }
0x84: {  	_ =	shalt  }
0x85: {  	_ =	shalt  }
0x86: {  	_ =	shalt  }
0x87: {  	_ =	shalt  }
.Lfunc_end0:
.L_simem_size_0:
called_computation.1_lowered:
.L_overlay_start_0:
0x88: {  	s2 =	sld [smem:$0x3FD9]  }
0x89: {  	s3 =	sld [smem:$0x3FFE];
	_ =	sdelay $0x1  }
0x8a: {  	s1 =	srdreg.scid  }
0x8b: {  	s0 =	sand.u32 $0x1, s1  }
0x8c: {  	s14 =	sshll.u32 s0, $0xA;
	s2 =	sadd.s32 s3, s2  }
0x8d: {  	s2 =	sadd.s32 s2, s14  }
0x8e: {  	[smem:$0x3FC2] =	sst s2  }
0x8f: {  	_ = 	snop  }
0x90: {  	s2 =	sld [smem:$0x3FD0];
	_ =	sdelay $0x2  }
0x91: {  	s15 =	simm.s32 $0xA;
	s4 =	simm.s32 $0x10  }
0x92: {  	[smem:s4], [sflag:s15] =	dma.local [hbm:s2], $0x1  }
0x93: {  	_ =	swait.eq [sflag:s15], $0x1  }
0x94: {  	[sflag:s15] =	ssyncset.done $0x0  }
0x95: {  	s16 =	sld [smem:$0x10];
	[sflag:s15] =	ssyncadd.s32 $0xFFFFFFFF  }
0x96: {  	s17 =	sld [smem:$0x11];
	(tm) =	ssettm $0x1  }
0x97: {  	s18 =	sld [smem:$0x3FFB];
	_ =	sdelay $0x3  }
0x98: {  	_ =	strace s18  }
0x99: {  	s4 =	sld [smem:$0x3FFC];
	_ =	sdelay $0x3  }
0x9a: {  	_ =	strace s4  }
0x9b: {  	s4 =	sld [smem:$0x3FFD];
	_ =	sdelay $0x3  }
0x9c: {  	_ =	strace s4  }
0x9d: {  	_ =	strace $0x8FFFFFFF  }
0x9e: {  	s19 =	sld [smem:$0x3FDB];
	_ =	sdelay $0x1  }
0x9f: {  	s5 =	simm.s32 $_scs_section_size  }
0xa0: {  	s6 =	simm.s32 $_size__tile_overlayer_lowered;
	s7 =	simm.s32 $_tile_overlayer_lowered  }
0xa1: {  	s22 =	simm.s32 $0x1BFF;
	s21 =	sshll.u32 s7, $0x1;
	s4 =	sadd.s32 s5, s19  }
0xa2: {  	s8 =	simm.s32 $0x0;
	s20 =	sshll.u32 s6, $0x1;
	s6 =	sadd.s32 s21, s4  }
0xa3: {  	[timem:s8], [sflag:s22] =	dma.local [hbm:s6], s20  }
0xa4: {  	_ =	swait.ge [sflag:s22], s20  }
0xa5: {  	s5 =	ssub.s32 $0x0, s20;
	[sflag:s22] =	ssyncset.done $0x0  }
0xa6: {  	[sflag:s22] =	ssyncadd.s32 s5;
	_ =	sdelay $0x1  }
0xa7: {  	s23 =	simm.s32 $0x1B8B  }
0xa8: {  	_ =	swait.ge [sflag:s23], $0x1  }
0xa9: {  	[sflag:s23] =	ssyncset.done $0x0  }
0xaa: {  	s25 =	simm.s32 $0x1B8E;
	s24 =	sld [smem:$0x3FFE];
	[sflag:s23] =	ssyncadd.s32 $0xFFFFFFFF  }
0xab: {  	s26 =	simm.s32 $execute0_lowered;
	[smem:$0x3FD2] =	sst s25  }
0xac: {  	s6 =	sshll.u32 s26, $0x1;
	_ =	strace $0x80000049;
	[dreg:$0x1] =	wrdreg $0xFFFFFFFF  }
0xad: {  	s28 =	simm.s32 $_size_execute0_lowered;
	s4 =	sadd.s32 s4, s6;
	[dreg:$0x0] =	wrdreg $0x0  }
0xae: {  	s6 =	sshll.u32 s28, $0x1;
	[dreg:$0x2] =	wrdreg s4  }
0xaf: {  	[dreg:$0x3] =	wrdreg s6  }
0xb0: {  	[dreg:$0x4] =	wrdreg $0xC0  }
0xb1: {  	_ =	task [dreg:s8], $0x5FFFF  }
0xb2: {  	[dreg:$0x1] =	wrdreg $0xFFFFFFFF  }
0xb3: {  	[dreg:$0x0] =	wrdreg $0x60  }
0xb4: {  	[dreg:$0x2] =	wrdreg s24  }
0xb5: {  	[dreg:$0x3] =	wrdreg s16  }
0xb6: {  	[dreg:$0x4] =	wrdreg s17  }
0xb7: {  	[dreg:$0x5] =	wrdreg $0x0  }
0xb8: {  	[dreg:$0x6] =	wrdreg $0x9  }
0xb9: {  	_ =	task.clear_ibuf [dreg:s8], $0x7FFFF;
	_ =	strace $0x90000049  }
0xba: {  	s29 =	simm.s32 $0x9;
	_ =	strace $0x8000004B  }
0xbb: {  	_ =	swait.ge [sflag:s29], $0x1  }
0xbc: {  	[sflag:s29] =	ssyncadd.s32 $0xFFFFFFFF  }
0xbd: {  	_ =	strace $0x9000004B  }
0xbe: {  	_ =	sfence  }
0xbf: {  	s30 =	sld [smem:$0x0];
	_ =	sdelay $0x2  }
0xc0: {  	s31 =	sshll.u32 s1, $0xD;
	s1 =	sshrl.u32 s1, $0x2  }
0xc1: {  	s3 =	sand.u32 $0x4000, s31;
	s1 =	sadd.s32 s1, s30  }
0xc2: {  	s0 =	sor.u32 s3, s0;
	s1 =	sshll.u32 s1, $0x11  }
0xc3: {  	s0 =	sor.u32 s1, s0  }
0xc4: {  	s0 =	sadd.s32 $0x8F2B, s0  }
0xc5: {  	[sflag:s0] =	ssyncadd.remote.s32 $0x1  }
0xc6: {  	_ =	sfence.sel $0xFFFF  }
0xc7: {  	[dreg:$0x0] =	wrdreg $0xFFFFFFFF;
	(pc) =	sbr.abs _section_cstart, $3  }
0xc8: {  	[dreg:$0x1] =	wrdreg $0xFFFFFFFF  }
0xc9: {  	_ =	task.clear_ibuf [dreg:s8], $0x2FFFF;
	_ =	strace $0x9FFFFFFF  }
0xca: {  	(tm) =	ssettm $0x7FFFFFFF  }
0xcb: {  	_ =	shalt  }
tec
execute0_lowered:
.L_overlay_start_1:
0x0: {  	(tag) =	ssettag $0x1  }
0x1: {  	s8 =	rddreg [dreg:$0x0]  }
0x2: {  	s1 =	rddreg [dreg:$0x1]  }
0x3: {  	s0 =	srdreg.scid;
	s2 =	stileid.u32  }
0x4: {  	s9 =	rddreg [dreg:$0x2];
	s11 =	smul.u32 $0x14000, s2  }
0x5: {  	s5 =	simm.s32 $0x0;
	s3 =	sand.u32 $0x1, s0;
	s15 =	smul.u32 $0x4C, s2  }
0x6: {  	[smem:$0x7FF] =	sst s5;
	s5 =	smul.u32 $0xF0, s2;
	s0 =	ssub.s32 $0x2, s3  }
0x7: {  	s10 =	smul.u32 $0x140000, s3;
	p0 =	seq.s32 s3, $0x0;
	s4 =	sshrl.u32 s0, $0x1  }
0x8: {  	s3 =	sadd.s32 $0xF00, s15;
	s14 =	sadd.s32 $0xA000, s11;
	s15 =	sadd.s32 $0xC000, s11  }
0x9: {  	s0 =	ssub.s32 s0, s4;
	s6 =	sadd.s32 s10, s11;
	s4 =	sor.u32 $0x2000, s11  }
0xa: {  	s3 =	smov.u32 @p0 s5;
	s5 =	sadd.s32 $0x4000, s11;
	s20 =	sadd.s32 s10, s14  }
0xb: {  	s21 =	sadd.s32 s10, s15;
	s6 =	sshrl.u32 s6, $0x3;
	s17 =	sadd.s32 s10, s4  }
0xc: {  	s18 =	sadd.s32 s10, s5;
	s16 =	sadd.s32 s9, s6;
	s7 =	sshrl.u32 s17, $0x3  }
0xd: {  	s6 =	sadd.s32 $0x6000, s11;
	s13 =	sshrl.u32 s18, $0x3;
	s17 =	sadd.s32 $0x28E00, s8  }
0xe: {  	s18 =	sadd.s32 $0x15200, s8;
	[dreg:$0x5] =	wrdreg s16;
	s7 =	sadd.s32 s9, s7  }
0xf: {  	s12 =	sadd.s32 s10, s6;
	s13 =	sadd.s32 s9, s13;
	s16 =	sadd.s32 $0x3CA00, s8  }
0x10: {  	[dreg:$0x6] =	wrdreg s7;
	s12 =	sshrl.u32 s12, $0x3;
	s7 =	sadd.s32 $0x8000, s11  }
0x11: {  	[dreg:$0x7] =	wrdreg s13;
	s12 =	sadd.s32 s9, s12;
	s19 =	sadd.s32 s10, s7  }
0x12: {  	s8 =	sshll.u32 s3, $0x4;
	[dreg:$0x8] =	wrdreg s12;
	s12 =	sshrl.u32 s19, $0x3  }
0x13: {  	s13 =	sshrl.u32 s21, $0x3;
	s21 =	sadd.s32 $0x10000, s11;
	s12 =	sadd.s32 s9, s12  }
0x14: {  	[dreg:$0x9] =	wrdreg s12;
	s12 =	sshrl.u32 s20, $0x3;
	s20 =	sadd.s32 $0xE000, s11  }
0x15: {  	s22 =	sadd.s32 s9, s13;
	s12 =	sadd.s32 s9, s12;
	s23 =	sadd.s32 s10, s20  }
0x16: {  	s24 =	sadd.s32 s10, s21;
	[dreg:$0xa] =	wrdreg s12;
	s12 =	sshrl.u32 s23, $0x3  }
0x17: {  	s13 =	rddreg [dreg:$0x3];
	s11 =	sadd.s32 $0x12000, s11;
	s12 =	sadd.s32 s9, s12  }
0x18: {  	s10 =	sadd.s32 s10, s11;
	[dreg:$0xc] =	wrdreg s12;
	s12 =	sshrl.u32 s24, $0x3  }
0x19: {  	[dreg:$0xb] =	wrdreg s22;
	s10 =	sshrl.u32 s10, $0x3;
	s12 =	sadd.s32 s9, s12  }
0x1a: {  	s26 =	sor.u32 $0x10, s8;
	s9 =	sadd.s32 s9, s10;
	[dreg:$0xd] =	wrdreg s12  }
0x1b: {  	s30 =	sadd.s32 s1, s26;
	s31 =	sadd.s32 s17, s26;
	[dreg:$0xe] =	wrdreg s9  }
0x1c: {  	s10 =	sor.u32 $0x20, s8;
	_ =	strace $0x8000004A;
	[dreg:$0x10] =	wrdreg s30  }
0x1d: {  	s12 =	sadd.s32 s1, s10;
	[dreg:$0x11] =	wrdreg s31  }
0x1e: {  	s25 =	smul.u32 $0x50000, s2;
	s22 =	sadd.s32 s17, s10;
	[dreg:$0x13] =	wrdreg s12  }
0x1f: {  	s23 =	sor.u32 $0x30, s8;
	s24 =	sadd.s32 s18, s10;
	[dreg:$0x14] =	wrdreg s22  }
0x20: {  	s9 =	sshrl.u32 s25, $0x2;
	s25 =	sadd.s32 s1, s23;
	[dreg:$0x15] =	wrdreg s24  }
0x21: {  	s0 =	smax.u32 s0, $0x1;
	[dreg:$0x16] =	wrdreg s25  }
0x22: {  	s4 =	sadd.s32 s4, s13;
	[smem:$0x7EB] =	sst s0  }
0x23: {  	s5 =	sadd.s32 s5, s13;
	[smem:$0x7EC] =	sst s4  }
0x24: {  	s6 =	sadd.s32 s6, s13;
	[smem:$0x7ED] =	sst s5  }
0x25: {  	s29 =	sadd.s32 s9, s13;
	s9 =	sadd.s32 s18, s26;
	[smem:$0x7EE] =	sst s6  }
0x26: {  	s30 =	sadd.s32 s17, s23;
	[dreg:$0x12] =	wrdreg s9  }
0x27: {  	s31 =	sadd.s32 s18, s23;
	[dreg:$0x17] =	wrdreg s30  }
0x28: {  	s23 =	sadd.s32 s1, s8;
	[dreg:$0x18] =	wrdreg s31  }
0x29: {  	s24 =	sadd.s32 s17, s8;
	[dreg:$0x1c] =	wrdreg s23  }
0x2a: {  	s25 =	sadd.s32 s18, s8;
	[dreg:$0x1d] =	wrdreg s24  }
0x2b: {  	s26 =	sadd.s32 $0x40, s8;
	[dreg:$0x1e] =	wrdreg s25  }
0x2c: {  	s10 =	sadd.s32 s1, s26;
	[dreg:$0xf] =	wrdreg s29  }
0x2d: {  	s12 =	sadd.s32 s17, s26;
	[dreg:$0x19] =	wrdreg s10  }
0x2e: {  	s8 =	sadd.s32 $0x50, s8;
	s22 =	sadd.s32 s18, s26;
	[dreg:$0x1a] =	wrdreg s12  }
0x2f: {  	s26 =	sadd.s32 s1, s8;
	[dreg:$0x1b] =	wrdreg s22  }
0x30: {  	s30 =	sadd.s32 s17, s8;
	[dreg:$0x1f] =	wrdreg s26  }
0x31: {  	s31 =	sadd.s32 s18, s8;
	[smem:$0x7E9] =	sst s30  }
0x32: {  	s8 =	sadd.s32 s7, s13;
	[smem:$0x7EA] =	sst s31  }
0x33: {  	s9 =	sadd.s32 s14, s13;
	[smem:$0x7EF] =	sst s8  }
0x34: {  	s14 =	sadd.s32 s21, s13;
	[smem:$0x7F0] =	sst s9  }
0x35: {  	s21 =	sadd.s32 $0x4000, s29;
	[smem:$0x7F3] =	sst s14  }
0x36: {  	s28 =	simm.s32 $0x1A000;
	s23 =	sadd.s32 $0x8000, s29;
	[smem:$0x7F6] =	sst s21  }
0x37: {  	s19 =	simm.s32 $0xF0;
	s24 =	sadd.s32 $0xA000, s29;
	[smem:$0x7F8] =	sst s23  }
0x38: {  	s19 =	simm.s32 @!p0 $0x4C;
	s25 =	sadd.s32 $0xC000, s29;
	[smem:$0x7F9] =	sst s24  }
0x39: {  	s7 =	sshrl.u32 s19, $0x2;
	s10 =	sadd.s32 s15, s13;
	[smem:$0x7FA] =	sst s25  }
0x3a: {  	s12 =	sadd.s32 s20, s13;
	s15 =	sadd.s32 s11, s13;
	[smem:$0x7F1] =	sst s10  }
0x3b: {  	s20 =	sadd.s32 $0x2000, s29;
	s22 =	sadd.s32 $0x6000, s29;
	[smem:$0x7F2] =	sst s12  }
0x3c: {  	s26 =	sadd.s32 $0xE000, s29;
	s30 =	sadd.s32 $0x10000, s29;
	[smem:$0x7F4] =	sst s15  }
0x3d: {  	s31 =	sadd.s32 $0x12000, s29;
	s8 =	simm.s32 $0x14000;
	[smem:$0x7F5] =	sst s20  }
0x3e: {  	s9 =	simm.s32 $0xA;
	s11 =	simm.s32 $0x1C800;
	[smem:$0x7F7] =	sst s22  }
0x3f: {  	s21 =	simm.s32 $0x40;
	s23 =	simm.s32 $0x1;
	[smem:$0x7FB] =	sst s26  }
0x40: {  	s24 =	simm.s32 $0x2;
	s25 =	simm.s32 $0x18000;
	[smem:$0x7FC] =	sst s30  }
0x41: {  	[smem:$0x7FD] =	sst s31;
	s15 =	simm.s32 $0x9;
	s22 =	simm.s32 $0x16000  }
0x42: {  	v0 =	vimm.f32 $0.0e+00;
	s10 =	simm.s32 $0x3;
	s26 =	simm.s32 $0x4;
	s12 =	simm.s32 $0x0  }
.LBB2_1:
0x43: {  	s0 =	simm.s32 $0x0;
	s4 =	simm.s32 $0x200  }
.LBB2_2:
0x44: {  	p0 =	sne.s32 s4, $0x7E00;
	[tilespmem:s0+$0x14070] =	vst v0  }
0x45: {  	[tilespmem:s0+$0x14000] =	vst v0  }
0x46: {  	[tilespmem:s0+$0x14010] =	vst v0  }
.Ltmp0:
0x47: {  	[tilespmem:s0+$0x14020] =	vst v0;
	(pc) =	sbr.rel @p0 .LBB2_2-.Ltmp0, $4  }
0x48: {  	[tilespmem:s0+$0x14030] =	vst v0  }
0x49: {  	[tilespmem:s0+$0x14040] =	vst v0  }
0x4a: {  	[tilespmem:s0+$0x14050] =	vst v0  }
0x4b: {  	[tilespmem:s0+$0x14060] =	vst v0;
	s0 =	sshra.s32 s4, $0x2;
	s4 =	sadd.s32 $0x200, s4  }
0x4c: {  	[tilespmem:s0+$0x14070] =	vst v0  }
0x4d: {  	[tilespmem:s0+$0x14000] =	vst v0  }
0x4e: {  	[tilespmem:s0+$0x14010] =	vst v0  }
0x4f: {  	[tilespmem:s0+$0x14020] =	vst v0  }
0x50: {  	[tilespmem:s0+$0x14030] =	vst v0  }
0x51: {  	[tilespmem:s0+$0x14040] =	vst v0  }
0x52: {  	[tilespmem:s0+$0x14050] =	vst v0  }
0x53: {  	[tilespmem:s0+$0x14060] =	vst v0  }
0x54: {  	[spmem:s29] =	stream.linear.scatter [tilespmem:s8], [sflag:$0xA], $0x2000, $0x38;
	[tilespmem:$0x1CC00] =	vst v63  }
0x55: {  	_ =	swait.ge [sflag:s9], $0x2000  }
0x56: {  	s6 =	sld [smem:$0x7F5]  }
0x57: {  	[sflag:s9] =	ssyncset.done $0x0  }
0x58: {  	[sflag:s9] =	ssyncadd.s32 $0xFFFFE000  }
0x59: {  	[spmem:s6] =	stream.linear.scatter [tilespmem:s8], [sflag:$0xA], $0x2000, $0x38;
	[tilespmem:$0x1CC00] =	vst v63  }
0x5a: {  	_ =	swait.ge [sflag:s9], $0x2000  }
0x5b: {  	s14 =	sld [smem:$0x7F6]  }
0x5c: {  	[sflag:s9] =	ssyncset.done $0x0  }
0x5d: {  	[sflag:s9] =	ssyncadd.s32 $0xFFFFE000  }
0x5e: {  	[spmem:s14] =	stream.linear.scatter [tilespmem:s8], [sflag:$0xA], $0x2000, $0x38;
	[tilespmem:$0x1CC00] =	vst v63  }
0x5f: {  	_ =	swait.ge [sflag:s9], $0x2000  }
0x60: {  	s20 =	sld [smem:$0x7F7]  }
0x61: {  	[sflag:s9] =	ssyncset.done $0x0  }
0x62: {  	[sflag:s9] =	ssyncadd.s32 $0xFFFFE000  }
0x63: {  	[spmem:s20] =	stream.linear.scatter [tilespmem:s8], [sflag:$0xA], $0x2000, $0x38;
	[tilespmem:$0x1CC00] =	vst v63  }
0x64: {  	_ =	swait.ge [sflag:s9], $0x2000  }
0x65: {  	s29 =	sld [smem:$0x7F8]  }
0x66: {  	[sflag:s9] =	ssyncset.done $0x0  }
0x67: {  	[sflag:s9] =	ssyncadd.s32 $0xFFFFE000  }
0x68: {  	[spmem:s29] =	stream.linear.scatter [tilespmem:s8], [sflag:$0xA], $0x2000, $0x38;
	[tilespmem:$0x1CC00] =	vst v63  }
0x69: {  	_ =	swait.ge [sflag:s9], $0x2000  }
0x6a: {  	s30 =	sld [smem:$0x7F9]  }
0x6b: {  	[sflag:s9] =	ssyncset.done $0x0  }
0x6c: {  	[sflag:s9] =	ssyncadd.s32 $0xFFFFE000  }
0x6d: {  	[spmem:s30] =	stream.linear.scatter [tilespmem:s8], [sflag:$0xA], $0x2000, $0x38;
	[tilespmem:$0x1CC00] =	vst v63  }
0x6e: {  	_ =	swait.ge [sflag:s9], $0x2000  }
0x6f: {  	s31 =	sld [smem:$0x7FA]  }
0x70: {  	[sflag:s9] =	ssyncset.done $0x0  }
0x71: {  	[sflag:s9] =	ssyncadd.s32 $0xFFFFE000  }
0x72: {  	[spmem:s31] =	stream.linear.scatter [tilespmem:s8], [sflag:$0xA], $0x2000, $0x38;
	[tilespmem:$0x1CC00] =	vst v63  }
0x73: {  	_ =	swait.ge [sflag:s9], $0x2000  }
0x74: {  	s2 =	sld [smem:$0x7FB]  }
0x75: {  	[sflag:s9] =	ssyncset.done $0x0  }
0x76: {  	[sflag:s9] =	ssyncadd.s32 $0xFFFFE000  }
0x77: {  	[spmem:s2] =	stream.linear.scatter [tilespmem:s8], [sflag:$0xA], $0x2000, $0x38;
	[tilespmem:$0x1CC00] =	vst v63  }
0x78: {  	_ =	swait.ge [sflag:s9], $0x2000  }
0x79: {  	s4 =	sld [smem:$0x7FC]  }
0x7a: {  	[sflag:s9] =	ssyncset.done $0x0  }
0x7b: {  	[sflag:s9] =	ssyncadd.s32 $0xFFFFE000  }
0x7c: {  	[spmem:s4] =	stream.linear.scatter [tilespmem:s8], [sflag:$0xA], $0x2000, $0x38;
	[tilespmem:$0x1CC00] =	vst v63  }
0x7d: {  	_ =	swait.ge [sflag:s9], $0x2000  }
0x7e: {  	s5 =	sld [smem:$0x7FD]  }
0x7f: {  	[sflag:s9] =	ssyncset.done $0x0  }
0x80: {  	[sflag:s9] =	ssyncadd.s32 $0xFFFFE000  }
0x81: {  	[spmem:s5] =	stream.linear.scatter [tilespmem:s8], [sflag:$0xA], $0x2000, $0x38;
	[tilespmem:$0x1CC00] =	vst v63  }
0x82: {  	_ =	swait.ge [sflag:s9], $0x2000  }
0x83: {  	[sflag:s9] =	ssyncset.done $0x0  }
0x84: {  	[sflag:s9] =	ssyncadd.s32 $0xFFFFE000  }
0x85: {  	[bflag:$0x0] =	sbarrier.arrive $0xFFFF  }
0x86: {  	s2 =	rddreg [dreg:$0x1c]  }
0x87: {  	s0 =	simm.s32 $0x0;
	s4 =	simm.s32 $0x1C000;
	s6 =	rddreg [dreg:$0x1d]  }
0x88: {  	[tilespmem:s4], [sflag:$0x9] =	stream.linear.gather [hbm4b:s2+s0], $0x80, $0x38;
	[tilespmem:$0x1CC00] =	vst v63  }
0x89: {  	s5 =	simm.s32 $0x1C400;
	s14 =	rddreg [dreg:$0x1e]  }
0x8a: {  	[tilespmem:s5], [sflag:$0x9] =	stream.linear.gather [hbm4b:s6+s0], $0x80, $0x38;
	[tilespmem:$0x1CC00] =	vst v63  }
0x8b: {  	s20 =	rddreg [dreg:$0x10]  }
0x8c: {  	[tilespmem:s11], [sflag:$0x9] =	stream.linear.gather [hbm4b:s14+s0], $0x80, $0x38;
	[tilespmem:$0x1CC00] =	vst v63  }
0x8d: {  	s29 =	rddreg [dreg:$0x11];
	s5 =	simm.s32 $0x1C080  }
0x8e: {  	[tilespmem:s5], [sflag:$0x9] =	stream.linear.gather [hbm4b:s20+s0], $0x80, $0x38;
	[tilespmem:$0x1CC00] =	vst v63  }
0x8f: {  	s30 =	rddreg [dreg:$0x12];
	s6 =	simm.s32 $0x1C480  }
0x90: {  	[tilespmem:s6], [sflag:$0x9] =	stream.linear.gather [hbm4b:s29+s0], $0x80, $0x38;
	[tilespmem:$0x1CC00] =	vst v63  }
0x91: {  	s31 =	simm.s32 $0x1C880;
	s20 =	rddreg [dreg:$0x14]  }
0x92: {  	[tilespmem:s31], [sflag:$0x9] =	stream.linear.gather [hbm4b:s30+s0], $0x80, $0x38;
	[tilespmem:$0x1CC00] =	vst v63  }
0x93: {  	s14 =	simm.s32 $0x1C100;
	s6 =	rddreg [dreg:$0x13]  }
0x94: {  	[tilespmem:s14], [sflag:$0x9] =	stream.linear.gather [hbm4b:s6+s0], $0x80, $0x38;
	[tilespmem:$0x1CC00] =	vst v63  }
0x95: {  	s29 =	simm.s32 $0x1C500;
	s30 =	rddreg [dreg:$0x15]  }
0x96: {  	[tilespmem:s29], [sflag:$0x9] =	stream.linear.gather [hbm4b:s20+s0], $0x80, $0x38;
	[tilespmem:$0x1CC00] =	vst v63  }
0x97: {  	s31 =	simm.s32 $0x1C900;
	s6 =	rddreg [dreg:$0x16]  }
0x98: {  	[tilespmem:s31], [sflag:$0x9] =	stream.linear.gather [hbm4b:s30+s0], $0x80, $0x38;
	[tilespmem:$0x1CC00] =	vst v63  }
0x99: {  	s14 =	simm.s32 $0x1C180;
	s20 =	rddreg [dreg:$0x17]  }
0x9a: {  	[tilespmem:s14], [sflag:$0x9] =	stream.linear.gather [hbm4b:s6+s0], $0x80, $0x38;
	[tilespmem:$0x1CC00] =	vst v63  }
0x9b: {  	s29 =	simm.s32 $0x1C580;
	s30 =	rddreg [dreg:$0x18]  }
0x9c: {  	[tilespmem:s29], [sflag:$0x9] =	stream.linear.gather [hbm4b:s20+s0], $0x80, $0x38;
	[tilespmem:$0x1CC00] =	vst v63  }
0x9d: {  	s31 =	simm.s32 $0x1C980;
	s6 =	rddreg [dreg:$0x19]  }
0x9e: {  	[tilespmem:s31], [sflag:$0x9] =	stream.linear.gather [hbm4b:s30+s0], $0x80, $0x38;
	[tilespmem:$0x1CC00] =	vst v63  }
0x9f: {  	s14 =	simm.s32 $0x1C200;
	s20 =	rddreg [dreg:$0x1a]  }
0xa0: {  	[tilespmem:s14], [sflag:$0x9] =	stream.linear.gather [hbm4b:s6+s0], $0x80, $0x38;
	[tilespmem:$0x1CC00] =	vst v63  }
0xa1: {  	s29 =	simm.s32 $0x1C600;
	s30 =	rddreg [dreg:$0x1b]  }
0xa2: {  	[tilespmem:s29], [sflag:$0x9] =	stream.linear.gather [hbm4b:s20+s0], $0x80, $0x38;
	[tilespmem:$0x1CC00] =	vst v63  }
0xa3: {  	s31 =	simm.s32 $0x1CA00;
	s6 =	rddreg [dreg:$0x1f]  }
0xa4: {  	[tilespmem:s31], [sflag:$0x9] =	stream.linear.gather [hbm4b:s30+s0], $0x80, $0x38;
	[tilespmem:$0x1CC00] =	vst v63  }
0xa5: {  	s14 =	simm.s32 $0x1C280;
	s20 =	sld [smem:$0x7E9]  }
0xa6: {  	[tilespmem:s14], [sflag:$0x9] =	stream.linear.gather [hbm4b:s6+s0], $0x80, $0x38;
	[tilespmem:$0x1CC00] =	vst v63  }
0xa7: {  	s29 =	simm.s32 $0x1C680;
	s30 =	sld [smem:$0x7EA]  }
0xa8: {  	[tilespmem:s29], [sflag:$0x9] =	stream.linear.gather [hbm4b:s20+s0], $0x80, $0x38;
	[tilespmem:$0x1CC00] =	vst v63  }
0xa9: {  	s31 =	simm.s32 $0x1CA80  }
0xaa: {  	[tilespmem:s31], [sflag:$0x9] =	stream.linear.gather [hbm4b:s30+s0], $0x80, $0x38;
	[tilespmem:$0x1CC00] =	vst v63  }
0xab: {  	_ =	swait.ge [sflag:s15], $0x80  }
0xac: {  	[sflag:s15] =	ssyncset.done $0x0  }
0xad: {  	[sflag:s15] =	ssyncadd.s32 $0xFFFFFF80  }
0xae: {  	_ =	swait.ge [sflag:s15], $0x80  }
0xaf: {  	[sflag:s15] =	ssyncset.done $0x0  }
0xb0: {  	[sflag:s15] =	ssyncadd.s32 $0xFFFFFF80  }
0xb1: {  	_ =	swait.ge [sflag:s15], $0x80  }
0xb2: {  	[sflag:s15] =	ssyncset.done $0x0  }
0xb3: {  	[sflag:s15] =	ssyncadd.s32 $0xFFFFFF80  }
0xb4: {  	[tilespmem:s8], [sflag:$0x1] =	stream.indirect.gather [hbm4b:s16+s21], $0x80, s4, s21, $0xb8;
	[tilespmem:$0x1CC00] =	vst v63  }
0xb5: {  	_ =	swait.ge [sflag:s15], $0x80  }
0xb6: {  	[sflag:s15] =	ssyncset.done $0x0  }
0xb7: {  	[sflag:s15] =	ssyncadd.s32 $0xFFFFFF80  }
0xb8: {  	_ =	swait.ge [sflag:s15], $0x80  }
0xb9: {  	[sflag:s15] =	ssyncset.done $0x0  }
0xba: {  	[sflag:s15] =	ssyncadd.s32 $0xFFFFFF80  }
0xbb: {  	_ =	swait.ge [sflag:s15], $0x80  }
0xbc: {  	[sflag:s15] =	ssyncset.done $0x0  }
0xbd: {  	s4 =	simm.s32 $0x0;
	[sflag:s15] =	ssyncadd.s32 $0xFFFFFF80  }
0xbe: {  	[tilespmem:s22], [sflag:$0x2] =	stream.indirect.gather [hbm4b:s16+s21], $0x80, s5, s21, $0xb8;
	[tilespmem:$0x1CC00] =	vst v63  }
.LBB2_4:
0xbf: {  	s5 =	sshll.u32 s4, $0x2  }
0xc0: {  	s29 =	sand.u32 $0x4, s5  }
0xc1: {  	v1 =	vmov s0;
	s6 =	sshll.u32 s29, $0x7  }
0xc2: {  	v1 =	vand.u32 $0x7F, v1;
	v2 =	vmov s6  }
0xc3: {  	v1 =	vadd.s32 v2, v1  }
0xc4: {  	v1 =	vbroadcast v1, $0x0;
	_ =	sdelay $0x1  }
0xc5: {  	_ =	swait.ge [sflag:s23], $0x2000  }
0xc6: {  	[sflag:s23] =	ssyncset.done $0x0  }
0xc7: {  	s30 =	simm.s32 $0x14040;
	s14 =	simm.s32 $0x1;
	[sflag:s23] =	ssyncadd.s32 $0xFFFFE000  }
0xc8: {  	v3 =	vmov s14;
	v5 =	vld [tilespmem:s30+$0xFFFFFFC0]  }
0xc9: {  	v3 =	vand.u32 $0x7F, v3;
	v1 =	vld.idx.msk [tilespmem:v1+s11+$0x0], $0xffff  }
0xca: {  	v7 =	vld [tilespmem:s30+$0xFFFFFFD0];
	v3 =	vadd.s32 v2, v3  }
0xcb: {  	v8 =	vld [tilespmem:s30+$0xFFFFFFE0];
	v3 =	vbroadcast v3, $0x0  }
0xcc: {  	v6 =	vld [tilespmem:s30+$0x0]  }
0xcd: {  	v4 =	vld [tilespmem:s30+$0x10]  }
0xce: {  	s20 =	simm.s32 $0x2;
	s14 =	simm.s32 $0x14040;
	v9 =	vmul.f32 v5, v1;
	v5 =	vld [tilespmem:s30+$0x20]  }
.LBB2_5:
0xcf: {  	p0 =	sne.s32 s20, $0x3F;
	v7 =	vmul.f32 v7, v1;
	v10 =	vld [tilespmem:s30+$0x30]  }
0xd0: {  	[tilespmem:s30+$0xFFFFFFC0] =	vst v9;
	v8 =	vmul.f32 v8, v1;
	v9 =	vld [tilespmem:s30+$0xFFFFFFF0]  }
0xd1: {  	v11 =	vmov s20;
	s30 =	sadd.s32 $0x80, s30;
	v12 =	vld.idx.msk [tilespmem:v3+s11+$0x0], $0xffff;
	[tilespmem:s14+$0xFFFFFFD0] =	vst v7;
	v3 =	vmul.f32 v6, v1  }
0xd2: {  	v6 =	vand.u32 $0x7F, v11;
	v11 =	vld [tilespmem:s30+$0xFFFFFFC0];
	[tilespmem:s14+$0xFFFFFFE0] =	vst v8;
	v4 =	vmul.f32 v4, v1  }
.Ltmp1:
0xd3: {  	v6 =	vadd.s32 v2, v6;
	v7 =	vld [tilespmem:s30+$0xFFFFFFD0];
	[tilespmem:s14+$0x0] =	vst v3;
	v5 =	vmul.f32 v5, v1;
	(pc) =	sbr.rel @p0 .LBB2_5-.Ltmp1, $4  }
0xd4: {  	v3 =	vbroadcast v6, $0x0;
	v8 =	vld [tilespmem:s30+$0xFFFFFFE0];
	[tilespmem:s14+$0x10] =	vst v4;
	v10 =	vmul.f32 v10, v1  }
0xd5: {  	v6 =	vld [tilespmem:s30+$0x0];
	v13 =	vmul.f32 v9, v1;
	[tilespmem:s14+$0x20] =	vst v5  }
0xd6: {  	v4 =	vld [tilespmem:s30+$0x10];
	[tilespmem:s14+$0x30] =	vst v10  }
0xd7: {  	s20 =	sadd.s32 $0x1, s20;
	v1 =	vmov v12;
	v9 =	vmul.f32 v11, v12;
	v5 =	vld [tilespmem:s30+$0x20];
	[tilespmem:s14+$0xFFFFFFF0] =	vst v13;
	s14 =	smov.u32 s30  }
0xd8: {  	_ =	sdelay $0x1  }
0xd9: {  	v2 =	vmul.f32 v7, v1;
	[tilespmem:s30+$0xFFFFFFC0] =	vst v9;
	v9 =	vld [tilespmem:s30+$0x30]  }
0xda: {  	v7 =	vld [tilespmem:s30+$0xFFFFFFF0];
	v8 =	vmul.f32 v8, v1  }
0xdb: {  	s20 =	sadd.s32 $0x80, s30;
	v3 =	vld.idx.msk [tilespmem:v3+s11+$0x0], $0xffff;
	[tilespmem:s14+$0xFFFFFFD0] =	vst v2;
	v6 =	vmul.f32 v6, v1  }
0xdc: {  	v2 =	vld [tilespmem:s20+$0xFFFFFFC0];
	[tilespmem:s14+$0xFFFFFFE0] =	vst v8;
	v4 =	vmul.f32 v4, v1  }
0xdd: {  	v8 =	vld [tilespmem:s20+$0xFFFFFFD0];
	[tilespmem:s14+$0x0] =	vst v6;
	v5 =	vmul.f32 v5, v1  }
0xde: {  	v6 =	vld [tilespmem:s20+$0xFFFFFFE0];
	[tilespmem:s14+$0x10] =	vst v4;
	v9 =	vmul.f32 v9, v1  }
0xdf: {  	v4 =	vld [tilespmem:s20+$0x0];
	[tilespmem:s14+$0x20] =	vst v5  }
0xe0: {  	v1 =	vmul.f32 v7, v1;
	v5 =	vld [tilespmem:s20+$0x10];
	[tilespmem:s14+$0x30] =	vst v9  }
0xe1: {  	v2 =	vmul.f32 v2, v3;
	v7 =	vld [tilespmem:s20+$0x20]  }
0xe2: {  	[tilespmem:s14+$0xFFFFFFF0] =	vst v1;
	v1 =	vmul.f32 v8, v3;
	v8 =	vld [tilespmem:s20+$0x30]  }
0xe3: {  	[tilespmem:s20+$0xFFFFFFC0] =	vst v2;
	v2 =	vmul.f32 v6, v3;
	v6 =	vld [tilespmem:s20+$0xFFFFFFF0]  }
0xe4: {  	[tilespmem:s20+$0xFFFFFFD0] =	vst v1;
	v1 =	vmul.f32 v4, v3  }
0xe5: {  	[tilespmem:s20+$0xFFFFFFE0] =	vst v2;
	v2 =	vmul.f32 v5, v3  }
0xe6: {  	[tilespmem:s20+$0x0] =	vst v1;
	v1 =	vmul.f32 v7, v3  }
0xe7: {  	[tilespmem:s20+$0x10] =	vst v2;
	v2 =	vmul.f32 v8, v3  }
0xe8: {  	v3 =	vmul.f32 v6, v3;
	[tilespmem:s20+$0x20] =	vst v1  }
0xe9: {  	[tilespmem:s20+$0x30] =	vst v2  }
0xea: {  	s6 =	sor.u32 $0x1C400, s6;
	[tilespmem:s20+$0xFFFFFFF0] =	vst v3  }
0xeb: {  	[spmem:s13] =	stream.indirect.scatter.add.f32 [tilespmem:s8], [sflag:$0x5], $0x80, s6, s21, $0xb8;
	[tilespmem:$0x1CC00] =	vst v63  }
0xec: {  	s6 =	sor.u32 $0x2, s5  }
0xed: {  	p0 =	sge.u32 s6, s19  }
0xee: {  	p1 =	seq.s32 @!p0 s5, $0x0  }
0xef: {  	p1 =	por p1, p0  }
0xf0: {  	s14 =	simm.s32 @!p1 $0x7  }
0xf1: {  	_ =	swait.ge @!p1 [sflag:s14], $0x2000  }
0xf2: {  	[sflag:s14] =	ssyncset.done @!p1 $0x0  }
0xf3: {  	[sflag:s14] =	ssyncadd.s32 @!p1 $0xFFFFE000;
	s14 =	simm.s32 @!p0 $0x9  }
0xf4: {  	_ =	swait.ge @!p0 [sflag:s14], $0x80  }
0xf5: {  	[sflag:s14] =	ssyncset.done @!p0 $0x0  }
0xf6: {  	[sflag:s14] =	ssyncadd.s32 @!p0 $0xFFFFFF80  }
0xf7: {  	_ =	swait.ge @!p0 [sflag:s14], $0x80  }
0xf8: {  	[sflag:s14] =	ssyncset.done @!p0 $0x0  }
0xf9: {  	[sflag:s14] =	ssyncadd.s32 @!p0 $0xFFFFFF80  }
0xfa: {  	s20 =	sshll.u32 @!p0 s6, $0x7;
	_ =	swait.ge @!p0 [sflag:s14], $0x80  }
0xfb: {  	s30 =	simm.s32 @!p0 $0x18000;
	s20 =	sand.u32 @!p0 $0x300, s20;
	[sflag:s14] =	ssyncset.done @!p0 $0x0  }
0xfc: {  	s20 =	sor.u32 @!p0 $0x1C000, s20;
	[sflag:s14] =	ssyncadd.s32 @!p0 $0xFFFFFF80;
	s14 =	simm.s32 @!p0 $0x40  }
0xfd: {  	[tilespmem:s30], [sflag:$0x3] =	stream.indirect.gather @!p0 [hbm4b:s16+s14], $0x80, s20, s14, $0xb8;
	[tilespmem:$0x1CC00] =	vst v63  }
0xfe: {  	s14 =	sadd.s32 $0x6, s5  }
0xff: {  	s29 =	sor.u32 $0x1, s29;
	p0 =	sge.u32 s14, s19  }
0x100: {  	s31 =	simm.s32 $0x0;
	s20 =	sshll.u32 @!p0 s14, $0x7;
	s14 =	sadd.s32 @!p0 s3, s14  }
0x101: {  	s29 =	sshll.u32 s29, $0x7;
	s20 =	sand.u32 @!p0 $0x300, s20;
	s14 =	sshll.u32 @!p0 s14, $0x4  }
0x102: {  	v2 =	vmov s31;
	s31 =	simm.s32 @!p0 $0x0;
	s30 =	sor.u32 @!p0 $0x1C000, s20;
	s2 =	sadd.s32 @!p0 s1, s14  }
0x103: {  	v1 =	vmov s29;
	v2 =	vand.u32 $0x7F, v2;
	[tilespmem:s30], [sflag:$0x9] =	stream.linear.gather @!p0 [hbm4b:s2+s31], $0x80, $0x38;
	[tilespmem:$0x1CC00] =	vst v63  }
0x104: {  	v2 =	vadd.s32 v1, v2;
	s2 =	sor.u32 @!p0 $0x1C400, s20;
	s30 =	sadd.s32 @!p0 s17, s14  }
0x105: {  	v2 =	vbroadcast v2, $0x0;
	[tilespmem:s2], [sflag:$0x9] =	stream.linear.gather @!p0 [hbm4b:s30+s31], $0x80, $0x38;
	[tilespmem:$0x1CC00] =	vst v63  }
0x106: {  	s14 =	sadd.s32 @!p0 s18, s14;
	s2 =	sor.u32 @!p0 $0x1C800, s20  }
0x107: {  	[tilespmem:s2], [sflag:$0x9] =	stream.linear.gather @!p0 [hbm4b:s14+s31], $0x80, $0x38;
	[tilespmem:$0x1CC00] =	vst v63  }
0x108: {  	_ =	swait.ge [sflag:s24], $0x2000  }
0x109: {  	[sflag:s24] =	ssyncset.done $0x0  }
0x10a: {  	s31 =	simm.s32 $0x1;
	[sflag:s24] =	ssyncadd.s32 $0xFFFFE000  }
0x10b: {  	s30 =	simm.s32 $0x16070;
	v3 =	vmov s31;
	v2 =	vld.idx.msk [tilespmem:v2+s11+$0x0], $0xffff  }
0x10c: {  	v3 =	vand.u32 $0x7F, v3;
	v5 =	vld [tilespmem:s30+$0xFFFFFF90]  }
0x10d: {  	v3 =	vadd.s32 v1, v3;
	v7 =	vld [tilespmem:s30+$0xFFFFFFA0]  }
0x10e: {  	v8 =	vld [tilespmem:s30+$0xFFFFFFB0];
	v3 =	vbroadcast v3, $0x0  }
0x10f: {  	v6 =	vld [tilespmem:s30+$0xFFFFFFC0]  }
0x110: {  	v4 =	vld [tilespmem:s30+$0xFFFFFFD0]  }
0x111: {  	s20 =	simm.s32 $0x2;
	s14 =	simm.s32 $0x16070;
	v9 =	vmul.f32 v5, v2;
	v5 =	vld [tilespmem:s30+$0xFFFFFFE0]  }
.LBB2_7:
0x112: {  	p0 =	sne.s32 s20, $0x3F;
	v7 =	vmul.f32 v7, v2;
	v10 =	vld [tilespmem:s30+$0x0]  }
0x113: {  	[tilespmem:s30+$0xFFFFFF90] =	vst v9;
	v8 =	vmul.f32 v8, v2;
	v9 =	vld [tilespmem:s30+$0xFFFFFFF0]  }
0x114: {  	v11 =	vmov s20;
	s30 =	sadd.s32 $0x80, s30;
	v12 =	vld.idx.msk [tilespmem:v3+s11+$0x0], $0xffff;
	[tilespmem:s14+$0xFFFFFFA0] =	vst v7;
	v3 =	vmul.f32 v6, v2  }
0x115: {  	v6 =	vand.u32 $0x7F, v11;
	v11 =	vld [tilespmem:s30+$0xFFFFFF90];
	[tilespmem:s14+$0xFFFFFFB0] =	vst v8;
	v4 =	vmul.f32 v4, v2  }
.Ltmp2:
0x116: {  	v6 =	vadd.s32 v1, v6;
	v7 =	vld [tilespmem:s30+$0xFFFFFFA0];
	[tilespmem:s14+$0xFFFFFFC0] =	vst v3;
	v5 =	vmul.f32 v5, v2;
	(pc) =	sbr.rel @p0 .LBB2_7-.Ltmp2, $4  }
0x117: {  	v3 =	vbroadcast v6, $0x0;
	v8 =	vld [tilespmem:s30+$0xFFFFFFB0];
	[tilespmem:s14+$0xFFFFFFD0] =	vst v4;
	v10 =	vmul.f32 v10, v2  }
0x118: {  	v6 =	vld [tilespmem:s30+$0xFFFFFFC0];
	[tilespmem:s14+$0xFFFFFFE0] =	vst v5;
	v13 =	vmul.f32 v9, v2  }
0x119: {  	v4 =	vld [tilespmem:s30+$0xFFFFFFD0];
	[tilespmem:s14+$0x0] =	vst v10  }
0x11a: {  	s20 =	sadd.s32 $0x1, s20;
	v2 =	vmov v12;
	v9 =	vmul.f32 v11, v12;
	v5 =	vld [tilespmem:s30+$0xFFFFFFE0];
	[tilespmem:s14+$0xFFFFFFF0] =	vst v13;
	s14 =	smov.u32 s30  }
0x11b: {  	_ =	sdelay $0x1  }
0x11c: {  	v1 =	vmul.f32 v7, v2;
	v7 =	vld [tilespmem:s30+$0x0]  }
0x11d: {  	[tilespmem:s30+$0xFFFFFF90] =	vst v9;
	v8 =	vmul.f32 v8, v2;
	v9 =	vld [tilespmem:s30+$0xFFFFFFF0]  }
0x11e: {  	s2 =	sadd.s32 $0x80, s30;
	v3 =	vld.idx.msk [tilespmem:v3+s11+$0x0], $0xffff;
	[tilespmem:s14+$0xFFFFFFA0] =	vst v1;
	v6 =	vmul.f32 v6, v2  }
0x11f: {  	v1 =	vld [tilespmem:s2+$0xFFFFFF90];
	[tilespmem:s14+$0xFFFFFFB0] =	vst v8;
	v4 =	vmul.f32 v4, v2  }
0x120: {  	v8 =	vld [tilespmem:s2+$0xFFFFFFA0];
	[tilespmem:s14+$0xFFFFFFC0] =	vst v6;
	v5 =	vmul.f32 v5, v2  }
0x121: {  	v6 =	vld [tilespmem:s2+$0xFFFFFFB0];
	[tilespmem:s14+$0xFFFFFFD0] =	vst v4;
	v7 =	vmul.f32 v7, v2  }
0x122: {  	v4 =	vld [tilespmem:s2+$0xFFFFFFC0];
	[tilespmem:s14+$0xFFFFFFE0] =	vst v5;
	v2 =	vmul.f32 v9, v2  }
0x123: {  	v5 =	vld [tilespmem:s2+$0xFFFFFFD0];
	[tilespmem:s14+$0x0] =	vst v7  }
0x124: {  	v7 =	vld [tilespmem:s2+$0xFFFFFFE0];
	v1 =	vmul.f32 v1, v3;
	[tilespmem:s14+$0xFFFFFFF0] =	vst v2  }
0x125: {  	v2 =	vmul.f32 v8, v3;
	v8 =	vld [tilespmem:s2+$0x0]  }
0x126: {  	[tilespmem:s2+$0xFFFFFF90] =	vst v1;
	v1 =	vmul.f32 v6, v3;
	v6 =	vld [tilespmem:s2+$0xFFFFFFF0]  }
0x127: {  	[tilespmem:s2+$0xFFFFFFA0] =	vst v2;
	v2 =	vmul.f32 v4, v3  }
0x128: {  	[tilespmem:s2+$0xFFFFFFB0] =	vst v1;
	v1 =	vmul.f32 v5, v3  }
0x129: {  	s20 =	sor.u32 $0x1C400, s29;
	s29 =	sor.u32 $0x3, s5;
	[tilespmem:s2+$0xFFFFFFC0] =	vst v2;
	v2 =	vmul.f32 v7, v3  }
0x12a: {  	p0 =	sge.u32 s29, s19;
	[tilespmem:s2+$0xFFFFFFD0] =	vst v1;
	v1 =	vmul.f32 v8, v3  }
0x12b: {  	p1 =	seq.s32 @!p0 s5, $0x0;
	[tilespmem:s2+$0xFFFFFFE0] =	vst v2;
	v2 =	vmul.f32 v6, v3  }
0x12c: {  	p1 =	por p1, p0;
	[tilespmem:s2+$0x0] =	vst v1  }
0x12d: {  	[tilespmem:s2+$0xFFFFFFF0] =	vst v2;
	s2 =	simm.s32 @!p1 $0x8  }
0x12e: {  	[spmem:s13] =	stream.indirect.scatter.add.f32 [tilespmem:s22], [sflag:$0x6], $0x80, s20, s21, $0xb8;
	[tilespmem:$0x1CC00] =	vst v63  }
0x12f: {  	_ =	swait.ge @!p1 [sflag:s2], $0x2000  }
0x130: {  	[sflag:s2] =	ssyncset.done @!p1 $0x0  }
0x131: {  	[sflag:s2] =	ssyncadd.s32 @!p1 $0xFFFFE000;
	s2 =	simm.s32 @!p0 $0x9  }
0x132: {  	_ =	swait.ge @!p0 [sflag:s2], $0x80  }
0x133: {  	[sflag:s2] =	ssyncset.done @!p0 $0x0  }
0x134: {  	[sflag:s2] =	ssyncadd.s32 @!p0 $0xFFFFFF80  }
0x135: {  	_ =	swait.ge @!p0 [sflag:s2], $0x80  }
0x136: {  	[sflag:s2] =	ssyncset.done @!p0 $0x0  }
0x137: {  	s14 =	sshll.u32 @!p0 s29, $0x7;
	[sflag:s2] =	ssyncadd.s32 @!p0 $0xFFFFFF80  }
0x138: {  	s14 =	sand.u32 @!p0 $0x380, s14;
	_ =	swait.ge @!p0 [sflag:s2], $0x80  }
0x139: {  	s14 =	sor.u32 @!p0 $0x1C000, s14;
	[sflag:s2] =	ssyncset.done @!p0 $0x0  }
0x13a: {  	s20 =	simm.s32 @!p0 $0x1A000;
	[sflag:s2] =	ssyncadd.s32 @!p0 $0xFFFFFF80;
	s2 =	simm.s32 @!p0 $0x40  }
0x13b: {  	[tilespmem:s20], [sflag:$0x4] =	stream.indirect.gather @!p0 [hbm4b:s16+s2], $0x80, s14, s2, $0xb8;
	[tilespmem:$0x1CC00] =	vst v63  }
0x13c: {  	s2 =	sadd.s32 $0x7, s5  }
0x13d: {  	s6 =	sand.u32 $0x6, s6;
	p0 =	sge.u32 s2, s19  }
0x13e: {  	s30 =	simm.s32 $0x0;
	s14 =	sshll.u32 @!p0 s2, $0x7;
	s2 =	sadd.s32 @!p0 s3, s2  }
0x13f: {  	s6 =	sshll.u32 s6, $0x7;
	s14 =	sand.u32 @!p0 $0x380, s14;
	s2 =	sshll.u32 @!p0 s2, $0x4  }
0x140: {  	v2 =	vmov s30;
	s30 =	simm.s32 @!p0 $0x0;
	s20 =	sor.u32 @!p0 $0x1C000, s14;
	s31 =	sadd.s32 @!p0 s1, s2  }
0x141: {  	v1 =	vmov s6;
	v2 =	vand.u32 $0x7F, v2;
	[tilespmem:s20], [sflag:$0x9] =	stream.linear.gather @!p0 [hbm4b:s31+s30], $0x80, $0x38;
	[tilespmem:$0x1CC00] =	vst v63  }
0x142: {  	v2 =	vadd.s32 v1, v2;
	s20 =	sor.u32 @!p0 $0x1C400, s14;
	s31 =	sadd.s32 @!p0 s17, s2  }
0x143: {  	v2 =	vbroadcast v2, $0x0;
	[tilespmem:s20], [sflag:$0x9] =	stream.linear.gather @!p0 [hbm4b:s31+s30], $0x80, $0x38;
	[tilespmem:$0x1CC00] =	vst v63  }
0x144: {  	s14 =	sor.u32 @!p0 $0x1C800, s14;
	s2 =	sadd.s32 @!p0 s18, s2  }
0x145: {  	[tilespmem:s14], [sflag:$0x9] =	stream.linear.gather @!p0 [hbm4b:s2+s30], $0x80, $0x38;
	[tilespmem:$0x1CC00] =	vst v63  }
0x146: {  	_ =	swait.ge [sflag:s10], $0x2000  }
0x147: {  	[sflag:s10] =	ssyncset.done $0x0  }
0x148: {  	s30 =	simm.s32 $0x1;
	[sflag:s10] =	ssyncadd.s32 $0xFFFFE000  }
0x149: {  	s14 =	simm.s32 $0x0;
	v3 =	vmov s30;
	v2 =	vld.idx.msk [tilespmem:v2+s11+$0x0], $0xffff  }
0x14a: {  	v3 =	vand.u32 $0x7F, v3;
	v6 =	vld [tilespmem:s14+$0x18000]  }
0x14b: {  	v3 =	vadd.s32 v1, v3;
	v9 =	vld [tilespmem:s14+$0x18010]  }
0x14c: {  	v8 =	vld [tilespmem:s14+$0x18020];
	v4 =	vbroadcast v3, $0x0  }
0x14d: {  	v7 =	vld [tilespmem:s14+$0x18030]  }
0x14e: {  	v5 =	vld [tilespmem:s14+$0x18040]  }
0x14f: {  	v3 =	vld [tilespmem:s14+$0x18050];
	v10 =	vmul.f32 v6, v2  }
0x150: {  	s31 =	simm.s32 $0x200;
	s20 =	simm.s32 $0x400;
	v9 =	vmul.f32 v9, v2;
	v6 =	vld [tilespmem:s14+$0x18060]  }
.LBB2_9:
0x151: {  	p0 =	sne.s32 s20, $0x7E00;
	s30 =	sadd.s32 $0x1, s30;
	[tilespmem:s14+$0x18000] =	vst v10;
	v8 =	vmul.f32 v8, v2;
	v10 =	vld [tilespmem:s14+$0x18070]  }
0x152: {  	s2 =	sshra.s32 s31, $0x2;
	s31 =	smov.u32 s20;
	v11 =	vmov s30;
	v12 =	vld.idx.msk [tilespmem:v4+s11+$0x0], $0xffff;
	[tilespmem:s14+$0x18010] =	vst v9;
	v4 =	vmul.f32 v7, v2  }
0x153: {  	v7 =	vand.u32 $0x7F, v11;
	v9 =	vld [tilespmem:s2+$0x18000];
	[tilespmem:s14+$0x18020] =	vst v8;
	v5 =	vmul.f32 v5, v2  }
0x154: {  	v7 =	vadd.s32 v1, v7;
	v11 =	vld [tilespmem:s2+$0x18010];
	[tilespmem:s14+$0x18030] =	vst v4;
	v3 =	vmul.f32 v3, v2  }
.Ltmp3:
0x155: {  	v4 =	vbroadcast v7, $0x0;
	v8 =	vld [tilespmem:s2+$0x18020];
	[tilespmem:s14+$0x18040] =	vst v5;
	v6 =	vmul.f32 v6, v2;
	(pc) =	sbr.rel @p0 .LBB2_9-.Ltmp3, $4  }
0x156: {  	v7 =	vld [tilespmem:s2+$0x18030];
	[tilespmem:s14+$0x18050] =	vst v3;
	v13 =	vmul.f32 v10, v2  }
0x157: {  	v5 =	vld [tilespmem:s2+$0x18040];
	[tilespmem:s14+$0x18060] =	vst v6  }
0x158: {  	v2 =	vmov v12;
	v10 =	vmul.f32 v9, v12;
	v3 =	vld [tilespmem:s2+$0x18050];
	[tilespmem:s14+$0x18070] =	vst v13;
	s14 =	smov.u32 s2  }
0x159: {  	s20 =	sadd.s32 $0x200, s20;
	v9 =	vmul.f32 v11, v2;
	v6 =	vld [tilespmem:s14+$0x18060]  }
0x15a: {  	_ =	sdelay $0x2  }
0x15b: {  	[tilespmem:s14+$0x18000] =	vst v10;
	v1 =	vld [tilespmem:s14+$0x18070];
	v8 =	vmul.f32 v8, v2  }
0x15c: {  	s2 =	sshra.s32 s31, $0x2;
	v4 =	vld.idx.msk [tilespmem:v4+s11+$0x0], $0xffff;
	[tilespmem:s14+$0x18010] =	vst v9;
	v7 =	vmul.f32 v7, v2  }
0x15d: {  	v9 =	vld [tilespmem:s2+$0x18000];
	[tilespmem:s14+$0x18020] =	vst v8;
	v5 =	vmul.f32 v5, v2  }
0x15e: {  	v8 =	vld [tilespmem:s2+$0x18010];
	[tilespmem:s14+$0x18030] =	vst v7;
	v3 =	vmul.f32 v3, v2  }
0x15f: {  	v7 =	vld [tilespmem:s2+$0x18020];
	[tilespmem:s14+$0x18040] =	vst v5;
	v6 =	vmul.f32 v6, v2  }
0x160: {  	v5 =	vld [tilespmem:s2+$0x18030];
	[tilespmem:s14+$0x18050] =	vst v3;
	v1 =	vmul.f32 v1, v2  }
0x161: {  	v3 =	vld [tilespmem:s2+$0x18040];
	[tilespmem:s14+$0x18060] =	vst v6  }
0x162: {  	v2 =	vld [tilespmem:s2+$0x18050];
	v6 =	vmul.f32 v9, v4;
	[tilespmem:s14+$0x18070] =	vst v1  }
0x163: {  	v1 =	vmul.f32 v8, v4;
	v8 =	vld [tilespmem:s2+$0x18060]  }
0x164: {  	[tilespmem:s2+$0x18000] =	vst v6;
	v6 =	vmul.f32 v7, v4;
	v7 =	vld [tilespmem:s2+$0x18070]  }
0x165: {  	[tilespmem:s2+$0x18010] =	vst v1;
	v1 =	vmul.f32 v5, v4  }
0x166: {  	[tilespmem:s2+$0x18020] =	vst v6;
	v3 =	vmul.f32 v3, v4  }
0x167: {  	[tilespmem:s2+$0x18030] =	vst v1;
	v1 =	vmul.f32 v2, v4  }
0x168: {  	[tilespmem:s2+$0x18040] =	vst v3;
	v2 =	vmul.f32 v8, v4  }
0x169: {  	[tilespmem:s2+$0x18050] =	vst v1;
	v1 =	vmul.f32 v7, v4  }
0x16a: {  	[tilespmem:s2+$0x18060] =	vst v2  }
0x16b: {  	s20 =	sor.u32 $0x1C400, s6;
	[tilespmem:s2+$0x18070] =	vst v1;
	s2 =	sadd.s32 $0x4, s5  }
0x16c: {  	[spmem:s13] =	stream.indirect.scatter.add.f32 [tilespmem:s25], [sflag:$0x7], $0x80, s20, s21, $0xb8;
	[tilespmem:$0x1CC00] =	vst v63  }
0x16d: {  	p0 =	sge.u32 s2, s19  }
0x16e: {  	s6 =	simm.s32 @!p0 $0x5  }
0x16f: {  	_ =	swait.ge @!p0 [sflag:s6], $0x2000  }
0x170: {  	[sflag:s6] =	ssyncset.done @!p0 $0x0  }
0x171: {  	[sflag:s6] =	ssyncadd.s32 @!p0 $0xFFFFE000;
	s6 =	simm.s32 @!p0 $0x9  }
0x172: {  	_ =	swait.ge @!p0 [sflag:s6], $0x80  }
0x173: {  	[sflag:s6] =	ssyncset.done @!p0 $0x0  }
0x174: {  	[sflag:s6] =	ssyncadd.s32 @!p0 $0xFFFFFF80  }
0x175: {  	_ =	swait.ge @!p0 [sflag:s6], $0x80  }
0x176: {  	[sflag:s6] =	ssyncset.done @!p0 $0x0  }
0x177: {  	[sflag:s6] =	ssyncadd.s32 @!p0 $0xFFFFFF80  }
0x178: {  	s2 =	sshll.u32 @!p0 s2, $0x7;
	_ =	swait.ge @!p0 [sflag:s6], $0x80  }
0x179: {  	s14 =	simm.s32 @!p0 $0x14000;
	s2 =	sand.u32 @!p0 $0x200, s2;
	[sflag:s6] =	ssyncset.done @!p0 $0x0  }
0x17a: {  	s2 =	sor.u32 @!p0 $0x1C000, s2;
	[sflag:s6] =	ssyncadd.s32 @!p0 $0xFFFFFF80;
	s6 =	simm.s32 @!p0 $0x40  }
0x17b: {  	[tilespmem:s14], [sflag:$0x1] =	stream.indirect.gather @!p0 [hbm4b:s16+s6], $0x80, s2, s6, $0xb8;
	[tilespmem:$0x1CC00] =	vst v63  }
0x17c: {  	s2 =	sadd.s32 $0x8, s5  }
0x17d: {  	s31 =	sand.u32 $0x7, s29;
	p0 =	sge.u32 s2, s19  }
0x17e: {  	s29 =	simm.s32 $0x0;
	s6 =	sshll.u32 @!p0 s4, $0x9;
	s2 =	sadd.s32 @!p0 s3, s2  }
0x17f: {  	v2 =	vmov s29;
	s29 =	simm.s32 @!p0 $0x0;
	s14 =	sand.u32 @!p0 $0x200, s6;
	s2 =	sshll.u32 @!p0 s2, $0x4  }
0x180: {  	s6 =	sshll.u32 s31, $0x7;
	s20 =	sor.u32 @!p0 $0x1C000, s14;
	s30 =	sadd.s32 @!p0 s1, s2  }
0x181: {  	v2 =	vand.u32 $0x7F, v2;
	v1 =	vmov s6;
	[tilespmem:s20], [sflag:$0x9] =	stream.linear.gather @!p0 [hbm4b:s30+s29], $0x80, $0x38;
	[tilespmem:$0x1CC00] =	vst v63  }
0x182: {  	s20 =	sor.u32 @!p0 $0x1C400, s14;
	s30 =	sadd.s32 @!p0 s17, s2;
	v2 =	vadd.s32 v1, v2  }
0x183: {  	v2 =	vbroadcast v2, $0x0;
	[tilespmem:s20], [sflag:$0x9] =	stream.linear.gather @!p0 [hbm4b:s30+s29], $0x80, $0x38;
	[tilespmem:$0x1CC00] =	vst v63  }
0x184: {  	s14 =	sor.u32 @!p0 $0x1C800, s14;
	s2 =	sadd.s32 @!p0 s18, s2  }
0x185: {  	[tilespmem:s14], [sflag:$0x9] =	stream.linear.gather @!p0 [hbm4b:s2+s29], $0x80, $0x38;
	[tilespmem:$0x1CC00] =	vst v63  }
0x186: {  	_ =	swait.ge [sflag:s26], $0x2000  }
0x187: {  	[sflag:s26] =	ssyncset.done $0x0  }
0x188: {  	s29 =	simm.s32 $0x1;
	[sflag:s26] =	ssyncadd.s32 $0xFFFFE000  }
0x189: {  	s14 =	simm.s32 $0x0;
	v3 =	vmov s29;
	v2 =	vld.idx.msk [tilespmem:v2+s11+$0x0], $0xffff  }
0x18a: {  	v3 =	vand.u32 $0x7F, v3;
	v6 =	vld [tilespmem:s14+$0x1A000]  }
0x18b: {  	v3 =	vadd.s32 v1, v3;
	v9 =	vld [tilespmem:s14+$0x1A010]  }
0x18c: {  	v8 =	vld [tilespmem:s14+$0x1A020];
	v4 =	vbroadcast v3, $0x0  }
0x18d: {  	v7 =	vld [tilespmem:s14+$0x1A030]  }
0x18e: {  	v5 =	vld [tilespmem:s14+$0x1A040]  }
0x18f: {  	v3 =	vld [tilespmem:s14+$0x1A050];
	v10 =	vmul.f32 v6, v2  }
0x190: {  	s30 =	simm.s32 $0x200;
	s20 =	simm.s32 $0x400;
	v9 =	vmul.f32 v9, v2;
	v6 =	vld [tilespmem:s14+$0x1A060]  }
.LBB2_11:
0x191: {  	p0 =	sne.s32 s20, $0x7E00;
	s29 =	sadd.s32 $0x1, s29;
	[tilespmem:s14+$0x1A000] =	vst v10;
	v8 =	vmul.f32 v8, v2;
	v10 =	vld [tilespmem:s14+$0x1A070]  }
0x192: {  	s2 =	sshra.s32 s30, $0x2;
	s30 =	smov.u32 s20;
	v11 =	vmov s29;
	v12 =	vld.idx.msk [tilespmem:v4+s11+$0x0], $0xffff;
	[tilespmem:s14+$0x1A010] =	vst v9;
	v4 =	vmul.f32 v7, v2  }
0x193: {  	v7 =	vand.u32 $0x7F, v11;
	v9 =	vld [tilespmem:s2+$0x1A000];
	[tilespmem:s14+$0x1A020] =	vst v8;
	v5 =	vmul.f32 v5, v2  }
0x194: {  	v7 =	vadd.s32 v1, v7;
	v11 =	vld [tilespmem:s2+$0x1A010];
	[tilespmem:s14+$0x1A030] =	vst v4;
	v3 =	vmul.f32 v3, v2  }
.Ltmp4:
0x195: {  	v4 =	vbroadcast v7, $0x0;
	v8 =	vld [tilespmem:s2+$0x1A020];
	[tilespmem:s14+$0x1A040] =	vst v5;
	v6 =	vmul.f32 v6, v2;
	(pc) =	sbr.rel @p0 .LBB2_11-.Ltmp4, $4  }
0x196: {  	v7 =	vld [tilespmem:s2+$0x1A030];
	[tilespmem:s14+$0x1A050] =	vst v3;
	v13 =	vmul.f32 v10, v2  }
0x197: {  	v5 =	vld [tilespmem:s2+$0x1A040];
	[tilespmem:s14+$0x1A060] =	vst v6  }
0x198: {  	v2 =	vmov v12;
	v10 =	vmul.f32 v9, v12;
	v3 =	vld [tilespmem:s2+$0x1A050];
	[tilespmem:s14+$0x1A070] =	vst v13;
	s14 =	smov.u32 s2  }
0x199: {  	s20 =	sadd.s32 $0x200, s20;
	v9 =	vmul.f32 v11, v2;
	v6 =	vld [tilespmem:s14+$0x1A060]  }
0x19a: {  	_ =	sdelay $0x2  }
0x19b: {  	[tilespmem:s14+$0x1A000] =	vst v10;
	v1 =	vld [tilespmem:s14+$0x1A070];
	v8 =	vmul.f32 v8, v2  }
0x19c: {  	s2 =	sshra.s32 s30, $0x2;
	v4 =	vld.idx.msk [tilespmem:v4+s11+$0x0], $0xffff;
	[tilespmem:s14+$0x1A010] =	vst v9;
	v7 =	vmul.f32 v7, v2  }
0x19d: {  	v9 =	vld [tilespmem:s2+$0x1A000];
	[tilespmem:s14+$0x1A020] =	vst v8;
	v5 =	vmul.f32 v5, v2  }
0x19e: {  	v8 =	vld [tilespmem:s2+$0x1A010];
	[tilespmem:s14+$0x1A030] =	vst v7;
	v3 =	vmul.f32 v3, v2  }
0x19f: {  	v7 =	vld [tilespmem:s2+$0x1A020];
	[tilespmem:s14+$0x1A040] =	vst v5;
	v6 =	vmul.f32 v6, v2  }
0x1a0: {  	v5 =	vld [tilespmem:s2+$0x1A030];
	[tilespmem:s14+$0x1A050] =	vst v3;
	v1 =	vmul.f32 v1, v2  }
0x1a1: {  	v3 =	vld [tilespmem:s2+$0x1A040];
	[tilespmem:s14+$0x1A060] =	vst v6  }
0x1a2: {  	v2 =	vld [tilespmem:s2+$0x1A050];
	v60 =	vmul.f32 v9, v4;
	[tilespmem:s14+$0x1A070] =	vst v1  }
0x1a3: {  	v1 =	vmul.f32 v8, v4;
	v61 =	vld [tilespmem:s2+$0x1A060]  }
0x1a4: {  	v63 =	vld [tilespmem:s2+$0x1A070];
	[tilespmem:s2+$0x1A000] =	vst v60;
	v62 =	vmul.f32 v7, v4  }
0x1a5: {  	[tilespmem:s2+$0x1A010] =	vst v1;
	v1 =	vmul.f32 v5, v4  }
0x1a6: {  	[tilespmem:s2+$0x1A020] =	vst v62;
	v3 =	vmul.f32 v3, v4  }
0x1a7: {  	[tilespmem:s2+$0x1A030] =	vst v1;
	v1 =	vmul.f32 v2, v4  }
0x1a8: {  	[tilespmem:s2+$0x1A040] =	vst v3;
	v2 =	vmul.f32 v61, v4  }
0x1a9: {  	[tilespmem:s2+$0x1A050] =	vst v1;
	v1 =	vmul.f32 v63, v4  }
0x1aa: {  	[tilespmem:s2+$0x1A060] =	vst v2  }
0x1ab: {  	s31 =	sor.u32 $0x1C400, s6;
	[tilespmem:s2+$0x1A070] =	vst v1;
	s2 =	sadd.s32 $0x5, s5  }
0x1ac: {  	[spmem:s13] =	stream.indirect.scatter.add.f32 [tilespmem:s28], [sflag:$0x8], $0x80, s31, s21, $0xb8;
	[tilespmem:$0x1CC00] =	vst v63  }
0x1ad: {  	p0 =	sge.u32 s2, s19  }
0x1ae: {  	s6 =	simm.s32 @!p0 $0x6  }
0x1af: {  	_ =	swait.ge @!p0 [sflag:s6], $0x2000  }
0x1b0: {  	[sflag:s6] =	ssyncset.done @!p0 $0x0  }
0x1b1: {  	[sflag:s6] =	ssyncadd.s32 @!p0 $0xFFFFE000;
	s6 =	simm.s32 @!p0 $0x9  }
0x1b2: {  	_ =	swait.ge @!p0 [sflag:s6], $0x80  }
0x1b3: {  	[sflag:s6] =	ssyncset.done @!p0 $0x0  }
0x1b4: {  	[sflag:s6] =	ssyncadd.s32 @!p0 $0xFFFFFF80  }
0x1b5: {  	_ =	swait.ge @!p0 [sflag:s6], $0x80  }
0x1b6: {  	[sflag:s6] =	ssyncset.done @!p0 $0x0  }
0x1b7: {  	[sflag:s6] =	ssyncadd.s32 @!p0 $0xFFFFFF80  }
0x1b8: {  	s2 =	sshll.u32 @!p0 s2, $0x7;
	_ =	swait.ge @!p0 [sflag:s6], $0x80  }
0x1b9: {  	s14 =	simm.s32 @!p0 $0x16000;
	s2 =	sand.u32 @!p0 $0x280, s2;
	[sflag:s6] =	ssyncset.done @!p0 $0x0  }
0x1ba: {  	s2 =	sor.u32 @!p0 $0x1C000, s2;
	[sflag:s6] =	ssyncadd.s32 @!p0 $0xFFFFFF80;
	s6 =	simm.s32 @!p0 $0x40  }
0x1bb: {  	[tilespmem:s14], [sflag:$0x2] =	stream.indirect.gather @!p0 [hbm4b:s16+s6], $0x80, s2, s6, $0xb8;
	[tilespmem:$0x1CC00] =	vst v63  }
0x1bc: {  	s2 =	sadd.s32 $0x9, s5  }
0x1bd: {  	p0 =	sge.u32 s2, s19  }
0x1be: {  	s5 =	sshll.u32 @!p0 s2, $0x7;
	s2 =	sadd.s32 @!p0 s3, s2  }
0x1bf: {  	s5 =	sand.u32 @!p0 $0x280, s5;
	s2 =	sshll.u32 @!p0 s2, $0x4  }
0x1c0: {  	s20 =	simm.s32 @!p0 $0x0;
	s6 =	sor.u32 @!p0 $0x1C000, s5;
	s14 =	sadd.s32 @!p0 s1, s2  }
0x1c1: {  	[tilespmem:s6], [sflag:$0x9] =	stream.linear.gather @!p0 [hbm4b:s14+s20], $0x80, $0x38;
	[tilespmem:$0x1CC00] =	vst v63  }
0x1c2: {  	s6 =	sor.u32 @!p0 $0x1C400, s5;
	s14 =	sadd.s32 @!p0 s17, s2  }
0x1c3: {  	[tilespmem:s6], [sflag:$0x9] =	stream.linear.gather @!p0 [hbm4b:s14+s20], $0x80, $0x38;
	[tilespmem:$0x1CC00] =	vst v63  }
0x1c4: {  	s4 =	sadd.s32 $0x1, s4;
	s5 =	sor.u32 @!p0 $0x1C800, s5;
	s2 =	sadd.s32 @!p0 s18, s2  }
0x1c5: {  	[tilespmem:s5], [sflag:$0x9] =	stream.linear.gather @!p0 [hbm4b:s2+s20], $0x80, $0x38;
	[tilespmem:$0x1CC00] =	vst v63  }
0x1c6: {  	p0 =	sne.s32 s4, s7  }
.Ltmp5:
0x1c7: {  	_ = 	snop;
	(pc) =	sbr.rel @p0 .LBB2_4-.Ltmp5, $1  }
0x1c8: {  	_ =	sdelay $0x3  }
0x1c9: {  	s0 =	simm.s32 $0x5  }
0x1ca: {  	_ =	swait.ge [sflag:s0], $0x2000  }
0x1cb: {  	[sflag:s0] =	ssyncset.done $0x0  }
0x1cc: {  	s2 =	simm.s32 $0x6;
	[sflag:s0] =	ssyncadd.s32 $0xFFFFE000  }
0x1cd: {  	_ =	swait.ge [sflag:s2], $0x2000  }
0x1ce: {  	[sflag:s2] =	ssyncset.done $0x0  }
0x1cf: {  	s4 =	simm.s32 $0x7;
	[sflag:s2] =	ssyncadd.s32 $0xFFFFE000  }
0x1d0: {  	_ =	swait.ge [sflag:s4], $0x2000  }
0x1d1: {  	[sflag:s4] =	ssyncset.done $0x0  }
0x1d2: {  	s5 =	simm.s32 $0x8;
	[sflag:s4] =	ssyncadd.s32 $0xFFFFE000  }
0x1d3: {  	_ =	swait.ge [sflag:s5], $0x2000  }
0x1d4: {  	[sflag:s5] =	ssyncset.done $0x0  }
0x1d5: {  	[sflag:s5] =	ssyncadd.s32 $0xFFFFE000  }
0x1d6: {  	[bflag:$0x0] =	sbarrier.arrive $0xFFFF  }
0x1d7: {  	s29 =	rddreg [dreg:$0xf]  }
0x1d8: {  	[tilespmem:s8], [sflag:$0xA] =	stream.linear.gather [spmem:s29], $0x2000, $0x38;
	[tilespmem:$0x1CC00] =	vst v63  }
0x1d9: {  	_ =	swait.ge [sflag:s9], $0x2000  }
0x1da: {  	[sflag:s9] =	ssyncset.done $0x0  }
0x1db: {  	s0 =	simm.s32 $0x0;
	s2 =	rddreg [dreg:$0x5];
	[sflag:s9] =	ssyncadd.s32 $0xFFFFE000  }
0x1dc: {  	[hbm4b:s2+s0] =	stream.linear.scatter [tilespmem:s8], [sflag:$0xA], $0x2000, $0x38;
	[tilespmem:$0x1CC00] =	vst v63  }
0x1dd: {  	_ =	swait.ge [sflag:s9], $0x2000  }
0x1de: {  	s6 =	sld [smem:$0x7EC]  }
0x1df: {  	[sflag:s9] =	ssyncset.done $0x0  }
0x1e0: {  	[sflag:s9] =	ssyncadd.s32 $0xFFFFE000  }
0x1e1: {  	[tilespmem:s8], [sflag:$0xA] =	stream.linear.gather [spmem:s6], $0x2000, $0x38;
	[tilespmem:$0x1CC00] =	vst v63  }
0x1e2: {  	_ =	swait.ge [sflag:s9], $0x2000  }
0x1e3: {  	[sflag:s9] =	ssyncset.done $0x0  }
0x1e4: {  	s14 =	rddreg [dreg:$0x6];
	[sflag:s9] =	ssyncadd.s32 $0xFFFFE000  }
0x1e5: {  	[hbm4b:s14+s0] =	stream.linear.scatter [tilespmem:s8], [sflag:$0xA], $0x2000, $0x38;
	[tilespmem:$0x1CC00] =	vst v63  }
0x1e6: {  	_ =	swait.ge [sflag:s9], $0x2000  }
0x1e7: {  	s20 =	sld [smem:$0x7ED]  }
0x1e8: {  	[sflag:s9] =	ssyncset.done $0x0  }
0x1e9: {  	[sflag:s9] =	ssyncadd.s32 $0xFFFFE000  }
0x1ea: {  	[tilespmem:s8], [sflag:$0xA] =	stream.linear.gather [spmem:s20], $0x2000, $0x38;
	[tilespmem:$0x1CC00] =	vst v63  }
0x1eb: {  	_ =	swait.ge [sflag:s9], $0x2000  }
0x1ec: {  	[sflag:s9] =	ssyncset.done $0x0  }
0x1ed: {  	s30 =	rddreg [dreg:$0x7];
	[sflag:s9] =	ssyncadd.s32 $0xFFFFE000  }
0x1ee: {  	[hbm4b:s30+s0] =	stream.linear.scatter [tilespmem:s8], [sflag:$0xA], $0x2000, $0x38;
	[tilespmem:$0x1CC00] =	vst v63  }
0x1ef: {  	_ =	swait.ge [sflag:s9], $0x2000  }
0x1f0: {  	s31 =	sld [smem:$0x7EE]  }
0x1f1: {  	[sflag:s9] =	ssyncset.done $0x0  }
0x1f2: {  	[sflag:s9] =	ssyncadd.s32 $0xFFFFE000  }
0x1f3: {  	[tilespmem:s8], [sflag:$0xA] =	stream.linear.gather [spmem:s31], $0x2000, $0x38;
	[tilespmem:$0x1CC00] =	vst v63  }
0x1f4: {  	_ =	swait.ge [sflag:s9], $0x2000  }
0x1f5: {  	[sflag:s9] =	ssyncset.done $0x0  }
0x1f6: {  	s4 =	rddreg [dreg:$0x8];
	[sflag:s9] =	ssyncadd.s32 $0xFFFFE000  }
0x1f7: {  	[hbm4b:s4+s0] =	stream.linear.scatter [tilespmem:s8], [sflag:$0xA], $0x2000, $0x38;
	[tilespmem:$0x1CC00] =	vst v63  }
0x1f8: {  	_ =	swait.ge [sflag:s9], $0x2000  }
0x1f9: {  	s5 =	sld [smem:$0x7EF]  }
0x1fa: {  	[sflag:s9] =	ssyncset.done $0x0  }
0x1fb: {  	[sflag:s9] =	ssyncadd.s32 $0xFFFFE000  }
0x1fc: {  	[tilespmem:s8], [sflag:$0xA] =	stream.linear.gather [spmem:s5], $0x2000, $0x38;
	[tilespmem:$0x1CC00] =	vst v63  }
0x1fd: {  	_ =	swait.ge [sflag:s9], $0x2000  }
0x1fe: {  	[sflag:s9] =	ssyncset.done $0x0  }
0x1ff: {  	s6 =	rddreg [dreg:$0x9];
	[sflag:s9] =	ssyncadd.s32 $0xFFFFE000  }
0x200: {  	[hbm4b:s6+s0] =	stream.linear.scatter [tilespmem:s8], [sflag:$0xA], $0x2000, $0x38;
	[tilespmem:$0x1CC00] =	vst v63  }
0x201: {  	_ =	swait.ge [sflag:s9], $0x2000  }
0x202: {  	s14 =	sld [smem:$0x7F0]  }
0x203: {  	[sflag:s9] =	ssyncset.done $0x0  }
0x204: {  	[sflag:s9] =	ssyncadd.s32 $0xFFFFE000  }
0x205: {  	[tilespmem:s8], [sflag:$0xA] =	stream.linear.gather [spmem:s14], $0x2000, $0x38;
	[tilespmem:$0x1CC00] =	vst v63  }
0x206: {  	_ =	swait.ge [sflag:s9], $0x2000  }
0x207: {  	[sflag:s9] =	ssyncset.done $0x0  }
0x208: {  	s20 =	rddreg [dreg:$0xa];
	[sflag:s9] =	ssyncadd.s32 $0xFFFFE000  }
0x209: {  	[hbm4b:s20+s0] =	stream.linear.scatter [tilespmem:s8], [sflag:$0xA], $0x2000, $0x38;
	[tilespmem:$0x1CC00] =	vst v63  }
0x20a: {  	_ =	swait.ge [sflag:s9], $0x2000  }
0x20b: {  	s30 =	sld [smem:$0x7F1]  }
0x20c: {  	[sflag:s9] =	ssyncset.done $0x0  }
0x20d: {  	[sflag:s9] =	ssyncadd.s32 $0xFFFFE000  }
0x20e: {  	[tilespmem:s8], [sflag:$0xA] =	stream.linear.gather [spmem:s30], $0x2000, $0x38;
	[tilespmem:$0x1CC00] =	vst v63  }
0x20f: {  	_ =	swait.ge [sflag:s9], $0x2000  }
0x210: {  	[sflag:s9] =	ssyncset.done $0x0  }
0x211: {  	s31 =	rddreg [dreg:$0xb];
	[sflag:s9] =	ssyncadd.s32 $0xFFFFE000  }
0x212: {  	[hbm4b:s31+s0] =	stream.linear.scatter [tilespmem:s8], [sflag:$0xA], $0x2000, $0x38;
	[tilespmem:$0x1CC00] =	vst v63  }
0x213: {  	_ =	swait.ge [sflag:s9], $0x2000  }
0x214: {  	s4 =	sld [smem:$0x7F2]  }
0x215: {  	[sflag:s9] =	ssyncset.done $0x0  }
0x216: {  	[sflag:s9] =	ssyncadd.s32 $0xFFFFE000  }
0x217: {  	[tilespmem:s8], [sflag:$0xA] =	stream.linear.gather [spmem:s4], $0x2000, $0x38;
	[tilespmem:$0x1CC00] =	vst v63  }
0x218: {  	_ =	swait.ge [sflag:s9], $0x2000  }
0x219: {  	[sflag:s9] =	ssyncset.done $0x0  }
0x21a: {  	s5 =	rddreg [dreg:$0xc];
	[sflag:s9] =	ssyncadd.s32 $0xFFFFE000  }
0x21b: {  	[hbm4b:s5+s0] =	stream.linear.scatter [tilespmem:s8], [sflag:$0xA], $0x2000, $0x38;
	[tilespmem:$0x1CC00] =	vst v63  }
0x21c: {  	_ =	swait.ge [sflag:s9], $0x2000  }
0x21d: {  	s6 =	sld [smem:$0x7F3]  }
0x21e: {  	[sflag:s9] =	ssyncset.done $0x0  }
0x21f: {  	[sflag:s9] =	ssyncadd.s32 $0xFFFFE000  }
0x220: {  	[tilespmem:s8], [sflag:$0xA] =	stream.linear.gather [spmem:s6], $0x2000, $0x38;
	[tilespmem:$0x1CC00] =	vst v63  }
0x221: {  	_ =	swait.ge [sflag:s9], $0x2000  }
0x222: {  	[sflag:s9] =	ssyncset.done $0x0  }
0x223: {  	s14 =	rddreg [dreg:$0xd];
	[sflag:s9] =	ssyncadd.s32 $0xFFFFE000  }
0x224: {  	[hbm4b:s14+s0] =	stream.linear.scatter [tilespmem:s8], [sflag:$0xA], $0x2000, $0x38;
	[tilespmem:$0x1CC00] =	vst v63  }
0x225: {  	_ =	swait.ge [sflag:s9], $0x2000  }
0x226: {  	s20 =	sld [smem:$0x7F4]  }
0x227: {  	[sflag:s9] =	ssyncset.done $0x0  }
0x228: {  	[sflag:s9] =	ssyncadd.s32 $0xFFFFE000  }
0x229: {  	[tilespmem:s8], [sflag:$0xA] =	stream.linear.gather [spmem:s20], $0x2000, $0x38;
	[tilespmem:$0x1CC00] =	vst v63  }
0x22a: {  	_ =	swait.ge [sflag:s9], $0x2000  }
0x22b: {  	[sflag:s9] =	ssyncset.done $0x0  }
0x22c: {  	s30 =	rddreg [dreg:$0xe];
	[sflag:s9] =	ssyncadd.s32 $0xFFFFE000  }
0x22d: {  	[hbm4b:s30+s0] =	stream.linear.scatter [tilespmem:s8], [sflag:$0xA], $0x2000, $0x38;
	[tilespmem:$0x1CC00] =	vst v63  }
0x22e: {  	_ =	swait.ge [sflag:s9], $0x2000  }
0x22f: {  	s31 =	sld [smem:$0x7EB];
	_ =	sdelay $0x1  }
0x230: {  	s12 =	sadd.s32 $0x1, s12  }
0x231: {  	p0 =	sne.s32 s12, s31  }
.Ltmp6:
0x232: {  	_ = 	snop;
	(pc) =	sbr.rel @p0 .LBB2_1-.Ltmp6, $3  }
0x233: {  	_ =	sdelay $0x1  }
0x234: {  	[sflag:s9] =	ssyncset.done $0x0  }
0x235: {  	[sflag:s9] =	ssyncadd.s32 $0xFFFFE000  }
0x236: {  	_ =	sfence.sel $0x180000  }
0x237: {  	[bflag:$0x0] =	sbarrier.arrive $0xFFFF  }
0x238: {  	_ =	strace $0x9000004A  }
0x239: {  	s0 =	stileid.u32;
	[bflag:$0x2] =	sbarrier.arrive $0xFFFF  }
0x23a: {  	p0 =	sne.s32 s0, $0x0;
	s0 =	rddreg [dreg:$0x4]  }
0x23b: {  	s0 =	sadd.s32 @!p0 $0x100000, s0  }
0x23c: {  	[sflag:s0] =	ssyncadd.tile.s32 @!p0 $0x1;
	_ =	shalt  }
.Lfunc_end2:
_tile_overlayer_lowered:
.L_overlay_start_2:
0x23d: {  	(tag) =	ssettag $0x2  }
0x23e: {  	s0 =	rddreg [dreg:$0x0];
	s2 =	stileid.u32  }
0x23f: {  	s1 =	rddreg [dreg:$0x1];
	p0 =	sne.s32 s2, $0x0  }
0x240: {  	s3 =	rddreg [dreg:$0x2];
	[bflag:$0x3] =	sbarrier.arrive $0xFFFF;
	s2 =	simm.s32 @!p0 $0x1C0A  }
0x241: {  	[timem:s3], [sflag:s2] =	dma.local @!p0 [hbm:s0], s1  }
0x242: {  	s0 =	simm.s32 @!p0 $0xA  }
0x243: {  	_ =	swait.ge @!p0 [sflag:s0], s1  }
0x244: {  	s1 =	ssub.s32 @!p0 $0x0, s1;
	[sflag:s0] =	ssyncset.done @!p0 $0x0  }
0x245: {  	[sflag:s0] =	ssyncadd.s32 @!p0 s1  }
0x246: {  	[bflag:$0x3] =	sbarrier.arrive $0xFFFF  }
0x247: {  	_ =	shalt  }

</sc_bundles>
